<compile_context>
chip_gen: v7x
topology: tpu7x:2x2x1
jax: 0.10.2.dev20260603
libtpu: 0.0.44.dev20260713+nightly
codegen_flags: <defaults>
</compile_context>

<pallas_src>
import jax
import jax.numpy as jnp
from jax import lax
from jax.experimental import pallas as pl
from jax.experimental.pallas import tpu as pltpu
from jax.experimental.pallas import tpu_sc as plsc

_B = 4096
_KB = 1000
_KB_PAD = 1024
_TOPK = 5
_TEMP_INV = 1.0 / 0.07
_BLK = 1024
_NBLK = _B // _BLK
_NEG = -1e30

_NW = 32
_RPW = _B // _NW
_CHUNK = 16
_NCH = _RPW // _CHUNK


def _prep_kern(keys_ref, sem_ref, val_ref, kn_ref, vs_ref):
    k = keys_ref[...]
    kn = k * (1.0 / jnp.maximum(
        jnp.sqrt(jnp.sum(k * k, axis=-1, keepdims=True)), 1e-12))
    kn_ref[...] = jnp.zeros_like(kn_ref)
    kn_ref[:_KB, :] = kn
    sm = sem_ref[...]
    semn = sm * (1.0 / jnp.maximum(
        jnp.sqrt(jnp.sum(sm * sm, axis=-1, keepdims=True)), 1e-12))
    vs_ref[...] = jnp.zeros_like(vs_ref)
    vs_ref[:_KB, :512] = val_ref[...]
    vs_ref[:_KB, 512:] = semn


def _tc_kern(u_ref, c_ref, w_ref, b_ref, kn_ref, idx_ref, al_ref):
    w = w_ref[...]
    nt = (((1,), (1,)), ((), ()))
    q = (lax.dot_general(u_ref[...], w[:, :512], nt,
                         preferred_element_type=jnp.float32)
         + lax.dot_general(c_ref[...], w[:, 512:], nt,
                           preferred_element_type=jnp.float32)
         + b_ref[...])
    q = jnp.maximum(q, 0.0)
    qn = q * (1.0 / jnp.maximum(
        jnp.sqrt(jnp.sum(q * q, axis=-1, keepdims=True)), 1e-12))

    s = lax.dot_general(qn, kn_ref[...], nt,
                        preferred_element_type=jnp.float32) * _TEMP_INV
    colf = lax.broadcasted_iota(jnp.int32, s.shape, 1).astype(jnp.float32)
    s = jnp.where(colf < _KB, s, _NEG)

    idx_cols = []
    m_cols = []
    s_cur = s
    for j in range(_TOPK):
        m = jnp.max(s_cur, axis=-1, keepdims=True)
        idxf = jnp.min(jnp.where(s_cur == m, colf, 3e9),
                       axis=-1, keepdims=True)
        idx_cols.append(idxf)
        m_cols.append(m)
        s_cur = jnp.where(colf == idxf, _NEG, s_cur)

    m0 = m_cols[0]
    ws = [jnp.exp(m - m0) for m in m_cols]
    rdenom = 1.0 / (ws[0] + ws[1] + ws[2] + ws[3] + ws[4])
    ones16 = jnp.ones((s.shape[0], 16), jnp.float32)
    al_ref[...] = jnp.concatenate(
        [(wj * rdenom) * ones16 for wj in ws]
        + [jnp.zeros((s.shape[0], 48), jnp.float32)], axis=1)
    idx_ref[...] = jnp.concatenate(
        [f.astype(jnp.int32) for f in idx_cols]
        + [jnp.zeros((s.shape[0], 8 - _TOPK), jnp.int32)], axis=1)


def _sc_kern(vs_hbm, idx_hbm, al_hbm, e_hbm, g_hbm,
             idx_v, al_v, rows_v, e_v, g_v, sem):
    wid = lax.axis_index("s") * 2 + lax.axis_index("c")
    base = wid * _RPW
    pltpu.sync_copy(idx_hbm.at[wid], idx_v)
    pltpu.sync_copy(al_hbm.at[pl.ds(base, _RPW)], al_v)

    def chunk_body(ch, carry):
        pltpu.async_copy(
            vs_hbm.at[idx_v.at[pl.ds(ch * (_CHUNK * _TOPK),
                                     _CHUNK * _TOPK)]],
            rows_v, sem).wait()

        def row_body(jj, carry2):
            r5 = jj * _TOPK
            arow = ch * _CHUNK + jj
            aks = [al_v[arow, pl.ds(k * 16, 16)] for k in range(_TOPK)]
            for v in range(32):
                de = pl.ds(v * 16, 16)
                dg = pl.ds(512 + v * 16, 16)
                acc_e = aks[0] * rows_v[r5, de]
                acc_g = aks[0] * rows_v[r5, dg]
                for k in range(1, _TOPK):
                    acc_e = acc_e + aks[k] * rows_v[r5 + k, de]
                    acc_g = acc_g + aks[k] * rows_v[r5 + k, dg]
                e_v[jj, de] = acc_e
                g_v[jj, pl.ds(v * 16, 16)] = acc_g
            return carry2

        lax.fori_loop(0, _CHUNK, row_body, 0)
        rb = base + ch * _CHUNK
        pltpu.sync_copy(e_v, e_hbm.at[pl.ds(rb, _CHUNK)])
        pltpu.sync_copy(g_v, g_hbm.at[pl.ds(rb, _CHUNK)])
        return carry

    lax.fori_loop(0, _NCH, chunk_body, 0)


def _cost_kern(c_ref, g_ref, cost_ref):
    i = pl.program_id(0)
    c = c_ref[...]
    csn = c * (1.0 / jnp.maximum(
        jnp.sqrt(jnp.sum(c * c, axis=-1, keepdims=True)), 1e-12))
    part = jnp.sum(1.0 - jnp.sum(csn * g_ref[...], axis=-1)) * (1.0 / _B)

    @pl.when(i == 0)
    def _():
        cost_ref[...] = jnp.zeros_like(cost_ref)

    cost_ref[...] += part


@jax.jit
def kernel(u_X, c_S, W, b, keys, values, semantic_embeddings):
    b2 = b.reshape(1, -1)
    dk = keys.shape[1]
    dv = values.shape[1]
    dsem = semantic_embeddings.shape[1]

    kn, vs = pl.pallas_call(
        _prep_kern,
        out_shape=[
            jax.ShapeDtypeStruct((_KB_PAD, dk), jnp.float32),
            jax.ShapeDtypeStruct((_KB_PAD, dv + dsem), jnp.float32),
        ],
    )(keys, semantic_embeddings, values)

    idx_out, al_out = pl.pallas_call(
        _tc_kern,
        grid=(_NBLK,),
        in_specs=[
            pl.BlockSpec((_BLK, u_X.shape[1]), lambda i: (i, 0)),
            pl.BlockSpec((_BLK, c_S.shape[1]), lambda i: (i, 0)),
            pl.BlockSpec(W.shape, lambda i: (0, 0)),
            pl.BlockSpec((1, W.shape[0]), lambda i: (0, 0)),
            pl.BlockSpec((_KB_PAD, dk), lambda i: (0, 0)),
        ],
        out_specs=[
            pl.BlockSpec((_BLK, 8), lambda i: (i, 0)),
            pl.BlockSpec((_BLK, 128), lambda i: (i, 0)),
        ],
        out_shape=[
            jax.ShapeDtypeStruct((_B, 8), jnp.int32),
            jax.ShapeDtypeStruct((_B, 128), jnp.float32),
        ],
    )(u_X, c_S, W, b2, kn)

    idx_flat = idx_out[:, :_TOPK].reshape(_NW, _RPW * _TOPK)

    mesh = plsc.VectorSubcoreMesh(core_axis_name="c", subcore_axis_name="s")
    e_out, g_out = pl.kernel(
        _sc_kern,
        mesh=mesh,
        out_type=[
            jax.ShapeDtypeStruct((_B, dv), jnp.float32),
            jax.ShapeDtypeStruct((_B, dsem), jnp.float32),
        ],
        scratch_types=[
            pltpu.VMEM((_RPW * _TOPK,), jnp.int32),
            pltpu.VMEM((_RPW, 128), jnp.float32),
            pltpu.VMEM((_CHUNK * _TOPK, dv + dsem), jnp.float32),
            pltpu.VMEM((_CHUNK, dv), jnp.float32),
            pltpu.VMEM((_CHUNK, dsem), jnp.float32),
            pltpu.SemaphoreType.DMA,
        ],
    )(vs, idx_flat, al_out)

    cost_out = pl.pallas_call(
        _cost_kern,
        grid=(4,),
        in_specs=[
            pl.BlockSpec((_B // 4, c_S.shape[1]), lambda i: (i, 0)),
            pl.BlockSpec((_B // 4, dsem), lambda i: (i, 0)),
        ],
        out_specs=pl.BlockSpec((1, 1), lambda i: (0, 0)),
        out_shape=jax.ShapeDtypeStruct((1, 1), jnp.float32),
    )(c_S, g_out)

    return (e_out, idx_out[:, :_TOPK], cost_out[0, 0])

# --- scband reference (transcript-rebuilt; emitter-appended) ---
"""Pipeline reference for scband-evidence-retrieval-82343112998998 (READ-ONLY COPY).

The authoritative reference and input builder live on the scoring server;
editing this copy changes nothing except your own understanding.
"""

import jax, jax.numpy as jnp
import numpy as np


def _normalize(x, axis=-1, eps=1e-12):
    n = jnp.linalg.norm(x, axis=axis, keepdims=True)
    return x / jnp.maximum(n, eps)


def setup_inputs(seed: int = 0) -> dict:
    key = jax.random.key(seed)
    ks = jax.random.split(key, 6)
    B = 4096
    obs_dim = 512
    plan_dim = 512
    query_dim = 512
    key_dim = 512
    value_dim = 512
    kb_size = 1000
    u_X = jax.random.normal(ks[0], (B, obs_dim), dtype=jnp.float32)
    c_S = jax.random.normal(ks[1], (B, plan_dim), dtype=jnp.float32)
    # nn.Linear(obs_dim + plan_dim, query_dim): weight [out, in], bias [out]
    fan_in = obs_dim + plan_dim
    bound = 1.0 / np.sqrt(fan_in)
    W = jax.random.uniform(ks[2], (query_dim, fan_in), dtype=jnp.float32, minval=-bound, maxval=bound)
    b = jax.random.uniform(ks[3], (query_dim,), dtype=jnp.float32, minval=-bound, maxval=bound)
    keys = jax.random.normal(ks[4], (kb_size, key_dim), dtype=jnp.float32)
    k5, k6 = jax.random.split(ks[5])
    values = jax.random.normal(k5, (kb_size, value_dim), dtype=jnp.float32)
    semantic_embeddings = jax.random.normal(k6, (kb_size, plan_dim), dtype=jnp.float32)
    return {"u_X": u_X, "c_S": c_S, "W": W, "b": b, "keys": keys,
            "values": values, "semantic_embeddings": semantic_embeddings}


def reference(u_X, c_S, W, b, keys, values, semantic_embeddings):
    top_k = 5
    temperature = 0.07
    # _project_query
    combined = jnp.concatenate([u_X, c_S], axis=-1)
    q = jax.nn.relu(combined @ W.T + b)
    # _retrieve
    q_norm = _normalize(q)
    k_norm = _normalize(keys)
    scores = (q_norm @ k_norm.T) / temperature
    topk_scores, topk_indices = jax.lax.top_k(scores, top_k)
    alpha = jax.nn.softmax(topk_scores, axis=-1)
    retrieved_values = jnp.take(values, topk_indices, axis=0)
    E = jnp.sum(alpha[..., None] * retrieved_values, axis=1)
    # _compute_alignment_cost
    u_i = jnp.take(semantic_embeddings, topk_indices, axis=0)
    c_S_norm = _normalize(c_S)[:, None, :]
    u_i_norm = _normalize(u_i)
    cosine_sim = jnp.sum(c_S_norm * u_i_norm, axis=-1)
    alignment_cost = jnp.mean(jnp.sum(alpha * (1.0 - cosine_sim), axis=-1))
    return (E, topk_indices, alignment_cost)

if __name__ == "__main__":
    import jax
    _d = setup_inputs()
    print(jax.jit(kernel)(*tuple(_d.values())))

</pallas_src>

<mosaic_0001>
#map = affine_map<(d0, d1) -> (0, 0)>
module attributes {stable_mosaic.version = 14 : i64} {
  func.func @_sc_kern(%arg0: i32, %arg1: i32, %arg2: memref<1024x1024xf32, #tpu.memory_space<hbm>>, %arg3: memref<32x640xi32, #tpu.memory_space<hbm>>, %arg4: memref<4096x128xf32, #tpu.memory_space<hbm>>, %arg5: memref<4096x512xf32, #tpu.memory_space<hbm>>, %arg6: memref<4096x512xf32, #tpu.memory_space<hbm>>, %arg7: memref<640xi32, #tpu.memory_space<vmem>>, %arg8: memref<128x128xf32, #tpu.memory_space<vmem>>, %arg9: memref<80x1024xf32, #tpu.memory_space<vmem>>, %arg10: memref<16x512xf32, #tpu.memory_space<vmem>>, %arg11: memref<16x512xf32, #tpu.memory_space<vmem>>, %arg12: memref<!tpu.dma_semaphore, #tpu.memory_space<semaphore_mem>>) attributes {dimension_semantics = [#tpu.dimension_semantics<core_parallel>, #tpu.dimension_semantics<subcore_parallel>], iteration_bounds = array<i64: 2, 16>, scalar_prefetch = 0 : i64, scratch_operands = 6 : i64, tpu.core_type = #tpu.core_type<sc_vector_subcore>, window_params = [{transform_indices = #map}, {transform_indices = #map}, {transform_indices = #map}, {transform_indices = #map}, {transform_indices = #map}]} {
    %mul3A = arith.constant 2 : i32
    %mul3A_0 = arith.muli %arg1, %mul3A : i32
    %add3A = arith.addi %mul3A_0, %arg0 : i32
    %mul3A_1 = arith.constant 128 : i32
    %mul3A_2 = arith.muli %add3A, %mul3A_1 : i32
    "tpu.region"() ({
      %run_scoped3A = tpu.sem_alloc : memref<!tpu.dma_semaphore, #tpu.memory_space<semaphore_mem>>
      %dma_start3A = arith.constant 0 : i32
      %dma_start3A_8 = tpu.memref_slice %arg3[%add3A, %dma_start3A] : memref<32x640xi32, #tpu.memory_space<hbm>> -> memref<1x640xi32, #tpu.memory_space<hbm>>
      %dma_start3A_9 = tpu.memref_squeeze %dma_start3A_8 : memref<1x640xi32, #tpu.memory_space<hbm>> -> memref<640xi32, #tpu.memory_space<hbm>>
      %dma_start3A_10 = arith.constant 0 : i32
      %dma_start3A_11 = tpu.memref_slice %arg3[%add3A, %dma_start3A_10] : memref<32x640xi32, #tpu.memory_space<hbm>> -> memref<1x640xi32, #tpu.memory_space<hbm>>
      %dma_start3A_12 = tpu.memref_squeeze %dma_start3A_11 : memref<1x640xi32, #tpu.memory_space<hbm>> -> memref<640xi32, #tpu.memory_space<hbm>>
      tpu.enqueue_dma source(%dma_start3A_12 : memref<640xi32, #tpu.memory_space<hbm>>) target(%arg7 : memref<640xi32, #tpu.memory_space<vmem>>) target_semaphore(%run_scoped3A : memref<!tpu.dma_semaphore, #tpu.memory_space<semaphore_mem>>)
      %dma_wait3A = arith.constant 0 : i32
      %dma_wait3A_13 = tpu.memref_slice %arg3[%add3A, %dma_wait3A] : memref<32x640xi32, #tpu.memory_space<hbm>> -> memref<1x640xi32, #tpu.memory_space<hbm>>
      %dma_wait3A_14 = tpu.memref_squeeze %dma_wait3A_13 : memref<1x640xi32, #tpu.memory_space<hbm>> -> memref<640xi32, #tpu.memory_space<hbm>>
      %dma_wait3A_15 = arith.constant 0 : i32
      %dma_wait3A_16 = tpu.memref_slice %arg3[%add3A, %dma_wait3A_15] : memref<32x640xi32, #tpu.memory_space<hbm>> -> memref<1x640xi32, #tpu.memory_space<hbm>>
      %dma_wait3A_17 = tpu.memref_squeeze %dma_wait3A_16 : memref<1x640xi32, #tpu.memory_space<hbm>> -> memref<640xi32, #tpu.memory_space<hbm>>
      tpu.wait_dma2 semaphore(%run_scoped3A : memref<!tpu.dma_semaphore, #tpu.memory_space<semaphore_mem>>) src(%dma_wait3A_17 : memref<640xi32, #tpu.memory_space<hbm>>) dst(%arg7 : memref<640xi32, #tpu.memory_space<vmem>>)
      tpu.yield
    }) : () -> ()
    "tpu.region"() ({
      %run_scoped3A = tpu.sem_alloc : memref<!tpu.dma_semaphore, #tpu.memory_space<semaphore_mem>>
      %dma_start3A = arith.constant 0 : i32
      %dma_start3A_8 = tpu.memref_slice %arg4[%mul3A_2, %dma_start3A] : memref<4096x128xf32, #tpu.memory_space<hbm>> -> memref<128x128xf32, #tpu.memory_space<hbm>>
      %dma_start3A_9 = arith.constant 0 : i32
      %dma_start3A_10 = tpu.memref_slice %arg4[%mul3A_2, %dma_start3A_9] : memref<4096x128xf32, #tpu.memory_space<hbm>> -> memref<128x128xf32, #tpu.memory_space<hbm>>
      tpu.enqueue_dma source(%dma_start3A_10 : memref<128x128xf32, #tpu.memory_space<hbm>>) target(%arg8 : memref<128x128xf32, #tpu.memory_space<vmem>>) target_semaphore(%run_scoped3A : memref<!tpu.dma_semaphore, #tpu.memory_space<semaphore_mem>>)
      %dma_wait3A = arith.constant 0 : i32
      %dma_wait3A_11 = tpu.memref_slice %arg4[%mul3A_2, %dma_wait3A] : memref<4096x128xf32, #tpu.memory_space<hbm>> -> memref<128x128xf32, #tpu.memory_space<hbm>>
      %dma_wait3A_12 = arith.constant 0 : i32
      %dma_wait3A_13 = tpu.memref_slice %arg4[%mul3A_2, %dma_wait3A_12] : memref<4096x128xf32, #tpu.memory_space<hbm>> -> memref<128x128xf32, #tpu.memory_space<hbm>>
      tpu.wait_dma2 semaphore(%run_scoped3A : memref<!tpu.dma_semaphore, #tpu.memory_space<semaphore_mem>>) src(%dma_wait3A_13 : memref<128x128xf32, #tpu.memory_space<hbm>>) dst(%arg8 : memref<128x128xf32, #tpu.memory_space<vmem>>)
      tpu.yield
    }) : () -> ()
    %scan3A = arith.constant 0 : i32
    %scan3A_3 = arith.constant 0 : i32
    %scan3A_4 = arith.constant 8 : i32
    %scan3A_5 = arith.addi %scan3A_3, %scan3A_4 : i32
    %scan3A_6 = arith.constant 1 : i32
    scf.for %scan3A_8 = %scan3A_3 to %scan3A_5 step %scan3A_6  : i32 {
      %mul3A_9 = arith.constant 80 : i32
      %mul3A_10 = arith.muli %scan3A_8, %mul3A_9 : i32
      %dma_start3A = tpu.memref_slice %arg7[%mul3A_10] : memref<640xi32, #tpu.memory_space<vmem>> -> memref<80xi32, #tpu.memory_space<vmem>>
      %dma_start3A_11 = arith.constant 0 : i32
      %dma_start3A_12 = arith.constant 0 : i32
      %dma_start3A_13 = tpu.memref_slice %arg2[%dma_start3A_11, %dma_start3A_12] : memref<1024x1024xf32, #tpu.memory_space<hbm>> -> memref<1024x1024xf32, #tpu.memory_space<hbm>>
      tpu.enqueue_indirect_dma source(%dma_start3A_13 : memref<1024x1024xf32, #tpu.memory_space<hbm>>) target(%arg9 : memref<80x1024xf32, #tpu.memory_space<vmem>>) offsets(%dma_start3A : memref<80xi32, #tpu.memory_space<vmem>>) semaphore(%arg12 : memref<!tpu.dma_semaphore, #tpu.memory_space<semaphore_mem>>)
      %dma_wait3A = tpu.memref_slice %arg7[%mul3A_10] : memref<640xi32, #tpu.memory_space<vmem>> -> memref<80xi32, #tpu.memory_space<vmem>>
      %dma_wait3A_14 = arith.constant 0 : i32
      %dma_wait3A_15 = arith.constant 0 : i32
      %dma_wait3A_16 = tpu.memref_slice %arg2[%dma_wait3A_14, %dma_wait3A_15] : memref<1024x1024xf32, #tpu.memory_space<hbm>> -> memref<1024x1024xf32, #tpu.memory_space<hbm>>
      tpu.wait_indirect_dma semaphore(%arg12 : memref<!tpu.dma_semaphore, #tpu.memory_space<semaphore_mem>>) src(%dma_wait3A_16 : memref<1024x1024xf32, #tpu.memory_space<hbm>>) dst(%arg9 : memref<80x1024xf32, #tpu.memory_space<vmem>>)
      %scan3A_17 = arith.constant 0 : i32
      %scan3A_18 = arith.constant 0 : i32
      %scan3A_19 = arith.constant 16 : i32
      %scan3A_20 = arith.addi %scan3A_18, %scan3A_19 : i32
      %scan3A_21 = arith.constant 1 : i32
      scf.for %scan3A_26 = %scan3A_18 to %scan3A_20 step %scan3A_21  : i32 {
        %mul3A_27 = arith.constant 5 : i32
        %mul3A_28 = arith.muli %scan3A_26, %mul3A_27 : i32
        %mul3A_29 = arith.constant 16 : i32
        %mul3A_30 = arith.muli %scan3A_8, %mul3A_29 : i32
        %add3A_31 = arith.addi %mul3A_30, %scan3A_26 : i32
        %get3A = arith.index_cast %add3A_31 : i32 to index
        %get3A_32 = arith.constant 0 : index
        %get3A_33 = tpu.vector_load %arg8[%get3A, %get3A_32] {strides = array<i32>} : memref<128x128xf32, #tpu.memory_space<vmem>>, vector<1x16xf32>,
        %get3A_34 = vector.shape_cast %get3A_33 : vector<1x16xf32> to vector<16xf32>
        %get3A_35 = arith.index_cast %add3A_31 : i32 to index
        %get3A_36 = arith.constant 16 : index
        %get3A_37 = tpu.vector_load %arg8[%get3A_35, %get3A_36] {strides = array<i32>} : memref<128x128xf32, #tpu.memory_space<vmem>>, vector<1x16xf32>,
        %get3A_38 = vector.shape_cast %get3A_37 : vector<1x16xf32> to vector<16xf32>
        %get3A_39 = arith.index_cast %add3A_31 : i32 to index
        %get3A_40 = arith.constant 32 : index
        %get3A_41 = tpu.vector_load %arg8[%get3A_39, %get3A_40] {strides = array<i32>} : memref<128x128xf32, #tpu.memory_space<vmem>>, vector<1x16xf32>,
        %get3A_42 = vector.shape_cast %get3A_41 : vector<1x16xf32> to vector<16xf32>
        %get3A_43 = arith.index_cast %add3A_31 : i32 to index
        %get3A_44 = arith.constant 48 : index
        %get3A_45 = tpu.vector_load %arg8[%get3A_43, %get3A_44] {strides = array<i32>} : memref<128x128xf32, #tpu.memory_space<vmem>>, vector<1x16xf32>,
        %get3A_46 = vector.shape_cast %get3A_45 : vector<1x16xf32> to vector<16xf32>
        %get3A_47 = arith.index_cast %add3A_31 : i32 to index
        %get3A_48 = arith.constant 64 : index
        %get3A_49 = tpu.vector_load %arg8[%get3A_47, %get3A_48] {strides = array<i32>} : memref<128x128xf32, #tpu.memory_space<vmem>>, vector<1x16xf32>,
        %get3A_50 = vector.shape_cast %get3A_49 : vector<1x16xf32> to vector<16xf32>
        %get3A_51 = arith.index_cast %mul3A_28 : i32 to index
        %get3A_52 = arith.constant 0 : index
        %get3A_53 = tpu.vector_load %arg9[%get3A_51, %get3A_52] {strides = array<i32>} : memref<80x1024xf32, #tpu.memory_space<vmem>>, vector<1x16xf32>,
        %get3A_54 = vector.shape_cast %get3A_53 : vector<1x16xf32> to vector<16xf32>
        %mul3A_55 = arith.mulf %get3A_34, %get3A_54 : vector<16xf32>
        %get3A_56 = arith.index_cast %mul3A_28 : i32 to index
        %get3A_57 = arith.constant 512 : index
        %get3A_58 = tpu.vector_load %arg9[%get3A_56, %get3A_57] {strides = array<i32>} : memref<80x1024xf32, #tpu.memory_space<vmem>>, vector<1x16xf32>,
        %get3A_59 = vector.shape_cast %get3A_58 : vector<1x16xf32> to vector<16xf32>
        %mul3A_60 = arith.mulf %get3A_34, %get3A_59 : vector<16xf32>
        %add3A_61 = arith.constant 1 : i32
        %add3A_62 = arith.addi %mul3A_28, %add3A_61 : i32
        %get3A_63 = arith.index_cast %add3A_62 : i32 to index
        %get3A_64 = arith.constant 0 : index
        %get3A_65 = tpu.vector_load %arg9[%get3A_63, %get3A_64] {strides = array<i32>} : memref<80x1024xf32, #tpu.memory_space<vmem>>, vector<1x16xf32>,
        %get3A_66 = vector.shape_cast %get3A_65 : vector<1x16xf32> to vector<16xf32>
        %mul3A_67 = arith.mulf %get3A_38, %get3A_66 : vector<16xf32>
        %add3A_68 = arith.addf %mul3A_55, %mul3A_67 : vector<16xf32>
        %add3A_69 = arith.constant 1 : i32
        %add3A_70 = arith.addi %mul3A_28, %add3A_69 : i32
        %get3A_71 = arith.index_cast %add3A_70 : i32 to index
        %get3A_72 = arith.constant 512 : index
        %get3A_73 = tpu.vector_load %arg9[%get3A_71, %get3A_72] {strides = array<i32>} : memref<80x1024xf32, #tpu.memory_space<vmem>>, vector<1x16xf32>,
        %get3A_74 = vector.shape_cast %get3A_73 : vector<1x16xf32> to vector<16xf32>
        %mul3A_75 = arith.mulf %get3A_38, %get3A_74 : vector<16xf32>
        %add3A_76 = arith.addf %mul3A_60, %mul3A_75 : vector<16xf32>
        %add3A_77 = arith.constant 2 : i32
        %add3A_78 = arith.addi %mul3A_28, %add3A_77 : i32
        %get3A_79 = arith.index_cast %add3A_78 : i32 to index
        %get3A_80 = arith.constant 0 : index
        %get3A_81 = tpu.vector_load %arg9[%get3A_79, %get3A_80] {strides = array<i32>} : memref<80x1024xf32, #tpu.memory_space<vmem>>, vector<1x16xf32>,
        %get3A_82 = vector.shape_cast %get3A_81 : vector<1x16xf32> to vector<16xf32>
        %mul3A_83 = arith.mulf %get3A_42, %get3A_82 : vector<16xf32>
        %add3A_84 = arith.addf %add3A_68, %mul3A_83 : vector<16xf32>
        %add3A_85 = arith.constant 2 : i32
        %add3A_86 = arith.addi %mul3A_28, %add3A_85 : i32
        %get3A_87 = arith.index_cast %add3A_86 : i32 to index
        %get3A_88 = arith.constant 512 : index
        %get3A_89 = tpu.vector_load %arg9[%get3A_87, %get3A_88] {strides = array<i32>} : memref<80x1024xf32, #tpu.memory_space<vmem>>, vector<1x16xf32>,
        %get3A_90 = vector.shape_cast %get3A_89 : vector<1x16xf32> to vector<16xf32>
        %mul3A_91 = arith.mulf %get3A_42, %get3A_90 : vector<16xf32>
        %add3A_92 = arith.addf %add3A_76, %mul3A_91 : vector<16xf32>
        %add3A_93 = arith.constant 3 : i32
        %add3A_94 = arith.addi %mul3A_28, %add3A_93 : i32
        %get3A_95 = arith.index_cast %add3A_94 : i32 to index
        %get3A_96 = arith.constant 0 : index
        %get3A_97 = tpu.vector_load %arg9[%get3A_95, %get3A_96] {strides = array<i32>} : memref<80x1024xf32, #tpu.memory_space<vmem>>, vector<1x16xf32>,
        %get3A_98 = vector.shape_cast %get3A_97 : vector<1x16xf32> to vector<16xf32>
        %mul3A_99 = arith.mulf %get3A_46, %get3A_98 : vector<16xf32>
        %add3A_100 = arith.addf %add3A_84, %mul3A_99 : vector<16xf32>
        %add3A_101 = arith.constant 3 : i32
        %add3A_102 = arith.addi %mul3A_28, %add3A_101 : i32
        %get3A_103 = arith.index_cast %add3A_102 : i32 to index
        %get3A_104 = arith.constant 512 : index
        %get3A_105 = tpu.vector_load %arg9[%get3A_103, %get3A_104] {strides = array<i32>} : memref<80x1024xf32, #tpu.memory_space<vmem>>, vector<1x16xf32>,
        %get3A_106 = vector.shape_cast %get3A_105 : vector<1x16xf32> to vector<16xf32>
        %mul3A_107 = arith.mulf %get3A_46, %get3A_106 : vector<16xf32>
        %add3A_108 = arith.addf %add3A_92, %mul3A_107 : vector<16xf32>
        %add3A_109 = arith.constant 4 : i32
        %add3A_110 = arith.addi %mul3A_28, %add3A_109 : i32
        %get3A_111 = arith.index_cast %add3A_110 : i32 to index
        %get3A_112 = arith.constant 0 : index
        %get3A_113 = tpu.vector_load %arg9[%get3A_111, %get3A_112] {strides = array<i32>} : memref<80x1024xf32, #tpu.memory_space<vmem>>, vector<1x16xf32>,
        %get3A_114 = vector.shape_cast %get3A_113 : vector<1x16xf32> to vector<16xf32>
        %mul3A_115 = arith.mulf %get3A_50, %get3A_114 : vector<16xf32>
        %add3A_116 = arith.addf %add3A_100, %mul3A_115 : vector<16xf32>
        %add3A_117 = arith.constant 4 : i32
        %add3A_118 = arith.addi %mul3A_28, %add3A_117 : i32
        %get3A_119 = arith.index_cast %add3A_118 : i32 to index
        %get3A_120 = arith.constant 512 : index
        %get3A_121 = tpu.vector_load %arg9[%get3A_119, %get3A_120] {strides = array<i32>} : memref<80x1024xf32, #tpu.memory_space<vmem>>, vector<1x16xf32>,
        %get3A_122 = vector.shape_cast %get3A_121 : vector<1x16xf32> to vector<16xf32>
        %mul3A_123 = arith.mulf %get3A_50, %get3A_122 : vector<16xf32>
        %add3A_124 = arith.addf %add3A_108, %mul3A_123 : vector<16xf32>
        %swap3A = arith.index_cast %scan3A_26 : i32 to index
        %swap3A_125 = arith.constant 0 : index
        %swap3A_126 = tpu.vector_load %arg10[%swap3A, %swap3A_125] {strides = array<i32>} : memref<16x512xf32, #tpu.memory_space<vmem>>, vector<1x16xf32>,
        %swap3A_127 = vector.shape_cast %swap3A_126 : vector<1x16xf32> to vector<16xf32>
        %swap3A_128 = vector.shape_cast %add3A_116 : vector<16xf32> to vector<1x16xf32>
        tpu.vector_store %arg10[%swap3A, %swap3A_125], %swap3A_128 {strides = array<i32>} : memref<16x512xf32, #tpu.memory_space<vmem>>, vector<1x16xf32>,
        %swap3A_129 = arith.index_cast %scan3A_26 : i32 to index
        %swap3A_130 = arith.constant 0 : index
        %swap3A_131 = tpu.vector_load %arg11[%swap3A_129, %swap3A_130] {strides = array<i32>} : memref<16x512xf32, #tpu.memory_space<vmem>>, vector<1x16xf32>,
        %swap3A_132 = vector.shape_cast %swap3A_131 : vector<1x16xf32> to vector<16xf32>
        %swap3A_133 = vector.shape_cast %add3A_124 : vector<16xf32> to vector<1x16xf32>
        tpu.vector_store %arg11[%swap3A_129, %swap3A_130], %swap3A_133 {strides = array<i32>} : memref<16x512xf32, #tpu.memory_space<vmem>>, vector<1x16xf32>,
        %get3A_134 = arith.index_cast %mul3A_28 : i32 to index
        %get3A_135 = arith.constant 16 : index
        %get3A_136 = tpu.vector_load %arg9[%get3A_134, %get3A_135] {strides = array<i32>} : memref<80x1024xf32, #tpu.memory_space<vmem>>, vector<1x16xf32>,
        %get3A_137 = vector.shape_cast %get3A_136 : vector<1x16xf32> to vector<16xf32>
        %mul3A_138 = arith.mulf %get3A_34, %get3A_137 : vector<16xf32>
        %get3A_139 = arith.index_cast %mul3A_28 : i32 to index
        %get3A_140 = arith.constant 528 : index
        %get3A_141 = tpu.vector_load %arg9[%get3A_139, %get3A_140] {strides = array<i32>} : memref<80x1024xf32, #tpu.memory_space<vmem>>, vector<1x16xf32>,
        %get3A_142 = vector.shape_cast %get3A_141 : vector<1x16xf32> to vector<16xf32>
        %mul3A_143 = arith.mulf %get3A_34, %get3A_142 : vector<16xf32>
        %add3A_144 = arith.constant 1 : i32
        %add3A_145 = arith.addi %mul3A_28, %add3A_144 : i32
        %get3A_146 = arith.index_cast %add3A_145 : i32 to index
        %get3A_147 = arith.constant 16 : index
        %get3A_148 = tpu.vector_load %arg9[%get3A_146, %get3A_147] {strides = array<i32>} : memref<80x1024xf32, #tpu.memory_space<vmem>>, vector<1x16xf32>,
        %get3A_149 = vector.shape_cast %get3A_148 : vector<1x16xf32> to vector<16xf32>
        %mul3A_150 = arith.mulf %get3A_38, %get3A_149 : vector<16xf32>
        %add3A_151 = arith.addf %mul3A_138, %mul3A_150 : vector<16xf32>
        %add3A_152 = arith.constant 1 : i32
        %add3A_153 = arith.addi %mul3A_28, %add3A_152 : i32
        %get3A_154 = arith.index_cast %add3A_153 : i32 to index
        %get3A_155 = arith.constant 528 : index
        %get3A_156 = tpu.vector_load %arg9[%get3A_154, %get3A_155] {strides = array<i32>} : memref<80x1024xf32, #tpu.memory_space<vmem>>, vector<1x16xf32>,
        %get3A_157 = vector.shape_cast %get3A_156 : vector<1x16xf32> to vector<16xf32>
        %mul3A_158 = arith.mulf %get3A_38, %get3A_157 : vector<16xf32>
        %add3A_159 = arith.addf %mul3A_143, %mul3A_158 : vector<16xf32>
        %add3A_160 = arith.constant 2 : i32
        %add3A_161 = arith.addi %mul3A_28, %add3A_160 : i32
        %get3A_162 = arith.index_cast %add3A_161 : i32 to index
        %get3A_163 = arith.constant 16 : index
        %get3A_164 = tpu.vector_load %arg9[%get3A_162, %get3A_163] {strides = array<i32>} : memref<80x1024xf32, #tpu.memory_space<vmem>>, vector<1x16xf32>,
        %get3A_165 = vector.shape_cast %get3A_164 : vector<1x16xf32> to vector<16xf32>
        %mul3A_166 = arith.mulf %get3A_42, %get3A_165 : vector<16xf32>
        %add3A_167 = arith.addf %add3A_151, %mul3A_166 : vector<16xf32>
        %add3A_168 = arith.constant 2 : i32
        %add3A_169 = arith.addi %mul3A_28, %add3A_168 : i32
        %get3A_170 = arith.index_cast %add3A_169 : i32 to index
        %get3A_171 = arith.constant 528 : index
        %get3A_172 = tpu.vector_load %arg9[%get3A_170, %get3A_171] {strides = array<i32>} : memref<80x1024xf32, #tpu.memory_space<vmem>>, vector<1x16xf32>,
        %get3A_173 = vector.shape_cast %get3A_172 : vector<1x16xf32> to vector<16xf32>
        %mul3A_174 = arith.mulf %get3A_42, %get3A_173 : vector<16xf32>
        %add3A_175 = arith.addf %add3A_159, %mul3A_174 : vector<16xf32>
        %add3A_176 = arith.constant 3 : i32
        %add3A_177 = arith.addi %mul3A_28, %add3A_176 : i32
        %get3A_178 = arith.index_cast %add3A_177 : i32 to index
        %get3A_179 = arith.constant 16 : index
        %get3A_180 = tpu.vector_load %arg9[%get3A_178, %get3A_179] {strides = array<i32>} : memref<80x1024xf32, #tpu.memory_space<vmem>>, vector<1x16xf32>,
        %get3A_181 = vector.shape_cast %get3A_180 : vector<1x16xf32> to vector<16xf32>
        %mul3A_182 = arith.mulf %get3A_46, %get3A_181 : vector<16xf32>
        %add3A_183 = arith.addf %add3A_167, %mul3A_182 : vector<16xf32>
        %add3A_184 = arith.constant 3 : i32
        %add3A_185 = arith.addi %mul3A_28, %add3A_184 : i32
        %get3A_186 = arith.index_cast %add3A_185 : i32 to index
        %get3A_187 = arith.constant 528 : index
        %get3A_188 = tpu.vector_load %arg9[%get3A_186, %get3A_187] {strides = array<i32>} : memref<80x1024xf32, #tpu.memory_space<vmem>>, vector<1x16xf32>,
        %get3A_189 = vector.shape_cast %get3A_188 : vector<1x16xf32> to vector<16xf32>
        %mul3A_190 = arith.mulf %get3A_46, %get3A_189 : vector<16xf32>
        %add3A_191 = arith.addf %add3A_175, %mul3A_190 : vector<16xf32>
        %add3A_192 = arith.constant 4 : i32
        %add3A_193 = arith.addi %mul3A_28, %add3A_192 : i32
        %get3A_194 = arith.index_cast %add3A_193 : i32 to index
        %get3A_195 = arith.constant 16 : index
        %get3A_196 = tpu.vector_load %arg9[%get3A_194, %get3A_195] {strides = array<i32>} : memref<80x1024xf32, #tpu.memory_space<vmem>>, vector<1x16xf32>,
        %get3A_197 = vector.shape_cast %get3A_196 : vector<1x16xf32> to vector<16xf32>
        %mul3A_198 = arith.mulf %get3A_50, %get3A_197 : vector<16xf32>
        %add3A_199 = arith.addf %add3A_183, %mul3A_198 : vector<16xf32>
        %add3A_200 = arith.constant 4 : i32
        %add3A_201 = arith.addi %mul3A_28, %add3A_200 : i32
        %get3A_202 = arith.index_cast %add3A_201 : i32 to index
        %get3A_203 = arith.constant 528 : index
        %get3A_204 = tpu.vector_load %arg9[%get3A_202, %get3A_203] {strides = array<i32>} : memref<80x1024xf32, #tpu.memory_space<vmem>>, vector<1x16xf32>,
        %get3A_205 = vector.shape_cast %get3A_204 : vector<1x16xf32> to vector<16xf32>
        %mul3A_206 = arith.mulf %get3A_50, %get3A_205 : vector<16xf32>
        %add3A_207 = arith.addf %add3A_191, %mul3A_206 : vector<16xf32>
        %swap3A_208 = arith.index_cast %scan3A_26 : i32 to index
        %swap3A_209 = arith.constant 16 : index
        %swap3A_210 = tpu.vector_load %arg10[%swap3A_208, %swap3A_209] {strides = array<i32>} : memref<16x512xf32, #tpu.memory_space<vmem>>, vector<1x16xf32>,
        %swap3A_211 = vector.shape_cast %swap3A_210 : vector<1x16xf32> to vector<16xf32>
        %swap3A_212 = vector.shape_cast %add3A_199 : vector<16xf32> to vector<1x16xf32>
        tpu.vector_store %arg10[%swap3A_208, %swap3A_209], %swap3A_212 {strides = array<i32>} : memref<16x512xf32, #tpu.memory_space<vmem>>, vector<1x16xf32>,
        %swap3A_213 = arith.index_cast %scan3A_26 : i32 to index
        %swap3A_214 = arith.constant 16 : index
        %swap3A_215 = tpu.vector_load %arg11[%swap3A_213, %swap3A_214] {strides = array<i32>} : memref<16x512xf32, #tpu.memory_space<vmem>>, vector<1x16xf32>,
        %swap3A_216 = vector.shape_cast %swap3A_215 : vector<1x16xf32> to vector<16xf32>
        %swap3A_217 = vector.shape_cast %add3A_207 : vector<16xf32> to vector<1x16xf32>
        tpu.vector_store %arg11[%swap3A_213, %swap3A_214], %swap3A_217 {strides = array<i32>} : memref<16x512xf32, #tpu.memory_space<vmem>>, vector<1x16xf32>,
        %get3A_218 = arith.index_cast %mul3A_28 : i32 to index
        %get3A_219 = arith.constant 32 : index
        %get3A_220 = tpu.vector_load %arg9[%get3A_218, %get3A_219] {strides = array<i32>} : memref<80x1024xf32, #tpu.memory_space<vmem>>, vector<1x16xf32>,
        %get3A_221 = vector.shape_cast %get3A_220 : vector<1x16xf32> to vector<16xf32>
        %mul3A_222 = arith.mulf %get3A_34, %get3A_221 : vector<16xf32>
        %get3A_223 = arith.index_cast %mul3A_28 : i32 to index
        %get3A_224 = arith.constant 544 : index
        %get3A_225 = tpu.vector_load %arg9[%get3A_223, %get3A_224] {strides = array<i32>} : memref<80x1024xf32, #tpu.memory_space<vmem>>, vector<1x16xf32>,
        %get3A_226 = vector.shape_cast %get3A_225 : vector<1x16xf32> to vector<16xf32>
        %mul3A_227 = arith.mulf %get3A_34, %get3A_226 : vector<16xf32>
        %add3A_228 = arith.constant 1 : i32
        %add3A_229 = arith.addi %mul3A_28, %add3A_228 : i32
        %get3A_230 = arith.index_cast %add3A_229 : i32 to index
        %get3A_231 = arith.constant 32 : index
        %get3A_232 = tpu.vector_load %arg9[%get3A_230, %get3A_231] {strides = array<i32>} : memref<80x1024xf32, #tpu.memory_space<vmem>>, vector<1x16xf32>,
        %get3A_233 = vector.shape_cast %get3A_232 : vector<1x16xf32> to vector<16xf32>
        %mul3A_234 = arith.mulf %get3A_38, %get3A_233 : vector<16xf32>
        %add3A_235 = arith.addf %mul3A_222, %mul3A_234 : vector<16xf32>
        %add3A_236 = arith.constant 1 : i32
        %add3A_237 = arith.addi %mul3A_28, %add3A_236 : i32
        %get3A_238 = arith.index_cast %add3A_237 : i32 to index
        %get3A_239 = arith.constant 544 : index
        %get3A_240 = tpu.vector_load %arg9[%get3A_238, %get3A_239] {strides = array<i32>} : memref<80x1024xf32, #tpu.memory_space<vmem>>, vector<1x16xf32>,
        %get3A_241 = vector.shape_cast %get3A_240 : vector<1x16xf32> to vector<16xf32>
        %mul3A_242 = arith.mulf %get3A_38, %get3A_241 : vector<16xf32>
        %add3A_243 = arith.addf %mul3A_227, %mul3A_242 : vector<16xf32>
        %add3A_244 = arith.constant 2 : i32
        %add3A_245 = arith.addi %mul3A_28, %add3A_244 : i32
        %get3A_246 = arith.index_cast %add3A_245 : i32 to index
        %get3A_247 = arith.constant 32 : index
        %get3A_248 = tpu.vector_load %arg9[%get3A_246, %get3A_247] {strides = array<i32>} : memref<80x1024xf32, #tpu.memory_space<vmem>>, vector<1x16xf32>,
        %get3A_249 = vector.shape_cast %get3A_248 : vector<1x16xf32> to vector<16xf32>
        %mul3A_250 = arith.mulf %get3A_42, %get3A_249 : vector<16xf32>
        %add3A_251 = arith.addf %add3A_235, %mul3A_250 : vector<16xf32>
        %add3A_252 = arith.constant 2 : i32
        %add3A_253 = arith.addi %mul3A_28, %add3A_252 : i32
        %get3A_254 = arith.index_cast %add3A_253 : i32 to index
        %get3A_255 = arith.constant 544 : index
        %get3A_256 = tpu.vector_load %arg9[%get3A_254, %get3A_255] {strides = array<i32>} : memref<80x1024xf32, #tpu.memory_space<vmem>>, vector<1x16xf32>,
        %get3A_257 = vector.shape_cast %get3A_256 : vector<1x16xf32> to vector<16xf32>
        %mul3A_258 = arith.mulf %get3A_42, %get3A_257 : vector<16xf32>
        %add3A_259 = arith.addf %add3A_243, %mul3A_258 : vector<16xf32>
        %add3A_260 = arith.constant 3 : i32
        %add3A_261 = arith.addi %mul3A_28, %add3A_260 : i32
        %get3A_262 = arith.index_cast %add3A_261 : i32 to index
        %get3A_263 = arith.constant 32 : index
        %get3A_264 = tpu.vector_load %arg9[%get3A_262, %get3A_263] {strides = array<i32>} : memref<80x1024xf32, #tpu.memory_space<vmem>>, vector<1x16xf32>,
        %get3A_265 = vector.shape_cast %get3A_264 : vector<1x16xf32> to vector<16xf32>
        %mul3A_266 = arith.mulf %get3A_46, %get3A_265 : vector<16xf32>
        %add3A_267 = arith.addf %add3A_251, %mul3A_266 : vector<16xf32>
        %add3A_268 = arith.constant 3 : i32
        %add3A_269 = arith.addi %mul3A_28, %add3A_268 : i32
        %get3A_270 = arith.index_cast %add3A_269 : i32 to index
        %get3A_271 = arith.constant 544 : index
        %get3A_272 = tpu.vector_load %arg9[%get3A_270, %get3A_271] {strides = array<i32>} : memref<80x1024xf32, #tpu.memory_space<vmem>>, vector<1x16xf32>,
        %get3A_273 = vector.shape_cast %get3A_272 : vector<1x16xf32> to vector<16xf32>
        %mul3A_274 = arith.mulf %get3A_46, %get3A_273 : vector<16xf32>
        %add3A_275 = arith.addf %add3A_259, %mul3A_274 : vector<16xf32>
        %add3A_276 = arith.constant 4 : i32
        %add3A_277 = arith.addi %mul3A_28, %add3A_276 : i32
        %get3A_278 = arith.index_cast %add3A_277 : i32 to index
        %get3A_279 = arith.constant 32 : index
        %get3A_280 = tpu.vector_load %arg9[%get3A_278, %get3A_279] {strides = array<i32>} : memref<80x1024xf32, #tpu.memory_space<vmem>>, vector<1x16xf32>,
        %get3A_281 = vector.shape_cast %get3A_280 : vector<1x16xf32> to vector<16xf32>
        %mul3A_282 = arith.mulf %get3A_50, %get3A_281 : vector<16xf32>
        %add3A_283 = arith.addf %add3A_267, %mul3A_282 : vector<16xf32>
        %add3A_284 = arith.constant 4 : i32
        %add3A_285 = arith.addi %mul3A_28, %add3A_284 : i32
        %get3A_286 = arith.index_cast %add3A_285 : i32 to index
        %get3A_287 = arith.constant 544 : index
        %get3A_288 = tpu.vector_load %arg9[%get3A_286, %get3A_287] {strides = array<i32>} : memref<80x1024xf32, #tpu.memory_space<vmem>>, vector<1x16xf32>,
        %get3A_289 = vector.shape_cast %get3A_288 : vector<1x16xf32> to vector<16xf32>
        %mul3A_290 = arith.mulf %get3A_50, %get3A_289 : vector<16xf32>
        %add3A_291 = arith.addf %add3A_275, %mul3A_290 : vector<16xf32>
        %swap3A_292 = arith.index_cast %scan3A_26 : i32 to index
        %swap3A_293 = arith.constant 32 : index
        %swap3A_294 = tpu.vector_load %arg10[%swap3A_292, %swap3A_293] {strides = array<i32>} : memref<16x512xf32, #tpu.memory_space<vmem>>, vector<1x16xf32>,
        %swap3A_295 = vector.shape_cast %swap3A_294 : vector<1x16xf32> to vector<16xf32>
        %swap3A_296 = vector.shape_cast %add3A_283 : vector<16xf32> to vector<1x16xf32>
        tpu.vector_store %arg10[%swap3A_292, %swap3A_293], %swap3A_296 {strides = array<i32>} : memref<16x512xf32, #tpu.memory_space<vmem>>, vector<1x16xf32>,
        %swap3A_297 = arith.index_cast %scan3A_26 : i32 to index
        %swap3A_298 = arith.constant 32 : index
        %swap3A_299 = tpu.vector_load %arg11[%swap3A_297, %swap3A_298] {strides = array<i32>} : memref<16x512xf32, #tpu.memory_space<vmem>>, vector<1x16xf32>,
        %swap3A_300 = vector.shape_cast %swap3A_299 : vector<1x16xf32> to vector<16xf32>
        %swap3A_301 = vector.shape_cast %add3A_291 : vector<16xf32> to vector<1x16xf32>
        tpu.vector_store %arg11[%swap3A_297, %swap3A_298], %swap3A_301 {strides = array<i32>} : memref<16x512xf32, #tpu.memory_space<vmem>>, vector<1x16xf32>,
        %get3A_302 = arith.index_cast %mul3A_28 : i32 to index
        %get3A_303 = arith.constant 48 : index
        %get3A_304 = tpu.vector_load %arg9[%get3A_302, %get3A_303] {strides = array<i32>} : memref<80x1024xf32, #tpu.memory_space<vmem>>, vector<1x16xf32>,
        %get3A_305 = vector.shape_cast %get3A_304 : vector<1x16xf32> to vector<16xf32>
        %mul3A_306 = arith.mulf %get3A_34, %get3A_305 : vector<16xf32>
        %get3A_307 = arith.index_cast %mul3A_28 : i32 to index
        %get3A_308 = arith.constant 560 : index
        %get3A_309 = tpu.vector_load %arg9[%get3A_307, %get3A_308] {strides = array<i32>} : memref<80x1024xf32, #tpu.memory_space<vmem>>, vector<1x16xf32>,
        %get3A_310 = vector.shape_cast %get3A_309 : vector<1x16xf32> to vector<16xf32>
        %mul3A_311 = arith.mulf %get3A_34, %get3A_310 : vector<16xf32>
        %add3A_312 = arith.constant 1 : i32
        %add3A_313 = arith.addi %mul3A_28, %add3A_312 : i32
        %get3A_314 = arith.index_cast %add3A_313 : i32 to index
        %get3A_315 = arith.constant 48 : index
        %get3A_316 = tpu.vector_load %arg9[%get3A_314, %get3A_315] {strides = array<i32>} : memref<80x1024xf32, #tpu.memory_space<vmem>>, vector<1x16xf32>,
        %get3A_317 = vector.shape_cast %get3A_316 : vector<1x16xf32> to vector<16xf32>
        %mul3A_318 = arith.mulf %get3A_38, %get3A_317 : vector<16xf32>
        %add3A_319 = arith.addf %mul3A_306, %mul3A_318 : vector<16xf32>
        %add3A_320 = arith.constant 1 : i32
        %add3A_321 = arith.addi %mul3A_28, %add3A_320 : i32
        %get3A_322 = arith.index_cast %add3A_321 : i32 to index
        %get3A_323 = arith.constant 560 : index
        %get3A_324 = tpu.vector_load %arg9[%get3A_322, %get3A_323] {strides = array<i32>} : memref<80x1024xf32, #tpu.memory_space<vmem>>, vector<1x16xf32>,
        %get3A_325 = vector.shape_cast %get3A_324 : vector<1x16xf32> to vector<16xf32>
        %mul3A_326 = arith.mulf %get3A_38, %get3A_325 : vector<16xf32>
        %add3A_327 = arith.addf %mul3A_311, %mul3A_326 : vector<16xf32>
        %add3A_328 = arith.constant 2 : i32
        %add3A_329 = arith.addi %mul3A_28, %add3A_328 : i32
        %get3A_330 = arith.index_cast %add3A_329 : i32 to index
        %get3A_331 = arith.constant 48 : index
        %get3A_332 = tpu.vector_load %arg9[%get3A_330, %get3A_331] {strides = array<i32>} : memref<80x1024xf32, #tpu.memory_space<vmem>>, vector<1x16xf32>,
        %get3A_333 = vector.shape_cast %get3A_332 : vector<1x16xf32> to vector<16xf32>
        %mul3A_334 = arith.mulf %get3A_42, %get3A_333 : vector<16xf32>
        %add3A_335 = arith.addf %add3A_319, %mul3A_334 : vector<16xf32>
        %add3A_336 = arith.constant 2 : i32
        %add3A_337 = arith.addi %mul3A_28, %add3A_336 : i32
        %get3A_338 = arith.index_cast %add3A_337 : i32 to index
        %get3A_339 = arith.constant 560 : index
        %get3A_340 = tpu.vector_load %arg9[%get3A_338, %get3A_339] {strides = array<i32>} : memref<80x1024xf32, #tpu.memory_space<vmem>>, vector<1x16xf32>,
        %get3A_341 = vector.shape_cast %get3A_340 : vector<1x16xf32> to vector<16xf32>
        %mul3A_342 = arith.mulf %get3A_42, %get3A_341 : vector<16xf32>
        %add3A_343 = arith.addf %add3A_327, %mul3A_342 : vector<16xf32>
        %add3A_344 = arith.constant 3 : i32
        %add3A_345 = arith.addi %mul3A_28, %add3A_344 : i32
        %get3A_346 = arith.index_cast %add3A_345 : i32 to index
        %get3A_347 = arith.constant 48 : index
        %get3A_348 = tpu.vector_load %arg9[%get3A_346, %get3A_347] {strides = array<i32>} : memref<80x1024xf32, #tpu.memory_space<vmem>>, vector<1x16xf32>,
        %get3A_349 = vector.shape_cast %get3A_348 : vector<1x16xf32> to vector<16xf32>
        %mul3A_350 = arith.mulf %get3A_46, %get3A_349 : vector<16xf32>
        %add3A_351 = arith.addf %add3A_335, %mul3A_350 : vector<16xf32>
        %add3A_352 = arith.constant 3 : i32
        %add3A_353 = arith.addi %mul3A_28, %add3A_352 : i32
        %get3A_354 = arith.index_cast %add3A_353 : i32 to index
        %get3A_355 = arith.constant 560 : index
        %get3A_356 = tpu.vector_load %arg9[%get3A_354, %get3A_355] {strides = array<i32>} : memref<80x1024xf32, #tpu.memory_space<vmem>>, vector<1x16xf32>,
        %get3A_357 = vector.shape_cast %get3A_356 : vector<1x16xf32> to vector<16xf32>
        %mul3A_358 = arith.mulf %get3A_46, %get3A_357 : vector<16xf32>
        %add3A_359 = arith.addf %add3A_343, %mul3A_358 : vector<16xf32>
        %add3A_360 = arith.constant 4 : i32
        %add3A_361 = arith.addi %mul3A_28, %add3A_360 : i32
        %get3A_362 = arith.index_cast %add3A_361 : i32 to index
        %get3A_363 = arith.constant 48 : index
        %get3A_364 = tpu.vector_load %arg9[%get3A_362, %get3A_363] {strides = array<i32>} : memref<80x1024xf32, #tpu.memory_space<vmem>>, vector<1x16xf32>,
        %get3A_365 = vector.shape_cast %get3A_364 : vector<1x16xf32> to vector<16xf32>
        %mul3A_366 = arith.mulf %get3A_50, %get3A_365 : vector<16xf32>
        %add3A_367 = arith.addf %add3A_351, %mul3A_366 : vector<16xf32>
        %add3A_368 = arith.constant 4 : i32
        %add3A_369 = arith.addi %mul3A_28, %add3A_368 : i32
        %get3A_370 = arith.index_cast %add3A_369 : i32 to index
        %get3A_371 = arith.constant 560 : index
        %get3A_372 = tpu.vector_load %arg9[%get3A_370, %get3A_371] {strides = array<i32>} : memref<80x1024xf32, #tpu.memory_space<vmem>>, vector<1x16xf32>,
        %get3A_373 = vector.shape_cast %get3A_372 : vector<1x16xf32> to vector<16xf32>
        %mul3A_374 = arith.mulf %get3A_50, %get3A_373 : vector<16xf32>
        %add3A_375 = arith.addf %add3A_359, %mul3A_374 : vector<16xf32>
        %swap3A_376 = arith.index_cast %scan3A_26 : i32 to index
        %swap3A_377 = arith.constant 48 : index
        %swap3A_378 = tpu.vector_load %arg10[%swap3A_376, %swap3A_377] {strides = array<i32>} : memref<16x512xf32, #tpu.memory_space<vmem>>, vector<1x16xf32>,
        %swap3A_379 = vector.shape_cast %swap3A_378 : vector<1x16xf32> to vector<16xf32>
        %swap3A_380 = vector.shape_cast %add3A_367 : vector<16xf32> to vector<1x16xf32>
        tpu.vector_store %arg10[%swap3A_376, %swap3A_377], %swap3A_380 {strides = array<i32>} : memref<16x512xf32, #tpu.memory_space<vmem>>, vector<1x16xf32>,
        %swap3A_381 = arith.index_cast %scan3A_26 : i32 to index
        %swap3A_382 = arith.constant 48 : index
        %swap3A_383 = tpu.vector_load %arg11[%swap3A_381, %swap3A_382] {strides = array<i32>} : memref<16x512xf32, #tpu.memory_space<vmem>>, vector<1x16xf32>,
        %swap3A_384 = vector.shape_cast %swap3A_383 : vector<1x16xf32> to vector<16xf32>
        %swap3A_385 = vector.shape_cast %add3A_375 : vector<16xf32> to vector<1x16xf32>
        tpu.vector_store %arg11[%swap3A_381, %swap3A_382], %swap3A_385 {strides = array<i32>} : memref<16x512xf32, #tpu.memory_space<vmem>>, vector<1x16xf32>,
        %get3A_386 = arith.index_cast %mul3A_28 : i32 to index
        %get3A_387 = arith.constant 64 : index
        %get3A_388 = tpu.vector_load %arg9[%get3A_386, %get3A_387] {strides = array<i32>} : memref<80x1024xf32, #tpu.memory_space<vmem>>, vector<1x16xf32>,
        %get3A_389 = vector.shape_cast %get3A_388 : vector<1x16xf32> to vector<16xf32>
        %mul3A_390 = arith.mulf %get3A_34, %get3A_389 : vector<16xf32>
        %get3A_391 = arith.index_cast %mul3A_28 : i32 to index
        %get3A_392 = arith.constant 576 : index
        %get3A_393 = tpu.vector_load %arg9[%get3A_391, %get3A_392] {strides = array<i32>} : memref<80x1024xf32, #tpu.memory_space<vmem>>, vector<1x16xf32>,
        %get3A_394 = vector.shape_cast %get3A_393 : vector<1x16xf32> to vector<16xf32>
        %mul3A_395 = arith.mulf %get3A_34, %get3A_394 : vector<16xf32>
        %add3A_396 = arith.constant 1 : i32
        %add3A_397 = arith.addi %mul3A_28, %add3A_396 : i32
        %get3A_398 = arith.index_cast %add3A_397 : i32 to index
        %get3A_399 = arith.constant 64 : index
        %get3A_400 = tpu.vector_load %arg9[%get3A_398, %get3A_399] {strides = array<i32>} : memref<80x1024xf32, #tpu.memory_space<vmem>>, vector<1x16xf32>,
        %get3A_401 = vector.shape_cast %get3A_400 : vector<1x16xf32> to vector<16xf32>
        %mul3A_402 = arith.mulf %get3A_38, %get3A_401 : vector<16xf32>
        %add3A_403 = arith.addf %mul3A_390, %mul3A_402 : vector<16xf32>
        %add3A_404 = arith.constant 1 : i32
        %add3A_405 = arith.addi %mul3A_28, %add3A_404 : i32
        %get3A_406 = arith.index_cast %add3A_405 : i32 to index
        %get3A_407 = arith.constant 576 : index
        %get3A_408 = tpu.vector_load %arg9[%get3A_406, %get3A_407] {strides = array<i32>} : memref<80x1024xf32, #tpu.memory_space<vmem>>, vector<1x16xf32>,
        %get3A_409 = vector.shape_cast %get3A_408 : vector<1x16xf32> to vector<16xf32>
        %mul3A_410 = arith.mulf %get3A_38, %get3A_409 : vector<16xf32>
        %add3A_411 = arith.addf %mul3A_395, %mul3A_410 : vector<16xf32>
        %add3A_412 = arith.constant 2 : i32
        %add3A_413 = arith.addi %mul3A_28, %add3A_412 : i32
        %get3A_414 = arith.index_cast %add3A_413 : i32 to index
        %get3A_415 = arith.constant 64 : index
        %get3A_416 = tpu.vector_load %arg9[%get3A_414, %get3A_415] {strides = array<i32>} : memref<80x1024xf32, #tpu.memory_space<vmem>>, vector<1x16xf32>,
        %get3A_417 = vector.shape_cast %get3A_416 : vector<1x16xf32> to vector<16xf32>
        %mul3A_418 = arith.mulf %get3A_42, %get3A_417 : vector<16xf32>
        %add3A_419 = arith.addf %add3A_403, %mul3A_418 : vector<16xf32>
        %add3A_420 = arith.constant 2 : i32
        %add3A_421 = arith.addi %mul3A_28, %add3A_420 : i32
        %get3A_422 = arith.index_cast %add3A_421 : i32 to index
        %get3A_423 = arith.constant 576 : index
        %get3A_424 = tpu.vector_load %arg9[%get3A_422, %get3A_423] {strides = array<i32>} : memref<80x1024xf32, #tpu.memory_space<vmem>>, vector<1x16xf32>,
        %get3A_425 = vector.shape_cast %get3A_424 : vector<1x16xf32> to vector<16xf32>
        %mul3A_426 = arith.mulf %get3A_42, %get3A_425 : vector<16xf32>
        %add3A_427 = arith.addf %add3A_411, %mul3A_426 : vector<16xf32>
        %add3A_428 = arith.constant 3 : i32
        %add3A_429 = arith.addi %mul3A_28, %add3A_428 : i32
        %get3A_430 = arith.index_cast %add3A_429 : i32 to index
        %get3A_431 = arith.constant 64 : index
        %get3A_432 = tpu.vector_load %arg9[%get3A_430, %get3A_431] {strides = array<i32>} : memref<80x1024xf32, #tpu.memory_space<vmem>>, vector<1x16xf32>,
        %get3A_433 = vector.shape_cast %get3A_432 : vector<1x16xf32> to vector<16xf32>
        %mul3A_434 = arith.mulf %get3A_46, %get3A_433 : vector<16xf32>
        %add3A_435 = arith.addf %add3A_419, %mul3A_434 : vector<16xf32>
        %add3A_436 = arith.constant 3 : i32
        %add3A_437 = arith.addi %mul3A_28, %add3A_436 : i32
        %get3A_438 = arith.index_cast %add3A_437 : i32 to index
        %get3A_439 = arith.constant 576 : index
        %get3A_440 = tpu.vector_load %arg9[%get3A_438, %get3A_439] {strides = array<i32>} : memref<80x1024xf32, #tpu.memory_space<vmem>>, vector<1x16xf32>,
        %get3A_441 = vector.shape_cast %get3A_440 : vector<1x16xf32> to vector<16xf32>
        %mul3A_442 = arith.mulf %get3A_46, %get3A_441 : vector<16xf32>
        %add3A_443 = arith.addf %add3A_427, %mul3A_442 : vector<16xf32>
        %add3A_444 = arith.constant 4 : i32
        %add3A_445 = arith.addi %mul3A_28, %add3A_444 : i32
        %get3A_446 = arith.index_cast %add3A_445 : i32 to index
        %get3A_447 = arith.constant 64 : index
        %get3A_448 = tpu.vector_load %arg9[%get3A_446, %get3A_447] {strides = array<i32>} : memref<80x1024xf32, #tpu.memory_space<vmem>>, vector<1x16xf32>,
        %get3A_449 = vector.shape_cast %get3A_448 : vector<1x16xf32> to vector<16xf32>
        %mul3A_450 = arith.mulf %get3A_50, %get3A_449 : vector<16xf32>
        %add3A_451 = arith.addf %add3A_435, %mul3A_450 : vector<16xf32>
        %add3A_452 = arith.constant 4 : i32
        %add3A_453 = arith.addi %mul3A_28, %add3A_452 : i32
        %get3A_454 = arith.index_cast %add3A_453 : i32 to index
        %get3A_455 = arith.constant 576 : index
        %get3A_456 = tpu.vector_load %arg9[%get3A_454, %get3A_455] {strides = array<i32>} : memref<80x1024xf32, #tpu.memory_space<vmem>>, vector<1x16xf32>,
        %get3A_457 = vector.shape_cast %get3A_456 : vector<1x16xf32> to vector<16xf32>
        %mul3A_458 = arith.mulf %get3A_50, %get3A_457 : vector<16xf32>
        %add3A_459 = arith.addf %add3A_443, %mul3A_458 : vector<16xf32>
        %swap3A_460 = arith.index_cast %scan3A_26 : i32 to index
        %swap3A_461 = arith.constant 64 : index
        %swap3A_462 = tpu.vector_load %arg10[%swap3A_460, %swap3A_461] {strides = array<i32>} : memref<16x512xf32, #tpu.memory_space<vmem>>, vector<1x16xf32>,
        %swap3A_463 = vector.shape_cast %swap3A_462 : vector<1x16xf32> to vector<16xf32>
        %swap3A_464 = vector.shape_cast %add3A_451 : vector<16xf32> to vector<1x16xf32>
        tpu.vector_store %arg10[%swap3A_460, %swap3A_461], %swap3A_464 {strides = array<i32>} : memref<16x512xf32, #tpu.memory_space<vmem>>, vector<1x16xf32>,
        %swap3A_465 = arith.index_cast %scan3A_26 : i32 to index
        %swap3A_466 = arith.constant 64 : index
        %swap3A_467 = tpu.vector_load %arg11[%swap3A_465, %swap3A_466] {strides = array<i32>} : memref<16x512xf32, #tpu.memory_space<vmem>>, vector<1x16xf32>,
        %swap3A_468 = vector.shape_cast %swap3A_467 : vector<1x16xf32> to vector<16xf32>
        %swap3A_469 = vector.shape_cast %add3A_459 : vector<16xf32> to vector<1x16xf32>
        tpu.vector_store %arg11[%swap3A_465, %swap3A_466], %swap3A_469 {strides = array<i32>} : memref<16x512xf32, #tpu.memory_space<vmem>>, vector<1x16xf32>,
        %get3A_470 = arith.index_cast %mul3A_28 : i32 to index
        %get3A_471 = arith.constant 80 : index
        %get3A_472 = tpu.vector_load %arg9[%get3A_470, %get3A_471] {strides = array<i32>} : memref<80x1024xf32, #tpu.memory_space<vmem>>, vector<1x16xf32>,
        %get3A_473 = vector.shape_cast %get3A_472 : vector<1x16xf32> to vector<16xf32>
        %mul3A_474 = arith.mulf %get3A_34, %get3A_473 : vector<16xf32>
        %get3A_475 = arith.index_cast %mul3A_28 : i32 to index
        %get3A_476 = arith.constant 592 : index
        %get3A_477 = tpu.vector_load %arg9[%get3A_475, %get3A_476] {strides = array<i32>} : memref<80x1024xf32, #tpu.memory_space<vmem>>, vector<1x16xf32>,
        %get3A_478 = vector.shape_cast %get3A_477 : vector<1x16xf32> to vector<16xf32>
        %mul3A_479 = arith.mulf %get3A_34, %get3A_478 : vector<16xf32>
        %add3A_480 = arith.constant 1 : i32
        %add3A_481 = arith.addi %mul3A_28, %add3A_480 : i32
        %get3A_482 = arith.index_cast %add3A_481 : i32 to index
        %get3A_483 = arith.constant 80 : index
        %get3A_484 = tpu.vector_load %arg9[%get3A_482, %get3A_483] {strides = array<i32>} : memref<80x1024xf32, #tpu.memory_space<vmem>>, vector<1x16xf32>,
        %get3A_485 = vector.shape_cast %get3A_484 : vector<1x16xf32> to vector<16xf32>
        %mul3A_486 = arith.mulf %get3A_38, %get3A_485 : vector<16xf32>
        %add3A_487 = arith.addf %mul3A_474, %mul3A_486 : vector<16xf32>
        %add3A_488 = arith.constant 1 : i32
        %add3A_489 = arith.addi %mul3A_28, %add3A_488 : i32
        %get3A_490 = arith.index_cast %add3A_489 : i32 to index
        %get3A_491 = arith.constant 592 : index
        %get3A_492 = tpu.vector_load %arg9[%get3A_490, %get3A_491] {strides = array<i32>} : memref<80x1024xf32, #tpu.memory_space<vmem>>, vector<1x16xf32>,
        %get3A_493 = vector.shape_cast %get3A_492 : vector<1x16xf32> to vector<16xf32>
        %mul3A_494 = arith.mulf %get3A_38, %get3A_493 : vector<16xf32>
        %add3A_495 = arith.addf %mul3A_479, %mul3A_494 : vector<16xf32>
        %add3A_496 = arith.constant 2 : i32
        %add3A_497 = arith.addi %mul3A_28, %add3A_496 : i32
        %get3A_498 = arith.index_cast %add3A_497 : i32 to index
        %get3A_499 = arith.constant 80 : index
        %get3A_500 = tpu.vector_load %arg9[%get3A_498, %get3A_499] {strides = array<i32>} : memref<80x1024xf32, #tpu.memory_space<vmem>>, vector<1x16xf32>,
        %get3A_501 = vector.shape_cast %get3A_500 : vector<1x16xf32> to vector<16xf32>
        %mul3A_502 = arith.mulf %get3A_42, %get3A_501 : vector<16xf32>
        %add3A_503 = arith.addf %add3A_487, %mul3A_502 : vector<16xf32>
        %add3A_504 = arith.constant 2 : i32
        %add3A_505 = arith.addi %mul3A_28, %add3A_504 : i32
        %get3A_506 = arith.index_cast %add3A_505 : i32 to index
        %get3A_507 = arith.constant 592 : index
        %get3A_508 = tpu.vector_load %arg9[%get3A_506, %get3A_507] {strides = array<i32>} : memref<80x1024xf32, #tpu.memory_space<vmem>>, vector<1x16xf32>,
        %get3A_509 = vector.shape_cast %get3A_508 : vector<1x16xf32> to vector<16xf32>
        %mul3A_510 = arith.mulf %get3A_42, %get3A_509 : vector<16xf32>
        %add3A_511 = arith.addf %add3A_495, %mul3A_510 : vector<16xf32>
        %add3A_512 = arith.constant 3 : i32
        %add3A_513 = arith.addi %mul3A_28, %add3A_512 : i32
        %get3A_514 = arith.index_cast %add3A_513 : i32 to index
        %get3A_515 = arith.constant 80 : index
        %get3A_516 = tpu.vector_load %arg9[%get3A_514, %get3A_515] {strides = array<i32>} : memref<80x1024xf32, #tpu.memory_space<vmem>>, vector<1x16xf32>,
        %get3A_517 = vector.shape_cast %get3A_516 : vector<1x16xf32> to vector<16xf32>
        %mul3A_518 = arith.mulf %get3A_46, %get3A_517 : vector<16xf32>
        %add3A_519 = arith.addf %add3A_503, %mul3A_518 : vector<16xf32>
        %add3A_520 = arith.constant 3 : i32
        %add3A_521 = arith.addi %mul3A_28, %add3A_520 : i32
        %get3A_522 = arith.index_cast %add3A_521 : i32 to index
        %get3A_523 = arith.constant 592 : index
        %get3A_524 = tpu.vector_load %arg9[%get3A_522, %get3A_523] {strides = array<i32>} : memref<80x1024xf32, #tpu.memory_space<vmem>>, vector<1x16xf32>,
        %get3A_525 = vector.shape_cast %get3A_524 : vector<1x16xf32> to vector<16xf32>
        %mul3A_526 = arith.mulf %get3A_46, %get3A_525 : vector<16xf32>
        %add3A_527 = arith.addf %add3A_511, %mul3A_526 : vector<16xf32>
        %add3A_528 = arith.constant 4 : i32
        %add3A_529 = arith.addi %mul3A_28, %add3A_528 : i32
        %get3A_530 = arith.index_cast %add3A_529 : i32 to index
        %get3A_531 = arith.constant 80 : index
        %get3A_532 = tpu.vector_load %arg9[%get3A_530, %get3A_531] {strides = array<i32>} : memref<80x1024xf32, #tpu.memory_space<vmem>>, vector<1x16xf32>,
        %get3A_533 = vector.shape_cast %get3A_532 : vector<1x16xf32> to vector<16xf32>
        %mul3A_534 = arith.mulf %get3A_50, %get3A_533 : vector<16xf32>
        %add3A_535 = arith.addf %add3A_519, %mul3A_534 : vector<16xf32>
        %add3A_536 = arith.constant 4 : i32
        %add3A_537 = arith.addi %mul3A_28, %add3A_536 : i32
        %get3A_538 = arith.index_cast %add3A_537 : i32 to index
        %get3A_539 = arith.constant 592 : index
        %get3A_540 = tpu.vector_load %arg9[%get3A_538, %get3A_539] {strides = array<i32>} : memref<80x1024xf32, #tpu.memory_space<vmem>>, vector<1x16xf32>,
        %get3A_541 = vector.shape_cast %get3A_540 : vector<1x16xf32> to vector<16xf32>
        %mul3A_542 = arith.mulf %get3A_50, %get3A_541 : vector<16xf32>
        %add3A_543 = arith.addf %add3A_527, %mul3A_542 : vector<16xf32>
        %swap3A_544 = arith.index_cast %scan3A_26 : i32 to index
        %swap3A_545 = arith.constant 80 : index
        %swap3A_546 = tpu.vector_load %arg10[%swap3A_544, %swap3A_545] {strides = array<i32>} : memref<16x512xf32, #tpu.memory_space<vmem>>, vector<1x16xf32>,
        %swap3A_547 = vector.shape_cast %swap3A_546 : vector<1x16xf32> to vector<16xf32>
        %swap3A_548 = vector.shape_cast %add3A_535 : vector<16xf32> to vector<1x16xf32>
        tpu.vector_store %arg10[%swap3A_544, %swap3A_545], %swap3A_548 {strides = array<i32>} : memref<16x512xf32, #tpu.memory_space<vmem>>, vector<1x16xf32>,
        %swap3A_549 = arith.index_cast %scan3A_26 : i32 to index
        %swap3A_550 = arith.constant 80 : index
        %swap3A_551 = tpu.vector_load %arg11[%swap3A_549, %swap3A_550] {strides = array<i32>} : memref<16x512xf32, #tpu.memory_space<vmem>>, vector<1x16xf32>,
        %swap3A_552 = vector.shape_cast %swap3A_551 : vector<1x16xf32> to vector<16xf32>
        %swap3A_553 = vector.shape_cast %add3A_543 : vector<16xf32> to vector<1x16xf32>
        tpu.vector_store %arg11[%swap3A_549, %swap3A_550], %swap3A_553 {strides = array<i32>} : memref<16x512xf32, #tpu.memory_space<vmem>>, vector<1x16xf32>,
        %get3A_554 = arith.index_cast %mul3A_28 : i32 to index
        %get3A_555 = arith.constant 96 : index
        %get3A_556 = tpu.vector_load %arg9[%get3A_554, %get3A_555] {strides = array<i32>} : memref<80x1024xf32, #tpu.memory_space<vmem>>, vector<1x16xf32>,
        %get3A_557 = vector.shape_cast %get3A_556 : vector<1x16xf32> to vector<16xf32>
        %mul3A_558 = arith.mulf %get3A_34, %get3A_557 : vector<16xf32>
        %get3A_559 = arith.index_cast %mul3A_28 : i32 to index
        %get3A_560 = arith.constant 608 : index
        %get3A_561 = tpu.vector_load %arg9[%get3A_559, %get3A_560] {strides = array<i32>} : memref<80x1024xf32, #tpu.memory_space<vmem>>, vector<1x16xf32>,
        %get3A_562 = vector.shape_cast %get3A_561 : vector<1x16xf32> to vector<16xf32>
        %mul3A_563 = arith.mulf %get3A_34, %get3A_562 : vector<16xf32>
        %add3A_564 = arith.constant 1 : i32
        %add3A_565 = arith.addi %mul3A_28, %add3A_564 : i32
        %get3A_566 = arith.index_cast %add3A_565 : i32 to index
        %get3A_567 = arith.constant 96 : index
        %get3A_568 = tpu.vector_load %arg9[%get3A_566, %get3A_567] {strides = array<i32>} : memref<80x1024xf32, #tpu.memory_space<vmem>>, vector<1x16xf32>,
        %get3A_569 = vector.shape_cast %get3A_568 : vector<1x16xf32> to vector<16xf32>
        %mul3A_570 = arith.mulf %get3A_38, %get3A_569 : vector<16xf32>
        %add3A_571 = arith.addf %mul3A_558, %mul3A_570 : vector<16xf32>
        %add3A_572 = arith.constant 1 : i32
        %add3A_573 = arith.addi %mul3A_28, %add3A_572 : i32
        %get3A_574 = arith.index_cast %add3A_573 : i32 to index
        %get3A_575 = arith.constant 608 : index
        %get3A_576 = tpu.vector_load %arg9[%get3A_574, %get3A_575] {strides = array<i32>} : memref<80x1024xf32, #tpu.memory_space<vmem>>, vector<1x16xf32>,
        %get3A_577 = vector.shape_cast %get3A_576 : vector<1x16xf32> to vector<16xf32>
        %mul3A_578 = arith.mulf %get3A_38, %get3A_577 : vector<16xf32>
        %add3A_579 = arith.addf %mul3A_563, %mul3A_578 : vector<16xf32>
        %add3A_580 = arith.constant 2 : i32
        %add3A_581 = arith.addi %mul3A_28, %add3A_580 : i32
        %get3A_582 = arith.index_cast %add3A_581 : i32 to index
        %get3A_583 = arith.constant 96 : index
        %get3A_584 = tpu.vector_load %arg9[%get3A_582, %get3A_583] {strides = array<i32>} : memref<80x1024xf32, #tpu.memory_space<vmem>>, vector<1x16xf32>,
        %get3A_585 = vector.shape_cast %get3A_584 : vector<1x16xf32> to vector<16xf32>
        %mul3A_586 = arith.mulf %get3A_42, %get3A_585 : vector<16xf32>
        %add3A_587 = arith.addf %add3A_571, %mul3A_586 : vector<16xf32>
        %add3A_588 = arith.constant 2 : i32
        %add3A_589 = arith.addi %mul3A_28, %add3A_588 : i32
        %get3A_590 = arith.index_cast %add3A_589 : i32 to index
        %get3A_591 = arith.constant 608 : index
        %get3A_592 = tpu.vector_load %arg9[%get3A_590, %get3A_591] {strides = array<i32>} : memref<80x1024xf32, #tpu.memory_space<vmem>>, vector<1x16xf32>,
        %get3A_593 = vector.shape_cast %get3A_592 : vector<1x16xf32> to vector<16xf32>
        %mul3A_594 = arith.mulf %get3A_42, %get3A_593 : vector<16xf32>
        %add3A_595 = arith.addf %add3A_579, %mul3A_594 : vector<16xf32>
        %add3A_596 = arith.constant 3 : i32
        %add3A_597 = arith.addi %mul3A_28, %add3A_596 : i32
        %get3A_598 = arith.index_cast %add3A_597 : i32 to index
        %get3A_599 = arith.constant 96 : index
        %get3A_600 = tpu.vector_load %arg9[%get3A_598, %get3A_599] {strides = array<i32>} : memref<80x1024xf32, #tpu.memory_space<vmem>>, vector<1x16xf32>,
        %get3A_601 = vector.shape_cast %get3A_600 : vector<1x16xf32> to vector<16xf32>
        %mul3A_602 = arith.mulf %get3A_46, %get3A_601 : vector<16xf32>
        %add3A_603 = arith.addf %add3A_587, %mul3A_602 : vector<16xf32>
        %add3A_604 = arith.constant 3 : i32
        %add3A_605 = arith.addi %mul3A_28, %add3A_604 : i32
        %get3A_606 = arith.index_cast %add3A_605 : i32 to index
        %get3A_607 = arith.constant 608 : index
        %get3A_608 = tpu.vector_load %arg9[%get3A_606, %get3A_607] {strides = array<i32>} : memref<80x1024xf32, #tpu.memory_space<vmem>>, vector<1x16xf32>,
        %get3A_609 = vector.shape_cast %get3A_608 : vector<1x16xf32> to vector<16xf32>
        %mul3A_610 = arith.mulf %get3A_46, %get3A_609 : vector<16xf32>
        %add3A_611 = arith.addf %add3A_595, %mul3A_610 : vector<16xf32>
        %add3A_612 = arith.constant 4 : i32
        %add3A_613 = arith.addi %mul3A_28, %add3A_612 : i32
        %get3A_614 = arith.index_cast %add3A_613 : i32 to index
        %get3A_615 = arith.constant 96 : index
        %get3A_616 = tpu.vector_load %arg9[%get3A_614, %get3A_615] {strides = array<i32>} : memref<80x1024xf32, #tpu.memory_space<vmem>>, vector<1x16xf32>,
        %get3A_617 = vector.shape_cast %get3A_616 : vector<1x16xf32> to vector<16xf32>
        %mul3A_618 = arith.mulf %get3A_50, %get3A_617 : vector<16xf32>
        %add3A_619 = arith.addf %add3A_603, %mul3A_618 : vector<16xf32>
        %add3A_620 = arith.constant 4 : i32
        %add3A_621 = arith.addi %mul3A_28, %add3A_620 : i32
        %get3A_622 = arith.index_cast %add3A_621 : i32 to index
        %get3A_623 = arith.constant 608 : index
        %get3A_624 = tpu.vector_load %arg9[%get3A_622, %get3A_623] {strides = array<i32>} : memref<80x1024xf32, #tpu.memory_space<vmem>>, vector<1x16xf32>,
        %get3A_625 = vector.shape_cast %get3A_624 : vector<1x16xf32> to vector<16xf32>
        %mul3A_626 = arith.mulf %get3A_50, %get3A_625 : vector<16xf32>
        %add3A_627 = arith.addf %add3A_611, %mul3A_626 : vector<16xf32>
        %swap3A_628 = arith.index_cast %scan3A_26 : i32 to index
        %swap3A_629 = arith.constant 96 : index
        %swap3A_630 = tpu.vector_load %arg10[%swap3A_628, %swap3A_629] {strides = array<i32>} : memref<16x512xf32, #tpu.memory_space<vmem>>, vector<1x16xf32>,
        %swap3A_631 = vector.shape_cast %swap3A_630 : vector<1x16xf32> to vector<16xf32>
        %swap3A_632 = vector.shape_cast %add3A_619 : vector<16xf32> to vector<1x16xf32>
        tpu.vector_store %arg10[%swap3A_628, %swap3A_629], %swap3A_632 {strides = array<i32>} : memref<16x512xf32, #tpu.memory_space<vmem>>, vector<1x16xf32>,
        %swap3A_633 = arith.index_cast %scan3A_26 : i32 to index
        %swap3A_634 = arith.constant 96 : index
        %swap3A_635 = tpu.vector_load %arg11[%swap3A_633, %swap3A_634] {strides = array<i32>} : memref<16x512xf32, #tpu.memory_space<vmem>>, vector<1x16xf32>,
        %swap3A_636 = vector.shape_cast %swap3A_635 : vector<1x16xf32> to vector<16xf32>
        %swap3A_637 = vector.shape_cast %add3A_627 : vector<16xf32> to vector<1x16xf32>
        tpu.vector_store %arg11[%swap3A_633, %swap3A_634], %swap3A_637 {strides = array<i32>} : memref<16x512xf32, #tpu.memory_space<vmem>>, vector<1x16xf32>,
        %get3A_638 = arith.index_cast %mul3A_28 : i32 to index
        %get3A_639 = arith.constant 112 : index
        %get3A_640 = tpu.vector_load %arg9[%get3A_638, %get3A_639] {strides = array<i32>} : memref<80x1024xf32, #tpu.memory_space<vmem>>, vector<1x16xf32>,
        %get3A_641 = vector.shape_cast %get3A_640 : vector<1x16xf32> to vector<16xf32>
        %mul3A_642 = arith.mulf %get3A_34, %get3A_641 : vector<16xf32>
        %get3A_643 = arith.index_cast %mul3A_28 : i32 to index
        %get3A_644 = arith.constant 624 : index
        %get3A_645 = tpu.vector_load %arg9[%get3A_643, %get3A_644] {strides = array<i32>} : memref<80x1024xf32, #tpu.memory_space<vmem>>, vector<1x16xf32>,
        %get3A_646 = vector.shape_cast %get3A_645 : vector<1x16xf32> to vector<16xf32>
        %mul3A_647 = arith.mulf %get3A_34, %get3A_646 : vector<16xf32>
        %add3A_648 = arith.constant 1 : i32
        %add3A_649 = arith.addi %mul3A_28, %add3A_648 : i32
        %get3A_650 = arith.index_cast %add3A_649 : i32 to index
        %get3A_651 = arith.constant 112 : index
        %get3A_652 = tpu.vector_load %arg9[%get3A_650, %get3A_651] {strides = array<i32>} : memref<80x1024xf32, #tpu.memory_space<vmem>>, vector<1x16xf32>,
        %get3A_653 = vector.shape_cast %get3A_652 : vector<1x16xf32> to vector<16xf32>
        %mul3A_654 = arith.mulf %get3A_38, %get3A_653 : vector<16xf32>
        %add3A_655 = arith.addf %mul3A_642, %mul3A_654 : vector<16xf32>
        %add3A_656 = arith.constant 1 : i32
        %add3A_657 = arith.addi %mul3A_28, %add3A_656 : i32
        %get3A_658 = arith.index_cast %add3A_657 : i32 to index
        %get3A_659 = arith.constant 624 : index
        %get3A_660 = tpu.vector_load %arg9[%get3A_658, %get3A_659] {strides = array<i32>} : memref<80x1024xf32, #tpu.memory_space<vmem>>, vector<1x16xf32>,
        %get3A_661 = vector.shape_cast %get3A_660 : vector<1x16xf32> to vector<16xf32>
        %mul3A_662 = arith.mulf %get3A_38, %get3A_661 : vector<16xf32>
        %add3A_663 = arith.addf %mul3A_647, %mul3A_662 : vector<16xf32>
        %add3A_664 = arith.constant 2 : i32
        %add3A_665 = arith.addi %mul3A_28, %add3A_664 : i32
        %get3A_666 = arith.index_cast %add3A_665 : i32 to index
        %get3A_667 = arith.constant 112 : index
        %get3A_668 = tpu.vector_load %arg9[%get3A_666, %get3A_667] {strides = array<i32>} : memref<80x1024xf32, #tpu.memory_space<vmem>>, vector<1x16xf32>,
        %get3A_669 = vector.shape_cast %get3A_668 : vector<1x16xf32> to vector<16xf32>
        %mul3A_670 = arith.mulf %get3A_42, %get3A_669 : vector<16xf32>
        %add3A_671 = arith.addf %add3A_655, %mul3A_670 : vector<16xf32>
        %add3A_672 = arith.constant 2 : i32
        %add3A_673 = arith.addi %mul3A_28, %add3A_672 : i32
        %get3A_674 = arith.index_cast %add3A_673 : i32 to index
        %get3A_675 = arith.constant 624 : index
        %get3A_676 = tpu.vector_load %arg9[%get3A_674, %get3A_675] {strides = array<i32>} : memref<80x1024xf32, #tpu.memory_space<vmem>>, vector<1x16xf32>,
        %get3A_677 = vector.shape_cast %get3A_676 : vector<1x16xf32> to vector<16xf32>
        %mul3A_678 = arith.mulf %get3A_42, %get3A_677 : vector<16xf32>
        %add3A_679 = arith.addf %add3A_663, %mul3A_678 : vector<16xf32>
        %add3A_680 = arith.constant 3 : i32
        %add3A_681 = arith.addi %mul3A_28, %add3A_680 : i32
        %get3A_682 = arith.index_cast %add3A_681 : i32 to index
        %get3A_683 = arith.constant 112 : index
        %get3A_684 = tpu.vector_load %arg9[%get3A_682, %get3A_683] {strides = array<i32>} : memref<80x1024xf32, #tpu.memory_space<vmem>>, vector<1x16xf32>,
        %get3A_685 = vector.shape_cast %get3A_684 : vector<1x16xf32> to vector<16xf32>
        %mul3A_686 = arith.mulf %get3A_46, %get3A_685 : vector<16xf32>
        %add3A_687 = arith.addf %add3A_671, %mul3A_686 : vector<16xf32>
        %add3A_688 = arith.constant 3 : i32
        %add3A_689 = arith.addi %mul3A_28, %add3A_688 : i32
        %get3A_690 = arith.index_cast %add3A_689 : i32 to index
        %get3A_691 = arith.constant 624 : index
        %get3A_692 = tpu.vector_load %arg9[%get3A_690, %get3A_691] {strides = array<i32>} : memref<80x1024xf32, #tpu.memory_space<vmem>>, vector<1x16xf32>,
        %get3A_693 = vector.shape_cast %get3A_692 : vector<1x16xf32> to vector<16xf32>
        %mul3A_694 = arith.mulf %get3A_46, %get3A_693 : vector<16xf32>
        %add3A_695 = arith.addf %add3A_679, %mul3A_694 : vector<16xf32>
        %add3A_696 = arith.constant 4 : i32
        %add3A_697 = arith.addi %mul3A_28, %add3A_696 : i32
        %get3A_698 = arith.index_cast %add3A_697 : i32 to index
        %get3A_699 = arith.constant 112 : index
        %get3A_700 = tpu.vector_load %arg9[%get3A_698, %get3A_699] {strides = array<i32>} : memref<80x1024xf32, #tpu.memory_space<vmem>>, vector<1x16xf32>,
        %get3A_701 = vector.shape_cast %get3A_700 : vector<1x16xf32> to vector<16xf32>
        %mul3A_702 = arith.mulf %get3A_50, %get3A_701 : vector<16xf32>
        %add3A_703 = arith.addf %add3A_687, %mul3A_702 : vector<16xf32>
        %add3A_704 = arith.constant 4 : i32
        %add3A_705 = arith.addi %mul3A_28, %add3A_704 : i32
        %get3A_706 = arith.index_cast %add3A_705 : i32 to index
        %get3A_707 = arith.constant 624 : index
        %get3A_708 = tpu.vector_load %arg9[%get3A_706, %get3A_707] {strides = array<i32>} : memref<80x1024xf32, #tpu.memory_space<vmem>>, vector<1x16xf32>,
        %get3A_709 = vector.shape_cast %get3A_708 : vector<1x16xf32> to vector<16xf32>
        %mul3A_710 = arith.mulf %get3A_50, %get3A_709 : vector<16xf32>
        %add3A_711 = arith.addf %add3A_695, %mul3A_710 : vector<16xf32>
        %swap3A_712 = arith.index_cast %scan3A_26 : i32 to index
        %swap3A_713 = arith.constant 112 : index
        %swap3A_714 = tpu.vector_load %arg10[%swap3A_712, %swap3A_713] {strides = array<i32>} : memref<16x512xf32, #tpu.memory_space<vmem>>, vector<1x16xf32>,
        %swap3A_715 = vector.shape_cast %swap3A_714 : vector<1x16xf32> to vector<16xf32>
        %swap3A_716 = vector.shape_cast %add3A_703 : vector<16xf32> to vector<1x16xf32>
        tpu.vector_store %arg10[%swap3A_712, %swap3A_713], %swap3A_716 {strides = array<i32>} : memref<16x512xf32, #tpu.memory_space<vmem>>, vector<1x16xf32>,
        %swap3A_717 = arith.index_cast %scan3A_26 : i32 to index
        %swap3A_718 = arith.constant 112 : index
        %swap3A_719 = tpu.vector_load %arg11[%swap3A_717, %swap3A_718] {strides = array<i32>} : memref<16x512xf32, #tpu.memory_space<vmem>>, vector<1x16xf32>,
        %swap3A_720 = vector.shape_cast %swap3A_719 : vector<1x16xf32> to vector<16xf32>
        %swap3A_721 = vector.shape_cast %add3A_711 : vector<16xf32> to vector<1x16xf32>
        tpu.vector_store %arg11[%swap3A_717, %swap3A_718], %swap3A_721 {strides = array<i32>} : memref<16x512xf32, #tpu.memory_space<vmem>>, vector<1x16xf32>,
        %get3A_722 = arith.index_cast %mul3A_28 : i32 to index
        %get3A_723 = arith.constant 128 : index
        %get3A_724 = tpu.vector_load %arg9[%get3A_722, %get3A_723] {strides = array<i32>} : memref<80x1024xf32, #tpu.memory_space<vmem>>, vector<1x16xf32>,
        %get3A_725 = vector.shape_cast %get3A_724 : vector<1x16xf32> to vector<16xf32>
        %mul3A_726 = arith.mulf %get3A_34, %get3A_725 : vector<16xf32>
        %get3A_727 = arith.index_cast %mul3A_28 : i32 to index
        %get3A_728 = arith.constant 640 : index
        %get3A_729 = tpu.vector_load %arg9[%get3A_727, %get3A_728] {strides = array<i32>} : memref<80x1024xf32, #tpu.memory_space<vmem>>, vector<1x16xf32>,
        %get3A_730 = vector.shape_cast %get3A_729 : vector<1x16xf32> to vector<16xf32>
        %mul3A_731 = arith.mulf %get3A_34, %get3A_730 : vector<16xf32>
        %add3A_732 = arith.constant 1 : i32
        %add3A_733 = arith.addi %mul3A_28, %add3A_732 : i32
        %get3A_734 = arith.index_cast %add3A_733 : i32 to index
        %get3A_735 = arith.constant 128 : index
        %get3A_736 = tpu.vector_load %arg9[%get3A_734, %get3A_735] {strides = array<i32>} : memref<80x1024xf32, #tpu.memory_space<vmem>>, vector<1x16xf32>,
        %get3A_737 = vector.shape_cast %get3A_736 : vector<1x16xf32> to vector<16xf32>
        %mul3A_738 = arith.mulf %get3A_38, %get3A_737 : vector<16xf32>
        %add3A_739 = arith.addf %mul3A_726, %mul3A_738 : vector<16xf32>
        %add3A_740 = arith.constant 1 : i32
        %add3A_741 = arith.addi %mul3A_28, %add3A_740 : i32
        %get3A_742 = arith.index_cast %add3A_741 : i32 to index
        %get3A_743 = arith.constant 640 : index
        %get3A_744 = tpu.vector_load %arg9[%get3A_742, %get3A_743] {strides = array<i32>} : memref<80x1024xf32, #tpu.memory_space<vmem>>, vector<1x16xf32>,
        %get3A_745 = vector.shape_cast %get3A_744 : vector<1x16xf32> to vector<16xf32>
        %mul3A_746 = arith.mulf %get3A_38, %get3A_745 : vector<16xf32>
        %add3A_747 = arith.addf %mul3A_731, %mul3A_746 : vector<16xf32>
        %add3A_748 = arith.constant 2 : i32
        %add3A_749 = arith.addi %mul3A_28, %add3A_748 : i32
        %get3A_750 = arith.index_cast %add3A_749 : i32 to index
        %get3A_751 = arith.constant 128 : index
        %get3A_752 = tpu.vector_load %arg9[%get3A_750, %get3A_751] {strides = array<i32>} : memref<80x1024xf32, #tpu.memory_space<vmem>>, vector<1x16xf32>,
        %get3A_753 = vector.shape_cast %get3A_752 : vector<1x16xf32> to vector<16xf32>
        %mul3A_754 = arith.mulf %get3A_42, %get3A_753 : vector<16xf32>
        %add3A_755 = arith.addf %add3A_739, %mul3A_754 : vector<16xf32>
        %add3A_756 = arith.constant 2 : i32
        %add3A_757 = arith.addi %mul3A_28, %add3A_756 : i32
        %get3A_758 = arith.index_cast %add3A_757 : i32 to index
        %get3A_759 = arith.constant 640 : index
        %get3A_760 = tpu.vector_load %arg9[%get3A_758, %get3A_759] {strides = array<i32>} : memref<80x1024xf32, #tpu.memory_space<vmem>>, vector<1x16xf32>,
        %get3A_761 = vector.shape_cast %get3A_760 : vector<1x16xf32> to vector<16xf32>
        %mul3A_762 = arith.mulf %get3A_42, %get3A_761 : vector<16xf32>
        %add3A_763 = arith.addf %add3A_747, %mul3A_762 : vector<16xf32>
        %add3A_764 = arith.constant 3 : i32
        %add3A_765 = arith.addi %mul3A_28, %add3A_764 : i32
        %get3A_766 = arith.index_cast %add3A_765 : i32 to index
        %get3A_767 = arith.constant 128 : index
        %get3A_768 = tpu.vector_load %arg9[%get3A_766, %get3A_767] {strides = array<i32>} : memref<80x1024xf32, #tpu.memory_space<vmem>>, vector<1x16xf32>,
        %get3A_769 = vector.shape_cast %get3A_768 : vector<1x16xf32> to vector<16xf32>
        %mul3A_770 = arith.mulf %get3A_46, %get3A_769 : vector<16xf32>
        %add3A_771 = arith.addf %add3A_755, %mul3A_770 : vector<16xf32>
        %add3A_772 = arith.constant 3 : i32
        %add3A_773 = arith.addi %mul3A_28, %add3A_772 : i32
        %get3A_774 = arith.index_cast %add3A_773 : i32 to index
        %get3A_775 = arith.constant 640 : index
        %get3A_776 = tpu.vector_load %arg9[%get3A_774, %get3A_775] {strides = array<i32>} : memref<80x1024xf32, #tpu.memory_space<vmem>>, vector<1x16xf32>,
        %get3A_777 = vector.shape_cast %get3A_776 : vector<1x16xf32> to vector<16xf32>
        %mul3A_778 = arith.mulf %get3A_46, %get3A_777 : vector<16xf32>
        %add3A_779 = arith.addf %add3A_763, %mul3A_778 : vector<16xf32>
        %add3A_780 = arith.constant 4 : i32
        %add3A_781 = arith.addi %mul3A_28, %add3A_780 : i32
        %get3A_782 = arith.index_cast %add3A_781 : i32 to index
        %get3A_783 = arith.constant 128 : index
        %get3A_784 = tpu.vector_load %arg9[%get3A_782, %get3A_783] {strides = array<i32>} : memref<80x1024xf32, #tpu.memory_space<vmem>>, vector<1x16xf32>,
        %get3A_785 = vector.shape_cast %get3A_784 : vector<1x16xf32> to vector<16xf32>
        %mul3A_786 = arith.mulf %get3A_50, %get3A_785 : vector<16xf32>
        %add3A_787 = arith.addf %add3A_771, %mul3A_786 : vector<16xf32>
        %add3A_788 = arith.constant 4 : i32
        %add3A_789 = arith.addi %mul3A_28, %add3A_788 : i32
        %get3A_790 = arith.index_cast %add3A_789 : i32 to index
        %get3A_791 = arith.constant 640 : index
        %get3A_792 = tpu.vector_load %arg9[%get3A_790, %get3A_791] {strides = array<i32>} : memref<80x1024xf32, #tpu.memory_space<vmem>>, vector<1x16xf32>,
        %get3A_793 = vector.shape_cast %get3A_792 : vector<1x16xf32> to vector<16xf32>
        %mul3A_794 = arith.mulf %get3A_50, %get3A_793 : vector<16xf32>
        %add3A_795 = arith.addf %add3A_779, %mul3A_794 : vector<16xf32>
        %swap3A_796 = arith.index_cast %scan3A_26 : i32 to index
        %swap3A_797 = arith.constant 128 : index
        %swap3A_798 = tpu.vector_load %arg10[%swap3A_796, %swap3A_797] {strides = array<i32>} : memref<16x512xf32, #tpu.memory_space<vmem>>, vector<1x16xf32>,
        %swap3A_799 = vector.shape_cast %swap3A_798 : vector<1x16xf32> to vector<16xf32>
        %swap3A_800 = vector.shape_cast %add3A_787 : vector<16xf32> to vector<1x16xf32>
        tpu.vector_store %arg10[%swap3A_796, %swap3A_797], %swap3A_800 {strides = array<i32>} : memref<16x512xf32, #tpu.memory_space<vmem>>, vector<1x16xf32>,
        %swap3A_801 = arith.index_cast %scan3A_26 : i32 to index
        %swap3A_802 = arith.constant 128 : index
        %swap3A_803 = tpu.vector_load %arg11[%swap3A_801, %swap3A_802] {strides = array<i32>} : memref<16x512xf32, #tpu.memory_space<vmem>>, vector<1x16xf32>,
        %swap3A_804 = vector.shape_cast %swap3A_803 : vector<1x16xf32> to vector<16xf32>
        %swap3A_805 = vector.shape_cast %add3A_795 : vector<16xf32> to vector<1x16xf32>
        tpu.vector_store %arg11[%swap3A_801, %swap3A_802], %swap3A_805 {strides = array<i32>} : memref<16x512xf32, #tpu.memory_space<vmem>>, vector<1x16xf32>,
        %get3A_806 = arith.index_cast %mul3A_28 : i32 to index
        %get3A_807 = arith.constant 144 : index
        %get3A_808 = tpu.vector_load %arg9[%get3A_806, %get3A_807] {strides = array<i32>} : memref<80x1024xf32, #tpu.memory_space<vmem>>, vector<1x16xf32>,
        %get3A_809 = vector.shape_cast %get3A_808 : vector<1x16xf32> to vector<16xf32>
        %mul3A_810 = arith.mulf %get3A_34, %get3A_809 : vector<16xf32>
        %get3A_811 = arith.index_cast %mul3A_28 : i32 to index
        %get3A_812 = arith.constant 656 : index
        %get3A_813 = tpu.vector_load %arg9[%get3A_811, %get3A_812] {strides = array<i32>} : memref<80x1024xf32, #tpu.memory_space<vmem>>, vector<1x16xf32>,
        %get3A_814 = vector.shape_cast %get3A_813 : vector<1x16xf32> to vector<16xf32>
        %mul3A_815 = arith.mulf %get3A_34, %get3A_814 : vector<16xf32>
        %add3A_816 = arith.constant 1 : i32
        %add3A_817 = arith.addi %mul3A_28, %add3A_816 : i32
        %get3A_818 = arith.index_cast %add3A_817 : i32 to index
        %get3A_819 = arith.constant 144 : index
        %get3A_820 = tpu.vector_load %arg9[%get3A_818, %get3A_819] {strides = array<i32>} : memref<80x1024xf32, #tpu.memory_space<vmem>>, vector<1x16xf32>,
        %get3A_821 = vector.shape_cast %get3A_820 : vector<1x16xf32> to vector<16xf32>
        %mul3A_822 = arith.mulf %get3A_38, %get3A_821 : vector<16xf32>
        %add3A_823 = arith.addf %mul3A_810, %mul3A_822 : vector<16xf32>
        %add3A_824 = arith.constant 1 : i32
        %add3A_825 = arith.addi %mul3A_28, %add3A_824 : i32
        %get3A_826 = arith.index_cast %add3A_825 : i32 to index
        %get3A_827 = arith.constant 656 : index
        %get3A_828 = tpu.vector_load %arg9[%get3A_826, %get3A_827] {strides = array<i32>} : memref<80x1024xf32, #tpu.memory_space<vmem>>, vector<1x16xf32>,
        %get3A_829 = vector.shape_cast %get3A_828 : vector<1x16xf32> to vector<16xf32>
        %mul3A_830 = arith.mulf %get3A_38, %get3A_829 : vector<16xf32>
        %add3A_831 = arith.addf %mul3A_815, %mul3A_830 : vector<16xf32>
        %add3A_832 = arith.constant 2 : i32
        %add3A_833 = arith.addi %mul3A_28, %add3A_832 : i32
        %get3A_834 = arith.index_cast %add3A_833 : i32 to index
        %get3A_835 = arith.constant 144 : index
        %get3A_836 = tpu.vector_load %arg9[%get3A_834, %get3A_835] {strides = array<i32>} : memref<80x1024xf32, #tpu.memory_space<vmem>>, vector<1x16xf32>,
        %get3A_837 = vector.shape_cast %get3A_836 : vector<1x16xf32> to vector<16xf32>
        %mul3A_838 = arith.mulf %get3A_42, %get3A_837 : vector<16xf32>
        %add3A_839 = arith.addf %add3A_823, %mul3A_838 : vector<16xf32>
        %add3A_840 = arith.constant 2 : i32
        %add3A_841 = arith.addi %mul3A_28, %add3A_840 : i32
        %get3A_842 = arith.index_cast %add3A_841 : i32 to index
        %get3A_843 = arith.constant 656 : index
        %get3A_844 = tpu.vector_load %arg9[%get3A_842, %get3A_843] {strides = array<i32>} : memref<80x1024xf32, #tpu.memory_space<vmem>>, vector<1x16xf32>,
        %get3A_845 = vector.shape_cast %get3A_844 : vector<1x16xf32> to vector<16xf32>
        %mul3A_846 = arith.mulf %get3A_42, %get3A_845 : vector<16xf32>
        %add3A_847 = arith.addf %add3A_831, %mul3A_846 : vector<16xf32>
        %add3A_848 = arith.constant 3 : i32
        %add3A_849 = arith.addi %mul3A_28, %add3A_848 : i32
        %get3A_850 = arith.index_cast %add3A_849 : i32 to index
        %get3A_851 = arith.constant 144 : index
        %get3A_852 = tpu.vector_load %arg9[%get3A_850, %get3A_851] {strides = array<i32>} : memref<80x1024xf32, #tpu.memory_space<vmem>>, vector<1x16xf32>,
        %get3A_853 = vector.shape_cast %get3A_852 : vector<1x16xf32> to vector<16xf32>
        %mul3A_854 = arith.mulf %get3A_46, %get3A_853 : vector<16xf32>
        %add3A_855 = arith.addf %add3A_839, %mul3A_854 : vector<16xf32>
        %add3A_856 = arith.constant 3 : i32
        %add3A_857 = arith.addi %mul3A_28, %add3A_856 : i32
        %get3A_858 = arith.index_cast %add3A_857 : i32 to index
        %get3A_859 = arith.constant 656 : index
        %get3A_860 = tpu.vector_load %arg9[%get3A_858, %get3A_859] {strides = array<i32>} : memref<80x1024xf32, #tpu.memory_space<vmem>>, vector<1x16xf32>,
        %get3A_861 = vector.shape_cast %get3A_860 : vector<1x16xf32> to vector<16xf32>
        %mul3A_862 = arith.mulf %get3A_46, %get3A_861 : vector<16xf32>
        %add3A_863 = arith.addf %add3A_847, %mul3A_862 : vector<16xf32>
        %add3A_864 = arith.constant 4 : i32
        %add3A_865 = arith.addi %mul3A_28, %add3A_864 : i32
        %get3A_866 = arith.index_cast %add3A_865 : i32 to index
        %get3A_867 = arith.constant 144 : index
        %get3A_868 = tpu.vector_load %arg9[%get3A_866, %get3A_867] {strides = array<i32>} : memref<80x1024xf32, #tpu.memory_space<vmem>>, vector<1x16xf32>,
        %get3A_869 = vector.shape_cast %get3A_868 : vector<1x16xf32> to vector<16xf32>
        %mul3A_870 = arith.mulf %get3A_50, %get3A_869 : vector<16xf32>
        %add3A_871 = arith.addf %add3A_855, %mul3A_870 : vector<16xf32>
        %add3A_872 = arith.constant 4 : i32
        %add3A_873 = arith.addi %mul3A_28, %add3A_872 : i32
        %get3A_874 = arith.index_cast %add3A_873 : i32 to index
        %get3A_875 = arith.constant 656 : index
        %get3A_876 = tpu.vector_load %arg9[%get3A_874, %get3A_875] {strides = array<i32>} : memref<80x1024xf32, #tpu.memory_space<vmem>>, vector<1x16xf32>,
        %get3A_877 = vector.shape_cast %get3A_876 : vector<1x16xf32> to vector<16xf32>
        %mul3A_878 = arith.mulf %get3A_50, %get3A_877 : vector<16xf32>
        %add3A_879 = arith.addf %add3A_863, %mul3A_878 : vector<16xf32>
        %swap3A_880 = arith.index_cast %scan3A_26 : i32 to index
        %swap3A_881 = arith.constant 144 : index
        %swap3A_882 = tpu.vector_load %arg10[%swap3A_880, %swap3A_881] {strides = array<i32>} : memref<16x512xf32, #tpu.memory_space<vmem>>, vector<1x16xf32>,
        %swap3A_883 = vector.shape_cast %swap3A_882 : vector<1x16xf32> to vector<16xf32>
        %swap3A_884 = vector.shape_cast %add3A_871 : vector<16xf32> to vector<1x16xf32>
        tpu.vector_store %arg10[%swap3A_880, %swap3A_881], %swap3A_884 {strides = array<i32>} : memref<16x512xf32, #tpu.memory_space<vmem>>, vector<1x16xf32>,
        %swap3A_885 = arith.index_cast %scan3A_26 : i32 to index
        %swap3A_886 = arith.constant 144 : index
        %swap3A_887 = tpu.vector_load %arg11[%swap3A_885, %swap3A_886] {strides = array<i32>} : memref<16x512xf32, #tpu.memory_space<vmem>>, vector<1x16xf32>,
        %swap3A_888 = vector.shape_cast %swap3A_887 : vector<1x16xf32> to vector<16xf32>
        %swap3A_889 = vector.shape_cast %add3A_879 : vector<16xf32> to vector<1x16xf32>
        tpu.vector_store %arg11[%swap3A_885, %swap3A_886], %swap3A_889 {strides = array<i32>} : memref<16x512xf32, #tpu.memory_space<vmem>>, vector<1x16xf32>,
        %get3A_890 = arith.index_cast %mul3A_28 : i32 to index
        %get3A_891 = arith.constant 160 : index
        %get3A_892 = tpu.vector_load %arg9[%get3A_890, %get3A_891] {strides = array<i32>} : memref<80x1024xf32, #tpu.memory_space<vmem>>, vector<1x16xf32>,
        %get3A_893 = vector.shape_cast %get3A_892 : vector<1x16xf32> to vector<16xf32>
        %mul3A_894 = arith.mulf %get3A_34, %get3A_893 : vector<16xf32>
        %get3A_895 = arith.index_cast %mul3A_28 : i32 to index
        %get3A_896 = arith.constant 672 : index
        %get3A_897 = tpu.vector_load %arg9[%get3A_895, %get3A_896] {strides = array<i32>} : memref<80x1024xf32, #tpu.memory_space<vmem>>, vector<1x16xf32>,
        %get3A_898 = vector.shape_cast %get3A_897 : vector<1x16xf32> to vector<16xf32>
        %mul3A_899 = arith.mulf %get3A_34, %get3A_898 : vector<16xf32>
        %add3A_900 = arith.constant 1 : i32
        %add3A_901 = arith.addi %mul3A_28, %add3A_900 : i32
        %get3A_902 = arith.index_cast %add3A_901 : i32 to index
        %get3A_903 = arith.constant 160 : index
        %get3A_904 = tpu.vector_load %arg9[%get3A_902, %get3A_903] {strides = array<i32>} : memref<80x1024xf32, #tpu.memory_space<vmem>>, vector<1x16xf32>,
        %get3A_905 = vector.shape_cast %get3A_904 : vector<1x16xf32> to vector<16xf32>
        %mul3A_906 = arith.mulf %get3A_38, %get3A_905 : vector<16xf32>
        %add3A_907 = arith.addf %mul3A_894, %mul3A_906 : vector<16xf32>
        %add3A_908 = arith.constant 1 : i32
        %add3A_909 = arith.addi %mul3A_28, %add3A_908 : i32
        %get3A_910 = arith.index_cast %add3A_909 : i32 to index
        %get3A_911 = arith.constant 672 : index
        %get3A_912 = tpu.vector_load %arg9[%get3A_910, %get3A_911] {strides = array<i32>} : memref<80x1024xf32, #tpu.memory_space<vmem>>, vector<1x16xf32>,
        %get3A_913 = vector.shape_cast %get3A_912 : vector<1x16xf32> to vector<16xf32>
        %mul3A_914 = arith.mulf %get3A_38, %get3A_913 : vector<16xf32>
        %add3A_915 = arith.addf %mul3A_899, %mul3A_914 : vector<16xf32>
        %add3A_916 = arith.constant 2 : i32
        %add3A_917 = arith.addi %mul3A_28, %add3A_916 : i32
        %get3A_918 = arith.index_cast %add3A_917 : i32 to index
        %get3A_919 = arith.constant 160 : index
        %get3A_920 = tpu.vector_load %arg9[%get3A_918, %get3A_919] {strides = array<i32>} : memref<80x1024xf32, #tpu.memory_space<vmem>>, vector<1x16xf32>,
        %get3A_921 = vector.shape_cast %get3A_920 : vector<1x16xf32> to vector<16xf32>
        %mul3A_922 = arith.mulf %get3A_42, %get3A_921 : vector<16xf32>
        %add3A_923 = arith.addf %add3A_907, %mul3A_922 : vector<16xf32>
        %add3A_924 = arith.constant 2 : i32
        %add3A_925 = arith.addi %mul3A_28, %add3A_924 : i32
        %get3A_926 = arith.index_cast %add3A_925 : i32 to index
        %get3A_927 = arith.constant 672 : index
        %get3A_928 = tpu.vector_load %arg9[%get3A_926, %get3A_927] {strides = array<i32>} : memref<80x1024xf32, #tpu.memory_space<vmem>>, vector<1x16xf32>,
        %get3A_929 = vector.shape_cast %get3A_928 : vector<1x16xf32> to vector<16xf32>
        %mul3A_930 = arith.mulf %get3A_42, %get3A_929 : vector<16xf32>
        %add3A_931 = arith.addf %add3A_915, %mul3A_930 : vector<16xf32>
        %add3A_932 = arith.constant 3 : i32
        %add3A_933 = arith.addi %mul3A_28, %add3A_932 : i32
        %get3A_934 = arith.index_cast %add3A_933 : i32 to index
        %get3A_935 = arith.constant 160 : index
        %get3A_936 = tpu.vector_load %arg9[%get3A_934, %get3A_935] {strides = array<i32>} : memref<80x1024xf32, #tpu.memory_space<vmem>>, vector<1x16xf32>,
        %get3A_937 = vector.shape_cast %get3A_936 : vector<1x16xf32> to vector<16xf32>
        %mul3A_938 = arith.mulf %get3A_46, %get3A_937 : vector<16xf32>
        %add3A_939 = arith.addf %add3A_923, %mul3A_938 : vector<16xf32>
        %add3A_940 = arith.constant 3 : i32
        %add3A_941 = arith.addi %mul3A_28, %add3A_940 : i32
        %get3A_942 = arith.index_cast %add3A_941 : i32 to index
        %get3A_943 = arith.constant 672 : index
        %get3A_944 = tpu.vector_load %arg9[%get3A_942, %get3A_943] {strides = array<i32>} : memref<80x1024xf32, #tpu.memory_space<vmem>>, vector<1x16xf32>,
        %get3A_945 = vector.shape_cast %get3A_944 : vector<1x16xf32> to vector<16xf32>
        %mul3A_946 = arith.mulf %get3A_46, %get3A_945 : vector<16xf32>
        %add3A_947 = arith.addf %add3A_931, %mul3A_946 : vector<16xf32>
        %add3A_948 = arith.constant 4 : i32
        %add3A_949 = arith.addi %mul3A_28, %add3A_948 : i32
        %get3A_950 = arith.index_cast %add3A_949 : i32 to index
        %get3A_951 = arith.constant 160 : index
        %get3A_952 = tpu.vector_load %arg9[%get3A_950, %get3A_951] {strides = array<i32>} : memref<80x1024xf32, #tpu.memory_space<vmem>>, vector<1x16xf32>,
        %get3A_953 = vector.shape_cast %get3A_952 : vector<1x16xf32> to vector<16xf32>
        %mul3A_954 = arith.mulf %get3A_50, %get3A_953 : vector<16xf32>
        %add3A_955 = arith.addf %add3A_939, %mul3A_954 : vector<16xf32>
        %add3A_956 = arith.constant 4 : i32
        %add3A_957 = arith.addi %mul3A_28, %add3A_956 : i32
        %get3A_958 = arith.index_cast %add3A_957 : i32 to index
        %get3A_959 = arith.constant 672 : index
        %get3A_960 = tpu.vector_load %arg9[%get3A_958, %get3A_959] {strides = array<i32>} : memref<80x1024xf32, #tpu.memory_space<vmem>>, vector<1x16xf32>,
        %get3A_961 = vector.shape_cast %get3A_960 : vector<1x16xf32> to vector<16xf32>
        %mul3A_962 = arith.mulf %get3A_50, %get3A_961 : vector<16xf32>
        %add3A_963 = arith.addf %add3A_947, %mul3A_962 : vector<16xf32>
        %swap3A_964 = arith.index_cast %scan3A_26 : i32 to index
        %swap3A_965 = arith.constant 160 : index
        %swap3A_966 = tpu.vector_load %arg10[%swap3A_964, %swap3A_965] {strides = array<i32>} : memref<16x512xf32, #tpu.memory_space<vmem>>, vector<1x16xf32>,
        %swap3A_967 = vector.shape_cast %swap3A_966 : vector<1x16xf32> to vector<16xf32>
        %swap3A_968 = vector.shape_cast %add3A_955 : vector<16xf32> to vector<1x16xf32>
        tpu.vector_store %arg10[%swap3A_964, %swap3A_965], %swap3A_968 {strides = array<i32>} : memref<16x512xf32, #tpu.memory_space<vmem>>, vector<1x16xf32>,
        %swap3A_969 = arith.index_cast %scan3A_26 : i32 to index
        %swap3A_970 = arith.constant 160 : index
        %swap3A_971 = tpu.vector_load %arg11[%swap3A_969, %swap3A_970] {strides = array<i32>} : memref<16x512xf32, #tpu.memory_space<vmem>>, vector<1x16xf32>,
        %swap3A_972 = vector.shape_cast %swap3A_971 : vector<1x16xf32> to vector<16xf32>
        %swap3A_973 = vector.shape_cast %add3A_963 : vector<16xf32> to vector<1x16xf32>
        tpu.vector_store %arg11[%swap3A_969, %swap3A_970], %swap3A_973 {strides = array<i32>} : memref<16x512xf32, #tpu.memory_space<vmem>>, vector<1x16xf32>,
        %get3A_974 = arith.index_cast %mul3A_28 : i32 to index
        %get3A_975 = arith.constant 176 : index
        %get3A_976 = tpu.vector_load %arg9[%get3A_974, %get3A_975] {strides = array<i32>} : memref<80x1024xf32, #tpu.memory_space<vmem>>, vector<1x16xf32>,
        %get3A_977 = vector.shape_cast %get3A_976 : vector<1x16xf32> to vector<16xf32>
        %mul3A_978 = arith.mulf %get3A_34, %get3A_977 : vector<16xf32>
        %get3A_979 = arith.index_cast %mul3A_28 : i32 to index
        %get3A_980 = arith.constant 688 : index
        %get3A_981 = tpu.vector_load %arg9[%get3A_979, %get3A_980] {strides = array<i32>} : memref<80x1024xf32, #tpu.memory_space<vmem>>, vector<1x16xf32>,
        %get3A_982 = vector.shape_cast %get3A_981 : vector<1x16xf32> to vector<16xf32>
        %mul3A_983 = arith.mulf %get3A_34, %get3A_982 : vector<16xf32>
        %add3A_984 = arith.constant 1 : i32
        %add3A_985 = arith.addi %mul3A_28, %add3A_984 : i32
        %get3A_986 = arith.index_cast %add3A_985 : i32 to index
        %get3A_987 = arith.constant 176 : index
        %get3A_988 = tpu.vector_load %arg9[%get3A_986, %get3A_987] {strides = array<i32>} : memref<80x1024xf32, #tpu.memory_space<vmem>>, vector<1x16xf32>,
        %get3A_989 = vector.shape_cast %get3A_988 : vector<1x16xf32> to vector<16xf32>
        %mul3A_990 = arith.mulf %get3A_38, %get3A_989 : vector<16xf32>
        %add3A_991 = arith.addf %mul3A_978, %mul3A_990 : vector<16xf32>
        %add3A_992 = arith.constant 1 : i32
        %add3A_993 = arith.addi %mul3A_28, %add3A_992 : i32
        %get3A_994 = arith.index_cast %add3A_993 : i32 to index
        %get3A_995 = arith.constant 688 : index
        %get3A_996 = tpu.vector_load %arg9[%get3A_994, %get3A_995] {strides = array<i32>} : memref<80x1024xf32, #tpu.memory_space<vmem>>, vector<1x16xf32>,
        %get3A_997 = vector.shape_cast %get3A_996 : vector<1x16xf32> to vector<16xf32>
        %mul3A_998 = arith.mulf %get3A_38, %get3A_997 : vector<16xf32>
        %add3A_999 = arith.addf %mul3A_983, %mul3A_998 : vector<16xf32>
        %add3A_1000 = arith.constant 2 : i32
        %add3A_1001 = arith.addi %mul3A_28, %add3A_1000 : i32
        %get3A_1002 = arith.index_cast %add3A_1001 : i32 to index
        %get3A_1003 = arith.constant 176 : index
        %get3A_1004 = tpu.vector_load %arg9[%get3A_1002, %get3A_1003] {strides = array<i32>} : memref<80x1024xf32, #tpu.memory_space<vmem>>, vector<1x16xf32>,
        %get3A_1005 = vector.shape_cast %get3A_1004 : vector<1x16xf32> to vector<16xf32>
        %mul3A_1006 = arith.mulf %get3A_42, %get3A_1005 : vector<16xf32>
        %add3A_1007 = arith.addf %add3A_991, %mul3A_1006 : vector<16xf32>
        %add3A_1008 = arith.constant 2 : i32
        %add3A_1009 = arith.addi %mul3A_28, %add3A_1008 : i32
        %get3A_1010 = arith.index_cast %add3A_1009 : i32 to index
        %get3A_1011 = arith.constant 688 : index
        %get3A_1012 = tpu.vector_load %arg9[%get3A_1010, %get3A_1011] {strides = array<i32>} : memref<80x1024xf32, #tpu.memory_space<vmem>>, vector<1x16xf32>,
        %get3A_1013 = vector.shape_cast %get3A_1012 : vector<1x16xf32> to vector<16xf32>
        %mul3A_1014 = arith.mulf %get3A_42, %get3A_1013 : vector<16xf32>
        %add3A_1015 = arith.addf %add3A_999, %mul3A_1014 : vector<16xf32>
        %add3A_1016 = arith.constant 3 : i32
        %add3A_1017 = arith.addi %mul3A_28, %add3A_1016 : i32
        %get3A_1018 = arith.index_cast %add3A_1017 : i32 to index
        %get3A_1019 = arith.constant 176 : index
        %get3A_1020 = tpu.vector_load %arg9[%get3A_1018, %get3A_1019] {strides = array<i32>} : memref<80x1024xf32, #tpu.memory_space<vmem>>, vector<1x16xf32>,
        %get3A_1021 = vector.shape_cast %get3A_1020 : vector<1x16xf32> to vector<16xf32>
        %mul3A_1022 = arith.mulf %get3A_46, %get3A_1021 : vector<16xf32>
        %add3A_1023 = arith.addf %add3A_1007, %mul3A_1022 : vector<16xf32>
        %add3A_1024 = arith.constant 3 : i32
        %add3A_1025 = arith.addi %mul3A_28, %add3A_1024 : i32
        %get3A_1026 = arith.index_cast %add3A_1025 : i32 to index
        %get3A_1027 = arith.constant 688 : index
        %get3A_1028 = tpu.vector_load %arg9[%get3A_1026, %get3A_1027] {strides = array<i32>} : memref<80x1024xf32, #tpu.memory_space<vmem>>, vector<1x16xf32>,
        %get3A_1029 = vector.shape_cast %get3A_1028 : vector<1x16xf32> to vector<16xf32>
        %mul3A_1030 = arith.mulf %get3A_46, %get3A_1029 : vector<16xf32>
        %add3A_1031 = arith.addf %add3A_1015, %mul3A_1030 : vector<16xf32>
        %add3A_1032 = arith.constant 4 : i32
        %add3A_1033 = arith.addi %mul3A_28, %add3A_1032 : i32
        %get3A_1034 = arith.index_cast %add3A_1033 : i32 to index
        %get3A_1035 = arith.constant 176 : index
        %get3A_1036 = tpu.vector_load %arg9[%get3A_1034, %get3A_1035] {strides = array<i32>} : memref<80x1024xf32, #tpu.memory_space<vmem>>, vector<1x16xf32>,
        %get3A_1037 = vector.shape_cast %get3A_1036 : vector<1x16xf32> to vector<16xf32>
        %mul3A_1038 = arith.mulf %get3A_50, %get3A_1037 : vector<16xf32>
        %add3A_1039 = arith.addf %add3A_1023, %mul3A_1038 : vector<16xf32>
        %add3A_1040 = arith.constant 4 : i32
        %add3A_1041 = arith.addi %mul3A_28, %add3A_1040 : i32
        %get3A_1042 = arith.index_cast %add3A_1041 : i32 to index
        %get3A_1043 = arith.constant 688 : index
        %get3A_1044 = tpu.vector_load %arg9[%get3A_1042, %get3A_1043] {strides = array<i32>} : memref<80x1024xf32, #tpu.memory_space<vmem>>, vector<1x16xf32>,
        %get3A_1045 = vector.shape_cast %get3A_1044 : vector<1x16xf32> to vector<16xf32>
        %mul3A_1046 = arith.mulf %get3A_50, %get3A_1045 : vector<16xf32>
        %add3A_1047 = arith.addf %add3A_1031, %mul3A_1046 : vector<16xf32>
        %swap3A_1048 = arith.index_cast %scan3A_26 : i32 to index
        %swap3A_1049 = arith.constant 176 : index
        %swap3A_1050 = tpu.vector_load %arg10[%swap3A_1048, %swap3A_1049] {strides = array<i32>} : memref<16x512xf32, #tpu.memory_space<vmem>>, vector<1x16xf32>,
        %swap3A_1051 = vector.shape_cast %swap3A_1050 : vector<1x16xf32> to vector<16xf32>
        %swap3A_1052 = vector.shape_cast %add3A_1039 : vector<16xf32> to vector<1x16xf32>
        tpu.vector_store %arg10[%swap3A_1048, %swap3A_1049], %swap3A_1052 {strides = array<i32>} : memref<16x512xf32, #tpu.memory_space<vmem>>, vector<1x16xf32>,
        %swap3A_1053 = arith.index_cast %scan3A_26 : i32 to index
        %swap3A_1054 = arith.constant 176 : index
        %swap3A_1055 = tpu.vector_load %arg11[%swap3A_1053, %swap3A_1054] {strides = array<i32>} : memref<16x512xf32, #tpu.memory_space<vmem>>, vector<1x16xf32>,
        %swap3A_1056 = vector.shape_cast %swap3A_1055 : vector<1x16xf32> to vector<16xf32>
        %swap3A_1057 = vector.shape_cast %add3A_1047 : vector<16xf32> to vector<1x16xf32>
        tpu.vector_store %arg11[%swap3A_1053, %swap3A_1054], %swap3A_1057 {strides = array<i32>} : memref<16x512xf32, #tpu.memory_space<vmem>>, vector<1x16xf32>,
        %get3A_1058 = arith.index_cast %mul3A_28 : i32 to index
        %get3A_1059 = arith.constant 192 : index
        %get3A_1060 = tpu.vector_load %arg9[%get3A_1058, %get3A_1059] {strides = array<i32>} : memref<80x1024xf32, #tpu.memory_space<vmem>>, vector<1x16xf32>,
        %get3A_1061 = vector.shape_cast %get3A_1060 : vector<1x16xf32> to vector<16xf32>
        %mul3A_1062 = arith.mulf %get3A_34, %get3A_1061 : vector<16xf32>
        %get3A_1063 = arith.index_cast %mul3A_28 : i32 to index
        %get3A_1064 = arith.constant 704 : index
        %get3A_1065 = tpu.vector_load %arg9[%get3A_1063, %get3A_1064] {strides = array<i32>} : memref<80x1024xf32, #tpu.memory_space<vmem>>, vector<1x16xf32>,
        %get3A_1066 = vector.shape_cast %get3A_1065 : vector<1x16xf32> to vector<16xf32>
        %mul3A_1067 = arith.mulf %get3A_34, %get3A_1066 : vector<16xf32>
        %add3A_1068 = arith.constant 1 : i32
        %add3A_1069 = arith.addi %mul3A_28, %add3A_1068 : i32
        %get3A_1070 = arith.index_cast %add3A_1069 : i32 to index
        %get3A_1071 = arith.constant 192 : index
        %get3A_1072 = tpu.vector_load %arg9[%get3A_1070, %get3A_1071] {strides = array<i32>} : memref<80x1024xf32, #tpu.memory_space<vmem>>, vector<1x16xf32>,
        %get3A_1073 = vector.shape_cast %get3A_1072 : vector<1x16xf32> to vector<16xf32>
        %mul3A_1074 = arith.mulf %get3A_38, %get3A_1073 : vector<16xf32>
        %add3A_1075 = arith.addf %mul3A_1062, %mul3A_1074 : vector<16xf32>
        %add3A_1076 = arith.constant 1 : i32
        %add3A_1077 = arith.addi %mul3A_28, %add3A_1076 : i32
        %get3A_1078 = arith.index_cast %add3A_1077 : i32 to index
        %get3A_1079 = arith.constant 704 : index
        %get3A_1080 = tpu.vector_load %arg9[%get3A_1078, %get3A_1079] {strides = array<i32>} : memref<80x1024xf32, #tpu.memory_space<vmem>>, vector<1x16xf32>,
        %get3A_1081 = vector.shape_cast %get3A_1080 : vector<1x16xf32> to vector<16xf32>
        %mul3A_1082 = arith.mulf %get3A_38, %get3A_1081 : vector<16xf32>
        %add3A_1083 = arith.addf %mul3A_1067, %mul3A_1082 : vector<16xf32>
        %add3A_1084 = arith.constant 2 : i32
        %add3A_1085 = arith.addi %mul3A_28, %add3A_1084 : i32
        %get3A_1086 = arith.index_cast %add3A_1085 : i32 to index
        %get3A_1087 = arith.constant 192 : index
        %get3A_1088 = tpu.vector_load %arg9[%get3A_1086, %get3A_1087] {strides = array<i32>} : memref<80x1024xf32, #tpu.memory_space<vmem>>, vector<1x16xf32>,
        %get3A_1089 = vector.shape_cast %get3A_1088 : vector<1x16xf32> to vector<16xf32>
        %mul3A_1090 = arith.mulf %get3A_42, %get3A_1089 : vector<16xf32>
        %add3A_1091 = arith.addf %add3A_1075, %mul3A_1090 : vector<16xf32>
        %add3A_1092 = arith.constant 2 : i32
        %add3A_1093 = arith.addi %mul3A_28, %add3A_1092 : i32
        %get3A_1094 = arith.index_cast %add3A_1093 : i32 to index
        %get3A_1095 = arith.constant 704 : index
        %get3A_1096 = tpu.vector_load %arg9[%get3A_1094, %get3A_1095] {strides = array<i32>} : memref<80x1024xf32, #tpu.memory_space<vmem>>, vector<1x16xf32>,
        %get3A_1097 = vector.shape_cast %get3A_1096 : vector<1x16xf32> to vector<16xf32>
        %mul3A_1098 = arith.mulf %get3A_42, %get3A_1097 : vector<16xf32>
        %add3A_1099 = arith.addf %add3A_1083, %mul3A_1098 : vector<16xf32>
        %add3A_1100 = arith.constant 3 : i32
        %add3A_1101 = arith.addi %mul3A_28, %add3A_1100 : i32
        %get3A_1102 = arith.index_cast %add3A_1101 : i32 to index
        %get3A_1103 = arith.constant 192 : index
        %get3A_1104 = tpu.vector_load %arg9[%get3A_1102, %get3A_1103] {strides = array<i32>} : memref<80x1024xf32, #tpu.memory_space<vmem>>, vector<1x16xf32>,
        %get3A_1105 = vector.shape_cast %get3A_1104 : vector<1x16xf32> to vector<16xf32>
        %mul3A_1106 = arith.mulf %get3A_46, %get3A_1105 : vector<16xf32>
        %add3A_1107 = arith.addf %add3A_1091, %mul3A_1106 : vector<16xf32>
        %add3A_1108 = arith.constant 3 : i32
        %add3A_1109 = arith.addi %mul3A_28, %add3A_1108 : i32
        %get3A_1110 = arith.index_cast %add3A_1109 : i32 to index
        %get3A_1111 = arith.constant 704 : index
        %get3A_1112 = tpu.vector_load %arg9[%get3A_1110, %get3A_1111] {strides = array<i32>} : memref<80x1024xf32, #tpu.memory_space<vmem>>, vector<1x16xf32>,
        %get3A_1113 = vector.shape_cast %get3A_1112 : vector<1x16xf32> to vector<16xf32>
        %mul3A_1114 = arith.mulf %get3A_46, %get3A_1113 : vector<16xf32>
        %add3A_1115 = arith.addf %add3A_1099, %mul3A_1114 : vector<16xf32>
        %add3A_1116 = arith.constant 4 : i32
        %add3A_1117 = arith.addi %mul3A_28, %add3A_1116 : i32
        %get3A_1118 = arith.index_cast %add3A_1117 : i32 to index
        %get3A_1119 = arith.constant 192 : index
        %get3A_1120 = tpu.vector_load %arg9[%get3A_1118, %get3A_1119] {strides = array<i32>} : memref<80x1024xf32, #tpu.memory_space<vmem>>, vector<1x16xf32>,
        %get3A_1121 = vector.shape_cast %get3A_1120 : vector<1x16xf32> to vector<16xf32>
        %mul3A_1122 = arith.mulf %get3A_50, %get3A_1121 : vector<16xf32>
        %add3A_1123 = arith.addf %add3A_1107, %mul3A_1122 : vector<16xf32>
        %add3A_1124 = arith.constant 4 : i32
        %add3A_1125 = arith.addi %mul3A_28, %add3A_1124 : i32
        %get3A_1126 = arith.index_cast %add3A_1125 : i32 to index
        %get3A_1127 = arith.constant 704 : index
        %get3A_1128 = tpu.vector_load %arg9[%get3A_1126, %get3A_1127] {strides = array<i32>} : memref<80x1024xf32, #tpu.memory_space<vmem>>, vector<1x16xf32>,
        %get3A_1129 = vector.shape_cast %get3A_1128 : vector<1x16xf32> to vector<16xf32>
        %mul3A_1130 = arith.mulf %get3A_50, %get3A_1129 : vector<16xf32>
        %add3A_1131 = arith.addf %add3A_1115, %mul3A_1130 : vector<16xf32>
        %swap3A_1132 = arith.index_cast %scan3A_26 : i32 to index
        %swap3A_1133 = arith.constant 192 : index
        %swap3A_1134 = tpu.vector_load %arg10[%swap3A_1132, %swap3A_1133] {strides = array<i32>} : memref<16x512xf32, #tpu.memory_space<vmem>>, vector<1x16xf32>,
        %swap3A_1135 = vector.shape_cast %swap3A_1134 : vector<1x16xf32> to vector<16xf32>
        %swap3A_1136 = vector.shape_cast %add3A_1123 : vector<16xf32> to vector<1x16xf32>
        tpu.vector_store %arg10[%swap3A_1132, %swap3A_1133], %swap3A_1136 {strides = array<i32>} : memref<16x512xf32, #tpu.memory_space<vmem>>, vector<1x16xf32>,
        %swap3A_1137 = arith.index_cast %scan3A_26 : i32 to index
        %swap3A_1138 = arith.constant 192 : index
        %swap3A_1139 = tpu.vector_load %arg11[%swap3A_1137, %swap3A_1138] {strides = array<i32>} : memref<16x512xf32, #tpu.memory_space<vmem>>, vector<1x16xf32>,
        %swap3A_1140 = vector.shape_cast %swap3A_1139 : vector<1x16xf32> to vector<16xf32>
        %swap3A_1141 = vector.shape_cast %add3A_1131 : vector<16xf32> to vector<1x16xf32>
        tpu.vector_store %arg11[%swap3A_1137, %swap3A_1138], %swap3A_1141 {strides = array<i32>} : memref<16x512xf32, #tpu.memory_space<vmem>>, vector<1x16xf32>,
        %get3A_1142 = arith.index_cast %mul3A_28 : i32 to index
        %get3A_1143 = arith.constant 208 : index
        %get3A_1144 = tpu.vector_load %arg9[%get3A_1142, %get3A_1143] {strides = array<i32>} : memref<80x1024xf32, #tpu.memory_space<vmem>>, vector<1x16xf32>,
        %get3A_1145 = vector.shape_cast %get3A_1144 : vector<1x16xf32> to vector<16xf32>
        %mul3A_1146 = arith.mulf %get3A_34, %get3A_1145 : vector<16xf32>
        %get3A_1147 = arith.index_cast %mul3A_28 : i32 to index
        %get3A_1148 = arith.constant 720 : index
        %get3A_1149 = tpu.vector_load %arg9[%get3A_1147, %get3A_1148] {strides = array<i32>} : memref<80x1024xf32, #tpu.memory_space<vmem>>, vector<1x16xf32>,
        %get3A_1150 = vector.shape_cast %get3A_1149 : vector<1x16xf32> to vector<16xf32>
        %mul3A_1151 = arith.mulf %get3A_34, %get3A_1150 : vector<16xf32>
        %add3A_1152 = arith.constant 1 : i32
        %add3A_1153 = arith.addi %mul3A_28, %add3A_1152 : i32
        %get3A_1154 = arith.index_cast %add3A_1153 : i32 to index
        %get3A_1155 = arith.constant 208 : index
        %get3A_1156 = tpu.vector_load %arg9[%get3A_1154, %get3A_1155] {strides = array<i32>} : memref<80x1024xf32, #tpu.memory_space<vmem>>, vector<1x16xf32>,
        %get3A_1157 = vector.shape_cast %get3A_1156 : vector<1x16xf32> to vector<16xf32>
        %mul3A_1158 = arith.mulf %get3A_38, %get3A_1157 : vector<16xf32>
        %add3A_1159 = arith.addf %mul3A_1146, %mul3A_1158 : vector<16xf32>
        %add3A_1160 = arith.constant 1 : i32
        %add3A_1161 = arith.addi %mul3A_28, %add3A_1160 : i32
        %get3A_1162 = arith.index_cast %add3A_1161 : i32 to index
        %get3A_1163 = arith.constant 720 : index
        %get3A_1164 = tpu.vector_load %arg9[%get3A_1162, %get3A_1163] {strides = array<i32>} : memref<80x1024xf32, #tpu.memory_space<vmem>>, vector<1x16xf32>,
        %get3A_1165 = vector.shape_cast %get3A_1164 : vector<1x16xf32> to vector<16xf32>
        %mul3A_1166 = arith.mulf %get3A_38, %get3A_1165 : vector<16xf32>
        %add3A_1167 = arith.addf %mul3A_1151, %mul3A_1166 : vector<16xf32>
        %add3A_1168 = arith.constant 2 : i32
        %add3A_1169 = arith.addi %mul3A_28, %add3A_1168 : i32
        %get3A_1170 = arith.index_cast %add3A_1169 : i32 to index
        %get3A_1171 = arith.constant 208 : index
        %get3A_1172 = tpu.vector_load %arg9[%get3A_1170, %get3A_1171] {strides = array<i32>} : memref<80x1024xf32, #tpu.memory_space<vmem>>, vector<1x16xf32>,
        %get3A_1173 = vector.shape_cast %get3A_1172 : vector<1x16xf32> to vector<16xf32>
        %mul3A_1174 = arith.mulf %get3A_42, %get3A_1173 : vector<16xf32>
        %add3A_1175 = arith.addf %add3A_1159, %mul3A_1174 : vector<16xf32>
        %add3A_1176 = arith.constant 2 : i32
        %add3A_1177 = arith.addi %mul3A_28, %add3A_1176 : i32
        %get3A_1178 = arith.index_cast %add3A_1177 : i32 to index
        %get3A_1179 = arith.constant 720 : index
        %get3A_1180 = tpu.vector_load %arg9[%get3A_1178, %get3A_1179] {strides = array<i32>} : memref<80x1024xf32, #tpu.memory_space<vmem>>, vector<1x16xf32>,
        %get3A_1181 = vector.shape_cast %get3A_1180 : vector<1x16xf32> to vector<16xf32>
        %mul3A_1182 = arith.mulf %get3A_42, %get3A_1181 : vector<16xf32>
        %add3A_1183 = arith.addf %add3A_1167, %mul3A_1182 : vector<16xf32>
        %add3A_1184 = arith.constant 3 : i32
        %add3A_1185 = arith.addi %mul3A_28, %add3A_1184 : i32
        %get3A_1186 = arith.index_cast %add3A_1185 : i32 to index
        %get3A_1187 = arith.constant 208 : index
        %get3A_1188 = tpu.vector_load %arg9[%get3A_1186, %get3A_1187] {strides = array<i32>} : memref<80x1024xf32, #tpu.memory_space<vmem>>, vector<1x16xf32>,
        %get3A_1189 = vector.shape_cast %get3A_1188 : vector<1x16xf32> to vector<16xf32>
        %mul3A_1190 = arith.mulf %get3A_46, %get3A_1189 : vector<16xf32>
        %add3A_1191 = arith.addf %add3A_1175, %mul3A_1190 : vector<16xf32>
        %add3A_1192 = arith.constant 3 : i32
        %add3A_1193 = arith.addi %mul3A_28, %add3A_1192 : i32
        %get3A_1194 = arith.index_cast %add3A_1193 : i32 to index
        %get3A_1195 = arith.constant 720 : index
        %get3A_1196 = tpu.vector_load %arg9[%get3A_1194, %get3A_1195] {strides = array<i32>} : memref<80x1024xf32, #tpu.memory_space<vmem>>, vector<1x16xf32>,
        %get3A_1197 = vector.shape_cast %get3A_1196 : vector<1x16xf32> to vector<16xf32>
        %mul3A_1198 = arith.mulf %get3A_46, %get3A_1197 : vector<16xf32>
        %add3A_1199 = arith.addf %add3A_1183, %mul3A_1198 : vector<16xf32>
        %add3A_1200 = arith.constant 4 : i32
        %add3A_1201 = arith.addi %mul3A_28, %add3A_1200 : i32
        %get3A_1202 = arith.index_cast %add3A_1201 : i32 to index
        %get3A_1203 = arith.constant 208 : index
        %get3A_1204 = tpu.vector_load %arg9[%get3A_1202, %get3A_1203] {strides = array<i32>} : memref<80x1024xf32, #tpu.memory_space<vmem>>, vector<1x16xf32>,
        %get3A_1205 = vector.shape_cast %get3A_1204 : vector<1x16xf32> to vector<16xf32>
        %mul3A_1206 = arith.mulf %get3A_50, %get3A_1205 : vector<16xf32>
        %add3A_1207 = arith.addf %add3A_1191, %mul3A_1206 : vector<16xf32>
        %add3A_1208 = arith.constant 4 : i32
        %add3A_1209 = arith.addi %mul3A_28, %add3A_1208 : i32
        %get3A_1210 = arith.index_cast %add3A_1209 : i32 to index
        %get3A_1211 = arith.constant 720 : index
        %get3A_1212 = tpu.vector_load %arg9[%get3A_1210, %get3A_1211] {strides = array<i32>} : memref<80x1024xf32, #tpu.memory_space<vmem>>, vector<1x16xf32>,
        %get3A_1213 = vector.shape_cast %get3A_1212 : vector<1x16xf32> to vector<16xf32>
        %mul3A_1214 = arith.mulf %get3A_50, %get3A_1213 : vector<16xf32>
        %add3A_1215 = arith.addf %add3A_1199, %mul3A_1214 : vector<16xf32>
        %swap3A_1216 = arith.index_cast %scan3A_26 : i32 to index
        %swap3A_1217 = arith.constant 208 : index
        %swap3A_1218 = tpu.vector_load %arg10[%swap3A_1216, %swap3A_1217] {strides = array<i32>} : memref<16x512xf32, #tpu.memory_space<vmem>>, vector<1x16xf32>,
        %swap3A_1219 = vector.shape_cast %swap3A_1218 : vector<1x16xf32> to vector<16xf32>
        %swap3A_1220 = vector.shape_cast %add3A_1207 : vector<16xf32> to vector<1x16xf32>
        tpu.vector_store %arg10[%swap3A_1216, %swap3A_1217], %swap3A_1220 {strides = array<i32>} : memref<16x512xf32, #tpu.memory_space<vmem>>, vector<1x16xf32>,
        %swap3A_1221 = arith.index_cast %scan3A_26 : i32 to index
        %swap3A_1222 = arith.constant 208 : index
        %swap3A_1223 = tpu.vector_load %arg11[%swap3A_1221, %swap3A_1222] {strides = array<i32>} : memref<16x512xf32, #tpu.memory_space<vmem>>, vector<1x16xf32>,
        %swap3A_1224 = vector.shape_cast %swap3A_1223 : vector<1x16xf32> to vector<16xf32>
        %swap3A_1225 = vector.shape_cast %add3A_1215 : vector<16xf32> to vector<1x16xf32>
        tpu.vector_store %arg11[%swap3A_1221, %swap3A_1222], %swap3A_1225 {strides = array<i32>} : memref<16x512xf32, #tpu.memory_space<vmem>>, vector<1x16xf32>,
        %get3A_1226 = arith.index_cast %mul3A_28 : i32 to index
        %get3A_1227 = arith.constant 224 : index
        %get3A_1228 = tpu.vector_load %arg9[%get3A_1226, %get3A_1227] {strides = array<i32>} : memref<80x1024xf32, #tpu.memory_space<vmem>>, vector<1x16xf32>,
        %get3A_1229 = vector.shape_cast %get3A_1228 : vector<1x16xf32> to vector<16xf32>
        %mul3A_1230 = arith.mulf %get3A_34, %get3A_1229 : vector<16xf32>
        %get3A_1231 = arith.index_cast %mul3A_28 : i32 to index
        %get3A_1232 = arith.constant 736 : index
        %get3A_1233 = tpu.vector_load %arg9[%get3A_1231, %get3A_1232] {strides = array<i32>} : memref<80x1024xf32, #tpu.memory_space<vmem>>, vector<1x16xf32>,
        %get3A_1234 = vector.shape_cast %get3A_1233 : vector<1x16xf32> to vector<16xf32>
        %mul3A_1235 = arith.mulf %get3A_34, %get3A_1234 : vector<16xf32>
        %add3A_1236 = arith.constant 1 : i32
        %add3A_1237 = arith.addi %mul3A_28, %add3A_1236 : i32
        %get3A_1238 = arith.index_cast %add3A_1237 : i32 to index
        %get3A_1239 = arith.constant 224 : index
        %get3A_1240 = tpu.vector_load %arg9[%get3A_1238, %get3A_1239] {strides = array<i32>} : memref<80x1024xf32, #tpu.memory_space<vmem>>, vector<1x16xf32>,
        %get3A_1241 = vector.shape_cast %get3A_1240 : vector<1x16xf32> to vector<16xf32>
        %mul3A_1242 = arith.mulf %get3A_38, %get3A_1241 : vector<16xf32>
        %add3A_1243 = arith.addf %mul3A_1230, %mul3A_1242 : vector<16xf32>
        %add3A_1244 = arith.constant 1 : i32
        %add3A_1245 = arith.addi %mul3A_28, %add3A_1244 : i32
        %get3A_1246 = arith.index_cast %add3A_1245 : i32 to index
        %get3A_1247 = arith.constant 736 : index
        %get3A_1248 = tpu.vector_load %arg9[%get3A_1246, %get3A_1247] {strides = array<i32>} : memref<80x1024xf32, #tpu.memory_space<vmem>>, vector<1x16xf32>,
        %get3A_1249 = vector.shape_cast %get3A_1248 : vector<1x16xf32> to vector<16xf32>
        %mul3A_1250 = arith.mulf %get3A_38, %get3A_1249 : vector<16xf32>
        %add3A_1251 = arith.addf %mul3A_1235, %mul3A_1250 : vector<16xf32>
        %add3A_1252 = arith.constant 2 : i32
        %add3A_1253 = arith.addi %mul3A_28, %add3A_1252 : i32
        %get3A_1254 = arith.index_cast %add3A_1253 : i32 to index
        %get3A_1255 = arith.constant 224 : index
        %get3A_1256 = tpu.vector_load %arg9[%get3A_1254, %get3A_1255] {strides = array<i32>} : memref<80x1024xf32, #tpu.memory_space<vmem>>, vector<1x16xf32>,
        %get3A_1257 = vector.shape_cast %get3A_1256 : vector<1x16xf32> to vector<16xf32>
        %mul3A_1258 = arith.mulf %get3A_42, %get3A_1257 : vector<16xf32>
        %add3A_1259 = arith.addf %add3A_1243, %mul3A_1258 : vector<16xf32>
        %add3A_1260 = arith.constant 2 : i32
        %add3A_1261 = arith.addi %mul3A_28, %add3A_1260 : i32
        %get3A_1262 = arith.index_cast %add3A_1261 : i32 to index
        %get3A_1263 = arith.constant 736 : index
        %get3A_1264 = tpu.vector_load %arg9[%get3A_1262, %get3A_1263] {strides = array<i32>} : memref<80x1024xf32, #tpu.memory_space<vmem>>, vector<1x16xf32>,
        %get3A_1265 = vector.shape_cast %get3A_1264 : vector<1x16xf32> to vector<16xf32>
        %mul3A_1266 = arith.mulf %get3A_42, %get3A_1265 : vector<16xf32>
        %add3A_1267 = arith.addf %add3A_1251, %mul3A_1266 : vector<16xf32>
        %add3A_1268 = arith.constant 3 : i32
        %add3A_1269 = arith.addi %mul3A_28, %add3A_1268 : i32
        %get3A_1270 = arith.index_cast %add3A_1269 : i32 to index
        %get3A_1271 = arith.constant 224 : index
        %get3A_1272 = tpu.vector_load %arg9[%get3A_1270, %get3A_1271] {strides = array<i32>} : memref<80x1024xf32, #tpu.memory_space<vmem>>, vector<1x16xf32>,
        %get3A_1273 = vector.shape_cast %get3A_1272 : vector<1x16xf32> to vector<16xf32>
        %mul3A_1274 = arith.mulf %get3A_46, %get3A_1273 : vector<16xf32>
        %add3A_1275 = arith.addf %add3A_1259, %mul3A_1274 : vector<16xf32>
        %add3A_1276 = arith.constant 3 : i32
        %add3A_1277 = arith.addi %mul3A_28, %add3A_1276 : i32
        %get3A_1278 = arith.index_cast %add3A_1277 : i32 to index
        %get3A_1279 = arith.constant 736 : index
        %get3A_1280 = tpu.vector_load %arg9[%get3A_1278, %get3A_1279] {strides = array<i32>} : memref<80x1024xf32, #tpu.memory_space<vmem>>, vector<1x16xf32>,
        %get3A_1281 = vector.shape_cast %get3A_1280 : vector<1x16xf32> to vector<16xf32>
        %mul3A_1282 = arith.mulf %get3A_46, %get3A_1281 : vector<16xf32>
        %add3A_1283 = arith.addf %add3A_1267, %mul3A_1282 : vector<16xf32>
        %add3A_1284 = arith.constant 4 : i32
        %add3A_1285 = arith.addi %mul3A_28, %add3A_1284 : i32
        %get3A_1286 = arith.index_cast %add3A_1285 : i32 to index
        %get3A_1287 = arith.constant 224 : index
        %get3A_1288 = tpu.vector_load %arg9[%get3A_1286, %get3A_1287] {strides = array<i32>} : memref<80x1024xf32, #tpu.memory_space<vmem>>, vector<1x16xf32>,
        %get3A_1289 = vector.shape_cast %get3A_1288 : vector<1x16xf32> to vector<16xf32>
        %mul3A_1290 = arith.mulf %get3A_50, %get3A_1289 : vector<16xf32>
        %add3A_1291 = arith.addf %add3A_1275, %mul3A_1290 : vector<16xf32>
        %add3A_1292 = arith.constant 4 : i32
        %add3A_1293 = arith.addi %mul3A_28, %add3A_1292 : i32
        %get3A_1294 = arith.index_cast %add3A_1293 : i32 to index
        %get3A_1295 = arith.constant 736 : index
        %get3A_1296 = tpu.vector_load %arg9[%get3A_1294, %get3A_1295] {strides = array<i32>} : memref<80x1024xf32, #tpu.memory_space<vmem>>, vector<1x16xf32>,
        %get3A_1297 = vector.shape_cast %get3A_1296 : vector<1x16xf32> to vector<16xf32>
        %mul3A_1298 = arith.mulf %get3A_50, %get3A_1297 : vector<16xf32>
        %add3A_1299 = arith.addf %add3A_1283, %mul3A_1298 : vector<16xf32>
        %swap3A_1300 = arith.index_cast %scan3A_26 : i32 to index
        %swap3A_1301 = arith.constant 224 : index
        %swap3A_1302 = tpu.vector_load %arg10[%swap3A_1300, %swap3A_1301] {strides = array<i32>} : memref<16x512xf32, #tpu.memory_space<vmem>>, vector<1x16xf32>,
        %swap3A_1303 = vector.shape_cast %swap3A_1302 : vector<1x16xf32> to vector<16xf32>
        %swap3A_1304 = vector.shape_cast %add3A_1291 : vector<16xf32> to vector<1x16xf32>
        tpu.vector_store %arg10[%swap3A_1300, %swap3A_1301], %swap3A_1304 {strides = array<i32>} : memref<16x512xf32, #tpu.memory_space<vmem>>, vector<1x16xf32>,
        %swap3A_1305 = arith.index_cast %scan3A_26 : i32 to index
        %swap3A_1306 = arith.constant 224 : index
        %swap3A_1307 = tpu.vector_load %arg11[%swap3A_1305, %swap3A_1306] {strides = array<i32>} : memref<16x512xf32, #tpu.memory_space<vmem>>, vector<1x16xf32>,
        %swap3A_1308 = vector.shape_cast %swap3A_1307 : vector<1x16xf32> to vector<16xf32>
        %swap3A_1309 = vector.shape_cast %add3A_1299 : vector<16xf32> to vector<1x16xf32>
        tpu.vector_store %arg11[%swap3A_1305, %swap3A_1306], %swap3A_1309 {strides = array<i32>} : memref<16x512xf32, #tpu.memory_space<vmem>>, vector<1x16xf32>,
        %get3A_1310 = arith.index_cast %mul3A_28 : i32 to index
        %get3A_1311 = arith.constant 240 : index
        %get3A_1312 = tpu.vector_load %arg9[%get3A_1310, %get3A_1311] {strides = array<i32>} : memref<80x1024xf32, #tpu.memory_space<vmem>>, vector<1x16xf32>,
        %get3A_1313 = vector.shape_cast %get3A_1312 : vector<1x16xf32> to vector<16xf32>
        %mul3A_1314 = arith.mulf %get3A_34, %get3A_1313 : vector<16xf32>
        %get3A_1315 = arith.index_cast %mul3A_28 : i32 to index
        %get3A_1316 = arith.constant 752 : index
        %get3A_1317 = tpu.vector_load %arg9[%get3A_1315, %get3A_1316] {strides = array<i32>} : memref<80x1024xf32, #tpu.memory_space<vmem>>, vector<1x16xf32>,
        %get3A_1318 = vector.shape_cast %get3A_1317 : vector<1x16xf32> to vector<16xf32>
        %mul3A_1319 = arith.mulf %get3A_34, %get3A_1318 : vector<16xf32>
        %add3A_1320 = arith.constant 1 : i32
        %add3A_1321 = arith.addi %mul3A_28, %add3A_1320 : i32
        %get3A_1322 = arith.index_cast %add3A_1321 : i32 to index
        %get3A_1323 = arith.constant 240 : index
        %get3A_1324 = tpu.vector_load %arg9[%get3A_1322, %get3A_1323] {strides = array<i32>} : memref<80x1024xf32, #tpu.memory_space<vmem>>, vector<1x16xf32>,
        %get3A_1325 = vector.shape_cast %get3A_1324 : vector<1x16xf32> to vector<16xf32>
        %mul3A_1326 = arith.mulf %get3A_38, %get3A_1325 : vector<16xf32>
        %add3A_1327 = arith.addf %mul3A_1314, %mul3A_1326 : vector<16xf32>
        %add3A_1328 = arith.constant 1 : i32
        %add3A_1329 = arith.addi %mul3A_28, %add3A_1328 : i32
        %get3A_1330 = arith.index_cast %add3A_1329 : i32 to index
        %get3A_1331 = arith.constant 752 : index
        %get3A_1332 = tpu.vector_load %arg9[%get3A_1330, %get3A_1331] {strides = array<i32>} : memref<80x1024xf32, #tpu.memory_space<vmem>>, vector<1x16xf32>,
        %get3A_1333 = vector.shape_cast %get3A_1332 : vector<1x16xf32> to vector<16xf32>
        %mul3A_1334 = arith.mulf %get3A_38, %get3A_1333 : vector<16xf32>
        %add3A_1335 = arith.addf %mul3A_1319, %mul3A_1334 : vector<16xf32>
        %add3A_1336 = arith.constant 2 : i32
        %add3A_1337 = arith.addi %mul3A_28, %add3A_1336 : i32
        %get3A_1338 = arith.index_cast %add3A_1337 : i32 to index
        %get3A_1339 = arith.constant 240 : index
        %get3A_1340 = tpu.vector_load %arg9[%get3A_1338, %get3A_1339] {strides = array<i32>} : memref<80x1024xf32, #tpu.memory_space<vmem>>, vector<1x16xf32>,
        %get3A_1341 = vector.shape_cast %get3A_1340 : vector<1x16xf32> to vector<16xf32>
        %mul3A_1342 = arith.mulf %get3A_42, %get3A_1341 : vector<16xf32>
        %add3A_1343 = arith.addf %add3A_1327, %mul3A_1342 : vector<16xf32>
        %add3A_1344 = arith.constant 2 : i32
        %add3A_1345 = arith.addi %mul3A_28, %add3A_1344 : i32
        %get3A_1346 = arith.index_cast %add3A_1345 : i32 to index
        %get3A_1347 = arith.constant 752 : index
        %get3A_1348 = tpu.vector_load %arg9[%get3A_1346, %get3A_1347] {strides = array<i32>} : memref<80x1024xf32, #tpu.memory_space<vmem>>, vector<1x16xf32>,
        %get3A_1349 = vector.shape_cast %get3A_1348 : vector<1x16xf32> to vector<16xf32>
        %mul3A_1350 = arith.mulf %get3A_42, %get3A_1349 : vector<16xf32>
        %add3A_1351 = arith.addf %add3A_1335, %mul3A_1350 : vector<16xf32>
        %add3A_1352 = arith.constant 3 : i32
        %add3A_1353 = arith.addi %mul3A_28, %add3A_1352 : i32
        %get3A_1354 = arith.index_cast %add3A_1353 : i32 to index
        %get3A_1355 = arith.constant 240 : index
        %get3A_1356 = tpu.vector_load %arg9[%get3A_1354, %get3A_1355] {strides = array<i32>} : memref<80x1024xf32, #tpu.memory_space<vmem>>, vector<1x16xf32>,
        %get3A_1357 = vector.shape_cast %get3A_1356 : vector<1x16xf32> to vector<16xf32>
        %mul3A_1358 = arith.mulf %get3A_46, %get3A_1357 : vector<16xf32>
        %add3A_1359 = arith.addf %add3A_1343, %mul3A_1358 : vector<16xf32>
        %add3A_1360 = arith.constant 3 : i32
        %add3A_1361 = arith.addi %mul3A_28, %add3A_1360 : i32
        %get3A_1362 = arith.index_cast %add3A_1361 : i32 to index
        %get3A_1363 = arith.constant 752 : index
        %get3A_1364 = tpu.vector_load %arg9[%get3A_1362, %get3A_1363] {strides = array<i32>} : memref<80x1024xf32, #tpu.memory_space<vmem>>, vector<1x16xf32>,
        %get3A_1365 = vector.shape_cast %get3A_1364 : vector<1x16xf32> to vector<16xf32>
        %mul3A_1366 = arith.mulf %get3A_46, %get3A_1365 : vector<16xf32>
        %add3A_1367 = arith.addf %add3A_1351, %mul3A_1366 : vector<16xf32>
        %add3A_1368 = arith.constant 4 : i32
        %add3A_1369 = arith.addi %mul3A_28, %add3A_1368 : i32
        %get3A_1370 = arith.index_cast %add3A_1369 : i32 to index
        %get3A_1371 = arith.constant 240 : index
        %get3A_1372 = tpu.vector_load %arg9[%get3A_1370, %get3A_1371] {strides = array<i32>} : memref<80x1024xf32, #tpu.memory_space<vmem>>, vector<1x16xf32>,
        %get3A_1373 = vector.shape_cast %get3A_1372 : vector<1x16xf32> to vector<16xf32>
        %mul3A_1374 = arith.mulf %get3A_50, %get3A_1373 : vector<16xf32>
        %add3A_1375 = arith.addf %add3A_1359, %mul3A_1374 : vector<16xf32>
        %add3A_1376 = arith.constant 4 : i32
        %add3A_1377 = arith.addi %mul3A_28, %add3A_1376 : i32
        %get3A_1378 = arith.index_cast %add3A_1377 : i32 to index
        %get3A_1379 = arith.constant 752 : index
        %get3A_1380 = tpu.vector_load %arg9[%get3A_1378, %get3A_1379] {strides = array<i32>} : memref<80x1024xf32, #tpu.memory_space<vmem>>, vector<1x16xf32>,
        %get3A_1381 = vector.shape_cast %get3A_1380 : vector<1x16xf32> to vector<16xf32>
        %mul3A_1382 = arith.mulf %get3A_50, %get3A_1381 : vector<16xf32>
        %add3A_1383 = arith.addf %add3A_1367, %mul3A_1382 : vector<16xf32>
        %swap3A_1384 = arith.index_cast %scan3A_26 : i32 to index
        %swap3A_1385 = arith.constant 240 : index
        %swap3A_1386 = tpu.vector_load %arg10[%swap3A_1384, %swap3A_1385] {strides = array<i32>} : memref<16x512xf32, #tpu.memory_space<vmem>>, vector<1x16xf32>,
        %swap3A_1387 = vector.shape_cast %swap3A_1386 : vector<1x16xf32> to vector<16xf32>
        %swap3A_1388 = vector.shape_cast %add3A_1375 : vector<16xf32> to vector<1x16xf32>
        tpu.vector_store %arg10[%swap3A_1384, %swap3A_1385], %swap3A_1388 {strides = array<i32>} : memref<16x512xf32, #tpu.memory_space<vmem>>, vector<1x16xf32>,
        %swap3A_1389 = arith.index_cast %scan3A_26 : i32 to index
        %swap3A_1390 = arith.constant 240 : index
        %swap3A_1391 = tpu.vector_load %arg11[%swap3A_1389, %swap3A_1390] {strides = array<i32>} : memref<16x512xf32, #tpu.memory_space<vmem>>, vector<1x16xf32>,
        %swap3A_1392 = vector.shape_cast %swap3A_1391 : vector<1x16xf32> to vector<16xf32>
        %swap3A_1393 = vector.shape_cast %add3A_1383 : vector<16xf32> to vector<1x16xf32>
        tpu.vector_store %arg11[%swap3A_1389, %swap3A_1390], %swap3A_1393 {strides = array<i32>} : memref<16x512xf32, #tpu.memory_space<vmem>>, vector<1x16xf32>,
        %get3A_1394 = arith.index_cast %mul3A_28 : i32 to index
        %get3A_1395 = arith.constant 256 : index
        %get3A_1396 = tpu.vector_load %arg9[%get3A_1394, %get3A_1395] {strides = array<i32>} : memref<80x1024xf32, #tpu.memory_space<vmem>>, vector<1x16xf32>,
        %get3A_1397 = vector.shape_cast %get3A_1396 : vector<1x16xf32> to vector<16xf32>
        %mul3A_1398 = arith.mulf %get3A_34, %get3A_1397 : vector<16xf32>
        %get3A_1399 = arith.index_cast %mul3A_28 : i32 to index
        %get3A_1400 = arith.constant 768 : index
        %get3A_1401 = tpu.vector_load %arg9[%get3A_1399, %get3A_1400] {strides = array<i32>} : memref<80x1024xf32, #tpu.memory_space<vmem>>, vector<1x16xf32>,
        %get3A_1402 = vector.shape_cast %get3A_1401 : vector<1x16xf32> to vector<16xf32>
        %mul3A_1403 = arith.mulf %get3A_34, %get3A_1402 : vector<16xf32>
        %add3A_1404 = arith.constant 1 : i32
        %add3A_1405 = arith.addi %mul3A_28, %add3A_1404 : i32
        %get3A_1406 = arith.index_cast %add3A_1405 : i32 to index
        %get3A_1407 = arith.constant 256 : index
        %get3A_1408 = tpu.vector_load %arg9[%get3A_1406, %get3A_1407] {strides = array<i32>} : memref<80x1024xf32, #tpu.memory_space<vmem>>, vector<1x16xf32>,
        %get3A_1409 = vector.shape_cast %get3A_1408 : vector<1x16xf32> to vector<16xf32>
        %mul3A_1410 = arith.mulf %get3A_38, %get3A_1409 : vector<16xf32>
        %add3A_1411 = arith.addf %mul3A_1398, %mul3A_1410 : vector<16xf32>
        %add3A_1412 = arith.constant 1 : i32
        %add3A_1413 = arith.addi %mul3A_28, %add3A_1412 : i32
        %get3A_1414 = arith.index_cast %add3A_1413 : i32 to index
        %get3A_1415 = arith.constant 768 : index
        %get3A_1416 = tpu.vector_load %arg9[%get3A_1414, %get3A_1415] {strides = array<i32>} : memref<80x1024xf32, #tpu.memory_space<vmem>>, vector<1x16xf32>,
        %get3A_1417 = vector.shape_cast %get3A_1416 : vector<1x16xf32> to vector<16xf32>
        %mul3A_1418 = arith.mulf %get3A_38, %get3A_1417 : vector<16xf32>
        %add3A_1419 = arith.addf %mul3A_1403, %mul3A_1418 : vector<16xf32>
        %add3A_1420 = arith.constant 2 : i32
        %add3A_1421 = arith.addi %mul3A_28, %add3A_1420 : i32
        %get3A_1422 = arith.index_cast %add3A_1421 : i32 to index
        %get3A_1423 = arith.constant 256 : index
        %get3A_1424 = tpu.vector_load %arg9[%get3A_1422, %get3A_1423] {strides = array<i32>} : memref<80x1024xf32, #tpu.memory_space<vmem>>, vector<1x16xf32>,
        %get3A_1425 = vector.shape_cast %get3A_1424 : vector<1x16xf32> to vector<16xf32>
        %mul3A_1426 = arith.mulf %get3A_42, %get3A_1425 : vector<16xf32>
        %add3A_1427 = arith.addf %add3A_1411, %mul3A_1426 : vector<16xf32>
        %add3A_1428 = arith.constant 2 : i32
        %add3A_1429 = arith.addi %mul3A_28, %add3A_1428 : i32
        %get3A_1430 = arith.index_cast %add3A_1429 : i32 to index
        %get3A_1431 = arith.constant 768 : index
        %get3A_1432 = tpu.vector_load %arg9[%get3A_1430, %get3A_1431] {strides = array<i32>} : memref<80x1024xf32, #tpu.memory_space<vmem>>, vector<1x16xf32>,
        %get3A_1433 = vector.shape_cast %get3A_1432 : vector<1x16xf32> to vector<16xf32>
        %mul3A_1434 = arith.mulf %get3A_42, %get3A_1433 : vector<16xf32>
        %add3A_1435 = arith.addf %add3A_1419, %mul3A_1434 : vector<16xf32>
        %add3A_1436 = arith.constant 3 : i32
        %add3A_1437 = arith.addi %mul3A_28, %add3A_1436 : i32
        %get3A_1438 = arith.index_cast %add3A_1437 : i32 to index
        %get3A_1439 = arith.constant 256 : index
        %get3A_1440 = tpu.vector_load %arg9[%get3A_1438, %get3A_1439] {strides = array<i32>} : memref<80x1024xf32, #tpu.memory_space<vmem>>, vector<1x16xf32>,
        %get3A_1441 = vector.shape_cast %get3A_1440 : vector<1x16xf32> to vector<16xf32>
        %mul3A_1442 = arith.mulf %get3A_46, %get3A_1441 : vector<16xf32>
        %add3A_1443 = arith.addf %add3A_1427, %mul3A_1442 : vector<16xf32>
        %add3A_1444 = arith.constant 3 : i32
        %add3A_1445 = arith.addi %mul3A_28, %add3A_1444 : i32
        %get3A_1446 = arith.index_cast %add3A_1445 : i32 to index
        %get3A_1447 = arith.constant 768 : index
        %get3A_1448 = tpu.vector_load %arg9[%get3A_1446, %get3A_1447] {strides = array<i32>} : memref<80x1024xf32, #tpu.memory_space<vmem>>, vector<1x16xf32>,
        %get3A_1449 = vector.shape_cast %get3A_1448 : vector<1x16xf32> to vector<16xf32>
        %mul3A_1450 = arith.mulf %get3A_46, %get3A_1449 : vector<16xf32>
        %add3A_1451 = arith.addf %add3A_1435, %mul3A_1450 : vector<16xf32>
        %add3A_1452 = arith.constant 4 : i32
        %add3A_1453 = arith.addi %mul3A_28, %add3A_1452 : i32
        %get3A_1454 = arith.index_cast %add3A_1453 : i32 to index
        %get3A_1455 = arith.constant 256 : index
        %get3A_1456 = tpu.vector_load %arg9[%get3A_1454, %get3A_1455] {strides = array<i32>} : memref<80x1024xf32, #tpu.memory_space<vmem>>, vector<1x16xf32>,
        %get3A_1457 = vector.shape_cast %get3A_1456 : vector<1x16xf32> to vector<16xf32>
        %mul3A_1458 = arith.mulf %get3A_50, %get3A_1457 : vector<16xf32>
        %add3A_1459 = arith.addf %add3A_1443, %mul3A_1458 : vector<16xf32>
        %add3A_1460 = arith.constant 4 : i32
        %add3A_1461 = arith.addi %mul3A_28, %add3A_1460 : i32
        %get3A_1462 = arith.index_cast %add3A_1461 : i32 to index
        %get3A_1463 = arith.constant 768 : index
        %get3A_1464 = tpu.vector_load %arg9[%get3A_1462, %get3A_1463] {strides = array<i32>} : memref<80x1024xf32, #tpu.memory_space<vmem>>, vector<1x16xf32>,
        %get3A_1465 = vector.shape_cast %get3A_1464 : vector<1x16xf32> to vector<16xf32>
        %mul3A_1466 = arith.mulf %get3A_50, %get3A_1465 : vector<16xf32>
        %add3A_1467 = arith.addf %add3A_1451, %mul3A_1466 : vector<16xf32>
        %swap3A_1468 = arith.index_cast %scan3A_26 : i32 to index
        %swap3A_1469 = arith.constant 256 : index
        %swap3A_1470 = tpu.vector_load %arg10[%swap3A_1468, %swap3A_1469] {strides = array<i32>} : memref<16x512xf32, #tpu.memory_space<vmem>>, vector<1x16xf32>,
        %swap3A_1471 = vector.shape_cast %swap3A_1470 : vector<1x16xf32> to vector<16xf32>
        %swap3A_1472 = vector.shape_cast %add3A_1459 : vector<16xf32> to vector<1x16xf32>
        tpu.vector_store %arg10[%swap3A_1468, %swap3A_1469], %swap3A_1472 {strides = array<i32>} : memref<16x512xf32, #tpu.memory_space<vmem>>, vector<1x16xf32>,
        %swap3A_1473 = arith.index_cast %scan3A_26 : i32 to index
        %swap3A_1474 = arith.constant 256 : index
        %swap3A_1475 = tpu.vector_load %arg11[%swap3A_1473, %swap3A_1474] {strides = array<i32>} : memref<16x512xf32, #tpu.memory_space<vmem>>, vector<1x16xf32>,
        %swap3A_1476 = vector.shape_cast %swap3A_1475 : vector<1x16xf32> to vector<16xf32>
        %swap3A_1477 = vector.shape_cast %add3A_1467 : vector<16xf32> to vector<1x16xf32>
        tpu.vector_store %arg11[%swap3A_1473, %swap3A_1474], %swap3A_1477 {strides = array<i32>} : memref<16x512xf32, #tpu.memory_space<vmem>>, vector<1x16xf32>,
        %get3A_1478 = arith.index_cast %mul3A_28 : i32 to index
        %get3A_1479 = arith.constant 272 : index
        %get3A_1480 = tpu.vector_load %arg9[%get3A_1478, %get3A_1479] {strides = array<i32>} : memref<80x1024xf32, #tpu.memory_space<vmem>>, vector<1x16xf32>,
        %get3A_1481 = vector.shape_cast %get3A_1480 : vector<1x16xf32> to vector<16xf32>
        %mul3A_1482 = arith.mulf %get3A_34, %get3A_1481 : vector<16xf32>
        %get3A_1483 = arith.index_cast %mul3A_28 : i32 to index
        %get3A_1484 = arith.constant 784 : index
        %get3A_1485 = tpu.vector_load %arg9[%get3A_1483, %get3A_1484] {strides = array<i32>} : memref<80x1024xf32, #tpu.memory_space<vmem>>, vector<1x16xf32>,
        %get3A_1486 = vector.shape_cast %get3A_1485 : vector<1x16xf32> to vector<16xf32>
        %mul3A_1487 = arith.mulf %get3A_34, %get3A_1486 : vector<16xf32>
        %add3A_1488 = arith.constant 1 : i32
        %add3A_1489 = arith.addi %mul3A_28, %add3A_1488 : i32
        %get3A_1490 = arith.index_cast %add3A_1489 : i32 to index
        %get3A_1491 = arith.constant 272 : index
        %get3A_1492 = tpu.vector_load %arg9[%get3A_1490, %get3A_1491] {strides = array<i32>} : memref<80x1024xf32, #tpu.memory_space<vmem>>, vector<1x16xf32>,
        %get3A_1493 = vector.shape_cast %get3A_1492 : vector<1x16xf32> to vector<16xf32>
        %mul3A_1494 = arith.mulf %get3A_38, %get3A_1493 : vector<16xf32>
        %add3A_1495 = arith.addf %mul3A_1482, %mul3A_1494 : vector<16xf32>
        %add3A_1496 = arith.constant 1 : i32
        %add3A_1497 = arith.addi %mul3A_28, %add3A_1496 : i32
        %get3A_1498 = arith.index_cast %add3A_1497 : i32 to index
        %get3A_1499 = arith.constant 784 : index
        %get3A_1500 = tpu.vector_load %arg9[%get3A_1498, %get3A_1499] {strides = array<i32>} : memref<80x1024xf32, #tpu.memory_space<vmem>>, vector<1x16xf32>,
        %get3A_1501 = vector.shape_cast %get3A_1500 : vector<1x16xf32> to vector<16xf32>
        %mul3A_1502 = arith.mulf %get3A_38, %get3A_1501 : vector<16xf32>
        %add3A_1503 = arith.addf %mul3A_1487, %mul3A_1502 : vector<16xf32>
        %add3A_1504 = arith.constant 2 : i32
        %add3A_1505 = arith.addi %mul3A_28, %add3A_1504 : i32
        %get3A_1506 = arith.index_cast %add3A_1505 : i32 to index
        %get3A_1507 = arith.constant 272 : index
        %get3A_1508 = tpu.vector_load %arg9[%get3A_1506, %get3A_1507] {strides = array<i32>} : memref<80x1024xf32, #tpu.memory_space<vmem>>, vector<1x16xf32>,
        %get3A_1509 = vector.shape_cast %get3A_1508 : vector<1x16xf32> to vector<16xf32>
        %mul3A_1510 = arith.mulf %get3A_42, %get3A_1509 : vector<16xf32>
        %add3A_1511 = arith.addf %add3A_1495, %mul3A_1510 : vector<16xf32>
        %add3A_1512 = arith.constant 2 : i32
        %add3A_1513 = arith.addi %mul3A_28, %add3A_1512 : i32
        %get3A_1514 = arith.index_cast %add3A_1513 : i32 to index
        %get3A_1515 = arith.constant 784 : index
        %get3A_1516 = tpu.vector_load %arg9[%get3A_1514, %get3A_1515] {strides = array<i32>} : memref<80x1024xf32, #tpu.memory_space<vmem>>, vector<1x16xf32>,
        %get3A_1517 = vector.shape_cast %get3A_1516 : vector<1x16xf32> to vector<16xf32>
        %mul3A_1518 = arith.mulf %get3A_42, %get3A_1517 : vector<16xf32>
        %add3A_1519 = arith.addf %add3A_1503, %mul3A_1518 : vector<16xf32>
        %add3A_1520 = arith.constant 3 : i32
        %add3A_1521 = arith.addi %mul3A_28, %add3A_1520 : i32
        %get3A_1522 = arith.index_cast %add3A_1521 : i32 to index
        %get3A_1523 = arith.constant 272 : index
        %get3A_1524 = tpu.vector_load %arg9[%get3A_1522, %get3A_1523] {strides = array<i32>} : memref<80x1024xf32, #tpu.memory_space<vmem>>, vector<1x16xf32>,
        %get3A_1525 = vector.shape_cast %get3A_1524 : vector<1x16xf32> to vector<16xf32>
        %mul3A_1526 = arith.mulf %get3A_46, %get3A_1525 : vector<16xf32>
        %add3A_1527 = arith.addf %add3A_1511, %mul3A_1526 : vector<16xf32>
        %add3A_1528 = arith.constant 3 : i32
        %add3A_1529 = arith.addi %mul3A_28, %add3A_1528 : i32
        %get3A_1530 = arith.index_cast %add3A_1529 : i32 to index
        %get3A_1531 = arith.constant 784 : index
        %get3A_1532 = tpu.vector_load %arg9[%get3A_1530, %get3A_1531] {strides = array<i32>} : memref<80x1024xf32, #tpu.memory_space<vmem>>, vector<1x16xf32>,
        %get3A_1533 = vector.shape_cast %get3A_1532 : vector<1x16xf32> to vector<16xf32>
        %mul3A_1534 = arith.mulf %get3A_46, %get3A_1533 : vector<16xf32>
        %add3A_1535 = arith.addf %add3A_1519, %mul3A_1534 : vector<16xf32>
        %add3A_1536 = arith.constant 4 : i32
        %add3A_1537 = arith.addi %mul3A_28, %add3A_1536 : i32
        %get3A_1538 = arith.index_cast %add3A_1537 : i32 to index
        %get3A_1539 = arith.constant 272 : index
        %get3A_1540 = tpu.vector_load %arg9[%get3A_1538, %get3A_1539] {strides = array<i32>} : memref<80x1024xf32, #tpu.memory_space<vmem>>, vector<1x16xf32>,
        %get3A_1541 = vector.shape_cast %get3A_1540 : vector<1x16xf32> to vector<16xf32>
        %mul3A_1542 = arith.mulf %get3A_50, %get3A_1541 : vector<16xf32>
        %add3A_1543 = arith.addf %add3A_1527, %mul3A_1542 : vector<16xf32>
        %add3A_1544 = arith.constant 4 : i32
        %add3A_1545 = arith.addi %mul3A_28, %add3A_1544 : i32
        %get3A_1546 = arith.index_cast %add3A_1545 : i32 to index
        %get3A_1547 = arith.constant 784 : index
        %get3A_1548 = tpu.vector_load %arg9[%get3A_1546, %get3A_1547] {strides = array<i32>} : memref<80x1024xf32, #tpu.memory_space<vmem>>, vector<1x16xf32>,
        %get3A_1549 = vector.shape_cast %get3A_1548 : vector<1x16xf32> to vector<16xf32>
        %mul3A_1550 = arith.mulf %get3A_50, %get3A_1549 : vector<16xf32>
        %add3A_1551 = arith.addf %add3A_1535, %mul3A_1550 : vector<16xf32>
        %swap3A_1552 = arith.index_cast %scan3A_26 : i32 to index
        %swap3A_1553 = arith.constant 272 : index
        %swap3A_1554 = tpu.vector_load %arg10[%swap3A_1552, %swap3A_1553] {strides = array<i32>} : memref<16x512xf32, #tpu.memory_space<vmem>>, vector<1x16xf32>,
        %swap3A_1555 = vector.shape_cast %swap3A_1554 : vector<1x16xf32> to vector<16xf32>
        %swap3A_1556 = vector.shape_cast %add3A_1543 : vector<16xf32> to vector<1x16xf32>
        tpu.vector_store %arg10[%swap3A_1552, %swap3A_1553], %swap3A_1556 {strides = array<i32>} : memref<16x512xf32, #tpu.memory_space<vmem>>, vector<1x16xf32>,
        %swap3A_1557 = arith.index_cast %scan3A_26 : i32 to index
        %swap3A_1558 = arith.constant 272 : index
        %swap3A_1559 = tpu.vector_load %arg11[%swap3A_1557, %swap3A_1558] {strides = array<i32>} : memref<16x512xf32, #tpu.memory_space<vmem>>, vector<1x16xf32>,
        %swap3A_1560 = vector.shape_cast %swap3A_1559 : vector<1x16xf32> to vector<16xf32>
        %swap3A_1561 = vector.shape_cast %add3A_1551 : vector<16xf32> to vector<1x16xf32>
        tpu.vector_store %arg11[%swap3A_1557, %swap3A_1558], %swap3A_1561 {strides = array<i32>} : memref<16x512xf32, #tpu.memory_space<vmem>>, vector<1x16xf32>,
        %get3A_1562 = arith.index_cast %mul3A_28 : i32 to index
        %get3A_1563 = arith.constant 288 : index
        %get3A_1564 = tpu.vector_load %arg9[%get3A_1562, %get3A_1563] {strides = array<i32>} : memref<80x1024xf32, #tpu.memory_space<vmem>>, vector<1x16xf32>,
        %get3A_1565 = vector.shape_cast %get3A_1564 : vector<1x16xf32> to vector<16xf32>
        %mul3A_1566 = arith.mulf %get3A_34, %get3A_1565 : vector<16xf32>
        %get3A_1567 = arith.index_cast %mul3A_28 : i32 to index
        %get3A_1568 = arith.constant 800 : index
        %get3A_1569 = tpu.vector_load %arg9[%get3A_1567, %get3A_1568] {strides = array<i32>} : memref<80x1024xf32, #tpu.memory_space<vmem>>, vector<1x16xf32>,
        %get3A_1570 = vector.shape_cast %get3A_1569 : vector<1x16xf32> to vector<16xf32>
        %mul3A_1571 = arith.mulf %get3A_34, %get3A_1570 : vector<16xf32>
        %add3A_1572 = arith.constant 1 : i32
        %add3A_1573 = arith.addi %mul3A_28, %add3A_1572 : i32
        %get3A_1574 = arith.index_cast %add3A_1573 : i32 to index
        %get3A_1575 = arith.constant 288 : index
        %get3A_1576 = tpu.vector_load %arg9[%get3A_1574, %get3A_1575] {strides = array<i32>} : memref<80x1024xf32, #tpu.memory_space<vmem>>, vector<1x16xf32>,
        %get3A_1577 = vector.shape_cast %get3A_1576 : vector<1x16xf32> to vector<16xf32>
        %mul3A_1578 = arith.mulf %get3A_38, %get3A_1577 : vector<16xf32>
        %add3A_1579 = arith.addf %mul3A_1566, %mul3A_1578 : vector<16xf32>
        %add3A_1580 = arith.constant 1 : i32
        %add3A_1581 = arith.addi %mul3A_28, %add3A_1580 : i32
        %get3A_1582 = arith.index_cast %add3A_1581 : i32 to index
        %get3A_1583 = arith.constant 800 : index
        %get3A_1584 = tpu.vector_load %arg9[%get3A_1582, %get3A_1583] {strides = array<i32>} : memref<80x1024xf32, #tpu.memory_space<vmem>>, vector<1x16xf32>,
        %get3A_1585 = vector.shape_cast %get3A_1584 : vector<1x16xf32> to vector<16xf32>
        %mul3A_1586 = arith.mulf %get3A_38, %get3A_1585 : vector<16xf32>
        %add3A_1587 = arith.addf %mul3A_1571, %mul3A_1586 : vector<16xf32>
        %add3A_1588 = arith.constant 2 : i32
        %add3A_1589 = arith.addi %mul3A_28, %add3A_1588 : i32
        %get3A_1590 = arith.index_cast %add3A_1589 : i32 to index
        %get3A_1591 = arith.constant 288 : index
        %get3A_1592 = tpu.vector_load %arg9[%get3A_1590, %get3A_1591] {strides = array<i32>} : memref<80x1024xf32, #tpu.memory_space<vmem>>, vector<1x16xf32>,
        %get3A_1593 = vector.shape_cast %get3A_1592 : vector<1x16xf32> to vector<16xf32>
        %mul3A_1594 = arith.mulf %get3A_42, %get3A_1593 : vector<16xf32>
        %add3A_1595 = arith.addf %add3A_1579, %mul3A_1594 : vector<16xf32>
        %add3A_1596 = arith.constant 2 : i32
        %add3A_1597 = arith.addi %mul3A_28, %add3A_1596 : i32
        %get3A_1598 = arith.index_cast %add3A_1597 : i32 to index
        %get3A_1599 = arith.constant 800 : index
        %get3A_1600 = tpu.vector_load %arg9[%get3A_1598, %get3A_1599] {strides = array<i32>} : memref<80x1024xf32, #tpu.memory_space<vmem>>, vector<1x16xf32>,
        %get3A_1601 = vector.shape_cast %get3A_1600 : vector<1x16xf32> to vector<16xf32>
        %mul3A_1602 = arith.mulf %get3A_42, %get3A_1601 : vector<16xf32>
        %add3A_1603 = arith.addf %add3A_1587, %mul3A_1602 : vector<16xf32>
        %add3A_1604 = arith.constant 3 : i32
        %add3A_1605 = arith.addi %mul3A_28, %add3A_1604 : i32
        %get3A_1606 = arith.index_cast %add3A_1605 : i32 to index
        %get3A_1607 = arith.constant 288 : index
        %get3A_1608 = tpu.vector_load %arg9[%get3A_1606, %get3A_1607] {strides = array<i32>} : memref<80x1024xf32, #tpu.memory_space<vmem>>, vector<1x16xf32>,
        %get3A_1609 = vector.shape_cast %get3A_1608 : vector<1x16xf32> to vector<16xf32>
        %mul3A_1610 = arith.mulf %get3A_46, %get3A_1609 : vector<16xf32>
        %add3A_1611 = arith.addf %add3A_1595, %mul3A_1610 : vector<16xf32>
        %add3A_1612 = arith.constant 3 : i32
        %add3A_1613 = arith.addi %mul3A_28, %add3A_1612 : i32
        %get3A_1614 = arith.index_cast %add3A_1613 : i32 to index
        %get3A_1615 = arith.constant 800 : index
        %get3A_1616 = tpu.vector_load %arg9[%get3A_1614, %get3A_1615] {strides = array<i32>} : memref<80x1024xf32, #tpu.memory_space<vmem>>, vector<1x16xf32>,
        %get3A_1617 = vector.shape_cast %get3A_1616 : vector<1x16xf32> to vector<16xf32>
        %mul3A_1618 = arith.mulf %get3A_46, %get3A_1617 : vector<16xf32>
        %add3A_1619 = arith.addf %add3A_1603, %mul3A_1618 : vector<16xf32>
        %add3A_1620 = arith.constant 4 : i32
        %add3A_1621 = arith.addi %mul3A_28, %add3A_1620 : i32
        %get3A_1622 = arith.index_cast %add3A_1621 : i32 to index
        %get3A_1623 = arith.constant 288 : index
        %get3A_1624 = tpu.vector_load %arg9[%get3A_1622, %get3A_1623] {strides = array<i32>} : memref<80x1024xf32, #tpu.memory_space<vmem>>, vector<1x16xf32>,
        %get3A_1625 = vector.shape_cast %get3A_1624 : vector<1x16xf32> to vector<16xf32>
        %mul3A_1626 = arith.mulf %get3A_50, %get3A_1625 : vector<16xf32>
        %add3A_1627 = arith.addf %add3A_1611, %mul3A_1626 : vector<16xf32>
        %add3A_1628 = arith.constant 4 : i32
        %add3A_1629 = arith.addi %mul3A_28, %add3A_1628 : i32
        %get3A_1630 = arith.index_cast %add3A_1629 : i32 to index
        %get3A_1631 = arith.constant 800 : index
        %get3A_1632 = tpu.vector_load %arg9[%get3A_1630, %get3A_1631] {strides = array<i32>} : memref<80x1024xf32, #tpu.memory_space<vmem>>, vector<1x16xf32>,
        %get3A_1633 = vector.shape_cast %get3A_1632 : vector<1x16xf32> to vector<16xf32>
        %mul3A_1634 = arith.mulf %get3A_50, %get3A_1633 : vector<16xf32>
        %add3A_1635 = arith.addf %add3A_1619, %mul3A_1634 : vector<16xf32>
        %swap3A_1636 = arith.index_cast %scan3A_26 : i32 to index
        %swap3A_1637 = arith.constant 288 : index
        %swap3A_1638 = tpu.vector_load %arg10[%swap3A_1636, %swap3A_1637] {strides = array<i32>} : memref<16x512xf32, #tpu.memory_space<vmem>>, vector<1x16xf32>,
        %swap3A_1639 = vector.shape_cast %swap3A_1638 : vector<1x16xf32> to vector<16xf32>
        %swap3A_1640 = vector.shape_cast %add3A_1627 : vector<16xf32> to vector<1x16xf32>
        tpu.vector_store %arg10[%swap3A_1636, %swap3A_1637], %swap3A_1640 {strides = array<i32>} : memref<16x512xf32, #tpu.memory_space<vmem>>, vector<1x16xf32>,
        %swap3A_1641 = arith.index_cast %scan3A_26 : i32 to index
        %swap3A_1642 = arith.constant 288 : index
        %swap3A_1643 = tpu.vector_load %arg11[%swap3A_1641, %swap3A_1642] {strides = array<i32>} : memref<16x512xf32, #tpu.memory_space<vmem>>, vector<1x16xf32>,
        %swap3A_1644 = vector.shape_cast %swap3A_1643 : vector<1x16xf32> to vector<16xf32>
        %swap3A_1645 = vector.shape_cast %add3A_1635 : vector<16xf32> to vector<1x16xf32>
        tpu.vector_store %arg11[%swap3A_1641, %swap3A_1642], %swap3A_1645 {strides = array<i32>} : memref<16x512xf32, #tpu.memory_space<vmem>>, vector<1x16xf32>,
        %get3A_1646 = arith.index_cast %mul3A_28 : i32 to index
        %get3A_1647 = arith.constant 304 : index
        %get3A_1648 = tpu.vector_load %arg9[%get3A_1646, %get3A_1647] {strides = array<i32>} : memref<80x1024xf32, #tpu.memory_space<vmem>>, vector<1x16xf32>,
        %get3A_1649 = vector.shape_cast %get3A_1648 : vector<1x16xf32> to vector<16xf32>
        %mul3A_1650 = arith.mulf %get3A_34, %get3A_1649 : vector<16xf32>
        %get3A_1651 = arith.index_cast %mul3A_28 : i32 to index
        %get3A_1652 = arith.constant 816 : index
        %get3A_1653 = tpu.vector_load %arg9[%get3A_1651, %get3A_1652] {strides = array<i32>} : memref<80x1024xf32, #tpu.memory_space<vmem>>, vector<1x16xf32>,
        %get3A_1654 = vector.shape_cast %get3A_1653 : vector<1x16xf32> to vector<16xf32>
        %mul3A_1655 = arith.mulf %get3A_34, %get3A_1654 : vector<16xf32>
        %add3A_1656 = arith.constant 1 : i32
        %add3A_1657 = arith.addi %mul3A_28, %add3A_1656 : i32
        %get3A_1658 = arith.index_cast %add3A_1657 : i32 to index
        %get3A_1659 = arith.constant 304 : index
        %get3A_1660 = tpu.vector_load %arg9[%get3A_1658, %get3A_1659] {strides = array<i32>} : memref<80x1024xf32, #tpu.memory_space<vmem>>, vector<1x16xf32>,
        %get3A_1661 = vector.shape_cast %get3A_1660 : vector<1x16xf32> to vector<16xf32>
        %mul3A_1662 = arith.mulf %get3A_38, %get3A_1661 : vector<16xf32>
        %add3A_1663 = arith.addf %mul3A_1650, %mul3A_1662 : vector<16xf32>
        %add3A_1664 = arith.constant 1 : i32
        %add3A_1665 = arith.addi %mul3A_28, %add3A_1664 : i32
        %get3A_1666 = arith.index_cast %add3A_1665 : i32 to index
        %get3A_1667 = arith.constant 816 : index
        %get3A_1668 = tpu.vector_load %arg9[%get3A_1666, %get3A_1667] {strides = array<i32>} : memref<80x1024xf32, #tpu.memory_space<vmem>>, vector<1x16xf32>,
        %get3A_1669 = vector.shape_cast %get3A_1668 : vector<1x16xf32> to vector<16xf32>
        %mul3A_1670 = arith.mulf %get3A_38, %get3A_1669 : vector<16xf32>
        %add3A_1671 = arith.addf %mul3A_1655, %mul3A_1670 : vector<16xf32>
        %add3A_1672 = arith.constant 2 : i32
        %add3A_1673 = arith.addi %mul3A_28, %add3A_1672 : i32
        %get3A_1674 = arith.index_cast %add3A_1673 : i32 to index
        %get3A_1675 = arith.constant 304 : index
        %get3A_1676 = tpu.vector_load %arg9[%get3A_1674, %get3A_1675] {strides = array<i32>} : memref<80x1024xf32, #tpu.memory_space<vmem>>, vector<1x16xf32>,
        %get3A_1677 = vector.shape_cast %get3A_1676 : vector<1x16xf32> to vector<16xf32>
        %mul3A_1678 = arith.mulf %get3A_42, %get3A_1677 : vector<16xf32>
        %add3A_1679 = arith.addf %add3A_1663, %mul3A_1678 : vector<16xf32>
        %add3A_1680 = arith.constant 2 : i32
        %add3A_1681 = arith.addi %mul3A_28, %add3A_1680 : i32
        %get3A_1682 = arith.index_cast %add3A_1681 : i32 to index
        %get3A_1683 = arith.constant 816 : index
        %get3A_1684 = tpu.vector_load %arg9[%get3A_1682, %get3A_1683] {strides = array<i32>} : memref<80x1024xf32, #tpu.memory_space<vmem>>, vector<1x16xf32>,
        %get3A_1685 = vector.shape_cast %get3A_1684 : vector<1x16xf32> to vector<16xf32>
        %mul3A_1686 = arith.mulf %get3A_42, %get3A_1685 : vector<16xf32>
        %add3A_1687 = arith.addf %add3A_1671, %mul3A_1686 : vector<16xf32>
        %add3A_1688 = arith.constant 3 : i32
        %add3A_1689 = arith.addi %mul3A_28, %add3A_1688 : i32
        %get3A_1690 = arith.index_cast %add3A_1689 : i32 to index
        %get3A_1691 = arith.constant 304 : index
        %get3A_1692 = tpu.vector_load %arg9[%get3A_1690, %get3A_1691] {strides = array<i32>} : memref<80x1024xf32, #tpu.memory_space<vmem>>, vector<1x16xf32>,
        %get3A_1693 = vector.shape_cast %get3A_1692 : vector<1x16xf32> to vector<16xf32>
        %mul3A_1694 = arith.mulf %get3A_46, %get3A_1693 : vector<16xf32>
        %add3A_1695 = arith.addf %add3A_1679, %mul3A_1694 : vector<16xf32>
        %add3A_1696 = arith.constant 3 : i32
        %add3A_1697 = arith.addi %mul3A_28, %add3A_1696 : i32
        %get3A_1698 = arith.index_cast %add3A_1697 : i32 to index
        %get3A_1699 = arith.constant 816 : index
        %get3A_1700 = tpu.vector_load %arg9[%get3A_1698, %get3A_1699] {strides = array<i32>} : memref<80x1024xf32, #tpu.memory_space<vmem>>, vector<1x16xf32>,
        %get3A_1701 = vector.shape_cast %get3A_1700 : vector<1x16xf32> to vector<16xf32>
        %mul3A_1702 = arith.mulf %get3A_46, %get3A_1701 : vector<16xf32>
        %add3A_1703 = arith.addf %add3A_1687, %mul3A_1702 : vector<16xf32>
        %add3A_1704 = arith.constant 4 : i32
        %add3A_1705 = arith.addi %mul3A_28, %add3A_1704 : i32
        %get3A_1706 = arith.index_cast %add3A_1705 : i32 to index
        %get3A_1707 = arith.constant 304 : index
        %get3A_1708 = tpu.vector_load %arg9[%get3A_1706, %get3A_1707] {strides = array<i32>} : memref<80x1024xf32, #tpu.memory_space<vmem>>, vector<1x16xf32>,
        %get3A_1709 = vector.shape_cast %get3A_1708 : vector<1x16xf32> to vector<16xf32>
        %mul3A_1710 = arith.mulf %get3A_50, %get3A_1709 : vector<16xf32>
        %add3A_1711 = arith.addf %add3A_1695, %mul3A_1710 : vector<16xf32>
        %add3A_1712 = arith.constant 4 : i32
        %add3A_1713 = arith.addi %mul3A_28, %add3A_1712 : i32
        %get3A_1714 = arith.index_cast %add3A_1713 : i32 to index
        %get3A_1715 = arith.constant 816 : index
        %get3A_1716 = tpu.vector_load %arg9[%get3A_1714, %get3A_1715] {strides = array<i32>} : memref<80x1024xf32, #tpu.memory_space<vmem>>, vector<1x16xf32>,
        %get3A_1717 = vector.shape_cast %get3A_1716 : vector<1x16xf32> to vector<16xf32>
        %mul3A_1718 = arith.mulf %get3A_50, %get3A_1717 : vector<16xf32>
        %add3A_1719 = arith.addf %add3A_1703, %mul3A_1718 : vector<16xf32>
        %swap3A_1720 = arith.index_cast %scan3A_26 : i32 to index
        %swap3A_1721 = arith.constant 304 : index
        %swap3A_1722 = tpu.vector_load %arg10[%swap3A_1720, %swap3A_1721] {strides = array<i32>} : memref<16x512xf32, #tpu.memory_space<vmem>>, vector<1x16xf32>,
        %swap3A_1723 = vector.shape_cast %swap3A_1722 : vector<1x16xf32> to vector<16xf32>
        %swap3A_1724 = vector.shape_cast %add3A_1711 : vector<16xf32> to vector<1x16xf32>
        tpu.vector_store %arg10[%swap3A_1720, %swap3A_1721], %swap3A_1724 {strides = array<i32>} : memref<16x512xf32, #tpu.memory_space<vmem>>, vector<1x16xf32>,
        %swap3A_1725 = arith.index_cast %scan3A_26 : i32 to index
        %swap3A_1726 = arith.constant 304 : index
        %swap3A_1727 = tpu.vector_load %arg11[%swap3A_1725, %swap3A_1726] {strides = array<i32>} : memref<16x512xf32, #tpu.memory_space<vmem>>, vector<1x16xf32>,
        %swap3A_1728 = vector.shape_cast %swap3A_1727 : vector<1x16xf32> to vector<16xf32>
        %swap3A_1729 = vector.shape_cast %add3A_1719 : vector<16xf32> to vector<1x16xf32>
        tpu.vector_store %arg11[%swap3A_1725, %swap3A_1726], %swap3A_1729 {strides = array<i32>} : memref<16x512xf32, #tpu.memory_space<vmem>>, vector<1x16xf32>,
        %get3A_1730 = arith.index_cast %mul3A_28 : i32 to index
        %get3A_1731 = arith.constant 320 : index
        %get3A_1732 = tpu.vector_load %arg9[%get3A_1730, %get3A_1731] {strides = array<i32>} : memref<80x1024xf32, #tpu.memory_space<vmem>>, vector<1x16xf32>,
        %get3A_1733 = vector.shape_cast %get3A_1732 : vector<1x16xf32> to vector<16xf32>
        %mul3A_1734 = arith.mulf %get3A_34, %get3A_1733 : vector<16xf32>
        %get3A_1735 = arith.index_cast %mul3A_28 : i32 to index
        %get3A_1736 = arith.constant 832 : index
        %get3A_1737 = tpu.vector_load %arg9[%get3A_1735, %get3A_1736] {strides = array<i32>} : memref<80x1024xf32, #tpu.memory_space<vmem>>, vector<1x16xf32>,
        %get3A_1738 = vector.shape_cast %get3A_1737 : vector<1x16xf32> to vector<16xf32>
        %mul3A_1739 = arith.mulf %get3A_34, %get3A_1738 : vector<16xf32>
        %add3A_1740 = arith.constant 1 : i32
        %add3A_1741 = arith.addi %mul3A_28, %add3A_1740 : i32
        %get3A_1742 = arith.index_cast %add3A_1741 : i32 to index
        %get3A_1743 = arith.constant 320 : index
        %get3A_1744 = tpu.vector_load %arg9[%get3A_1742, %get3A_1743] {strides = array<i32>} : memref<80x1024xf32, #tpu.memory_space<vmem>>, vector<1x16xf32>,
        %get3A_1745 = vector.shape_cast %get3A_1744 : vector<1x16xf32> to vector<16xf32>
        %mul3A_1746 = arith.mulf %get3A_38, %get3A_1745 : vector<16xf32>
        %add3A_1747 = arith.addf %mul3A_1734, %mul3A_1746 : vector<16xf32>
        %add3A_1748 = arith.constant 1 : i32
        %add3A_1749 = arith.addi %mul3A_28, %add3A_1748 : i32
        %get3A_1750 = arith.index_cast %add3A_1749 : i32 to index
        %get3A_1751 = arith.constant 832 : index
        %get3A_1752 = tpu.vector_load %arg9[%get3A_1750, %get3A_1751] {strides = array<i32>} : memref<80x1024xf32, #tpu.memory_space<vmem>>, vector<1x16xf32>,
        %get3A_1753 = vector.shape_cast %get3A_1752 : vector<1x16xf32> to vector<16xf32>
        %mul3A_1754 = arith.mulf %get3A_38, %get3A_1753 : vector<16xf32>
        %add3A_1755 = arith.addf %mul3A_1739, %mul3A_1754 : vector<16xf32>
        %add3A_1756 = arith.constant 2 : i32
        %add3A_1757 = arith.addi %mul3A_28, %add3A_1756 : i32
        %get3A_1758 = arith.index_cast %add3A_1757 : i32 to index
        %get3A_1759 = arith.constant 320 : index
        %get3A_1760 = tpu.vector_load %arg9[%get3A_1758, %get3A_1759] {strides = array<i32>} : memref<80x1024xf32, #tpu.memory_space<vmem>>, vector<1x16xf32>,
        %get3A_1761 = vector.shape_cast %get3A_1760 : vector<1x16xf32> to vector<16xf32>
        %mul3A_1762 = arith.mulf %get3A_42, %get3A_1761 : vector<16xf32>
        %add3A_1763 = arith.addf %add3A_1747, %mul3A_1762 : vector<16xf32>
        %add3A_1764 = arith.constant 2 : i32
        %add3A_1765 = arith.addi %mul3A_28, %add3A_1764 : i32
        %get3A_1766 = arith.index_cast %add3A_1765 : i32 to index
        %get3A_1767 = arith.constant 832 : index
        %get3A_1768 = tpu.vector_load %arg9[%get3A_1766, %get3A_1767] {strides = array<i32>} : memref<80x1024xf32, #tpu.memory_space<vmem>>, vector<1x16xf32>,
        %get3A_1769 = vector.shape_cast %get3A_1768 : vector<1x16xf32> to vector<16xf32>
        %mul3A_1770 = arith.mulf %get3A_42, %get3A_1769 : vector<16xf32>
        %add3A_1771 = arith.addf %add3A_1755, %mul3A_1770 : vector<16xf32>
        %add3A_1772 = arith.constant 3 : i32
        %add3A_1773 = arith.addi %mul3A_28, %add3A_1772 : i32
        %get3A_1774 = arith.index_cast %add3A_1773 : i32 to index
        %get3A_1775 = arith.constant 320 : index
        %get3A_1776 = tpu.vector_load %arg9[%get3A_1774, %get3A_1775] {strides = array<i32>} : memref<80x1024xf32, #tpu.memory_space<vmem>>, vector<1x16xf32>,
        %get3A_1777 = vector.shape_cast %get3A_1776 : vector<1x16xf32> to vector<16xf32>
        %mul3A_1778 = arith.mulf %get3A_46, %get3A_1777 : vector<16xf32>
        %add3A_1779 = arith.addf %add3A_1763, %mul3A_1778 : vector<16xf32>
        %add3A_1780 = arith.constant 3 : i32
        %add3A_1781 = arith.addi %mul3A_28, %add3A_1780 : i32
        %get3A_1782 = arith.index_cast %add3A_1781 : i32 to index
        %get3A_1783 = arith.constant 832 : index
        %get3A_1784 = tpu.vector_load %arg9[%get3A_1782, %get3A_1783] {strides = array<i32>} : memref<80x1024xf32, #tpu.memory_space<vmem>>, vector<1x16xf32>,
        %get3A_1785 = vector.shape_cast %get3A_1784 : vector<1x16xf32> to vector<16xf32>
        %mul3A_1786 = arith.mulf %get3A_46, %get3A_1785 : vector<16xf32>
        %add3A_1787 = arith.addf %add3A_1771, %mul3A_1786 : vector<16xf32>
        %add3A_1788 = arith.constant 4 : i32
        %add3A_1789 = arith.addi %mul3A_28, %add3A_1788 : i32
        %get3A_1790 = arith.index_cast %add3A_1789 : i32 to index
        %get3A_1791 = arith.constant 320 : index
        %get3A_1792 = tpu.vector_load %arg9[%get3A_1790, %get3A_1791] {strides = array<i32>} : memref<80x1024xf32, #tpu.memory_space<vmem>>, vector<1x16xf32>,
        %get3A_1793 = vector.shape_cast %get3A_1792 : vector<1x16xf32> to vector<16xf32>
        %mul3A_1794 = arith.mulf %get3A_50, %get3A_1793 : vector<16xf32>
        %add3A_1795 = arith.addf %add3A_1779, %mul3A_1794 : vector<16xf32>
        %add3A_1796 = arith.constant 4 : i32
        %add3A_1797 = arith.addi %mul3A_28, %add3A_1796 : i32
        %get3A_1798 = arith.index_cast %add3A_1797 : i32 to index
        %get3A_1799 = arith.constant 832 : index
        %get3A_1800 = tpu.vector_load %arg9[%get3A_1798, %get3A_1799] {strides = array<i32>} : memref<80x1024xf32, #tpu.memory_space<vmem>>, vector<1x16xf32>,
        %get3A_1801 = vector.shape_cast %get3A_1800 : vector<1x16xf32> to vector<16xf32>
        %mul3A_1802 = arith.mulf %get3A_50, %get3A_1801 : vector<16xf32>
        %add3A_1803 = arith.addf %add3A_1787, %mul3A_1802 : vector<16xf32>
        %swap3A_1804 = arith.index_cast %scan3A_26 : i32 to index
        %swap3A_1805 = arith.constant 320 : index
        %swap3A_1806 = tpu.vector_load %arg10[%swap3A_1804, %swap3A_1805] {strides = array<i32>} : memref<16x512xf32, #tpu.memory_space<vmem>>, vector<1x16xf32>,
        %swap3A_1807 = vector.shape_cast %swap3A_1806 : vector<1x16xf32> to vector<16xf32>
        %swap3A_1808 = vector.shape_cast %add3A_1795 : vector<16xf32> to vector<1x16xf32>
        tpu.vector_store %arg10[%swap3A_1804, %swap3A_1805], %swap3A_1808 {strides = array<i32>} : memref<16x512xf32, #tpu.memory_space<vmem>>, vector<1x16xf32>,
        %swap3A_1809 = arith.index_cast %scan3A_26 : i32 to index
        %swap3A_1810 = arith.constant 320 : index
        %swap3A_1811 = tpu.vector_load %arg11[%swap3A_1809, %swap3A_1810] {strides = array<i32>} : memref<16x512xf32, #tpu.memory_space<vmem>>, vector<1x16xf32>,
        %swap3A_1812 = vector.shape_cast %swap3A_1811 : vector<1x16xf32> to vector<16xf32>
        %swap3A_1813 = vector.shape_cast %add3A_1803 : vector<16xf32> to vector<1x16xf32>
        tpu.vector_store %arg11[%swap3A_1809, %swap3A_1810], %swap3A_1813 {strides = array<i32>} : memref<16x512xf32, #tpu.memory_space<vmem>>, vector<1x16xf32>,
        %get3A_1814 = arith.index_cast %mul3A_28 : i32 to index
        %get3A_1815 = arith.constant 336 : index
        %get3A_1816 = tpu.vector_load %arg9[%get3A_1814, %get3A_1815] {strides = array<i32>} : memref<80x1024xf32, #tpu.memory_space<vmem>>, vector<1x16xf32>,
        %get3A_1817 = vector.shape_cast %get3A_1816 : vector<1x16xf32> to vector<16xf32>
        %mul3A_1818 = arith.mulf %get3A_34, %get3A_1817 : vector<16xf32>
        %get3A_1819 = arith.index_cast %mul3A_28 : i32 to index
        %get3A_1820 = arith.constant 848 : index
        %get3A_1821 = tpu.vector_load %arg9[%get3A_1819, %get3A_1820] {strides = array<i32>} : memref<80x1024xf32, #tpu.memory_space<vmem>>, vector<1x16xf32>,
        %get3A_1822 = vector.shape_cast %get3A_1821 : vector<1x16xf32> to vector<16xf32>
        %mul3A_1823 = arith.mulf %get3A_34, %get3A_1822 : vector<16xf32>
        %add3A_1824 = arith.constant 1 : i32
        %add3A_1825 = arith.addi %mul3A_28, %add3A_1824 : i32
        %get3A_1826 = arith.index_cast %add3A_1825 : i32 to index
        %get3A_1827 = arith.constant 336 : index
        %get3A_1828 = tpu.vector_load %arg9[%get3A_1826, %get3A_1827] {strides = array<i32>} : memref<80x1024xf32, #tpu.memory_space<vmem>>, vector<1x16xf32>,
        %get3A_1829 = vector.shape_cast %get3A_1828 : vector<1x16xf32> to vector<16xf32>
        %mul3A_1830 = arith.mulf %get3A_38, %get3A_1829 : vector<16xf32>
        %add3A_1831 = arith.addf %mul3A_1818, %mul3A_1830 : vector<16xf32>
        %add3A_1832 = arith.constant 1 : i32
        %add3A_1833 = arith.addi %mul3A_28, %add3A_1832 : i32
        %get3A_1834 = arith.index_cast %add3A_1833 : i32 to index
        %get3A_1835 = arith.constant 848 : index
        %get3A_1836 = tpu.vector_load %arg9[%get3A_1834, %get3A_1835] {strides = array<i32>} : memref<80x1024xf32, #tpu.memory_space<vmem>>, vector<1x16xf32>,
        %get3A_1837 = vector.shape_cast %get3A_1836 : vector<1x16xf32> to vector<16xf32>
        %mul3A_1838 = arith.mulf %get3A_38, %get3A_1837 : vector<16xf32>
        %add3A_1839 = arith.addf %mul3A_1823, %mul3A_1838 : vector<16xf32>
        %add3A_1840 = arith.constant 2 : i32
        %add3A_1841 = arith.addi %mul3A_28, %add3A_1840 : i32
        %get3A_1842 = arith.index_cast %add3A_1841 : i32 to index
        %get3A_1843 = arith.constant 336 : index
        %get3A_1844 = tpu.vector_load %arg9[%get3A_1842, %get3A_1843] {strides = array<i32>} : memref<80x1024xf32, #tpu.memory_space<vmem>>, vector<1x16xf32>,
        %get3A_1845 = vector.shape_cast %get3A_1844 : vector<1x16xf32> to vector<16xf32>
        %mul3A_1846 = arith.mulf %get3A_42, %get3A_1845 : vector<16xf32>
        %add3A_1847 = arith.addf %add3A_1831, %mul3A_1846 : vector<16xf32>
        %add3A_1848 = arith.constant 2 : i32
        %add3A_1849 = arith.addi %mul3A_28, %add3A_1848 : i32
        %get3A_1850 = arith.index_cast %add3A_1849 : i32 to index
        %get3A_1851 = arith.constant 848 : index
        %get3A_1852 = tpu.vector_load %arg9[%get3A_1850, %get3A_1851] {strides = array<i32>} : memref<80x1024xf32, #tpu.memory_space<vmem>>, vector<1x16xf32>,
        %get3A_1853 = vector.shape_cast %get3A_1852 : vector<1x16xf32> to vector<16xf32>
        %mul3A_1854 = arith.mulf %get3A_42, %get3A_1853 : vector<16xf32>
        %add3A_1855 = arith.addf %add3A_1839, %mul3A_1854 : vector<16xf32>
        %add3A_1856 = arith.constant 3 : i32
        %add3A_1857 = arith.addi %mul3A_28, %add3A_1856 : i32
        %get3A_1858 = arith.index_cast %add3A_1857 : i32 to index
        %get3A_1859 = arith.constant 336 : index
        %get3A_1860 = tpu.vector_load %arg9[%get3A_1858, %get3A_1859] {strides = array<i32>} : memref<80x1024xf32, #tpu.memory_space<vmem>>, vector<1x16xf32>,
        %get3A_1861 = vector.shape_cast %get3A_1860 : vector<1x16xf32> to vector<16xf32>
        %mul3A_1862 = arith.mulf %get3A_46, %get3A_1861 : vector<16xf32>
        %add3A_1863 = arith.addf %add3A_1847, %mul3A_1862 : vector<16xf32>
        %add3A_1864 = arith.constant 3 : i32
        %add3A_1865 = arith.addi %mul3A_28, %add3A_1864 : i32
        %get3A_1866 = arith.index_cast %add3A_1865 : i32 to index
        %get3A_1867 = arith.constant 848 : index
        %get3A_1868 = tpu.vector_load %arg9[%get3A_1866, %get3A_1867] {strides = array<i32>} : memref<80x1024xf32, #tpu.memory_space<vmem>>, vector<1x16xf32>,
        %get3A_1869 = vector.shape_cast %get3A_1868 : vector<1x16xf32> to vector<16xf32>
        %mul3A_1870 = arith.mulf %get3A_46, %get3A_1869 : vector<16xf32>
        %add3A_1871 = arith.addf %add3A_1855, %mul3A_1870 : vector<16xf32>
        %add3A_1872 = arith.constant 4 : i32
        %add3A_1873 = arith.addi %mul3A_28, %add3A_1872 : i32
        %get3A_1874 = arith.index_cast %add3A_1873 : i32 to index
        %get3A_1875 = arith.constant 336 : index
        %get3A_1876 = tpu.vector_load %arg9[%get3A_1874, %get3A_1875] {strides = array<i32>} : memref<80x1024xf32, #tpu.memory_space<vmem>>, vector<1x16xf32>,
        %get3A_1877 = vector.shape_cast %get3A_1876 : vector<1x16xf32> to vector<16xf32>
        %mul3A_1878 = arith.mulf %get3A_50, %get3A_1877 : vector<16xf32>
        %add3A_1879 = arith.addf %add3A_1863, %mul3A_1878 : vector<16xf32>
        %add3A_1880 = arith.constant 4 : i32
        %add3A_1881 = arith.addi %mul3A_28, %add3A_1880 : i32
        %get3A_1882 = arith.index_cast %add3A_1881 : i32 to index
        %get3A_1883 = arith.constant 848 : index
        %get3A_1884 = tpu.vector_load %arg9[%get3A_1882, %get3A_1883] {strides = array<i32>} : memref<80x1024xf32, #tpu.memory_space<vmem>>, vector<1x16xf32>,
        %get3A_1885 = vector.shape_cast %get3A_1884 : vector<1x16xf32> to vector<16xf32>
        %mul3A_1886 = arith.mulf %get3A_50, %get3A_1885 : vector<16xf32>
        %add3A_1887 = arith.addf %add3A_1871, %mul3A_1886 : vector<16xf32>
        %swap3A_1888 = arith.index_cast %scan3A_26 : i32 to index
        %swap3A_1889 = arith.constant 336 : index
        %swap3A_1890 = tpu.vector_load %arg10[%swap3A_1888, %swap3A_1889] {strides = array<i32>} : memref<16x512xf32, #tpu.memory_space<vmem>>, vector<1x16xf32>,
        %swap3A_1891 = vector.shape_cast %swap3A_1890 : vector<1x16xf32> to vector<16xf32>
        %swap3A_1892 = vector.shape_cast %add3A_1879 : vector<16xf32> to vector<1x16xf32>
        tpu.vector_store %arg10[%swap3A_1888, %swap3A_1889], %swap3A_1892 {strides = array<i32>} : memref<16x512xf32, #tpu.memory_space<vmem>>, vector<1x16xf32>,
        %swap3A_1893 = arith.index_cast %scan3A_26 : i32 to index
        %swap3A_1894 = arith.constant 336 : index
        %swap3A_1895 = tpu.vector_load %arg11[%swap3A_1893, %swap3A_1894] {strides = array<i32>} : memref<16x512xf32, #tpu.memory_space<vmem>>, vector<1x16xf32>,
        %swap3A_1896 = vector.shape_cast %swap3A_1895 : vector<1x16xf32> to vector<16xf32>
        %swap3A_1897 = vector.shape_cast %add3A_1887 : vector<16xf32> to vector<1x16xf32>
        tpu.vector_store %arg11[%swap3A_1893, %swap3A_1894], %swap3A_1897 {strides = array<i32>} : memref<16x512xf32, #tpu.memory_space<vmem>>, vector<1x16xf32>,
        %get3A_1898 = arith.index_cast %mul3A_28 : i32 to index
        %get3A_1899 = arith.constant 352 : index
        %get3A_1900 = tpu.vector_load %arg9[%get3A_1898, %get3A_1899] {strides = array<i32>} : memref<80x1024xf32, #tpu.memory_space<vmem>>, vector<1x16xf32>,
        %get3A_1901 = vector.shape_cast %get3A_1900 : vector<1x16xf32> to vector<16xf32>
        %mul3A_1902 = arith.mulf %get3A_34, %get3A_1901 : vector<16xf32>
        %get3A_1903 = arith.index_cast %mul3A_28 : i32 to index
        %get3A_1904 = arith.constant 864 : index
        %get3A_1905 = tpu.vector_load %arg9[%get3A_1903, %get3A_1904] {strides = array<i32>} : memref<80x1024xf32, #tpu.memory_space<vmem>>, vector<1x16xf32>,
        %get3A_1906 = vector.shape_cast %get3A_1905 : vector<1x16xf32> to vector<16xf32>
        %mul3A_1907 = arith.mulf %get3A_34, %get3A_1906 : vector<16xf32>
        %add3A_1908 = arith.constant 1 : i32
        %add3A_1909 = arith.addi %mul3A_28, %add3A_1908 : i32
        %get3A_1910 = arith.index_cast %add3A_1909 : i32 to index
        %get3A_1911 = arith.constant 352 : index
        %get3A_1912 = tpu.vector_load %arg9[%get3A_1910, %get3A_1911] {strides = array<i32>} : memref<80x1024xf32, #tpu.memory_space<vmem>>, vector<1x16xf32>,
        %get3A_1913 = vector.shape_cast %get3A_1912 : vector<1x16xf32> to vector<16xf32>
        %mul3A_1914 = arith.mulf %get3A_38, %get3A_1913 : vector<16xf32>
        %add3A_1915 = arith.addf %mul3A_1902, %mul3A_1914 : vector<16xf32>
        %add3A_1916 = arith.constant 1 : i32
        %add3A_1917 = arith.addi %mul3A_28, %add3A_1916 : i32
        %get3A_1918 = arith.index_cast %add3A_1917 : i32 to index
        %get3A_1919 = arith.constant 864 : index
        %get3A_1920 = tpu.vector_load %arg9[%get3A_1918, %get3A_1919] {strides = array<i32>} : memref<80x1024xf32, #tpu.memory_space<vmem>>, vector<1x16xf32>,
        %get3A_1921 = vector.shape_cast %get3A_1920 : vector<1x16xf32> to vector<16xf32>
        %mul3A_1922 = arith.mulf %get3A_38, %get3A_1921 : vector<16xf32>
        %add3A_1923 = arith.addf %mul3A_1907, %mul3A_1922 : vector<16xf32>
        %add3A_1924 = arith.constant 2 : i32
        %add3A_1925 = arith.addi %mul3A_28, %add3A_1924 : i32
        %get3A_1926 = arith.index_cast %add3A_1925 : i32 to index
        %get3A_1927 = arith.constant 352 : index
        %get3A_1928 = tpu.vector_load %arg9[%get3A_1926, %get3A_1927] {strides = array<i32>} : memref<80x1024xf32, #tpu.memory_space<vmem>>, vector<1x16xf32>,
        %get3A_1929 = vector.shape_cast %get3A_1928 : vector<1x16xf32> to vector<16xf32>
        %mul3A_1930 = arith.mulf %get3A_42, %get3A_1929 : vector<16xf32>
        %add3A_1931 = arith.addf %add3A_1915, %mul3A_1930 : vector<16xf32>
        %add3A_1932 = arith.constant 2 : i32
        %add3A_1933 = arith.addi %mul3A_28, %add3A_1932 : i32
        %get3A_1934 = arith.index_cast %add3A_1933 : i32 to index
        %get3A_1935 = arith.constant 864 : index
        %get3A_1936 = tpu.vector_load %arg9[%get3A_1934, %get3A_1935] {strides = array<i32>} : memref<80x1024xf32, #tpu.memory_space<vmem>>, vector<1x16xf32>,
        %get3A_1937 = vector.shape_cast %get3A_1936 : vector<1x16xf32> to vector<16xf32>
        %mul3A_1938 = arith.mulf %get3A_42, %get3A_1937 : vector<16xf32>
        %add3A_1939 = arith.addf %add3A_1923, %mul3A_1938 : vector<16xf32>
        %add3A_1940 = arith.constant 3 : i32
        %add3A_1941 = arith.addi %mul3A_28, %add3A_1940 : i32
        %get3A_1942 = arith.index_cast %add3A_1941 : i32 to index
        %get3A_1943 = arith.constant 352 : index
        %get3A_1944 = tpu.vector_load %arg9[%get3A_1942, %get3A_1943] {strides = array<i32>} : memref<80x1024xf32, #tpu.memory_space<vmem>>, vector<1x16xf32>,
        %get3A_1945 = vector.shape_cast %get3A_1944 : vector<1x16xf32> to vector<16xf32>
        %mul3A_1946 = arith.mulf %get3A_46, %get3A_1945 : vector<16xf32>
        %add3A_1947 = arith.addf %add3A_1931, %mul3A_1946 : vector<16xf32>
        %add3A_1948 = arith.constant 3 : i32
        %add3A_1949 = arith.addi %mul3A_28, %add3A_1948 : i32
        %get3A_1950 = arith.index_cast %add3A_1949 : i32 to index
        %get3A_1951 = arith.constant 864 : index
        %get3A_1952 = tpu.vector_load %arg9[%get3A_1950, %get3A_1951] {strides = array<i32>} : memref<80x1024xf32, #tpu.memory_space<vmem>>, vector<1x16xf32>,
        %get3A_1953 = vector.shape_cast %get3A_1952 : vector<1x16xf32> to vector<16xf32>
        %mul3A_1954 = arith.mulf %get3A_46, %get3A_1953 : vector<16xf32>
        %add3A_1955 = arith.addf %add3A_1939, %mul3A_1954 : vector<16xf32>
        %add3A_1956 = arith.constant 4 : i32
        %add3A_1957 = arith.addi %mul3A_28, %add3A_1956 : i32
        %get3A_1958 = arith.index_cast %add3A_1957 : i32 to index
        %get3A_1959 = arith.constant 352 : index
        %get3A_1960 = tpu.vector_load %arg9[%get3A_1958, %get3A_1959] {strides = array<i32>} : memref<80x1024xf32, #tpu.memory_space<vmem>>, vector<1x16xf32>,
        %get3A_1961 = vector.shape_cast %get3A_1960 : vector<1x16xf32> to vector<16xf32>
        %mul3A_1962 = arith.mulf %get3A_50, %get3A_1961 : vector<16xf32>
        %add3A_1963 = arith.addf %add3A_1947, %mul3A_1962 : vector<16xf32>
        %add3A_1964 = arith.constant 4 : i32
        %add3A_1965 = arith.addi %mul3A_28, %add3A_1964 : i32
        %get3A_1966 = arith.index_cast %add3A_1965 : i32 to index
        %get3A_1967 = arith.constant 864 : index
        %get3A_1968 = tpu.vector_load %arg9[%get3A_1966, %get3A_1967] {strides = array<i32>} : memref<80x1024xf32, #tpu.memory_space<vmem>>, vector<1x16xf32>,
        %get3A_1969 = vector.shape_cast %get3A_1968 : vector<1x16xf32> to vector<16xf32>
        %mul3A_1970 = arith.mulf %get3A_50, %get3A_1969 : vector<16xf32>
        %add3A_1971 = arith.addf %add3A_1955, %mul3A_1970 : vector<16xf32>
        %swap3A_1972 = arith.index_cast %scan3A_26 : i32 to index
        %swap3A_1973 = arith.constant 352 : index
        %swap3A_1974 = tpu.vector_load %arg10[%swap3A_1972, %swap3A_1973] {strides = array<i32>} : memref<16x512xf32, #tpu.memory_space<vmem>>, vector<1x16xf32>,
        %swap3A_1975 = vector.shape_cast %swap3A_1974 : vector<1x16xf32> to vector<16xf32>
        %swap3A_1976 = vector.shape_cast %add3A_1963 : vector<16xf32> to vector<1x16xf32>
        tpu.vector_store %arg10[%swap3A_1972, %swap3A_1973], %swap3A_1976 {strides = array<i32>} : memref<16x512xf32, #tpu.memory_space<vmem>>, vector<1x16xf32>,
        %swap3A_1977 = arith.index_cast %scan3A_26 : i32 to index
        %swap3A_1978 = arith.constant 352 : index
        %swap3A_1979 = tpu.vector_load %arg11[%swap3A_1977, %swap3A_1978] {strides = array<i32>} : memref<16x512xf32, #tpu.memory_space<vmem>>, vector<1x16xf32>,
        %swap3A_1980 = vector.shape_cast %swap3A_1979 : vector<1x16xf32> to vector<16xf32>
        %swap3A_1981 = vector.shape_cast %add3A_1971 : vector<16xf32> to vector<1x16xf32>
        tpu.vector_store %arg11[%swap3A_1977, %swap3A_1978], %swap3A_1981 {strides = array<i32>} : memref<16x512xf32, #tpu.memory_space<vmem>>, vector<1x16xf32>,
        %get3A_1982 = arith.index_cast %mul3A_28 : i32 to index
        %get3A_1983 = arith.constant 368 : index
        %get3A_1984 = tpu.vector_load %arg9[%get3A_1982, %get3A_1983] {strides = array<i32>} : memref<80x1024xf32, #tpu.memory_space<vmem>>, vector<1x16xf32>,
        %get3A_1985 = vector.shape_cast %get3A_1984 : vector<1x16xf32> to vector<16xf32>
        %mul3A_1986 = arith.mulf %get3A_34, %get3A_1985 : vector<16xf32>
        %get3A_1987 = arith.index_cast %mul3A_28 : i32 to index
        %get3A_1988 = arith.constant 880 : index
        %get3A_1989 = tpu.vector_load %arg9[%get3A_1987, %get3A_1988] {strides = array<i32>} : memref<80x1024xf32, #tpu.memory_space<vmem>>, vector<1x16xf32>,
        %get3A_1990 = vector.shape_cast %get3A_1989 : vector<1x16xf32> to vector<16xf32>
        %mul3A_1991 = arith.mulf %get3A_34, %get3A_1990 : vector<16xf32>
        %add3A_1992 = arith.constant 1 : i32
        %add3A_1993 = arith.addi %mul3A_28, %add3A_1992 : i32
        %get3A_1994 = arith.index_cast %add3A_1993 : i32 to index
        %get3A_1995 = arith.constant 368 : index
        %get3A_1996 = tpu.vector_load %arg9[%get3A_1994, %get3A_1995] {strides = array<i32>} : memref<80x1024xf32, #tpu.memory_space<vmem>>, vector<1x16xf32>,
        %get3A_1997 = vector.shape_cast %get3A_1996 : vector<1x16xf32> to vector<16xf32>
        %mul3A_1998 = arith.mulf %get3A_38, %get3A_1997 : vector<16xf32>
        %add3A_1999 = arith.addf %mul3A_1986, %mul3A_1998 : vector<16xf32>
        %add3A_2000 = arith.constant 1 : i32
        %add3A_2001 = arith.addi %mul3A_28, %add3A_2000 : i32
        %get3A_2002 = arith.index_cast %add3A_2001 : i32 to index
        %get3A_2003 = arith.constant 880 : index
        %get3A_2004 = tpu.vector_load %arg9[%get3A_2002, %get3A_2003] {strides = array<i32>} : memref<80x1024xf32, #tpu.memory_space<vmem>>, vector<1x16xf32>,
        %get3A_2005 = vector.shape_cast %get3A_2004 : vector<1x16xf32> to vector<16xf32>
        %mul3A_2006 = arith.mulf %get3A_38, %get3A_2005 : vector<16xf32>
        %add3A_2007 = arith.addf %mul3A_1991, %mul3A_2006 : vector<16xf32>
        %add3A_2008 = arith.constant 2 : i32
        %add3A_2009 = arith.addi %mul3A_28, %add3A_2008 : i32
        %get3A_2010 = arith.index_cast %add3A_2009 : i32 to index
        %get3A_2011 = arith.constant 368 : index
        %get3A_2012 = tpu.vector_load %arg9[%get3A_2010, %get3A_2011] {strides = array<i32>} : memref<80x1024xf32, #tpu.memory_space<vmem>>, vector<1x16xf32>,
        %get3A_2013 = vector.shape_cast %get3A_2012 : vector<1x16xf32> to vector<16xf32>
        %mul3A_2014 = arith.mulf %get3A_42, %get3A_2013 : vector<16xf32>
        %add3A_2015 = arith.addf %add3A_1999, %mul3A_2014 : vector<16xf32>
        %add3A_2016 = arith.constant 2 : i32
        %add3A_2017 = arith.addi %mul3A_28, %add3A_2016 : i32
        %get3A_2018 = arith.index_cast %add3A_2017 : i32 to index
        %get3A_2019 = arith.constant 880 : index
        %get3A_2020 = tpu.vector_load %arg9[%get3A_2018, %get3A_2019] {strides = array<i32>} : memref<80x1024xf32, #tpu.memory_space<vmem>>, vector<1x16xf32>,
        %get3A_2021 = vector.shape_cast %get3A_2020 : vector<1x16xf32> to vector<16xf32>
        %mul3A_2022 = arith.mulf %get3A_42, %get3A_2021 : vector<16xf32>
        %add3A_2023 = arith.addf %add3A_2007, %mul3A_2022 : vector<16xf32>
        %add3A_2024 = arith.constant 3 : i32
        %add3A_2025 = arith.addi %mul3A_28, %add3A_2024 : i32
        %get3A_2026 = arith.index_cast %add3A_2025 : i32 to index
        %get3A_2027 = arith.constant 368 : index
        %get3A_2028 = tpu.vector_load %arg9[%get3A_2026, %get3A_2027] {strides = array<i32>} : memref<80x1024xf32, #tpu.memory_space<vmem>>, vector<1x16xf32>,
        %get3A_2029 = vector.shape_cast %get3A_2028 : vector<1x16xf32> to vector<16xf32>
        %mul3A_2030 = arith.mulf %get3A_46, %get3A_2029 : vector<16xf32>
        %add3A_2031 = arith.addf %add3A_2015, %mul3A_2030 : vector<16xf32>
        %add3A_2032 = arith.constant 3 : i32
        %add3A_2033 = arith.addi %mul3A_28, %add3A_2032 : i32
        %get3A_2034 = arith.index_cast %add3A_2033 : i32 to index
        %get3A_2035 = arith.constant 880 : index
        %get3A_2036 = tpu.vector_load %arg9[%get3A_2034, %get3A_2035] {strides = array<i32>} : memref<80x1024xf32, #tpu.memory_space<vmem>>, vector<1x16xf32>,
        %get3A_2037 = vector.shape_cast %get3A_2036 : vector<1x16xf32> to vector<16xf32>
        %mul3A_2038 = arith.mulf %get3A_46, %get3A_2037 : vector<16xf32>
        %add3A_2039 = arith.addf %add3A_2023, %mul3A_2038 : vector<16xf32>
        %add3A_2040 = arith.constant 4 : i32
        %add3A_2041 = arith.addi %mul3A_28, %add3A_2040 : i32
        %get3A_2042 = arith.index_cast %add3A_2041 : i32 to index
        %get3A_2043 = arith.constant 368 : index
        %get3A_2044 = tpu.vector_load %arg9[%get3A_2042, %get3A_2043] {strides = array<i32>} : memref<80x1024xf32, #tpu.memory_space<vmem>>, vector<1x16xf32>,
        %get3A_2045 = vector.shape_cast %get3A_2044 : vector<1x16xf32> to vector<16xf32>
        %mul3A_2046 = arith.mulf %get3A_50, %get3A_2045 : vector<16xf32>
        %add3A_2047 = arith.addf %add3A_2031, %mul3A_2046 : vector<16xf32>
        %add3A_2048 = arith.constant 4 : i32
        %add3A_2049 = arith.addi %mul3A_28, %add3A_2048 : i32
        %get3A_2050 = arith.index_cast %add3A_2049 : i32 to index
        %get3A_2051 = arith.constant 880 : index
        %get3A_2052 = tpu.vector_load %arg9[%get3A_2050, %get3A_2051] {strides = array<i32>} : memref<80x1024xf32, #tpu.memory_space<vmem>>, vector<1x16xf32>,
        %get3A_2053 = vector.shape_cast %get3A_2052 : vector<1x16xf32> to vector<16xf32>
        %mul3A_2054 = arith.mulf %get3A_50, %get3A_2053 : vector<16xf32>
        %add3A_2055 = arith.addf %add3A_2039, %mul3A_2054 : vector<16xf32>
        %swap3A_2056 = arith.index_cast %scan3A_26 : i32 to index
        %swap3A_2057 = arith.constant 368 : index
        %swap3A_2058 = tpu.vector_load %arg10[%swap3A_2056, %swap3A_2057] {strides = array<i32>} : memref<16x512xf32, #tpu.memory_space<vmem>>, vector<1x16xf32>,
        %swap3A_2059 = vector.shape_cast %swap3A_2058 : vector<1x16xf32> to vector<16xf32>
        %swap3A_2060 = vector.shape_cast %add3A_2047 : vector<16xf32> to vector<1x16xf32>
        tpu.vector_store %arg10[%swap3A_2056, %swap3A_2057], %swap3A_2060 {strides = array<i32>} : memref<16x512xf32, #tpu.memory_space<vmem>>, vector<1x16xf32>,
        %swap3A_2061 = arith.index_cast %scan3A_26 : i32 to index
        %swap3A_2062 = arith.constant 368 : index
        %swap3A_2063 = tpu.vector_load %arg11[%swap3A_2061, %swap3A_2062] {strides = array<i32>} : memref<16x512xf32, #tpu.memory_space<vmem>>, vector<1x16xf32>,
        %swap3A_2064 = vector.shape_cast %swap3A_2063 : vector<1x16xf32> to vector<16xf32>
        %swap3A_2065 = vector.shape_cast %add3A_2055 : vector<16xf32> to vector<1x16xf32>
        tpu.vector_store %arg11[%swap3A_2061, %swap3A_2062], %swap3A_2065 {strides = array<i32>} : memref<16x512xf32, #tpu.memory_space<vmem>>, vector<1x16xf32>,
        %get3A_2066 = arith.index_cast %mul3A_28 : i32 to index
        %get3A_2067 = arith.constant 384 : index
        %get3A_2068 = tpu.vector_load %arg9[%get3A_2066, %get3A_2067] {strides = array<i32>} : memref<80x1024xf32, #tpu.memory_space<vmem>>, vector<1x16xf32>,
        %get3A_2069 = vector.shape_cast %get3A_2068 : vector<1x16xf32> to vector<16xf32>
        %mul3A_2070 = arith.mulf %get3A_34, %get3A_2069 : vector<16xf32>
        %get3A_2071 = arith.index_cast %mul3A_28 : i32 to index
        %get3A_2072 = arith.constant 896 : index
        %get3A_2073 = tpu.vector_load %arg9[%get3A_2071, %get3A_2072] {strides = array<i32>} : memref<80x1024xf32, #tpu.memory_space<vmem>>, vector<1x16xf32>,
        %get3A_2074 = vector.shape_cast %get3A_2073 : vector<1x16xf32> to vector<16xf32>
        %mul3A_2075 = arith.mulf %get3A_34, %get3A_2074 : vector<16xf32>
        %add3A_2076 = arith.constant 1 : i32
        %add3A_2077 = arith.addi %mul3A_28, %add3A_2076 : i32
        %get3A_2078 = arith.index_cast %add3A_2077 : i32 to index
        %get3A_2079 = arith.constant 384 : index
        %get3A_2080 = tpu.vector_load %arg9[%get3A_2078, %get3A_2079] {strides = array<i32>} : memref<80x1024xf32, #tpu.memory_space<vmem>>, vector<1x16xf32>,
        %get3A_2081 = vector.shape_cast %get3A_2080 : vector<1x16xf32> to vector<16xf32>
        %mul3A_2082 = arith.mulf %get3A_38, %get3A_2081 : vector<16xf32>
        %add3A_2083 = arith.addf %mul3A_2070, %mul3A_2082 : vector<16xf32>
        %add3A_2084 = arith.constant 1 : i32
        %add3A_2085 = arith.addi %mul3A_28, %add3A_2084 : i32
        %get3A_2086 = arith.index_cast %add3A_2085 : i32 to index
        %get3A_2087 = arith.constant 896 : index
        %get3A_2088 = tpu.vector_load %arg9[%get3A_2086, %get3A_2087] {strides = array<i32>} : memref<80x1024xf32, #tpu.memory_space<vmem>>, vector<1x16xf32>,
        %get3A_2089 = vector.shape_cast %get3A_2088 : vector<1x16xf32> to vector<16xf32>
        %mul3A_2090 = arith.mulf %get3A_38, %get3A_2089 : vector<16xf32>
        %add3A_2091 = arith.addf %mul3A_2075, %mul3A_2090 : vector<16xf32>
        %add3A_2092 = arith.constant 2 : i32
        %add3A_2093 = arith.addi %mul3A_28, %add3A_2092 : i32
        %get3A_2094 = arith.index_cast %add3A_2093 : i32 to index
        %get3A_2095 = arith.constant 384 : index
        %get3A_2096 = tpu.vector_load %arg9[%get3A_2094, %get3A_2095] {strides = array<i32>} : memref<80x1024xf32, #tpu.memory_space<vmem>>, vector<1x16xf32>,
        %get3A_2097 = vector.shape_cast %get3A_2096 : vector<1x16xf32> to vector<16xf32>
        %mul3A_2098 = arith.mulf %get3A_42, %get3A_2097 : vector<16xf32>
        %add3A_2099 = arith.addf %add3A_2083, %mul3A_2098 : vector<16xf32>
        %add3A_2100 = arith.constant 2 : i32
        %add3A_2101 = arith.addi %mul3A_28, %add3A_2100 : i32
        %get3A_2102 = arith.index_cast %add3A_2101 : i32 to index
        %get3A_2103 = arith.constant 896 : index
        %get3A_2104 = tpu.vector_load %arg9[%get3A_2102, %get3A_2103] {strides = array<i32>} : memref<80x1024xf32, #tpu.memory_space<vmem>>, vector<1x16xf32>,
        %get3A_2105 = vector.shape_cast %get3A_2104 : vector<1x16xf32> to vector<16xf32>
        %mul3A_2106 = arith.mulf %get3A_42, %get3A_2105 : vector<16xf32>
        %add3A_2107 = arith.addf %add3A_2091, %mul3A_2106 : vector<16xf32>
        %add3A_2108 = arith.constant 3 : i32
        %add3A_2109 = arith.addi %mul3A_28, %add3A_2108 : i32
        %get3A_2110 = arith.index_cast %add3A_2109 : i32 to index
        %get3A_2111 = arith.constant 384 : index
        %get3A_2112 = tpu.vector_load %arg9[%get3A_2110, %get3A_2111] {strides = array<i32>} : memref<80x1024xf32, #tpu.memory_space<vmem>>, vector<1x16xf32>,
        %get3A_2113 = vector.shape_cast %get3A_2112 : vector<1x16xf32> to vector<16xf32>
        %mul3A_2114 = arith.mulf %get3A_46, %get3A_2113 : vector<16xf32>
        %add3A_2115 = arith.addf %add3A_2099, %mul3A_2114 : vector<16xf32>
        %add3A_2116 = arith.constant 3 : i32
        %add3A_2117 = arith.addi %mul3A_28, %add3A_2116 : i32
        %get3A_2118 = arith.index_cast %add3A_2117 : i32 to index
        %get3A_2119 = arith.constant 896 : index
        %get3A_2120 = tpu.vector_load %arg9[%get3A_2118, %get3A_2119] {strides = array<i32>} : memref<80x1024xf32, #tpu.memory_space<vmem>>, vector<1x16xf32>,
        %get3A_2121 = vector.shape_cast %get3A_2120 : vector<1x16xf32> to vector<16xf32>
        %mul3A_2122 = arith.mulf %get3A_46, %get3A_2121 : vector<16xf32>
        %add3A_2123 = arith.addf %add3A_2107, %mul3A_2122 : vector<16xf32>
        %add3A_2124 = arith.constant 4 : i32
        %add3A_2125 = arith.addi %mul3A_28, %add3A_2124 : i32
        %get3A_2126 = arith.index_cast %add3A_2125 : i32 to index
        %get3A_2127 = arith.constant 384 : index
        %get3A_2128 = tpu.vector_load %arg9[%get3A_2126, %get3A_2127] {strides = array<i32>} : memref<80x1024xf32, #tpu.memory_space<vmem>>, vector<1x16xf32>,
        %get3A_2129 = vector.shape_cast %get3A_2128 : vector<1x16xf32> to vector<16xf32>
        %mul3A_2130 = arith.mulf %get3A_50, %get3A_2129 : vector<16xf32>
        %add3A_2131 = arith.addf %add3A_2115, %mul3A_2130 : vector<16xf32>
        %add3A_2132 = arith.constant 4 : i32
        %add3A_2133 = arith.addi %mul3A_28, %add3A_2132 : i32
        %get3A_2134 = arith.index_cast %add3A_2133 : i32 to index
        %get3A_2135 = arith.constant 896 : index
        %get3A_2136 = tpu.vector_load %arg9[%get3A_2134, %get3A_2135] {strides = array<i32>} : memref<80x1024xf32, #tpu.memory_space<vmem>>, vector<1x16xf32>,
        %get3A_2137 = vector.shape_cast %get3A_2136 : vector<1x16xf32> to vector<16xf32>
        %mul3A_2138 = arith.mulf %get3A_50, %get3A_2137 : vector<16xf32>
        %add3A_2139 = arith.addf %add3A_2123, %mul3A_2138 : vector<16xf32>
        %swap3A_2140 = arith.index_cast %scan3A_26 : i32 to index
        %swap3A_2141 = arith.constant 384 : index
        %swap3A_2142 = tpu.vector_load %arg10[%swap3A_2140, %swap3A_2141] {strides = array<i32>} : memref<16x512xf32, #tpu.memory_space<vmem>>, vector<1x16xf32>,
        %swap3A_2143 = vector.shape_cast %swap3A_2142 : vector<1x16xf32> to vector<16xf32>
        %swap3A_2144 = vector.shape_cast %add3A_2131 : vector<16xf32> to vector<1x16xf32>
        tpu.vector_store %arg10[%swap3A_2140, %swap3A_2141], %swap3A_2144 {strides = array<i32>} : memref<16x512xf32, #tpu.memory_space<vmem>>, vector<1x16xf32>,
        %swap3A_2145 = arith.index_cast %scan3A_26 : i32 to index
        %swap3A_2146 = arith.constant 384 : index
        %swap3A_2147 = tpu.vector_load %arg11[%swap3A_2145, %swap3A_2146] {strides = array<i32>} : memref<16x512xf32, #tpu.memory_space<vmem>>, vector<1x16xf32>,
        %swap3A_2148 = vector.shape_cast %swap3A_2147 : vector<1x16xf32> to vector<16xf32>
        %swap3A_2149 = vector.shape_cast %add3A_2139 : vector<16xf32> to vector<1x16xf32>
        tpu.vector_store %arg11[%swap3A_2145, %swap3A_2146], %swap3A_2149 {strides = array<i32>} : memref<16x512xf32, #tpu.memory_space<vmem>>, vector<1x16xf32>,
        %get3A_2150 = arith.index_cast %mul3A_28 : i32 to index
        %get3A_2151 = arith.constant 400 : index
        %get3A_2152 = tpu.vector_load %arg9[%get3A_2150, %get3A_2151] {strides = array<i32>} : memref<80x1024xf32, #tpu.memory_space<vmem>>, vector<1x16xf32>,
        %get3A_2153 = vector.shape_cast %get3A_2152 : vector<1x16xf32> to vector<16xf32>
        %mul3A_2154 = arith.mulf %get3A_34, %get3A_2153 : vector<16xf32>
        %get3A_2155 = arith.index_cast %mul3A_28 : i32 to index
        %get3A_2156 = arith.constant 912 : index
        %get3A_2157 = tpu.vector_load %arg9[%get3A_2155, %get3A_2156] {strides = array<i32>} : memref<80x1024xf32, #tpu.memory_space<vmem>>, vector<1x16xf32>,
        %get3A_2158 = vector.shape_cast %get3A_2157 : vector<1x16xf32> to vector<16xf32>
        %mul3A_2159 = arith.mulf %get3A_34, %get3A_2158 : vector<16xf32>
        %add3A_2160 = arith.constant 1 : i32
        %add3A_2161 = arith.addi %mul3A_28, %add3A_2160 : i32
        %get3A_2162 = arith.index_cast %add3A_2161 : i32 to index
        %get3A_2163 = arith.constant 400 : index
        %get3A_2164 = tpu.vector_load %arg9[%get3A_2162, %get3A_2163] {strides = array<i32>} : memref<80x1024xf32, #tpu.memory_space<vmem>>, vector<1x16xf32>,
        %get3A_2165 = vector.shape_cast %get3A_2164 : vector<1x16xf32> to vector<16xf32>
        %mul3A_2166 = arith.mulf %get3A_38, %get3A_2165 : vector<16xf32>
        %add3A_2167 = arith.addf %mul3A_2154, %mul3A_2166 : vector<16xf32>
        %add3A_2168 = arith.constant 1 : i32
        %add3A_2169 = arith.addi %mul3A_28, %add3A_2168 : i32
        %get3A_2170 = arith.index_cast %add3A_2169 : i32 to index
        %get3A_2171 = arith.constant 912 : index
        %get3A_2172 = tpu.vector_load %arg9[%get3A_2170, %get3A_2171] {strides = array<i32>} : memref<80x1024xf32, #tpu.memory_space<vmem>>, vector<1x16xf32>,
        %get3A_2173 = vector.shape_cast %get3A_2172 : vector<1x16xf32> to vector<16xf32>
        %mul3A_2174 = arith.mulf %get3A_38, %get3A_2173 : vector<16xf32>
        %add3A_2175 = arith.addf %mul3A_2159, %mul3A_2174 : vector<16xf32>
        %add3A_2176 = arith.constant 2 : i32
        %add3A_2177 = arith.addi %mul3A_28, %add3A_2176 : i32
        %get3A_2178 = arith.index_cast %add3A_2177 : i32 to index
        %get3A_2179 = arith.constant 400 : index
        %get3A_2180 = tpu.vector_load %arg9[%get3A_2178, %get3A_2179] {strides = array<i32>} : memref<80x1024xf32, #tpu.memory_space<vmem>>, vector<1x16xf32>,
        %get3A_2181 = vector.shape_cast %get3A_2180 : vector<1x16xf32> to vector<16xf32>
        %mul3A_2182 = arith.mulf %get3A_42, %get3A_2181 : vector<16xf32>
        %add3A_2183 = arith.addf %add3A_2167, %mul3A_2182 : vector<16xf32>
        %add3A_2184 = arith.constant 2 : i32
        %add3A_2185 = arith.addi %mul3A_28, %add3A_2184 : i32
        %get3A_2186 = arith.index_cast %add3A_2185 : i32 to index
        %get3A_2187 = arith.constant 912 : index
        %get3A_2188 = tpu.vector_load %arg9[%get3A_2186, %get3A_2187] {strides = array<i32>} : memref<80x1024xf32, #tpu.memory_space<vmem>>, vector<1x16xf32>,
        %get3A_2189 = vector.shape_cast %get3A_2188 : vector<1x16xf32> to vector<16xf32>
        %mul3A_2190 = arith.mulf %get3A_42, %get3A_2189 : vector<16xf32>
        %add3A_2191 = arith.addf %add3A_2175, %mul3A_2190 : vector<16xf32>
        %add3A_2192 = arith.constant 3 : i32
        %add3A_2193 = arith.addi %mul3A_28, %add3A_2192 : i32
        %get3A_2194 = arith.index_cast %add3A_2193 : i32 to index
        %get3A_2195 = arith.constant 400 : index
        %get3A_2196 = tpu.vector_load %arg9[%get3A_2194, %get3A_2195] {strides = array<i32>} : memref<80x1024xf32, #tpu.memory_space<vmem>>, vector<1x16xf32>,
        %get3A_2197 = vector.shape_cast %get3A_2196 : vector<1x16xf32> to vector<16xf32>
        %mul3A_2198 = arith.mulf %get3A_46, %get3A_2197 : vector<16xf32>
        %add3A_2199 = arith.addf %add3A_2183, %mul3A_2198 : vector<16xf32>
        %add3A_2200 = arith.constant 3 : i32
        %add3A_2201 = arith.addi %mul3A_28, %add3A_2200 : i32
        %get3A_2202 = arith.index_cast %add3A_2201 : i32 to index
        %get3A_2203 = arith.constant 912 : index
        %get3A_2204 = tpu.vector_load %arg9[%get3A_2202, %get3A_2203] {strides = array<i32>} : memref<80x1024xf32, #tpu.memory_space<vmem>>, vector<1x16xf32>,
        %get3A_2205 = vector.shape_cast %get3A_2204 : vector<1x16xf32> to vector<16xf32>
        %mul3A_2206 = arith.mulf %get3A_46, %get3A_2205 : vector<16xf32>
        %add3A_2207 = arith.addf %add3A_2191, %mul3A_2206 : vector<16xf32>
        %add3A_2208 = arith.constant 4 : i32
        %add3A_2209 = arith.addi %mul3A_28, %add3A_2208 : i32
        %get3A_2210 = arith.index_cast %add3A_2209 : i32 to index
        %get3A_2211 = arith.constant 400 : index
        %get3A_2212 = tpu.vector_load %arg9[%get3A_2210, %get3A_2211] {strides = array<i32>} : memref<80x1024xf32, #tpu.memory_space<vmem>>, vector<1x16xf32>,
        %get3A_2213 = vector.shape_cast %get3A_2212 : vector<1x16xf32> to vector<16xf32>
        %mul3A_2214 = arith.mulf %get3A_50, %get3A_2213 : vector<16xf32>
        %add3A_2215 = arith.addf %add3A_2199, %mul3A_2214 : vector<16xf32>
        %add3A_2216 = arith.constant 4 : i32
        %add3A_2217 = arith.addi %mul3A_28, %add3A_2216 : i32
        %get3A_2218 = arith.index_cast %add3A_2217 : i32 to index
        %get3A_2219 = arith.constant 912 : index
        %get3A_2220 = tpu.vector_load %arg9[%get3A_2218, %get3A_2219] {strides = array<i32>} : memref<80x1024xf32, #tpu.memory_space<vmem>>, vector<1x16xf32>,
        %get3A_2221 = vector.shape_cast %get3A_2220 : vector<1x16xf32> to vector<16xf32>
        %mul3A_2222 = arith.mulf %get3A_50, %get3A_2221 : vector<16xf32>
        %add3A_2223 = arith.addf %add3A_2207, %mul3A_2222 : vector<16xf32>
        %swap3A_2224 = arith.index_cast %scan3A_26 : i32 to index
        %swap3A_2225 = arith.constant 400 : index
        %swap3A_2226 = tpu.vector_load %arg10[%swap3A_2224, %swap3A_2225] {strides = array<i32>} : memref<16x512xf32, #tpu.memory_space<vmem>>, vector<1x16xf32>,
        %swap3A_2227 = vector.shape_cast %swap3A_2226 : vector<1x16xf32> to vector<16xf32>
        %swap3A_2228 = vector.shape_cast %add3A_2215 : vector<16xf32> to vector<1x16xf32>
        tpu.vector_store %arg10[%swap3A_2224, %swap3A_2225], %swap3A_2228 {strides = array<i32>} : memref<16x512xf32, #tpu.memory_space<vmem>>, vector<1x16xf32>,
        %swap3A_2229 = arith.index_cast %scan3A_26 : i32 to index
        %swap3A_2230 = arith.constant 400 : index
        %swap3A_2231 = tpu.vector_load %arg11[%swap3A_2229, %swap3A_2230] {strides = array<i32>} : memref<16x512xf32, #tpu.memory_space<vmem>>, vector<1x16xf32>,
        %swap3A_2232 = vector.shape_cast %swap3A_2231 : vector<1x16xf32> to vector<16xf32>
        %swap3A_2233 = vector.shape_cast %add3A_2223 : vector<16xf32> to vector<1x16xf32>
        tpu.vector_store %arg11[%swap3A_2229, %swap3A_2230], %swap3A_2233 {strides = array<i32>} : memref<16x512xf32, #tpu.memory_space<vmem>>, vector<1x16xf32>,
        %get3A_2234 = arith.index_cast %mul3A_28 : i32 to index
        %get3A_2235 = arith.constant 416 : index
        %get3A_2236 = tpu.vector_load %arg9[%get3A_2234, %get3A_2235] {strides = array<i32>} : memref<80x1024xf32, #tpu.memory_space<vmem>>, vector<1x16xf32>,
        %get3A_2237 = vector.shape_cast %get3A_2236 : vector<1x16xf32> to vector<16xf32>
        %mul3A_2238 = arith.mulf %get3A_34, %get3A_2237 : vector<16xf32>
        %get3A_2239 = arith.index_cast %mul3A_28 : i32 to index
        %get3A_2240 = arith.constant 928 : index
        %get3A_2241 = tpu.vector_load %arg9[%get3A_2239, %get3A_2240] {strides = array<i32>} : memref<80x1024xf32, #tpu.memory_space<vmem>>, vector<1x16xf32>,
        %get3A_2242 = vector.shape_cast %get3A_2241 : vector<1x16xf32> to vector<16xf32>
        %mul3A_2243 = arith.mulf %get3A_34, %get3A_2242 : vector<16xf32>
        %add3A_2244 = arith.constant 1 : i32
        %add3A_2245 = arith.addi %mul3A_28, %add3A_2244 : i32
        %get3A_2246 = arith.index_cast %add3A_2245 : i32 to index
        %get3A_2247 = arith.constant 416 : index
        %get3A_2248 = tpu.vector_load %arg9[%get3A_2246, %get3A_2247] {strides = array<i32>} : memref<80x1024xf32, #tpu.memory_space<vmem>>, vector<1x16xf32>,
        %get3A_2249 = vector.shape_cast %get3A_2248 : vector<1x16xf32> to vector<16xf32>
        %mul3A_2250 = arith.mulf %get3A_38, %get3A_2249 : vector<16xf32>
        %add3A_2251 = arith.addf %mul3A_2238, %mul3A_2250 : vector<16xf32>
        %add3A_2252 = arith.constant 1 : i32
        %add3A_2253 = arith.addi %mul3A_28, %add3A_2252 : i32
        %get3A_2254 = arith.index_cast %add3A_2253 : i32 to index
        %get3A_2255 = arith.constant 928 : index
        %get3A_2256 = tpu.vector_load %arg9[%get3A_2254, %get3A_2255] {strides = array<i32>} : memref<80x1024xf32, #tpu.memory_space<vmem>>, vector<1x16xf32>,
        %get3A_2257 = vector.shape_cast %get3A_2256 : vector<1x16xf32> to vector<16xf32>
        %mul3A_2258 = arith.mulf %get3A_38, %get3A_2257 : vector<16xf32>
        %add3A_2259 = arith.addf %mul3A_2243, %mul3A_2258 : vector<16xf32>
        %add3A_2260 = arith.constant 2 : i32
        %add3A_2261 = arith.addi %mul3A_28, %add3A_2260 : i32
        %get3A_2262 = arith.index_cast %add3A_2261 : i32 to index
        %get3A_2263 = arith.constant 416 : index
        %get3A_2264 = tpu.vector_load %arg9[%get3A_2262, %get3A_2263] {strides = array<i32>} : memref<80x1024xf32, #tpu.memory_space<vmem>>, vector<1x16xf32>,
        %get3A_2265 = vector.shape_cast %get3A_2264 : vector<1x16xf32> to vector<16xf32>
        %mul3A_2266 = arith.mulf %get3A_42, %get3A_2265 : vector<16xf32>
        %add3A_2267 = arith.addf %add3A_2251, %mul3A_2266 : vector<16xf32>
        %add3A_2268 = arith.constant 2 : i32
        %add3A_2269 = arith.addi %mul3A_28, %add3A_2268 : i32
        %get3A_2270 = arith.index_cast %add3A_2269 : i32 to index
        %get3A_2271 = arith.constant 928 : index
        %get3A_2272 = tpu.vector_load %arg9[%get3A_2270, %get3A_2271] {strides = array<i32>} : memref<80x1024xf32, #tpu.memory_space<vmem>>, vector<1x16xf32>,
        %get3A_2273 = vector.shape_cast %get3A_2272 : vector<1x16xf32> to vector<16xf32>
        %mul3A_2274 = arith.mulf %get3A_42, %get3A_2273 : vector<16xf32>
        %add3A_2275 = arith.addf %add3A_2259, %mul3A_2274 : vector<16xf32>
        %add3A_2276 = arith.constant 3 : i32
        %add3A_2277 = arith.addi %mul3A_28, %add3A_2276 : i32
        %get3A_2278 = arith.index_cast %add3A_2277 : i32 to index
        %get3A_2279 = arith.constant 416 : index
        %get3A_2280 = tpu.vector_load %arg9[%get3A_2278, %get3A_2279] {strides = array<i32>} : memref<80x1024xf32, #tpu.memory_space<vmem>>, vector<1x16xf32>,
        %get3A_2281 = vector.shape_cast %get3A_2280 : vector<1x16xf32> to vector<16xf32>
        %mul3A_2282 = arith.mulf %get3A_46, %get3A_2281 : vector<16xf32>
        %add3A_2283 = arith.addf %add3A_2267, %mul3A_2282 : vector<16xf32>
        %add3A_2284 = arith.constant 3 : i32
        %add3A_2285 = arith.addi %mul3A_28, %add3A_2284 : i32
        %get3A_2286 = arith.index_cast %add3A_2285 : i32 to index
        %get3A_2287 = arith.constant 928 : index
        %get3A_2288 = tpu.vector_load %arg9[%get3A_2286, %get3A_2287] {strides = array<i32>} : memref<80x1024xf32, #tpu.memory_space<vmem>>, vector<1x16xf32>,
        %get3A_2289 = vector.shape_cast %get3A_2288 : vector<1x16xf32> to vector<16xf32>
        %mul3A_2290 = arith.mulf %get3A_46, %get3A_2289 : vector<16xf32>
        %add3A_2291 = arith.addf %add3A_2275, %mul3A_2290 : vector<16xf32>
        %add3A_2292 = arith.constant 4 : i32
        %add3A_2293 = arith.addi %mul3A_28, %add3A_2292 : i32
        %get3A_2294 = arith.index_cast %add3A_2293 : i32 to index
        %get3A_2295 = arith.constant 416 : index
        %get3A_2296 = tpu.vector_load %arg9[%get3A_2294, %get3A_2295] {strides = array<i32>} : memref<80x1024xf32, #tpu.memory_space<vmem>>, vector<1x16xf32>,
        %get3A_2297 = vector.shape_cast %get3A_2296 : vector<1x16xf32> to vector<16xf32>
        %mul3A_2298 = arith.mulf %get3A_50, %get3A_2297 : vector<16xf32>
        %add3A_2299 = arith.addf %add3A_2283, %mul3A_2298 : vector<16xf32>
        %add3A_2300 = arith.constant 4 : i32
        %add3A_2301 = arith.addi %mul3A_28, %add3A_2300 : i32
        %get3A_2302 = arith.index_cast %add3A_2301 : i32 to index
        %get3A_2303 = arith.constant 928 : index
        %get3A_2304 = tpu.vector_load %arg9[%get3A_2302, %get3A_2303] {strides = array<i32>} : memref<80x1024xf32, #tpu.memory_space<vmem>>, vector<1x16xf32>,
        %get3A_2305 = vector.shape_cast %get3A_2304 : vector<1x16xf32> to vector<16xf32>
        %mul3A_2306 = arith.mulf %get3A_50, %get3A_2305 : vector<16xf32>
        %add3A_2307 = arith.addf %add3A_2291, %mul3A_2306 : vector<16xf32>
        %swap3A_2308 = arith.index_cast %scan3A_26 : i32 to index
        %swap3A_2309 = arith.constant 416 : index
        %swap3A_2310 = tpu.vector_load %arg10[%swap3A_2308, %swap3A_2309] {strides = array<i32>} : memref<16x512xf32, #tpu.memory_space<vmem>>, vector<1x16xf32>,
        %swap3A_2311 = vector.shape_cast %swap3A_2310 : vector<1x16xf32> to vector<16xf32>
        %swap3A_2312 = vector.shape_cast %add3A_2299 : vector<16xf32> to vector<1x16xf32>
        tpu.vector_store %arg10[%swap3A_2308, %swap3A_2309], %swap3A_2312 {strides = array<i32>} : memref<16x512xf32, #tpu.memory_space<vmem>>, vector<1x16xf32>,
        %swap3A_2313 = arith.index_cast %scan3A_26 : i32 to index
        %swap3A_2314 = arith.constant 416 : index
        %swap3A_2315 = tpu.vector_load %arg11[%swap3A_2313, %swap3A_2314] {strides = array<i32>} : memref<16x512xf32, #tpu.memory_space<vmem>>, vector<1x16xf32>,
        %swap3A_2316 = vector.shape_cast %swap3A_2315 : vector<1x16xf32> to vector<16xf32>
        %swap3A_2317 = vector.shape_cast %add3A_2307 : vector<16xf32> to vector<1x16xf32>
        tpu.vector_store %arg11[%swap3A_2313, %swap3A_2314], %swap3A_2317 {strides = array<i32>} : memref<16x512xf32, #tpu.memory_space<vmem>>, vector<1x16xf32>,
        %get3A_2318 = arith.index_cast %mul3A_28 : i32 to index
        %get3A_2319 = arith.constant 432 : index
        %get3A_2320 = tpu.vector_load %arg9[%get3A_2318, %get3A_2319] {strides = array<i32>} : memref<80x1024xf32, #tpu.memory_space<vmem>>, vector<1x16xf32>,
        %get3A_2321 = vector.shape_cast %get3A_2320 : vector<1x16xf32> to vector<16xf32>
        %mul3A_2322 = arith.mulf %get3A_34, %get3A_2321 : vector<16xf32>
        %get3A_2323 = arith.index_cast %mul3A_28 : i32 to index
        %get3A_2324 = arith.constant 944 : index
        %get3A_2325 = tpu.vector_load %arg9[%get3A_2323, %get3A_2324] {strides = array<i32>} : memref<80x1024xf32, #tpu.memory_space<vmem>>, vector<1x16xf32>,
        %get3A_2326 = vector.shape_cast %get3A_2325 : vector<1x16xf32> to vector<16xf32>
        %mul3A_2327 = arith.mulf %get3A_34, %get3A_2326 : vector<16xf32>
        %add3A_2328 = arith.constant 1 : i32
        %add3A_2329 = arith.addi %mul3A_28, %add3A_2328 : i32
        %get3A_2330 = arith.index_cast %add3A_2329 : i32 to index
        %get3A_2331 = arith.constant 432 : index
        %get3A_2332 = tpu.vector_load %arg9[%get3A_2330, %get3A_2331] {strides = array<i32>} : memref<80x1024xf32, #tpu.memory_space<vmem>>, vector<1x16xf32>,
        %get3A_2333 = vector.shape_cast %get3A_2332 : vector<1x16xf32> to vector<16xf32>
        %mul3A_2334 = arith.mulf %get3A_38, %get3A_2333 : vector<16xf32>
        %add3A_2335 = arith.addf %mul3A_2322, %mul3A_2334 : vector<16xf32>
        %add3A_2336 = arith.constant 1 : i32
        %add3A_2337 = arith.addi %mul3A_28, %add3A_2336 : i32
        %get3A_2338 = arith.index_cast %add3A_2337 : i32 to index
        %get3A_2339 = arith.constant 944 : index
        %get3A_2340 = tpu.vector_load %arg9[%get3A_2338, %get3A_2339] {strides = array<i32>} : memref<80x1024xf32, #tpu.memory_space<vmem>>, vector<1x16xf32>,
        %get3A_2341 = vector.shape_cast %get3A_2340 : vector<1x16xf32> to vector<16xf32>
        %mul3A_2342 = arith.mulf %get3A_38, %get3A_2341 : vector<16xf32>
        %add3A_2343 = arith.addf %mul3A_2327, %mul3A_2342 : vector<16xf32>
        %add3A_2344 = arith.constant 2 : i32
        %add3A_2345 = arith.addi %mul3A_28, %add3A_2344 : i32
        %get3A_2346 = arith.index_cast %add3A_2345 : i32 to index
        %get3A_2347 = arith.constant 432 : index
        %get3A_2348 = tpu.vector_load %arg9[%get3A_2346, %get3A_2347] {strides = array<i32>} : memref<80x1024xf32, #tpu.memory_space<vmem>>, vector<1x16xf32>,
        %get3A_2349 = vector.shape_cast %get3A_2348 : vector<1x16xf32> to vector<16xf32>
        %mul3A_2350 = arith.mulf %get3A_42, %get3A_2349 : vector<16xf32>
        %add3A_2351 = arith.addf %add3A_2335, %mul3A_2350 : vector<16xf32>
        %add3A_2352 = arith.constant 2 : i32
        %add3A_2353 = arith.addi %mul3A_28, %add3A_2352 : i32
        %get3A_2354 = arith.index_cast %add3A_2353 : i32 to index
        %get3A_2355 = arith.constant 944 : index
        %get3A_2356 = tpu.vector_load %arg9[%get3A_2354, %get3A_2355] {strides = array<i32>} : memref<80x1024xf32, #tpu.memory_space<vmem>>, vector<1x16xf32>,
        %get3A_2357 = vector.shape_cast %get3A_2356 : vector<1x16xf32> to vector<16xf32>
        %mul3A_2358 = arith.mulf %get3A_42, %get3A_2357 : vector<16xf32>
        %add3A_2359 = arith.addf %add3A_2343, %mul3A_2358 : vector<16xf32>
        %add3A_2360 = arith.constant 3 : i32
        %add3A_2361 = arith.addi %mul3A_28, %add3A_2360 : i32
        %get3A_2362 = arith.index_cast %add3A_2361 : i32 to index
        %get3A_2363 = arith.constant 432 : index
        %get3A_2364 = tpu.vector_load %arg9[%get3A_2362, %get3A_2363] {strides = array<i32>} : memref<80x1024xf32, #tpu.memory_space<vmem>>, vector<1x16xf32>,
        %get3A_2365 = vector.shape_cast %get3A_2364 : vector<1x16xf32> to vector<16xf32>
        %mul3A_2366 = arith.mulf %get3A_46, %get3A_2365 : vector<16xf32>
        %add3A_2367 = arith.addf %add3A_2351, %mul3A_2366 : vector<16xf32>
        %add3A_2368 = arith.constant 3 : i32
        %add3A_2369 = arith.addi %mul3A_28, %add3A_2368 : i32
        %get3A_2370 = arith.index_cast %add3A_2369 : i32 to index
        %get3A_2371 = arith.constant 944 : index
        %get3A_2372 = tpu.vector_load %arg9[%get3A_2370, %get3A_2371] {strides = array<i32>} : memref<80x1024xf32, #tpu.memory_space<vmem>>, vector<1x16xf32>,
        %get3A_2373 = vector.shape_cast %get3A_2372 : vector<1x16xf32> to vector<16xf32>
        %mul3A_2374 = arith.mulf %get3A_46, %get3A_2373 : vector<16xf32>
        %add3A_2375 = arith.addf %add3A_2359, %mul3A_2374 : vector<16xf32>
        %add3A_2376 = arith.constant 4 : i32
        %add3A_2377 = arith.addi %mul3A_28, %add3A_2376 : i32
        %get3A_2378 = arith.index_cast %add3A_2377 : i32 to index
        %get3A_2379 = arith.constant 432 : index
        %get3A_2380 = tpu.vector_load %arg9[%get3A_2378, %get3A_2379] {strides = array<i32>} : memref<80x1024xf32, #tpu.memory_space<vmem>>, vector<1x16xf32>,
        %get3A_2381 = vector.shape_cast %get3A_2380 : vector<1x16xf32> to vector<16xf32>
        %mul3A_2382 = arith.mulf %get3A_50, %get3A_2381 : vector<16xf32>
        %add3A_2383 = arith.addf %add3A_2367, %mul3A_2382 : vector<16xf32>
        %add3A_2384 = arith.constant 4 : i32
        %add3A_2385 = arith.addi %mul3A_28, %add3A_2384 : i32
        %get3A_2386 = arith.index_cast %add3A_2385 : i32 to index
        %get3A_2387 = arith.constant 944 : index
        %get3A_2388 = tpu.vector_load %arg9[%get3A_2386, %get3A_2387] {strides = array<i32>} : memref<80x1024xf32, #tpu.memory_space<vmem>>, vector<1x16xf32>,
        %get3A_2389 = vector.shape_cast %get3A_2388 : vector<1x16xf32> to vector<16xf32>
        %mul3A_2390 = arith.mulf %get3A_50, %get3A_2389 : vector<16xf32>
        %add3A_2391 = arith.addf %add3A_2375, %mul3A_2390 : vector<16xf32>
        %swap3A_2392 = arith.index_cast %scan3A_26 : i32 to index
        %swap3A_2393 = arith.constant 432 : index
        %swap3A_2394 = tpu.vector_load %arg10[%swap3A_2392, %swap3A_2393] {strides = array<i32>} : memref<16x512xf32, #tpu.memory_space<vmem>>, vector<1x16xf32>,
        %swap3A_2395 = vector.shape_cast %swap3A_2394 : vector<1x16xf32> to vector<16xf32>
        %swap3A_2396 = vector.shape_cast %add3A_2383 : vector<16xf32> to vector<1x16xf32>
        tpu.vector_store %arg10[%swap3A_2392, %swap3A_2393], %swap3A_2396 {strides = array<i32>} : memref<16x512xf32, #tpu.memory_space<vmem>>, vector<1x16xf32>,
        %swap3A_2397 = arith.index_cast %scan3A_26 : i32 to index
        %swap3A_2398 = arith.constant 432 : index
        %swap3A_2399 = tpu.vector_load %arg11[%swap3A_2397, %swap3A_2398] {strides = array<i32>} : memref<16x512xf32, #tpu.memory_space<vmem>>, vector<1x16xf32>,
        %swap3A_2400 = vector.shape_cast %swap3A_2399 : vector<1x16xf32> to vector<16xf32>
        %swap3A_2401 = vector.shape_cast %add3A_2391 : vector<16xf32> to vector<1x16xf32>
        tpu.vector_store %arg11[%swap3A_2397, %swap3A_2398], %swap3A_2401 {strides = array<i32>} : memref<16x512xf32, #tpu.memory_space<vmem>>, vector<1x16xf32>,
        %get3A_2402 = arith.index_cast %mul3A_28 : i32 to index
        %get3A_2403 = arith.constant 448 : index
        %get3A_2404 = tpu.vector_load %arg9[%get3A_2402, %get3A_2403] {strides = array<i32>} : memref<80x1024xf32, #tpu.memory_space<vmem>>, vector<1x16xf32>,
        %get3A_2405 = vector.shape_cast %get3A_2404 : vector<1x16xf32> to vector<16xf32>
        %mul3A_2406 = arith.mulf %get3A_34, %get3A_2405 : vector<16xf32>
        %get3A_2407 = arith.index_cast %mul3A_28 : i32 to index
        %get3A_2408 = arith.constant 960 : index
        %get3A_2409 = tpu.vector_load %arg9[%get3A_2407, %get3A_2408] {strides = array<i32>} : memref<80x1024xf32, #tpu.memory_space<vmem>>, vector<1x16xf32>,
        %get3A_2410 = vector.shape_cast %get3A_2409 : vector<1x16xf32> to vector<16xf32>
        %mul3A_2411 = arith.mulf %get3A_34, %get3A_2410 : vector<16xf32>
        %add3A_2412 = arith.constant 1 : i32
        %add3A_2413 = arith.addi %mul3A_28, %add3A_2412 : i32
        %get3A_2414 = arith.index_cast %add3A_2413 : i32 to index
        %get3A_2415 = arith.constant 448 : index
        %get3A_2416 = tpu.vector_load %arg9[%get3A_2414, %get3A_2415] {strides = array<i32>} : memref<80x1024xf32, #tpu.memory_space<vmem>>, vector<1x16xf32>,
        %get3A_2417 = vector.shape_cast %get3A_2416 : vector<1x16xf32> to vector<16xf32>
        %mul3A_2418 = arith.mulf %get3A_38, %get3A_2417 : vector<16xf32>
        %add3A_2419 = arith.addf %mul3A_2406, %mul3A_2418 : vector<16xf32>
        %add3A_2420 = arith.constant 1 : i32
        %add3A_2421 = arith.addi %mul3A_28, %add3A_2420 : i32
        %get3A_2422 = arith.index_cast %add3A_2421 : i32 to index
        %get3A_2423 = arith.constant 960 : index
        %get3A_2424 = tpu.vector_load %arg9[%get3A_2422, %get3A_2423] {strides = array<i32>} : memref<80x1024xf32, #tpu.memory_space<vmem>>, vector<1x16xf32>,
        %get3A_2425 = vector.shape_cast %get3A_2424 : vector<1x16xf32> to vector<16xf32>
        %mul3A_2426 = arith.mulf %get3A_38, %get3A_2425 : vector<16xf32>
        %add3A_2427 = arith.addf %mul3A_2411, %mul3A_2426 : vector<16xf32>
        %add3A_2428 = arith.constant 2 : i32
        %add3A_2429 = arith.addi %mul3A_28, %add3A_2428 : i32
        %get3A_2430 = arith.index_cast %add3A_2429 : i32 to index
        %get3A_2431 = arith.constant 448 : index
        %get3A_2432 = tpu.vector_load %arg9[%get3A_2430, %get3A_2431] {strides = array<i32>} : memref<80x1024xf32, #tpu.memory_space<vmem>>, vector<1x16xf32>,
        %get3A_2433 = vector.shape_cast %get3A_2432 : vector<1x16xf32> to vector<16xf32>
        %mul3A_2434 = arith.mulf %get3A_42, %get3A_2433 : vector<16xf32>
        %add3A_2435 = arith.addf %add3A_2419, %mul3A_2434 : vector<16xf32>
        %add3A_2436 = arith.constant 2 : i32
        %add3A_2437 = arith.addi %mul3A_28, %add3A_2436 : i32
        %get3A_2438 = arith.index_cast %add3A_2437 : i32 to index
        %get3A_2439 = arith.constant 960 : index
        %get3A_2440 = tpu.vector_load %arg9[%get3A_2438, %get3A_2439] {strides = array<i32>} : memref<80x1024xf32, #tpu.memory_space<vmem>>, vector<1x16xf32>,
        %get3A_2441 = vector.shape_cast %get3A_2440 : vector<1x16xf32> to vector<16xf32>
        %mul3A_2442 = arith.mulf %get3A_42, %get3A_2441 : vector<16xf32>
        %add3A_2443 = arith.addf %add3A_2427, %mul3A_2442 : vector<16xf32>
        %add3A_2444 = arith.constant 3 : i32
        %add3A_2445 = arith.addi %mul3A_28, %add3A_2444 : i32
        %get3A_2446 = arith.index_cast %add3A_2445 : i32 to index
        %get3A_2447 = arith.constant 448 : index
        %get3A_2448 = tpu.vector_load %arg9[%get3A_2446, %get3A_2447] {strides = array<i32>} : memref<80x1024xf32, #tpu.memory_space<vmem>>, vector<1x16xf32>,
        %get3A_2449 = vector.shape_cast %get3A_2448 : vector<1x16xf32> to vector<16xf32>
        %mul3A_2450 = arith.mulf %get3A_46, %get3A_2449 : vector<16xf32>
        %add3A_2451 = arith.addf %add3A_2435, %mul3A_2450 : vector<16xf32>
        %add3A_2452 = arith.constant 3 : i32
        %add3A_2453 = arith.addi %mul3A_28, %add3A_2452 : i32
        %get3A_2454 = arith.index_cast %add3A_2453 : i32 to index
        %get3A_2455 = arith.constant 960 : index
        %get3A_2456 = tpu.vector_load %arg9[%get3A_2454, %get3A_2455] {strides = array<i32>} : memref<80x1024xf32, #tpu.memory_space<vmem>>, vector<1x16xf32>,
        %get3A_2457 = vector.shape_cast %get3A_2456 : vector<1x16xf32> to vector<16xf32>
        %mul3A_2458 = arith.mulf %get3A_46, %get3A_2457 : vector<16xf32>
        %add3A_2459 = arith.addf %add3A_2443, %mul3A_2458 : vector<16xf32>
        %add3A_2460 = arith.constant 4 : i32
        %add3A_2461 = arith.addi %mul3A_28, %add3A_2460 : i32
        %get3A_2462 = arith.index_cast %add3A_2461 : i32 to index
        %get3A_2463 = arith.constant 448 : index
        %get3A_2464 = tpu.vector_load %arg9[%get3A_2462, %get3A_2463] {strides = array<i32>} : memref<80x1024xf32, #tpu.memory_space<vmem>>, vector<1x16xf32>,
        %get3A_2465 = vector.shape_cast %get3A_2464 : vector<1x16xf32> to vector<16xf32>
        %mul3A_2466 = arith.mulf %get3A_50, %get3A_2465 : vector<16xf32>
        %add3A_2467 = arith.addf %add3A_2451, %mul3A_2466 : vector<16xf32>
        %add3A_2468 = arith.constant 4 : i32
        %add3A_2469 = arith.addi %mul3A_28, %add3A_2468 : i32
        %get3A_2470 = arith.index_cast %add3A_2469 : i32 to index
        %get3A_2471 = arith.constant 960 : index
        %get3A_2472 = tpu.vector_load %arg9[%get3A_2470, %get3A_2471] {strides = array<i32>} : memref<80x1024xf32, #tpu.memory_space<vmem>>, vector<1x16xf32>,
        %get3A_2473 = vector.shape_cast %get3A_2472 : vector<1x16xf32> to vector<16xf32>
        %mul3A_2474 = arith.mulf %get3A_50, %get3A_2473 : vector<16xf32>
        %add3A_2475 = arith.addf %add3A_2459, %mul3A_2474 : vector<16xf32>
        %swap3A_2476 = arith.index_cast %scan3A_26 : i32 to index
        %swap3A_2477 = arith.constant 448 : index
        %swap3A_2478 = tpu.vector_load %arg10[%swap3A_2476, %swap3A_2477] {strides = array<i32>} : memref<16x512xf32, #tpu.memory_space<vmem>>, vector<1x16xf32>,
        %swap3A_2479 = vector.shape_cast %swap3A_2478 : vector<1x16xf32> to vector<16xf32>
        %swap3A_2480 = vector.shape_cast %add3A_2467 : vector<16xf32> to vector<1x16xf32>
        tpu.vector_store %arg10[%swap3A_2476, %swap3A_2477], %swap3A_2480 {strides = array<i32>} : memref<16x512xf32, #tpu.memory_space<vmem>>, vector<1x16xf32>,
        %swap3A_2481 = arith.index_cast %scan3A_26 : i32 to index
        %swap3A_2482 = arith.constant 448 : index
        %swap3A_2483 = tpu.vector_load %arg11[%swap3A_2481, %swap3A_2482] {strides = array<i32>} : memref<16x512xf32, #tpu.memory_space<vmem>>, vector<1x16xf32>,
        %swap3A_2484 = vector.shape_cast %swap3A_2483 : vector<1x16xf32> to vector<16xf32>
        %swap3A_2485 = vector.shape_cast %add3A_2475 : vector<16xf32> to vector<1x16xf32>
        tpu.vector_store %arg11[%swap3A_2481, %swap3A_2482], %swap3A_2485 {strides = array<i32>} : memref<16x512xf32, #tpu.memory_space<vmem>>, vector<1x16xf32>,
        %get3A_2486 = arith.index_cast %mul3A_28 : i32 to index
        %get3A_2487 = arith.constant 464 : index
        %get3A_2488 = tpu.vector_load %arg9[%get3A_2486, %get3A_2487] {strides = array<i32>} : memref<80x1024xf32, #tpu.memory_space<vmem>>, vector<1x16xf32>,
        %get3A_2489 = vector.shape_cast %get3A_2488 : vector<1x16xf32> to vector<16xf32>
        %mul3A_2490 = arith.mulf %get3A_34, %get3A_2489 : vector<16xf32>
        %get3A_2491 = arith.index_cast %mul3A_28 : i32 to index
        %get3A_2492 = arith.constant 976 : index
        %get3A_2493 = tpu.vector_load %arg9[%get3A_2491, %get3A_2492] {strides = array<i32>} : memref<80x1024xf32, #tpu.memory_space<vmem>>, vector<1x16xf32>,
        %get3A_2494 = vector.shape_cast %get3A_2493 : vector<1x16xf32> to vector<16xf32>
        %mul3A_2495 = arith.mulf %get3A_34, %get3A_2494 : vector<16xf32>
        %add3A_2496 = arith.constant 1 : i32
        %add3A_2497 = arith.addi %mul3A_28, %add3A_2496 : i32
        %get3A_2498 = arith.index_cast %add3A_2497 : i32 to index
        %get3A_2499 = arith.constant 464 : index
        %get3A_2500 = tpu.vector_load %arg9[%get3A_2498, %get3A_2499] {strides = array<i32>} : memref<80x1024xf32, #tpu.memory_space<vmem>>, vector<1x16xf32>,
        %get3A_2501 = vector.shape_cast %get3A_2500 : vector<1x16xf32> to vector<16xf32>
        %mul3A_2502 = arith.mulf %get3A_38, %get3A_2501 : vector<16xf32>
        %add3A_2503 = arith.addf %mul3A_2490, %mul3A_2502 : vector<16xf32>
        %add3A_2504 = arith.constant 1 : i32
        %add3A_2505 = arith.addi %mul3A_28, %add3A_2504 : i32
        %get3A_2506 = arith.index_cast %add3A_2505 : i32 to index
        %get3A_2507 = arith.constant 976 : index
        %get3A_2508 = tpu.vector_load %arg9[%get3A_2506, %get3A_2507] {strides = array<i32>} : memref<80x1024xf32, #tpu.memory_space<vmem>>, vector<1x16xf32>,
        %get3A_2509 = vector.shape_cast %get3A_2508 : vector<1x16xf32> to vector<16xf32>
        %mul3A_2510 = arith.mulf %get3A_38, %get3A_2509 : vector<16xf32>
        %add3A_2511 = arith.addf %mul3A_2495, %mul3A_2510 : vector<16xf32>
        %add3A_2512 = arith.constant 2 : i32
        %add3A_2513 = arith.addi %mul3A_28, %add3A_2512 : i32
        %get3A_2514 = arith.index_cast %add3A_2513 : i32 to index
        %get3A_2515 = arith.constant 464 : index
        %get3A_2516 = tpu.vector_load %arg9[%get3A_2514, %get3A_2515] {strides = array<i32>} : memref<80x1024xf32, #tpu.memory_space<vmem>>, vector<1x16xf32>,
        %get3A_2517 = vector.shape_cast %get3A_2516 : vector<1x16xf32> to vector<16xf32>
        %mul3A_2518 = arith.mulf %get3A_42, %get3A_2517 : vector<16xf32>
        %add3A_2519 = arith.addf %add3A_2503, %mul3A_2518 : vector<16xf32>
        %add3A_2520 = arith.constant 2 : i32
        %add3A_2521 = arith.addi %mul3A_28, %add3A_2520 : i32
        %get3A_2522 = arith.index_cast %add3A_2521 : i32 to index
        %get3A_2523 = arith.constant 976 : index
        %get3A_2524 = tpu.vector_load %arg9[%get3A_2522, %get3A_2523] {strides = array<i32>} : memref<80x1024xf32, #tpu.memory_space<vmem>>, vector<1x16xf32>,
        %get3A_2525 = vector.shape_cast %get3A_2524 : vector<1x16xf32> to vector<16xf32>
        %mul3A_2526 = arith.mulf %get3A_42, %get3A_2525 : vector<16xf32>
        %add3A_2527 = arith.addf %add3A_2511, %mul3A_2526 : vector<16xf32>
        %add3A_2528 = arith.constant 3 : i32
        %add3A_2529 = arith.addi %mul3A_28, %add3A_2528 : i32
        %get3A_2530 = arith.index_cast %add3A_2529 : i32 to index
        %get3A_2531 = arith.constant 464 : index
        %get3A_2532 = tpu.vector_load %arg9[%get3A_2530, %get3A_2531] {strides = array<i32>} : memref<80x1024xf32, #tpu.memory_space<vmem>>, vector<1x16xf32>,
        %get3A_2533 = vector.shape_cast %get3A_2532 : vector<1x16xf32> to vector<16xf32>
        %mul3A_2534 = arith.mulf %get3A_46, %get3A_2533 : vector<16xf32>
        %add3A_2535 = arith.addf %add3A_2519, %mul3A_2534 : vector<16xf32>
        %add3A_2536 = arith.constant 3 : i32
        %add3A_2537 = arith.addi %mul3A_28, %add3A_2536 : i32
        %get3A_2538 = arith.index_cast %add3A_2537 : i32 to index
        %get3A_2539 = arith.constant 976 : index
        %get3A_2540 = tpu.vector_load %arg9[%get3A_2538, %get3A_2539] {strides = array<i32>} : memref<80x1024xf32, #tpu.memory_space<vmem>>, vector<1x16xf32>,
        %get3A_2541 = vector.shape_cast %get3A_2540 : vector<1x16xf32> to vector<16xf32>
        %mul3A_2542 = arith.mulf %get3A_46, %get3A_2541 : vector<16xf32>
        %add3A_2543 = arith.addf %add3A_2527, %mul3A_2542 : vector<16xf32>
        %add3A_2544 = arith.constant 4 : i32
        %add3A_2545 = arith.addi %mul3A_28, %add3A_2544 : i32
        %get3A_2546 = arith.index_cast %add3A_2545 : i32 to index
        %get3A_2547 = arith.constant 464 : index
        %get3A_2548 = tpu.vector_load %arg9[%get3A_2546, %get3A_2547] {strides = array<i32>} : memref<80x1024xf32, #tpu.memory_space<vmem>>, vector<1x16xf32>,
        %get3A_2549 = vector.shape_cast %get3A_2548 : vector<1x16xf32> to vector<16xf32>
        %mul3A_2550 = arith.mulf %get3A_50, %get3A_2549 : vector<16xf32>
        %add3A_2551 = arith.addf %add3A_2535, %mul3A_2550 : vector<16xf32>
        %add3A_2552 = arith.constant 4 : i32
        %add3A_2553 = arith.addi %mul3A_28, %add3A_2552 : i32
        %get3A_2554 = arith.index_cast %add3A_2553 : i32 to index
        %get3A_2555 = arith.constant 976 : index
        %get3A_2556 = tpu.vector_load %arg9[%get3A_2554, %get3A_2555] {strides = array<i32>} : memref<80x1024xf32, #tpu.memory_space<vmem>>, vector<1x16xf32>,
        %get3A_2557 = vector.shape_cast %get3A_2556 : vector<1x16xf32> to vector<16xf32>
        %mul3A_2558 = arith.mulf %get3A_50, %get3A_2557 : vector<16xf32>
        %add3A_2559 = arith.addf %add3A_2543, %mul3A_2558 : vector<16xf32>
        %swap3A_2560 = arith.index_cast %scan3A_26 : i32 to index
        %swap3A_2561 = arith.constant 464 : index
        %swap3A_2562 = tpu.vector_load %arg10[%swap3A_2560, %swap3A_2561] {strides = array<i32>} : memref<16x512xf32, #tpu.memory_space<vmem>>, vector<1x16xf32>,
        %swap3A_2563 = vector.shape_cast %swap3A_2562 : vector<1x16xf32> to vector<16xf32>
        %swap3A_2564 = vector.shape_cast %add3A_2551 : vector<16xf32> to vector<1x16xf32>
        tpu.vector_store %arg10[%swap3A_2560, %swap3A_2561], %swap3A_2564 {strides = array<i32>} : memref<16x512xf32, #tpu.memory_space<vmem>>, vector<1x16xf32>,
        %swap3A_2565 = arith.index_cast %scan3A_26 : i32 to index
        %swap3A_2566 = arith.constant 464 : index
        %swap3A_2567 = tpu.vector_load %arg11[%swap3A_2565, %swap3A_2566] {strides = array<i32>} : memref<16x512xf32, #tpu.memory_space<vmem>>, vector<1x16xf32>,
        %swap3A_2568 = vector.shape_cast %swap3A_2567 : vector<1x16xf32> to vector<16xf32>
        %swap3A_2569 = vector.shape_cast %add3A_2559 : vector<16xf32> to vector<1x16xf32>
        tpu.vector_store %arg11[%swap3A_2565, %swap3A_2566], %swap3A_2569 {strides = array<i32>} : memref<16x512xf32, #tpu.memory_space<vmem>>, vector<1x16xf32>,
        %get3A_2570 = arith.index_cast %mul3A_28 : i32 to index
        %get3A_2571 = arith.constant 480 : index
        %get3A_2572 = tpu.vector_load %arg9[%get3A_2570, %get3A_2571] {strides = array<i32>} : memref<80x1024xf32, #tpu.memory_space<vmem>>, vector<1x16xf32>,
        %get3A_2573 = vector.shape_cast %get3A_2572 : vector<1x16xf32> to vector<16xf32>
        %mul3A_2574 = arith.mulf %get3A_34, %get3A_2573 : vector<16xf32>
        %get3A_2575 = arith.index_cast %mul3A_28 : i32 to index
        %get3A_2576 = arith.constant 992 : index
        %get3A_2577 = tpu.vector_load %arg9[%get3A_2575, %get3A_2576] {strides = array<i32>} : memref<80x1024xf32, #tpu.memory_space<vmem>>, vector<1x16xf32>,
        %get3A_2578 = vector.shape_cast %get3A_2577 : vector<1x16xf32> to vector<16xf32>
        %mul3A_2579 = arith.mulf %get3A_34, %get3A_2578 : vector<16xf32>
        %add3A_2580 = arith.constant 1 : i32
        %add3A_2581 = arith.addi %mul3A_28, %add3A_2580 : i32
        %get3A_2582 = arith.index_cast %add3A_2581 : i32 to index
        %get3A_2583 = arith.constant 480 : index
        %get3A_2584 = tpu.vector_load %arg9[%get3A_2582, %get3A_2583] {strides = array<i32>} : memref<80x1024xf32, #tpu.memory_space<vmem>>, vector<1x16xf32>,
        %get3A_2585 = vector.shape_cast %get3A_2584 : vector<1x16xf32> to vector<16xf32>
        %mul3A_2586 = arith.mulf %get3A_38, %get3A_2585 : vector<16xf32>
        %add3A_2587 = arith.addf %mul3A_2574, %mul3A_2586 : vector<16xf32>
        %add3A_2588 = arith.constant 1 : i32
        %add3A_2589 = arith.addi %mul3A_28, %add3A_2588 : i32
        %get3A_2590 = arith.index_cast %add3A_2589 : i32 to index
        %get3A_2591 = arith.constant 992 : index
        %get3A_2592 = tpu.vector_load %arg9[%get3A_2590, %get3A_2591] {strides = array<i32>} : memref<80x1024xf32, #tpu.memory_space<vmem>>, vector<1x16xf32>,
        %get3A_2593 = vector.shape_cast %get3A_2592 : vector<1x16xf32> to vector<16xf32>
        %mul3A_2594 = arith.mulf %get3A_38, %get3A_2593 : vector<16xf32>
        %add3A_2595 = arith.addf %mul3A_2579, %mul3A_2594 : vector<16xf32>
        %add3A_2596 = arith.constant 2 : i32
        %add3A_2597 = arith.addi %mul3A_28, %add3A_2596 : i32
        %get3A_2598 = arith.index_cast %add3A_2597 : i32 to index
        %get3A_2599 = arith.constant 480 : index
        %get3A_2600 = tpu.vector_load %arg9[%get3A_2598, %get3A_2599] {strides = array<i32>} : memref<80x1024xf32, #tpu.memory_space<vmem>>, vector<1x16xf32>,
        %get3A_2601 = vector.shape_cast %get3A_2600 : vector<1x16xf32> to vector<16xf32>
        %mul3A_2602 = arith.mulf %get3A_42, %get3A_2601 : vector<16xf32>
        %add3A_2603 = arith.addf %add3A_2587, %mul3A_2602 : vector<16xf32>
        %add3A_2604 = arith.constant 2 : i32
        %add3A_2605 = arith.addi %mul3A_28, %add3A_2604 : i32
        %get3A_2606 = arith.index_cast %add3A_2605 : i32 to index
        %get3A_2607 = arith.constant 992 : index
        %get3A_2608 = tpu.vector_load %arg9[%get3A_2606, %get3A_2607] {strides = array<i32>} : memref<80x1024xf32, #tpu.memory_space<vmem>>, vector<1x16xf32>,
        %get3A_2609 = vector.shape_cast %get3A_2608 : vector<1x16xf32> to vector<16xf32>
        %mul3A_2610 = arith.mulf %get3A_42, %get3A_2609 : vector<16xf32>
        %add3A_2611 = arith.addf %add3A_2595, %mul3A_2610 : vector<16xf32>
        %add3A_2612 = arith.constant 3 : i32
        %add3A_2613 = arith.addi %mul3A_28, %add3A_2612 : i32
        %get3A_2614 = arith.index_cast %add3A_2613 : i32 to index
        %get3A_2615 = arith.constant 480 : index
        %get3A_2616 = tpu.vector_load %arg9[%get3A_2614, %get3A_2615] {strides = array<i32>} : memref<80x1024xf32, #tpu.memory_space<vmem>>, vector<1x16xf32>,
        %get3A_2617 = vector.shape_cast %get3A_2616 : vector<1x16xf32> to vector<16xf32>
        %mul3A_2618 = arith.mulf %get3A_46, %get3A_2617 : vector<16xf32>
        %add3A_2619 = arith.addf %add3A_2603, %mul3A_2618 : vector<16xf32>
        %add3A_2620 = arith.constant 3 : i32
        %add3A_2621 = arith.addi %mul3A_28, %add3A_2620 : i32
        %get3A_2622 = arith.index_cast %add3A_2621 : i32 to index
        %get3A_2623 = arith.constant 992 : index
        %get3A_2624 = tpu.vector_load %arg9[%get3A_2622, %get3A_2623] {strides = array<i32>} : memref<80x1024xf32, #tpu.memory_space<vmem>>, vector<1x16xf32>,
        %get3A_2625 = vector.shape_cast %get3A_2624 : vector<1x16xf32> to vector<16xf32>
        %mul3A_2626 = arith.mulf %get3A_46, %get3A_2625 : vector<16xf32>
        %add3A_2627 = arith.addf %add3A_2611, %mul3A_2626 : vector<16xf32>
        %add3A_2628 = arith.constant 4 : i32
        %add3A_2629 = arith.addi %mul3A_28, %add3A_2628 : i32
        %get3A_2630 = arith.index_cast %add3A_2629 : i32 to index
        %get3A_2631 = arith.constant 480 : index
        %get3A_2632 = tpu.vector_load %arg9[%get3A_2630, %get3A_2631] {strides = array<i32>} : memref<80x1024xf32, #tpu.memory_space<vmem>>, vector<1x16xf32>,
        %get3A_2633 = vector.shape_cast %get3A_2632 : vector<1x16xf32> to vector<16xf32>
        %mul3A_2634 = arith.mulf %get3A_50, %get3A_2633 : vector<16xf32>
        %add3A_2635 = arith.addf %add3A_2619, %mul3A_2634 : vector<16xf32>
        %add3A_2636 = arith.constant 4 : i32
        %add3A_2637 = arith.addi %mul3A_28, %add3A_2636 : i32
        %get3A_2638 = arith.index_cast %add3A_2637 : i32 to index
        %get3A_2639 = arith.constant 992 : index
        %get3A_2640 = tpu.vector_load %arg9[%get3A_2638, %get3A_2639] {strides = array<i32>} : memref<80x1024xf32, #tpu.memory_space<vmem>>, vector<1x16xf32>,
        %get3A_2641 = vector.shape_cast %get3A_2640 : vector<1x16xf32> to vector<16xf32>
        %mul3A_2642 = arith.mulf %get3A_50, %get3A_2641 : vector<16xf32>
        %add3A_2643 = arith.addf %add3A_2627, %mul3A_2642 : vector<16xf32>
        %swap3A_2644 = arith.index_cast %scan3A_26 : i32 to index
        %swap3A_2645 = arith.constant 480 : index
        %swap3A_2646 = tpu.vector_load %arg10[%swap3A_2644, %swap3A_2645] {strides = array<i32>} : memref<16x512xf32, #tpu.memory_space<vmem>>, vector<1x16xf32>,
        %swap3A_2647 = vector.shape_cast %swap3A_2646 : vector<1x16xf32> to vector<16xf32>
        %swap3A_2648 = vector.shape_cast %add3A_2635 : vector<16xf32> to vector<1x16xf32>
        tpu.vector_store %arg10[%swap3A_2644, %swap3A_2645], %swap3A_2648 {strides = array<i32>} : memref<16x512xf32, #tpu.memory_space<vmem>>, vector<1x16xf32>,
        %swap3A_2649 = arith.index_cast %scan3A_26 : i32 to index
        %swap3A_2650 = arith.constant 480 : index
        %swap3A_2651 = tpu.vector_load %arg11[%swap3A_2649, %swap3A_2650] {strides = array<i32>} : memref<16x512xf32, #tpu.memory_space<vmem>>, vector<1x16xf32>,
        %swap3A_2652 = vector.shape_cast %swap3A_2651 : vector<1x16xf32> to vector<16xf32>
        %swap3A_2653 = vector.shape_cast %add3A_2643 : vector<16xf32> to vector<1x16xf32>
        tpu.vector_store %arg11[%swap3A_2649, %swap3A_2650], %swap3A_2653 {strides = array<i32>} : memref<16x512xf32, #tpu.memory_space<vmem>>, vector<1x16xf32>,
        %get3A_2654 = arith.index_cast %mul3A_28 : i32 to index
        %get3A_2655 = arith.constant 496 : index
        %get3A_2656 = tpu.vector_load %arg9[%get3A_2654, %get3A_2655] {strides = array<i32>} : memref<80x1024xf32, #tpu.memory_space<vmem>>, vector<1x16xf32>,
        %get3A_2657 = vector.shape_cast %get3A_2656 : vector<1x16xf32> to vector<16xf32>
        %mul3A_2658 = arith.mulf %get3A_34, %get3A_2657 : vector<16xf32>
        %get3A_2659 = arith.index_cast %mul3A_28 : i32 to index
        %get3A_2660 = arith.constant 1008 : index
        %get3A_2661 = tpu.vector_load %arg9[%get3A_2659, %get3A_2660] {strides = array<i32>} : memref<80x1024xf32, #tpu.memory_space<vmem>>, vector<1x16xf32>,
        %get3A_2662 = vector.shape_cast %get3A_2661 : vector<1x16xf32> to vector<16xf32>
        %mul3A_2663 = arith.mulf %get3A_34, %get3A_2662 : vector<16xf32>
        %add3A_2664 = arith.constant 1 : i32
        %add3A_2665 = arith.addi %mul3A_28, %add3A_2664 : i32
        %get3A_2666 = arith.index_cast %add3A_2665 : i32 to index
        %get3A_2667 = arith.constant 496 : index
        %get3A_2668 = tpu.vector_load %arg9[%get3A_2666, %get3A_2667] {strides = array<i32>} : memref<80x1024xf32, #tpu.memory_space<vmem>>, vector<1x16xf32>,
        %get3A_2669 = vector.shape_cast %get3A_2668 : vector<1x16xf32> to vector<16xf32>
        %mul3A_2670 = arith.mulf %get3A_38, %get3A_2669 : vector<16xf32>
        %add3A_2671 = arith.addf %mul3A_2658, %mul3A_2670 : vector<16xf32>
        %add3A_2672 = arith.constant 1 : i32
        %add3A_2673 = arith.addi %mul3A_28, %add3A_2672 : i32
        %get3A_2674 = arith.index_cast %add3A_2673 : i32 to index
        %get3A_2675 = arith.constant 1008 : index
        %get3A_2676 = tpu.vector_load %arg9[%get3A_2674, %get3A_2675] {strides = array<i32>} : memref<80x1024xf32, #tpu.memory_space<vmem>>, vector<1x16xf32>,
        %get3A_2677 = vector.shape_cast %get3A_2676 : vector<1x16xf32> to vector<16xf32>
        %mul3A_2678 = arith.mulf %get3A_38, %get3A_2677 : vector<16xf32>
        %add3A_2679 = arith.addf %mul3A_2663, %mul3A_2678 : vector<16xf32>
        %add3A_2680 = arith.constant 2 : i32
        %add3A_2681 = arith.addi %mul3A_28, %add3A_2680 : i32
        %get3A_2682 = arith.index_cast %add3A_2681 : i32 to index
        %get3A_2683 = arith.constant 496 : index
        %get3A_2684 = tpu.vector_load %arg9[%get3A_2682, %get3A_2683] {strides = array<i32>} : memref<80x1024xf32, #tpu.memory_space<vmem>>, vector<1x16xf32>,
        %get3A_2685 = vector.shape_cast %get3A_2684 : vector<1x16xf32> to vector<16xf32>
        %mul3A_2686 = arith.mulf %get3A_42, %get3A_2685 : vector<16xf32>
        %add3A_2687 = arith.addf %add3A_2671, %mul3A_2686 : vector<16xf32>
        %add3A_2688 = arith.constant 2 : i32
        %add3A_2689 = arith.addi %mul3A_28, %add3A_2688 : i32
        %get3A_2690 = arith.index_cast %add3A_2689 : i32 to index
        %get3A_2691 = arith.constant 1008 : index
        %get3A_2692 = tpu.vector_load %arg9[%get3A_2690, %get3A_2691] {strides = array<i32>} : memref<80x1024xf32, #tpu.memory_space<vmem>>, vector<1x16xf32>,
        %get3A_2693 = vector.shape_cast %get3A_2692 : vector<1x16xf32> to vector<16xf32>
        %mul3A_2694 = arith.mulf %get3A_42, %get3A_2693 : vector<16xf32>
        %add3A_2695 = arith.addf %add3A_2679, %mul3A_2694 : vector<16xf32>
        %add3A_2696 = arith.constant 3 : i32
        %add3A_2697 = arith.addi %mul3A_28, %add3A_2696 : i32
        %get3A_2698 = arith.index_cast %add3A_2697 : i32 to index
        %get3A_2699 = arith.constant 496 : index
        %get3A_2700 = tpu.vector_load %arg9[%get3A_2698, %get3A_2699] {strides = array<i32>} : memref<80x1024xf32, #tpu.memory_space<vmem>>, vector<1x16xf32>,
        %get3A_2701 = vector.shape_cast %get3A_2700 : vector<1x16xf32> to vector<16xf32>
        %mul3A_2702 = arith.mulf %get3A_46, %get3A_2701 : vector<16xf32>
        %add3A_2703 = arith.addf %add3A_2687, %mul3A_2702 : vector<16xf32>
        %add3A_2704 = arith.constant 3 : i32
        %add3A_2705 = arith.addi %mul3A_28, %add3A_2704 : i32
        %get3A_2706 = arith.index_cast %add3A_2705 : i32 to index
        %get3A_2707 = arith.constant 1008 : index
        %get3A_2708 = tpu.vector_load %arg9[%get3A_2706, %get3A_2707] {strides = array<i32>} : memref<80x1024xf32, #tpu.memory_space<vmem>>, vector<1x16xf32>,
        %get3A_2709 = vector.shape_cast %get3A_2708 : vector<1x16xf32> to vector<16xf32>
        %mul3A_2710 = arith.mulf %get3A_46, %get3A_2709 : vector<16xf32>
        %add3A_2711 = arith.addf %add3A_2695, %mul3A_2710 : vector<16xf32>
        %add3A_2712 = arith.constant 4 : i32
        %add3A_2713 = arith.addi %mul3A_28, %add3A_2712 : i32
        %get3A_2714 = arith.index_cast %add3A_2713 : i32 to index
        %get3A_2715 = arith.constant 496 : index
        %get3A_2716 = tpu.vector_load %arg9[%get3A_2714, %get3A_2715] {strides = array<i32>} : memref<80x1024xf32, #tpu.memory_space<vmem>>, vector<1x16xf32>,
        %get3A_2717 = vector.shape_cast %get3A_2716 : vector<1x16xf32> to vector<16xf32>
        %mul3A_2718 = arith.mulf %get3A_50, %get3A_2717 : vector<16xf32>
        %add3A_2719 = arith.addf %add3A_2703, %mul3A_2718 : vector<16xf32>
        %add3A_2720 = arith.constant 4 : i32
        %add3A_2721 = arith.addi %mul3A_28, %add3A_2720 : i32
        %get3A_2722 = arith.index_cast %add3A_2721 : i32 to index
        %get3A_2723 = arith.constant 1008 : index
        %get3A_2724 = tpu.vector_load %arg9[%get3A_2722, %get3A_2723] {strides = array<i32>} : memref<80x1024xf32, #tpu.memory_space<vmem>>, vector<1x16xf32>,
        %get3A_2725 = vector.shape_cast %get3A_2724 : vector<1x16xf32> to vector<16xf32>
        %mul3A_2726 = arith.mulf %get3A_50, %get3A_2725 : vector<16xf32>
        %add3A_2727 = arith.addf %add3A_2711, %mul3A_2726 : vector<16xf32>
        %swap3A_2728 = arith.index_cast %scan3A_26 : i32 to index
        %swap3A_2729 = arith.constant 496 : index
        %swap3A_2730 = tpu.vector_load %arg10[%swap3A_2728, %swap3A_2729] {strides = array<i32>} : memref<16x512xf32, #tpu.memory_space<vmem>>, vector<1x16xf32>,
        %swap3A_2731 = vector.shape_cast %swap3A_2730 : vector<1x16xf32> to vector<16xf32>
        %swap3A_2732 = vector.shape_cast %add3A_2719 : vector<16xf32> to vector<1x16xf32>
        tpu.vector_store %arg10[%swap3A_2728, %swap3A_2729], %swap3A_2732 {strides = array<i32>} : memref<16x512xf32, #tpu.memory_space<vmem>>, vector<1x16xf32>,
        %swap3A_2733 = arith.index_cast %scan3A_26 : i32 to index
        %swap3A_2734 = arith.constant 496 : index
        %swap3A_2735 = tpu.vector_load %arg11[%swap3A_2733, %swap3A_2734] {strides = array<i32>} : memref<16x512xf32, #tpu.memory_space<vmem>>, vector<1x16xf32>,
        %swap3A_2736 = vector.shape_cast %swap3A_2735 : vector<1x16xf32> to vector<16xf32>
        %swap3A_2737 = vector.shape_cast %add3A_2727 : vector<16xf32> to vector<1x16xf32>
        tpu.vector_store %arg11[%swap3A_2733, %swap3A_2734], %swap3A_2737 {strides = array<i32>} : memref<16x512xf32, #tpu.memory_space<vmem>>, vector<1x16xf32>,
      }
      %scan3A_22 = arith.constant 16 : i32
      %mul3A_23 = arith.constant 16 : i32
      %mul3A_24 = arith.muli %scan3A_8, %mul3A_23 : i32
      %add3A_25 = arith.addi %mul3A_2, %mul3A_24 : i32
      "tpu.region"() ({
        %run_scoped3A = tpu.sem_alloc : memref<!tpu.dma_semaphore, #tpu.memory_space<semaphore_mem>>
        %dma_start3A_26 = arith.constant 0 : i32
        %dma_start3A_27 = tpu.memref_slice %arg5[%add3A_25, %dma_start3A_26] : memref<4096x512xf32, #tpu.memory_space<hbm>> -> memref<16x512xf32, #tpu.memory_space<hbm>>
        %dma_start3A_28 = arith.constant 0 : i32
        %dma_start3A_29 = tpu.memref_slice %arg5[%add3A_25, %dma_start3A_28] : memref<4096x512xf32, #tpu.memory_space<hbm>> -> memref<16x512xf32, #tpu.memory_space<hbm>>
        tpu.enqueue_dma source(%arg10 : memref<16x512xf32, #tpu.memory_space<vmem>>) target(%dma_start3A_29 : memref<16x512xf32, #tpu.memory_space<hbm>>) target_semaphore(%run_scoped3A : memref<!tpu.dma_semaphore, #tpu.memory_space<semaphore_mem>>)
        %dma_wait3A_30 = arith.constant 0 : i32
        %dma_wait3A_31 = tpu.memref_slice %arg5[%add3A_25, %dma_wait3A_30] : memref<4096x512xf32, #tpu.memory_space<hbm>> -> memref<16x512xf32, #tpu.memory_space<hbm>>
        %dma_wait3A_32 = arith.constant 0 : i32
        %dma_wait3A_33 = tpu.memref_slice %arg5[%add3A_25, %dma_wait3A_32] : memref<4096x512xf32, #tpu.memory_space<hbm>> -> memref<16x512xf32, #tpu.memory_space<hbm>>
        tpu.wait_dma2 semaphore(%run_scoped3A : memref<!tpu.dma_semaphore, #tpu.memory_space<semaphore_mem>>) src(%arg10 : memref<16x512xf32, #tpu.memory_space<vmem>>) dst(%dma_wait3A_33 : memref<16x512xf32, #tpu.memory_space<hbm>>)
        tpu.yield
      }) : () -> ()
      "tpu.region"() ({
        %run_scoped3A = tpu.sem_alloc : memref<!tpu.dma_semaphore, #tpu.memory_space<semaphore_mem>>
        %dma_start3A_26 = arith.constant 0 : i32
        %dma_start3A_27 = tpu.memref_slice %arg6[%add3A_25, %dma_start3A_26] : memref<4096x512xf32, #tpu.memory_space<hbm>> -> memref<16x512xf32, #tpu.memory_space<hbm>>
        %dma_start3A_28 = arith.constant 0 : i32
        %dma_start3A_29 = tpu.memref_slice %arg6[%add3A_25, %dma_start3A_28] : memref<4096x512xf32, #tpu.memory_space<hbm>> -> memref<16x512xf32, #tpu.memory_space<hbm>>
        tpu.enqueue_dma source(%arg11 : memref<16x512xf32, #tpu.memory_space<vmem>>) target(%dma_start3A_29 : memref<16x512xf32, #tpu.memory_space<hbm>>) target_semaphore(%run_scoped3A : memref<!tpu.dma_semaphore, #tpu.memory_space<semaphore_mem>>)
        %dma_wait3A_30 = arith.constant 0 : i32
        %dma_wait3A_31 = tpu.memref_slice %arg6[%add3A_25, %dma_wait3A_30] : memref<4096x512xf32, #tpu.memory_space<hbm>> -> memref<16x512xf32, #tpu.memory_space<hbm>>
        %dma_wait3A_32 = arith.constant 0 : i32
        %dma_wait3A_33 = tpu.memref_slice %arg6[%add3A_25, %dma_wait3A_32] : memref<4096x512xf32, #tpu.memory_space<hbm>> -> memref<16x512xf32, #tpu.memory_space<hbm>>
        tpu.wait_dma2 semaphore(%run_scoped3A : memref<!tpu.dma_semaphore, #tpu.memory_space<semaphore_mem>>) src(%arg11 : memref<16x512xf32, #tpu.memory_space<vmem>>) dst(%dma_wait3A_33 : memref<16x512xf32, #tpu.memory_space<hbm>>)
        tpu.yield
      }) : () -> ()
    }
    %scan3A_7 = arith.constant 8 : i32
    return
  }
}

module attributes {stable_mosaic.version = 14 : i64} {
  func.func @_prep_kern(%arg0: memref<1000x512xf32, #tpu.memory_space<vmem>>, %arg1: memref<1000x512xf32, #tpu.memory_space<vmem>>, %arg2: memref<1000x512xf32, #tpu.memory_space<vmem>>, %arg3: memref<1024x512xf32, #tpu.memory_space<vmem>>, %arg4: memref<1024x1024xf32, #tpu.memory_space<vmem>>) attributes {dimension_semantics = [], scalar_prefetch = 0 : i64, scratch_operands = 0 : i64, tpu.core_type = #tpu.core_type<tc>} {
    %get3A = arith.constant 0 : index
    %get3A_0 = arith.constant 0 : index
    %get3A_1 = vector.load %arg0[%get3A, %get3A_0] : memref<1000x512xf32, #tpu.memory_space<vmem>>, vector<1000x512xf32>
    %mul3A = arith.mulf %get3A_1, %get3A_1 : vector<1000x512xf32>
    %reduce_sum3A = arith.constant dense<0.000000e+00> : vector<1000xf32>
    %reduce_sum3A_2 = vector.multi_reduction <add>, %mul3A, %reduce_sum3A [1] : vector<1000x512xf32> to vector<1000xf32>
    %broadcast_in_dim3A = vector.shape_cast %reduce_sum3A_2 : vector<1000xf32> to vector<1000x1xf32>
    %sqrt3A = math.sqrt %broadcast_in_dim3A : vector<1000x1xf32>
    %max3A = arith.constant 9.99999996E-13 : f32
    %max3A_3 = vector.broadcast %max3A : f32 to vector<1000x1xf32>
    %max3A_4 = arith.maximumf %sqrt3A, %max3A_3 : vector<1000x1xf32>
    %div3A = arith.constant 1.000000e+00 : f32
    %div3A_5 = vector.broadcast %div3A : f32 to vector<1000x1xf32>
    %div3A_6 = arith.divf %div3A_5, %max3A_4 : vector<1000x1xf32>
    %mul3A_7 = vector.broadcast %div3A_6 : vector<1000x1xf32> to vector<1000x512xf32>
    %mul3A_8 = arith.mulf %get3A_1, %mul3A_7 : vector<1000x512xf32>
    %broadcast_in_dim3A_9 = arith.constant 0.000000e+00 : f32
    %broadcast_in_dim3A_10 = vector.broadcast %broadcast_in_dim3A_9 : f32 to vector<1024x512xf32>
    %swap3A = arith.constant 0 : index
    %swap3A_11 = arith.constant 0 : index
    %swap3A_12 = vector.load %arg3[%swap3A, %swap3A_11] : memref<1024x512xf32, #tpu.memory_space<vmem>>, vector<1024x512xf32>
    tpu.vector_store %arg3[%swap3A, %swap3A_11], %broadcast_in_dim3A_10 {strides = array<i32>} : memref<1024x512xf32, #tpu.memory_space<vmem>>, vector<1024x512xf32>,
    %swap3A_13 = arith.constant 0 : index
    %swap3A_14 = arith.constant 0 : index
    %swap3A_15 = vector.load %arg3[%swap3A_13, %swap3A_14] : memref<1024x512xf32, #tpu.memory_space<vmem>>, vector<1000x512xf32>
    tpu.vector_store %arg3[%swap3A_13, %swap3A_14], %mul3A_8 {strides = array<i32>} : memref<1024x512xf32, #tpu.memory_space<vmem>>, vector<1000x512xf32>,
    %get3A_16 = arith.constant 0 : index
    %get3A_17 = arith.constant 0 : index
    %get3A_18 = vector.load %arg1[%get3A_16, %get3A_17] : memref<1000x512xf32, #tpu.memory_space<vmem>>, vector<1000x512xf32>
    %mul3A_19 = arith.mulf %get3A_18, %get3A_18 : vector<1000x512xf32>
    %reduce_sum3A_20 = arith.constant dense<0.000000e+00> : vector<1000xf32>
    %reduce_sum3A_21 = vector.multi_reduction <add>, %mul3A_19, %reduce_sum3A_20 [1] : vector<1000x512xf32> to vector<1000xf32>
    %broadcast_in_dim3A_22 = vector.shape_cast %reduce_sum3A_21 : vector<1000xf32> to vector<1000x1xf32>
    %sqrt3A_23 = math.sqrt %broadcast_in_dim3A_22 : vector<1000x1xf32>
    %max3A_24 = arith.constant 9.99999996E-13 : f32
    %max3A_25 = vector.broadcast %max3A_24 : f32 to vector<1000x1xf32>
    %max3A_26 = arith.maximumf %sqrt3A_23, %max3A_25 : vector<1000x1xf32>
    %div3A_27 = arith.constant 1.000000e+00 : f32
    %div3A_28 = vector.broadcast %div3A_27 : f32 to vector<1000x1xf32>
    %div3A_29 = arith.divf %div3A_28, %max3A_26 : vector<1000x1xf32>
    %mul3A_30 = vector.broadcast %div3A_29 : vector<1000x1xf32> to vector<1000x512xf32>
    %mul3A_31 = arith.mulf %get3A_18, %mul3A_30 : vector<1000x512xf32>
    %broadcast_in_dim3A_32 = arith.constant 0.000000e+00 : f32
    %broadcast_in_dim3A_33 = vector.broadcast %broadcast_in_dim3A_32 : f32 to vector<1024x1024xf32>
    %swap3A_34 = arith.constant 0 : index
    %swap3A_35 = arith.constant 0 : index
    %swap3A_36 = vector.load %arg4[%swap3A_34, %swap3A_35] : memref<1024x1024xf32, #tpu.memory_space<vmem>>, vector<1024x1024xf32>
    tpu.vector_store %arg4[%swap3A_34, %swap3A_35], %broadcast_in_dim3A_33 {strides = array<i32>} : memref<1024x1024xf32, #tpu.memory_space<vmem>>, vector<1024x1024xf32>,
    %get3A_37 = arith.constant 0 : index
    %get3A_38 = arith.constant 0 : index
    %get3A_39 = vector.load %arg2[%get3A_37, %get3A_38] : memref<1000x512xf32, #tpu.memory_space<vmem>>, vector<1000x512xf32>
    %swap3A_40 = arith.constant 0 : index
    %swap3A_41 = arith.constant 0 : index
    %swap3A_42 = vector.load %arg4[%swap3A_40, %swap3A_41] : memref<1024x1024xf32, #tpu.memory_space<vmem>>, vector<1000x512xf32>
    tpu.vector_store %arg4[%swap3A_40, %swap3A_41], %get3A_39 {strides = array<i32>} : memref<1024x1024xf32, #tpu.memory_space<vmem>>, vector<1000x512xf32>,
    %swap3A_43 = arith.constant 0 : index
    %swap3A_44 = arith.constant 512 : index
    %swap3A_45 = vector.load %arg4[%swap3A_43, %swap3A_44] : memref<1024x1024xf32, #tpu.memory_space<vmem>>, vector<1000x512xf32>
    tpu.vector_store %arg4[%swap3A_43, %swap3A_44], %mul3A_31 {strides = array<i32>} : memref<1024x1024xf32, #tpu.memory_space<vmem>>, vector<1000x512xf32>,
    return
  }
}

module attributes {stable_mosaic.version = 14 : i64} {
  func.func @_tc_kern(%arg0: i32, %arg1: memref<1024x512xf32, #tpu.memory_space<vmem>>, %arg2: memref<1024x512xf32, #tpu.memory_space<vmem>>, %arg3: memref<512x1024xf32, #tpu.memory_space<vmem>>, %arg4: memref<1x512xf32, #tpu.memory_space<vmem>>, %arg5: memref<1024x512xf32, #tpu.memory_space<vmem>>, %arg6: memref<1024x8xi32, #tpu.memory_space<vmem>>, %arg7: memref<1024x128xf32, #tpu.memory_space<vmem>>) attributes {dimension_semantics = [#tpu.dimension_semantics<arbitrary>], iteration_bounds = array<i64: 4>, scalar_prefetch = 0 : i64, scratch_operands = 0 : i64, tpu.core_type = #tpu.core_type<tc>, window_params = [{transform_indices = @transform_0, window_bounds = array<i64: 1024, 512>}, {transform_indices = @transform_1, window_bounds = array<i64: 1024, 512>}, {pipeline_mode = #tpu.pipeline_mode<synchronous>, transform_indices = @transform_2, window_bounds = array<i64: 512, 1024>}, {pipeline_mode = #tpu.pipeline_mode<synchronous>, transform_indices = @transform_3, window_bounds = array<i64: 1, 512>}, {pipeline_mode = #tpu.pipeline_mode<synchronous>, transform_indices = @transform_4, window_bounds = array<i64: 1024, 512>}, {transform_indices = @transform_5, window_bounds = array<i64: 1024, 8>}, {transform_indices = @transform_6, window_bounds = array<i64: 1024, 128>}]} {
    %get3A = arith.constant 0 : index
    %get3A_0 = arith.constant 0 : index
    %get3A_1 = vector.load %arg3[%get3A, %get3A_0] : memref<512x1024xf32, #tpu.memory_space<vmem>>, vector<512x1024xf32>
    %get3A_2 = arith.constant 0 : index
    %get3A_3 = arith.constant 0 : index
    %get3A_4 = vector.load %arg1[%get3A_2, %get3A_3] : memref<1024x512xf32, #tpu.memory_space<vmem>>, vector<1024x512xf32>
    %slice3A = vector.extract_strided_slice %get3A_1 {offsets = [0, 0], sizes = [512, 512], strides = [1, 1]} : vector<512x1024xf32> to vector<512x512xf32>
    %dot_general3A = arith.constant dense<0.000000e+00> : vector<1024x512xf32>
    %dot_general3A_5 = tpu.matmul %get3A_4, %slice3A, %dot_general3A {dimension_numbers = #tpu.dot_dimension_numbers<[1], [1], [0], [0], [0, 0, 1, 0], [], []>, transpose_lhs_hint = false} : vector<1024x512xf32>, vector<512x512xf32>, vector<1024x512xf32> -> vector<1024x512xf32>
    %get3A_6 = arith.constant 0 : index
    %get3A_7 = arith.constant 0 : index
    %get3A_8 = vector.load %arg2[%get3A_6, %get3A_7] : memref<1024x512xf32, #tpu.memory_space<vmem>>, vector<1024x512xf32>
    %slice3A_9 = vector.extract_strided_slice %get3A_1 {offsets = [0, 512], sizes = [512, 512], strides = [1, 1]} : vector<512x1024xf32> to vector<512x512xf32>
    %dot_general3A_10 = arith.constant dense<0.000000e+00> : vector<1024x512xf32>
    %dot_general3A_11 = tpu.matmul %get3A_8, %slice3A_9, %dot_general3A_10 {dimension_numbers = #tpu.dot_dimension_numbers<[1], [1], [0], [0], [0, 0, 1, 0], [], []>, transpose_lhs_hint = false} : vector<1024x512xf32>, vector<512x512xf32>, vector<1024x512xf32> -> vector<1024x512xf32>
    %add3A = arith.addf %dot_general3A_5, %dot_general3A_11 : vector<1024x512xf32>
    %get3A_12 = arith.constant 0 : index
    %get3A_13 = arith.constant 0 : index
    %get3A_14 = vector.load %arg4[%get3A_12, %get3A_13] : memref<1x512xf32, #tpu.memory_space<vmem>>, vector<1x512xf32>
    %add3A_15 = vector.broadcast %get3A_14 : vector<1x512xf32> to vector<1024x512xf32>
    %add3A_16 = arith.addf %add3A, %add3A_15 : vector<1024x512xf32>
    %max3A = arith.constant 0.000000e+00 : f32
    %max3A_17 = vector.broadcast %max3A : f32 to vector<1024x512xf32>
    %max3A_18 = arith.maximumf %add3A_16, %max3A_17 : vector<1024x512xf32>
    %mul3A = arith.mulf %max3A_18, %max3A_18 : vector<1024x512xf32>
    %reduce_sum3A = arith.constant dense<0.000000e+00> : vector<1024xf32>
    %reduce_sum3A_19 = vector.multi_reduction <add>, %mul3A, %reduce_sum3A [1] : vector<1024x512xf32> to vector<1024xf32>
    %broadcast_in_dim3A = vector.shape_cast %reduce_sum3A_19 : vector<1024xf32> to vector<1024x1xf32>
    %sqrt3A = math.sqrt %broadcast_in_dim3A : vector<1024x1xf32>
    %max3A_20 = arith.constant 9.99999996E-13 : f32
    %max3A_21 = vector.broadcast %max3A_20 : f32 to vector<1024x1xf32>
    %max3A_22 = arith.maximumf %sqrt3A, %max3A_21 : vector<1024x1xf32>
    %div3A = arith.constant 1.000000e+00 : f32
    %div3A_23 = vector.broadcast %div3A : f32 to vector<1024x1xf32>
    %div3A_24 = arith.divf %div3A_23, %max3A_22 : vector<1024x1xf32>
    %mul3A_25 = vector.broadcast %div3A_24 : vector<1024x1xf32> to vector<1024x512xf32>
    %mul3A_26 = arith.mulf %max3A_18, %mul3A_25 : vector<1024x512xf32>
    %get3A_27 = arith.constant 0 : index
    %get3A_28 = arith.constant 0 : index
    %get3A_29 = vector.load %arg5[%get3A_27, %get3A_28] : memref<1024x512xf32, #tpu.memory_space<vmem>>, vector<1024x512xf32>
    %dot_general3A_30 = arith.constant dense<0.000000e+00> : vector<1024x1024xf32>
    %dot_general3A_31 = tpu.matmul %mul3A_26, %get3A_29, %dot_general3A_30 {dimension_numbers = #tpu.dot_dimension_numbers<[1], [1], [0], [0], [0, 0, 1, 0], [], []>, transpose_lhs_hint = false} : vector<1024x512xf32>, vector<1024x512xf32>, vector<1024x1024xf32> -> vector<1024x1024xf32>
    %mul3A_32 = arith.constant 14.2857141 : f32
    %mul3A_33 = vector.broadcast %mul3A_32 : f32 to vector<1024x1024xf32>
    %mul3A_34 = arith.mulf %dot_general3A_31, %mul3A_33 : vector<1024x1024xf32>
    %iota3A = tpu.iota {dimensions = array<i32: 1>} : vector<1024x1024xi32>
    %convert_element_type3A = arith.sitofp %iota3A : vector<1024x1024xi32> to vector<1024x1024xf32>
    %lt3A = arith.constant 1.000000e+03 : f32
    %lt3A_35 = vector.broadcast %lt3A : f32 to vector<1024x1024xf32>
    %lt3A_36 = arith.cmpf olt, %convert_element_type3A, %lt3A_35 : vector<1024x1024xf32>
    %jit3A = arith.constant -1.000000e+30 : f32
    %broadcast_in_dim3A_37 = vector.broadcast %jit3A : f32 to vector<1024x1024xf32>
    %select_n3A = arith.select %lt3A_36, %mul3A_34, %broadcast_in_dim3A_37 : vector<1024x1024xi1>, vector<1024x1024xf32>
    %reduce_max3A = arith.constant dense<0xFF800000> : vector<1024xf32>
    %reduce_max3A_38 = vector.multi_reduction <maximumf>, %select_n3A, %reduce_max3A [1] : vector<1024x1024xf32> to vector<1024xf32>
    %broadcast_in_dim3A_39 = vector.shape_cast %reduce_max3A_38 : vector<1024xf32> to vector<1024x1xf32>
    %eq3A = vector.broadcast %broadcast_in_dim3A_39 : vector<1024x1xf32> to vector<1024x1024xf32>
    %eq3A_40 = arith.cmpf oeq, %select_n3A, %eq3A : vector<1024x1024xf32>
    %jit3A_41 = arith.constant 3.000000e+09 : f32
    %broadcast_in_dim3A_42 = vector.broadcast %jit3A_41 : f32 to vector<1024x1024xf32>
    %select_n3A_43 = arith.select %eq3A_40, %convert_element_type3A, %broadcast_in_dim3A_42 : vector<1024x1024xi1>, vector<1024x1024xf32>
    %reduce_min3A = arith.constant dense<0x7F800000> : vector<1024xf32>
    %reduce_min3A_44 = vector.multi_reduction <minimumf>, %select_n3A_43, %reduce_min3A [1] : vector<1024x1024xf32> to vector<1024xf32>
    %broadcast_in_dim3A_45 = vector.shape_cast %reduce_min3A_44 : vector<1024xf32> to vector<1024x1xf32>
    %eq3A_46 = vector.broadcast %broadcast_in_dim3A_45 : vector<1024x1xf32> to vector<1024x1024xf32>
    %eq3A_47 = arith.cmpf oeq, %convert_element_type3A, %eq3A_46 : vector<1024x1024xf32>
    %jit3A_48 = arith.constant -1.000000e+30 : f32
    %broadcast_in_dim3A_49 = vector.broadcast %jit3A_48 : f32 to vector<1024x1024xf32>
    %select_n3A_50 = arith.select %eq3A_47, %broadcast_in_dim3A_49, %select_n3A : vector<1024x1024xi1>, vector<1024x1024xf32>
    %reduce_max3A_51 = arith.constant dense<0xFF800000> : vector<1024xf32>
    %reduce_max3A_52 = vector.multi_reduction <maximumf>, %select_n3A_50, %reduce_max3A_51 [1] : vector<1024x1024xf32> to vector<1024xf32>
    %broadcast_in_dim3A_53 = vector.shape_cast %reduce_max3A_52 : vector<1024xf32> to vector<1024x1xf32>
    %eq3A_54 = vector.broadcast %broadcast_in_dim3A_53 : vector<1024x1xf32> to vector<1024x1024xf32>
    %eq3A_55 = arith.cmpf oeq, %select_n3A_50, %eq3A_54 : vector<1024x1024xf32>
    %jit3A_56 = arith.constant 3.000000e+09 : f32
    %broadcast_in_dim3A_57 = vector.broadcast %jit3A_56 : f32 to vector<1024x1024xf32>
    %select_n3A_58 = arith.select %eq3A_55, %convert_element_type3A, %broadcast_in_dim3A_57 : vector<1024x1024xi1>, vector<1024x1024xf32>
    %reduce_min3A_59 = arith.constant dense<0x7F800000> : vector<1024xf32>
    %reduce_min3A_60 = vector.multi_reduction <minimumf>, %select_n3A_58, %reduce_min3A_59 [1] : vector<1024x1024xf32> to vector<1024xf32>
    %broadcast_in_dim3A_61 = vector.shape_cast %reduce_min3A_60 : vector<1024xf32> to vector<1024x1xf32>
    %eq3A_62 = vector.broadcast %broadcast_in_dim3A_61 : vector<1024x1xf32> to vector<1024x1024xf32>
    %eq3A_63 = arith.cmpf oeq, %convert_element_type3A, %eq3A_62 : vector<1024x1024xf32>
    %jit3A_64 = arith.constant -1.000000e+30 : f32
    %broadcast_in_dim3A_65 = vector.broadcast %jit3A_64 : f32 to vector<1024x1024xf32>
    %select_n3A_66 = arith.select %eq3A_63, %broadcast_in_dim3A_65, %select_n3A_50 : vector<1024x1024xi1>, vector<1024x1024xf32>
    %reduce_max3A_67 = arith.constant dense<0xFF800000> : vector<1024xf32>
    %reduce_max3A_68 = vector.multi_reduction <maximumf>, %select_n3A_66, %reduce_max3A_67 [1] : vector<1024x1024xf32> to vector<1024xf32>
    %broadcast_in_dim3A_69 = vector.shape_cast %reduce_max3A_68 : vector<1024xf32> to vector<1024x1xf32>
    %eq3A_70 = vector.broadcast %broadcast_in_dim3A_69 : vector<1024x1xf32> to vector<1024x1024xf32>
    %eq3A_71 = arith.cmpf oeq, %select_n3A_66, %eq3A_70 : vector<1024x1024xf32>
    %jit3A_72 = arith.constant 3.000000e+09 : f32
    %broadcast_in_dim3A_73 = vector.broadcast %jit3A_72 : f32 to vector<1024x1024xf32>
    %select_n3A_74 = arith.select %eq3A_71, %convert_element_type3A, %broadcast_in_dim3A_73 : vector<1024x1024xi1>, vector<1024x1024xf32>
    %reduce_min3A_75 = arith.constant dense<0x7F800000> : vector<1024xf32>
    %reduce_min3A_76 = vector.multi_reduction <minimumf>, %select_n3A_74, %reduce_min3A_75 [1] : vector<1024x1024xf32> to vector<1024xf32>
    %broadcast_in_dim3A_77 = vector.shape_cast %reduce_min3A_76 : vector<1024xf32> to vector<1024x1xf32>
    %eq3A_78 = vector.broadcast %broadcast_in_dim3A_77 : vector<1024x1xf32> to vector<1024x1024xf32>
    %eq3A_79 = arith.cmpf oeq, %convert_element_type3A, %eq3A_78 : vector<1024x1024xf32>
    %jit3A_80 = arith.constant -1.000000e+30 : f32
    %broadcast_in_dim3A_81 = vector.broadcast %jit3A_80 : f32 to vector<1024x1024xf32>
    %select_n3A_82 = arith.select %eq3A_79, %broadcast_in_dim3A_81, %select_n3A_66 : vector<1024x1024xi1>, vector<1024x1024xf32>
    %reduce_max3A_83 = arith.constant dense<0xFF800000> : vector<1024xf32>
    %reduce_max3A_84 = vector.multi_reduction <maximumf>, %select_n3A_82, %reduce_max3A_83 [1] : vector<1024x1024xf32> to vector<1024xf32>
    %broadcast_in_dim3A_85 = vector.shape_cast %reduce_max3A_84 : vector<1024xf32> to vector<1024x1xf32>
    %eq3A_86 = vector.broadcast %broadcast_in_dim3A_85 : vector<1024x1xf32> to vector<1024x1024xf32>
    %eq3A_87 = arith.cmpf oeq, %select_n3A_82, %eq3A_86 : vector<1024x1024xf32>
    %jit3A_88 = arith.constant 3.000000e+09 : f32
    %broadcast_in_dim3A_89 = vector.broadcast %jit3A_88 : f32 to vector<1024x1024xf32>
    %select_n3A_90 = arith.select %eq3A_87, %convert_element_type3A, %broadcast_in_dim3A_89 : vector<1024x1024xi1>, vector<1024x1024xf32>
    %reduce_min3A_91 = arith.constant dense<0x7F800000> : vector<1024xf32>
    %reduce_min3A_92 = vector.multi_reduction <minimumf>, %select_n3A_90, %reduce_min3A_91 [1] : vector<1024x1024xf32> to vector<1024xf32>
    %broadcast_in_dim3A_93 = vector.shape_cast %reduce_min3A_92 : vector<1024xf32> to vector<1024x1xf32>
    %eq3A_94 = vector.broadcast %broadcast_in_dim3A_93 : vector<1024x1xf32> to vector<1024x1024xf32>
    %eq3A_95 = arith.cmpf oeq, %convert_element_type3A, %eq3A_94 : vector<1024x1024xf32>
    %jit3A_96 = arith.constant -1.000000e+30 : f32
    %broadcast_in_dim3A_97 = vector.broadcast %jit3A_96 : f32 to vector<1024x1024xf32>
    %select_n3A_98 = arith.select %eq3A_95, %broadcast_in_dim3A_97, %select_n3A_82 : vector<1024x1024xi1>, vector<1024x1024xf32>
    %reduce_max3A_99 = arith.constant dense<0xFF800000> : vector<1024xf32>
    %reduce_max3A_100 = vector.multi_reduction <maximumf>, %select_n3A_98, %reduce_max3A_99 [1] : vector<1024x1024xf32> to vector<1024xf32>
    %broadcast_in_dim3A_101 = vector.shape_cast %reduce_max3A_100 : vector<1024xf32> to vector<1024x1xf32>
    %eq3A_102 = vector.broadcast %broadcast_in_dim3A_101 : vector<1024x1xf32> to vector<1024x1024xf32>
    %eq3A_103 = arith.cmpf oeq, %select_n3A_98, %eq3A_102 : vector<1024x1024xf32>
    %jit3A_104 = arith.constant 3.000000e+09 : f32
    %broadcast_in_dim3A_105 = vector.broadcast %jit3A_104 : f32 to vector<1024x1024xf32>
    %select_n3A_106 = arith.select %eq3A_103, %convert_element_type3A, %broadcast_in_dim3A_105 : vector<1024x1024xi1>, vector<1024x1024xf32>
    %reduce_min3A_107 = arith.constant dense<0x7F800000> : vector<1024xf32>
    %reduce_min3A_108 = vector.multi_reduction <minimumf>, %select_n3A_106, %reduce_min3A_107 [1] : vector<1024x1024xf32> to vector<1024xf32>
    %broadcast_in_dim3A_109 = vector.shape_cast %reduce_min3A_108 : vector<1024xf32> to vector<1024x1xf32>
    %sub3A = arith.subf %broadcast_in_dim3A_39, %broadcast_in_dim3A_39 : vector<1024x1xf32>
    %exp3A = math.exp %sub3A : vector<1024x1xf32>
    %sub3A_110 = arith.subf %broadcast_in_dim3A_53, %broadcast_in_dim3A_39 : vector<1024x1xf32>
    %exp3A_111 = math.exp %sub3A_110 : vector<1024x1xf32>
    %sub3A_112 = arith.subf %broadcast_in_dim3A_69, %broadcast_in_dim3A_39 : vector<1024x1xf32>
    %exp3A_113 = math.exp %sub3A_112 : vector<1024x1xf32>
    %sub3A_114 = arith.subf %broadcast_in_dim3A_85, %broadcast_in_dim3A_39 : vector<1024x1xf32>
    %exp3A_115 = math.exp %sub3A_114 : vector<1024x1xf32>
    %sub3A_116 = arith.subf %broadcast_in_dim3A_101, %broadcast_in_dim3A_39 : vector<1024x1xf32>
    %exp3A_117 = math.exp %sub3A_116 : vector<1024x1xf32>
    %add3A_118 = arith.addf %exp3A, %exp3A_111 : vector<1024x1xf32>
    %add3A_119 = arith.addf %add3A_118, %exp3A_113 : vector<1024x1xf32>
    %add3A_120 = arith.addf %add3A_119, %exp3A_115 : vector<1024x1xf32>
    %add3A_121 = arith.addf %add3A_120, %exp3A_117 : vector<1024x1xf32>
    %div3A_122 = arith.constant 1.000000e+00 : f32
    %div3A_123 = vector.broadcast %div3A_122 : f32 to vector<1024x1xf32>
    %div3A_124 = arith.divf %div3A_123, %add3A_121 : vector<1024x1xf32>
    %broadcast_in_dim3A_125 = arith.constant 1.000000e+00 : f32
    %broadcast_in_dim3A_126 = vector.broadcast %broadcast_in_dim3A_125 : f32 to vector<1024x16xf32>
    %mul3A_127 = arith.mulf %exp3A, %div3A_124 : vector<1024x1xf32>
    %mul3A_128 = vector.broadcast %mul3A_127 : vector<1024x1xf32> to vector<1024x16xf32>
    %mul3A_129 = arith.mulf %mul3A_128, %broadcast_in_dim3A_126 : vector<1024x16xf32>
    %mul3A_130 = arith.mulf %exp3A_111, %div3A_124 : vector<1024x1xf32>
    %mul3A_131 = vector.broadcast %mul3A_130 : vector<1024x1xf32> to vector<1024x16xf32>
    %mul3A_132 = arith.mulf %mul3A_131, %broadcast_in_dim3A_126 : vector<1024x16xf32>
    %mul3A_133 = arith.mulf %exp3A_113, %div3A_124 : vector<1024x1xf32>
    %mul3A_134 = vector.broadcast %mul3A_133 : vector<1024x1xf32> to vector<1024x16xf32>
    %mul3A_135 = arith.mulf %mul3A_134, %broadcast_in_dim3A_126 : vector<1024x16xf32>
    %mul3A_136 = arith.mulf %exp3A_115, %div3A_124 : vector<1024x1xf32>
    %mul3A_137 = vector.broadcast %mul3A_136 : vector<1024x1xf32> to vector<1024x16xf32>
    %mul3A_138 = arith.mulf %mul3A_137, %broadcast_in_dim3A_126 : vector<1024x16xf32>
    %mul3A_139 = arith.mulf %exp3A_117, %div3A_124 : vector<1024x1xf32>
    %mul3A_140 = vector.broadcast %mul3A_139 : vector<1024x1xf32> to vector<1024x16xf32>
    %mul3A_141 = arith.mulf %mul3A_140, %broadcast_in_dim3A_126 : vector<1024x16xf32>
    %broadcast_in_dim3A_142 = arith.constant 0.000000e+00 : f32
    %broadcast_in_dim3A_143 = vector.broadcast %broadcast_in_dim3A_142 : f32 to vector<1024x48xf32>
    %concatenate3A = tpu.concatenate %mul3A_129, %mul3A_132, %mul3A_135, %mul3A_138, %mul3A_141, %broadcast_in_dim3A_143 in 1 : vector<1024x16xf32>, vector<1024x16xf32>, vector<1024x16xf32>, vector<1024x16xf32>, vector<1024x16xf32>, vector<1024x48xf32> -> vector<1024x128xf32>
    %swap3A = arith.constant 0 : index
    %swap3A_144 = arith.constant 0 : index
    %swap3A_145 = vector.load %arg7[%swap3A, %swap3A_144] : memref<1024x128xf32, #tpu.memory_space<vmem>>, vector<1024x128xf32>
    tpu.vector_store %arg7[%swap3A, %swap3A_144], %concatenate3A {strides = array<i32>} : memref<1024x128xf32, #tpu.memory_space<vmem>>, vector<1024x128xf32>,
    %convert_element_type3A_146 = arith.fptosi %broadcast_in_dim3A_45 : vector<1024x1xf32> to vector<1024x1xi32>
    %convert_element_type3A_147 = arith.fptosi %broadcast_in_dim3A_61 : vector<1024x1xf32> to vector<1024x1xi32>
    %convert_element_type3A_148 = arith.fptosi %broadcast_in_dim3A_77 : vector<1024x1xf32> to vector<1024x1xi32>
    %convert_element_type3A_149 = arith.fptosi %broadcast_in_dim3A_93 : vector<1024x1xf32> to vector<1024x1xi32>
    %convert_element_type3A_150 = arith.fptosi %broadcast_in_dim3A_109 : vector<1024x1xf32> to vector<1024x1xi32>
    %broadcast_in_dim3A_151 = arith.constant 0 : i32
    %broadcast_in_dim3A_152 = vector.broadcast %broadcast_in_dim3A_151 : i32 to vector<1024x3xi32>
    %concatenate3A_153 = tpu.concatenate %convert_element_type3A_146, %convert_element_type3A_147, %convert_element_type3A_148, %convert_element_type3A_149, %convert_element_type3A_150, %broadcast_in_dim3A_152 in 1 : vector<1024x1xi32>, vector<1024x1xi32>, vector<1024x1xi32>, vector<1024x1xi32>, vector<1024x1xi32>, vector<1024x3xi32> -> vector<1024x8xi32>
    %swap3A_154 = arith.constant 0 : index
    %swap3A_155 = arith.constant 0 : index
    %swap3A_156 = vector.load %arg6[%swap3A_154, %swap3A_155] : memref<1024x8xi32, #tpu.memory_space<vmem>>, vector<1024x8xi32>
    tpu.vector_store %arg6[%swap3A_154, %swap3A_155], %concatenate3A_153 {strides = array<i32>} : memref<1024x8xi32, #tpu.memory_space<vmem>>, vector<1024x8xi32>,
    return
  }
  func.func @transform_0(%arg0: i32) -> (i32, i32) {
    %c0_i32 = arith.constant 0 : i32
    %c0_i32_0 = arith.constant 0 : i32
    return %arg0, %c0_i32 : i32, i32
  }
  func.func @transform_1(%arg0: i32) -> (i32, i32) {
    %c0_i32 = arith.constant 0 : i32
    %c0_i32_0 = arith.constant 0 : i32
    return %arg0, %c0_i32 : i32, i32
  }
  func.func @transform_2(%arg0: i32) -> (i32, i32) {
    %c0_i32 = arith.constant 0 : i32
    %c0_i32_0 = arith.constant 0 : i32
    %c0_i32_1 = arith.constant 0 : i32
    return %c0_i32, %c0_i32_0 : i32, i32
  }
  func.func @transform_3(%arg0: i32) -> (i32, i32) {
    %c0_i32 = arith.constant 0 : i32
    %c0_i32_0 = arith.constant 0 : i32
    %c0_i32_1 = arith.constant 0 : i32
    return %c0_i32, %c0_i32_0 : i32, i32
  }
  func.func @transform_4(%arg0: i32) -> (i32, i32) {
    %c0_i32 = arith.constant 0 : i32
    %c0_i32_0 = arith.constant 0 : i32
    %c0_i32_1 = arith.constant 0 : i32
    return %c0_i32, %c0_i32_0 : i32, i32
  }
  func.func @transform_5(%arg0: i32) -> (i32, i32) {
    %c0_i32 = arith.constant 0 : i32
    %c0_i32_0 = arith.constant 0 : i32
    return %arg0, %c0_i32 : i32, i32
  }
  func.func @transform_6(%arg0: i32) -> (i32, i32) {
    %c0_i32 = arith.constant 0 : i32
    %c0_i32_0 = arith.constant 0 : i32
    return %arg0, %c0_i32 : i32, i32
  }
}

module attributes {stable_mosaic.version = 14 : i64} {
  func.func @_cost_kern(%arg0: i32, %arg1: memref<1024x512xf32, #tpu.memory_space<vmem>>, %arg2: memref<1024x512xf32, #tpu.memory_space<vmem>>, %arg3: memref<1x1xf32, #tpu.memory_space<vmem>>) attributes {dimension_semantics = [#tpu.dimension_semantics<arbitrary>], iteration_bounds = array<i64: 4>, scalar_prefetch = 0 : i64, scratch_operands = 0 : i64, tpu.core_type = #tpu.core_type<tc>, window_params = [{transform_indices = @transform_0, window_bounds = array<i64: 1024, 512>}, {transform_indices = @transform_1, window_bounds = array<i64: 1024, 512>}, {pipeline_mode = #tpu.pipeline_mode<synchronous>, transform_indices = @transform_2, window_bounds = array<i64: 1, 1>}]} {
    %get3A = arith.constant 0 : index
    %get3A_0 = arith.constant 0 : index
    %get3A_1 = vector.load %arg1[%get3A, %get3A_0] : memref<1024x512xf32, #tpu.memory_space<vmem>>, vector<1024x512xf32>
    %mul3A = arith.mulf %get3A_1, %get3A_1 : vector<1024x512xf32>
    %reduce_sum3A = arith.constant dense<0.000000e+00> : vector<1024xf32>
    %reduce_sum3A_2 = vector.multi_reduction <add>, %mul3A, %reduce_sum3A [1] : vector<1024x512xf32> to vector<1024xf32>
    %broadcast_in_dim3A = vector.shape_cast %reduce_sum3A_2 : vector<1024xf32> to vector<1024x1xf32>
    %sqrt3A = math.sqrt %broadcast_in_dim3A : vector<1024x1xf32>
    %max3A = arith.constant 9.99999996E-13 : f32
    %max3A_3 = vector.broadcast %max3A : f32 to vector<1024x1xf32>
    %max3A_4 = arith.maximumf %sqrt3A, %max3A_3 : vector<1024x1xf32>
    %div3A = arith.constant 1.000000e+00 : f32
    %div3A_5 = vector.broadcast %div3A : f32 to vector<1024x1xf32>
    %div3A_6 = arith.divf %div3A_5, %max3A_4 : vector<1024x1xf32>
    %mul3A_7 = vector.broadcast %div3A_6 : vector<1024x1xf32> to vector<1024x512xf32>
    %mul3A_8 = arith.mulf %get3A_1, %mul3A_7 : vector<1024x512xf32>
    %get3A_9 = arith.constant 0 : index
    %get3A_10 = arith.constant 0 : index
    %get3A_11 = vector.load %arg2[%get3A_9, %get3A_10] : memref<1024x512xf32, #tpu.memory_space<vmem>>, vector<1024x512xf32>
    %mul3A_12 = arith.mulf %mul3A_8, %get3A_11 : vector<1024x512xf32>
    %reduce_sum3A_13 = arith.constant dense<0.000000e+00> : vector<1024xf32>
    %reduce_sum3A_14 = vector.multi_reduction <add>, %mul3A_12, %reduce_sum3A_13 [1] : vector<1024x512xf32> to vector<1024xf32>
    %sub3A = arith.constant 1.000000e+00 : f32
    %sub3A_15 = vector.broadcast %sub3A : f32 to vector<1024xf32>
    %sub3A_16 = arith.subf %sub3A_15, %reduce_sum3A_14 : vector<1024xf32>
    %reduce_sum3A_17 = vector.shape_cast %sub3A_16 : vector<1024xf32> to vector<1x1024xf32>
    %reduce_sum3A_18 = arith.constant dense<0.000000e+00> : vector<1xf32>
    %reduce_sum3A_19 = vector.multi_reduction <add>, %reduce_sum3A_17, %reduce_sum3A_18 [1] : vector<1x1024xf32> to vector<1xf32>
    %reduce_sum3A_20 = vector.shape_cast %reduce_sum3A_19 : vector<1xf32> to vector<1x1xf32>
    %reduce_sum3A_21 = vector.extract %reduce_sum3A_20[0, 0] : f32 from vector<1x1xf32>
    %mul3A_22 = arith.constant 2.44140625E-4 : f32
    %mul3A_23 = arith.mulf %reduce_sum3A_21, %mul3A_22 : f32
    %eq3A = arith.constant 0 : i32
    %eq3A_24 = arith.cmpi eq, %arg0, %eq3A : i32
    %convert_element_type3A = arith.extui %eq3A_24 : i1 to i32
    %cond3A = arith.constant 0 : i32
    %cond3A_25 = arith.cmpi ne, %convert_element_type3A, %cond3A : i32
    scf.if %cond3A_25 {
      %broadcast_in_dim3A_32 = arith.constant 0.000000e+00 : f32
      %broadcast_in_dim3A_33 = vector.broadcast %broadcast_in_dim3A_32 : f32 to vector<1x1xf32>
      %swap3A_34 = arith.constant 0 : index
      %swap3A_35 = arith.constant 0 : index
      %swap3A_36 = vector.load %arg3[%swap3A_34, %swap3A_35] : memref<1x1xf32, #tpu.memory_space<vmem>>, vector<1x1xf32>
      tpu.vector_store %arg3[%swap3A_34, %swap3A_35], %broadcast_in_dim3A_33 {strides = array<i32>} : memref<1x1xf32, #tpu.memory_space<vmem>>, vector<1x1xf32>,
    } else {
    }
    %get3A_26 = arith.constant 0 : index
    %get3A_27 = arith.constant 0 : index
    %get3A_28 = vector.load %arg3[%get3A_26, %get3A_27] : memref<1x1xf32, #tpu.memory_space<vmem>>, vector<1x1xf32>
    %add3A = vector.broadcast %mul3A_23 : f32 to vector<1x1xf32>
    %add3A_29 = arith.addf %get3A_28, %add3A : vector<1x1xf32>
    %swap3A = arith.constant 0 : index
    %swap3A_30 = arith.constant 0 : index
    %swap3A_31 = vector.load %arg3[%swap3A, %swap3A_30] : memref<1x1xf32, #tpu.memory_space<vmem>>, vector<1x1xf32>
    tpu.vector_store %arg3[%swap3A, %swap3A_30], %add3A_29 {strides = array<i32>} : memref<1x1xf32, #tpu.memory_space<vmem>>, vector<1x1xf32>,
    return
  }
  func.func @transform_0(%arg0: i32) -> (i32, i32) {
    %c0_i32 = arith.constant 0 : i32
    %c0_i32_0 = arith.constant 0 : i32
    return %arg0, %c0_i32 : i32, i32
  }
  func.func @transform_1(%arg0: i32) -> (i32, i32) {
    %c0_i32 = arith.constant 0 : i32
    %c0_i32_0 = arith.constant 0 : i32
    return %arg0, %c0_i32 : i32, i32
  }
  func.func @transform_2(%arg0: i32) -> (i32, i32) {
    %c0_i32 = arith.constant 0 : i32
    %c0_i32_0 = arith.constant 0 : i32
    %c0_i32_1 = arith.constant 0 : i32
    return %c0_i32, %c0_i32_0 : i32, i32
  }
}

</mosaic_0001>

<sc_bundles>
// kernel: kernel.6.cloned.1.call-start
scs
__scs_entry_jumppad:
0x0: {  	(pc) =	sbr.rel $0x88, $3  }
0x1: {  	(tag) =	ssettag $0x0;
	lr =	simm.s32 $0x1  }
0x2: {  	[smem:$0x3F9A] =	sst lr;
	_ =	strace $0xD0000000  }
0x3: {  	_ = 	snop  }
0x4: {  	_ = 	snop  }
0x5: {  	_ = 	snop  }
0x6: {  	_ = 	snop  }
0x7: {  	_ = 	snop  }
__scs_overlays_trampoline_lowered:
0x8: {  	[smem:$0x3FA9] =	sst s0  }
0x9: {  	[smem:$0x3FAA] =	sst s1  }
0xa: {  	[smem:$0x3FAB] =	sst s2  }
0xb: {  	[smem:$0x3FAC] =	sst s3  }
0xc: {  	[smem:$0x3FAD] =	sst s4  }
0xd: {  	[smem:$0x3FAE] =	sst s5  }
0xe: {  	[smem:$0x3FAF] =	sst s6  }
0xf: {  	[smem:$0x3FB0] =	sst s7  }
0x10: {  	[smem:$0x3FB1] =	sst s8  }
0x11: {  	[smem:$0x3FB2] =	sst s9;
	s0 =	simm.s32 @!p0 $0x0  }
0x12: {  	s1 =	sld [smem:$0x3F98];
	s0 =	simm.s32 @p0 $0x1  }
0x13: {  	[smem:$0x3FB3] =	sst s0;
	s0 =	simm.s32 @!p1 $0x0  }
0x14: {  	s2 =	sld [smem:$0x3F97];
	s0 =	simm.s32 @p1 $0x1  }
0x15: {  	[smem:$0x3FB4] =	sst s0;
	s0 =	simm.s32 @!p2 $0x0  }
0x16: {  	s3 =	sld [smem:$0x3FDB];
	s0 =	simm.s32 @p2 $0x1  }
0x17: {  	s4 =	simm.s32 $0x1BF5;
	[smem:$0x3FB6] =	sst s0  }
0x18: {  	s0 =	sld [smem:$0x3F99];
	_ =	swait.ge [sflag:s4], $0x0  }
0x19: {  	s7 =	sld [smem:$0x3F9A]  }
0x1a: {  	s8 =	sadd.s32 $0xFFFFE003, lr  }
0x1b: {  	s9 =	sadd.s32 $0xFFFFFEF7, lr;
	s5 =	simm.s32 $0xFFFFFFFF;
	p2 =	slt.u32 s8, $0xFFFFF086  }
0x1c: {  	p1 =	slt.u32 s9, $0xF7A;
	s5 =	simm.s32 @!p2 $0x0  }
0x1d: {  	s5 =	simm.s32 @p1 $0x1;
	p0 =	seq.s32 s7, s2  }
0x1e: {  	s7 =	smul.u32 @!p0 $0xF7A, s2;
	p2 =	seq.s32 @!p0 s5, $0x0  }
0x1f: {  	s9 =	smul.u32 $0xF7A, s1;
	s8 =	simm.s32 @!p0 $0x1BF5;
	p2 =	por !p2, p0  }
0x20: {  	[sflag:s8] =	ssyncset.s32 @!p0 $0xFFFFF086;
	s6 =	sadd.s32 @!p0 s3, s7;
	s7 =	simm.s32 @!p0 $0x108  }
0x21: {  	s3 =	sadd.s32 s3, s9;
	s6 =	sadd.s32 @!p0 $0x88, s6;
	s7 =	simm.s32 @p2 $0x1082  }
0x22: {  	[simem:s7], [sflag:s8] =	dma.local @!p0 [hbm:s6], $0xF7A  }
0x23: {  	s9 =	sor.u32 $0xD0000000, s2;
	s6 =	simm.s32 $0x108;
	_ =	swait.ge @!p0 [sflag:s8], $0x0  }
0x24: {  	s3 =	sadd.s32 $0x88, s3;
	s6 =	simm.s32 @!p1 $0x1082;
	[sflag:s4] =	ssyncset.s32 $0xFFFFF086  }
0x25: {  	[simem:s6], [sflag:s4] =	dma.local [hbm:s3], $0xF7A  }
0x26: {  	[smem:$0x3F9A] =	sst s1;
	(tag) =	ssettag s2;
	_ =	strace s9  }
0x27: {  	s1 =	sld [smem:$0x3FAA]  }
0x28: {  	s2 =	sld [smem:$0x3FAB]  }
0x29: {  	s4 =	sld [smem:$0x3FAD]  }
0x2a: {  	p0 =	seq.s32 s5, $0x0;
	s5 =	sld [smem:$0x3FAE]  }
0x2b: {  	s6 =	sld [smem:$0x3FAF]  }
0x2c: {  	s7 =	sld [smem:$0x3FB0]  }
0x2d: {  	s3 =	simm.s32 $0x108;
	s8 =	sld [smem:$0x3FB1]  }
0x2e: {  	s3 =	simm.s32 @!p0 $0x1082;
	s9 =	sld [smem:$0x3FB2]  }
0x2f: {  	lr =	sadd.s32 s0, s3;
	s0 =	sld [smem:$0x3FA9]  }
0x30: {  	s3 =	sld [smem:$0x3FAC]  }
0x31: {  	[smem:$0x3FB5] =	sst s10  }
0x32: {  	s10 =	sld [smem:$0x3FB3];
	_ =	sdelay $0x3  }
0x33: {  	p0 =	seq.s32 s10, $0x1;
	s10 =	sld [smem:$0x3FB5];
	_ =	sdelay $0x3  }
0x34: {  	[smem:$0x3FB5] =	sst s10  }
0x35: {  	s10 =	sld [smem:$0x3FB4];
	_ =	sdelay $0x3  }
0x36: {  	p1 =	seq.s32 s10, $0x1;
	s10 =	sld [smem:$0x3FB5];
	_ =	sdelay $0x3  }
0x37: {  	[smem:$0x3FB5] =	sst s10  }
0x38: {  	s10 =	sld [smem:$0x3FB6]  }
0x39: {  	_ = 	snop;
	(pc) =	sbr.ind lr, $3  }
0x3a: {  	_ = 	snop  }
0x3b: {  	_ = 	snop  }
0x3c: {  	p2 =	seq.s32 s10, $0x1;
	s10 =	sld [smem:$0x3FB5]  }
0x3d: {  	_ =	shalt  }
0x3e: {  	_ =	shalt  }
0x3f: {  	_ =	shalt  }
0x40: {  	_ =	shalt  }
0x41: {  	_ =	shalt  }
0x42: {  	_ =	shalt  }
0x43: {  	_ =	shalt  }
0x44: {  	_ =	shalt  }
0x45: {  	_ =	shalt  }
0x46: {  	_ =	shalt  }
0x47: {  	_ =	shalt  }
0x48: {  	_ =	shalt  }
0x49: {  	_ =	shalt  }
0x4a: {  	_ =	shalt  }
0x4b: {  	_ =	shalt  }
0x4c: {  	_ =	shalt  }
0x4d: {  	_ =	shalt  }
0x4e: {  	_ =	shalt  }
0x4f: {  	_ =	shalt  }
0x50: {  	_ =	shalt  }
0x51: {  	_ =	shalt  }
0x52: {  	_ =	shalt  }
0x53: {  	_ =	shalt  }
0x54: {  	_ =	shalt  }
0x55: {  	_ =	shalt  }
0x56: {  	_ =	shalt  }
0x57: {  	_ =	shalt  }
0x58: {  	_ =	shalt  }
0x59: {  	_ =	shalt  }
0x5a: {  	_ =	shalt  }
0x5b: {  	_ =	shalt  }
0x5c: {  	_ =	shalt  }
0x5d: {  	_ =	shalt  }
0x5e: {  	_ =	shalt  }
0x5f: {  	_ =	shalt  }
0x60: {  	_ =	shalt  }
0x61: {  	_ =	shalt  }
0x62: {  	_ =	shalt  }
0x63: {  	_ =	shalt  }
0x64: {  	_ =	shalt  }
0x65: {  	_ =	shalt  }
0x66: {  	_ =	shalt  }
0x67: {  	_ =	shalt  }
0x68: {  	_ =	shalt  }
0x69: {  	_ =	shalt  }
0x6a: {  	_ =	shalt  }
0x6b: {  	_ =	shalt  }
0x6c: {  	_ =	shalt  }
0x6d: {  	_ =	shalt  }
0x6e: {  	_ =	shalt  }
0x6f: {  	_ =	shalt  }
0x70: {  	_ =	shalt  }
0x71: {  	_ =	shalt  }
0x72: {  	_ =	shalt  }
0x73: {  	_ =	shalt  }
0x74: {  	_ =	shalt  }
0x75: {  	_ =	shalt  }
0x76: {  	_ =	shalt  }
0x77: {  	_ =	shalt  }
0x78: {  	_ =	shalt  }
0x79: {  	_ =	shalt  }
0x7a: {  	_ =	shalt  }
0x7b: {  	_ =	shalt  }
0x7c: {  	_ =	shalt  }
0x7d: {  	_ =	shalt  }
0x7e: {  	_ =	shalt  }
0x7f: {  	_ =	shalt  }
0x80: {  	_ =	shalt  }
0x81: {  	_ =	shalt  }
0x82: {  	_ =	shalt  }
0x83: {  	_ =	shalt  }
0x84: {  	_ =	shalt  }
0x85: {  	_ =	shalt  }
0x86: {  	_ =	shalt  }
0x87: {  	_ =	shalt  }
.Lfunc_end0:
.L_simem_size_0:
called_computation_lowered:
.L_overlay_start_0:
0x88: {  	s2 =	sld [smem:$0x3FD9]  }
0x89: {  	s3 =	sld [smem:$0x3FFE];
	_ =	sdelay $0x1  }
0x8a: {  	s1 =	srdreg.scid  }
0x8b: {  	s0 =	sand.u32 $0x1, s1  }
0x8c: {  	s14 =	sshll.u32 s0, $0xA;
	s2 =	sadd.s32 s3, s2  }
0x8d: {  	s2 =	sadd.s32 s2, s14  }
0x8e: {  	[smem:$0x3FC1] =	sst s2  }
0x8f: {  	_ = 	snop  }
0x90: {  	s2 =	sld [smem:$0x3FD0];
	_ =	sdelay $0x2  }
0x91: {  	s15 =	simm.s32 $0xA;
	s4 =	simm.s32 $0x10  }
0x92: {  	[smem:s4], [sflag:s15] =	dma.local [hbm:s2], $0x1  }
0x93: {  	_ =	swait.eq [sflag:s15], $0x1  }
0x94: {  	[sflag:s15] =	ssyncset.done $0x0  }
0x95: {  	[sflag:s15] =	ssyncadd.s32 $0xFFFFFFFF  }
0x96: {  	s16 =	sld [smem:$0x10];
	(tm) =	ssettm $0x1  }
0x97: {  	s17 =	sld [smem:$0x3FFB];
	_ =	sdelay $0x3  }
0x98: {  	_ =	strace s17  }
0x99: {  	s3 =	sld [smem:$0x3FFC];
	_ =	sdelay $0x3  }
0x9a: {  	_ =	strace s3  }
0x9b: {  	s3 =	sld [smem:$0x3FFD];
	_ =	sdelay $0x3  }
0x9c: {  	_ =	strace s3  }
0x9d: {  	_ =	strace $0x8FFFFFFF  }
0x9e: {  	s18 =	sld [smem:$0x3FDB];
	_ =	sdelay $0x1  }
0x9f: {  	s19 =	simm.s32 $_scs_section_size  }
0xa0: {  	s5 =	simm.s32 $_size__tile_overlayer_lowered;
	s6 =	simm.s32 $_tile_overlayer_lowered  }
0xa1: {  	s22 =	simm.s32 $0x1BFF;
	s21 =	sshll.u32 s6, $0x1;
	s3 =	sadd.s32 s19, s18  }
0xa2: {  	s7 =	simm.s32 $0x0;
	s20 =	sshll.u32 s5, $0x1;
	s5 =	sadd.s32 s21, s3  }
0xa3: {  	[timem:s7], [sflag:s22] =	dma.local [hbm:s5], s20  }
0xa4: {  	_ =	swait.ge [sflag:s22], s20  }
0xa5: {  	s4 =	ssub.s32 $0x0, s20;
	[sflag:s22] =	ssyncset.done $0x0  }
0xa6: {  	[sflag:s22] =	ssyncadd.s32 s4;
	_ =	sdelay $0x1  }
0xa7: {  	s23 =	simm.s32 $0x1B8B  }
0xa8: {  	_ =	swait.ge [sflag:s23], $0x1  }
0xa9: {  	[sflag:s23] =	ssyncset.done $0x0  }
0xaa: {  	s25 =	simm.s32 $0x1B8E;
	s24 =	sld [smem:$0x3FFE];
	[sflag:s23] =	ssyncadd.s32 $0xFFFFFFFF  }
0xab: {  	s26 =	simm.s32 $execute0_lowered;
	[smem:$0x3FD2] =	sst s25  }
0xac: {  	s5 =	sshll.u32 s26, $0x1;
	_ =	strace $0x80000046;
	[dreg:$0x1] =	wrdreg $0xFFFFFFFF  }
0xad: {  	s28 =	simm.s32 $_size_execute0_lowered;
	s3 =	sadd.s32 s3, s5;
	[dreg:$0x0] =	wrdreg $0x0  }
0xae: {  	s5 =	sshll.u32 s28, $0x1;
	[dreg:$0x2] =	wrdreg s3  }
0xaf: {  	[dreg:$0x3] =	wrdreg s5  }
0xb0: {  	[dreg:$0x4] =	wrdreg $0xC0  }
0xb1: {  	_ =	task [dreg:s7], $0x5FFFF  }
0xb2: {  	[dreg:$0x1] =	wrdreg $0xFFFFFFFF  }
0xb3: {  	[dreg:$0x0] =	wrdreg $0x60  }
0xb4: {  	[dreg:$0x2] =	wrdreg s24  }
0xb5: {  	[dreg:$0x3] =	wrdreg s16  }
0xb6: {  	[dreg:$0x4] =	wrdreg $0x9  }
0xb7: {  	_ =	task.clear_ibuf [dreg:s7], $0x5FFFF;
	_ =	strace $0x90000046  }
0xb8: {  	s29 =	simm.s32 $0x9;
	_ =	strace $0x80000048  }
0xb9: {  	_ =	swait.ge [sflag:s29], $0x1  }
0xba: {  	[sflag:s29] =	ssyncadd.s32 $0xFFFFFFFF  }
0xbb: {  	_ =	strace $0x90000048  }
0xbc: {  	_ =	sfence  }
0xbd: {  	s30 =	sld [smem:$0x0];
	_ =	sdelay $0x2  }
0xbe: {  	s31 =	sshll.u32 s1, $0xD;
	s1 =	sshrl.u32 s1, $0x2  }
0xbf: {  	s3 =	sand.u32 $0x4000, s31;
	s1 =	sadd.s32 s1, s30  }
0xc0: {  	s0 =	sor.u32 s3, s0;
	s1 =	sshll.u32 s1, $0x11  }
0xc1: {  	s0 =	sor.u32 s1, s0  }
0xc2: {  	s0 =	sadd.s32 $0x8F2B, s0  }
0xc3: {  	[sflag:s0] =	ssyncadd.remote.s32 $0x1  }
0xc4: {  	_ =	sfence.sel $0xFFFF  }
0xc5: {  	[dreg:$0x0] =	wrdreg $0xFFFFFFFF;
	(pc) =	sbr.abs _section_cstart, $3  }
0xc6: {  	[dreg:$0x1] =	wrdreg $0xFFFFFFFF  }
0xc7: {  	_ =	task.clear_ibuf [dreg:s7], $0x2FFFF;
	_ =	strace $0x9FFFFFFF  }
0xc8: {  	(tm) =	ssettm $0x7FFFFFFF  }
0xc9: {  	_ =	shalt  }
tec
execute0_lowered:
.L_overlay_start_1:
0x0: {  	(tag) =	ssettag $0x1  }
0x1: {  	s0 =	rddreg [dreg:$0x0]  }
0x2: {  	s1 =	srdreg.scid;
	s3 =	stileid.u32;
	s15 =	simm.s32 $0x2  }
0x3: {  	s1 =	sand.u32 $0x1, s1;
	s2 =	sshll.u32 s3, $0x1;
	s4 =	sshrl.u32 s3, $0x2  }
0x4: {  	s3 =	simm.s32 $0x0;
	s28 =	sadd.s32 $0x33000, s0;
	s9 =	sadd.s32 $0x2700, s0  }
0x5: {  	s10 =	sadd.s32 $0x2800, s0;
	s2 =	sor.u32 s1, s2;
	s4 =	smul.u32 $0x1400, s4  }
0x6: {  	[smem:$0x7FF] =	sst s3;
	s1 =	ssub.s32 $0x2, s1;
	s5 =	sshll.u32 s2, $0x7  }
0x7: {  	_ =	strace $0x80000047;
	s26 =	sshll.u32 s2, $0xB;
	s6 =	sshrl.u32 s1, $0x1  }
0x8: {  	[dreg:$0x3] =	wrdreg s28;
	s2 =	sshll.u32 s2, $0xD;
	s5 =	sand.u32 $0x380, s5  }
0x9: {  	s8 =	sadd.s32 s26, s0;
	s1 =	ssub.s32 s1, s6;
	s5 =	sor.u32 s4, s5  }
0xa: {  	[dreg:$0x4] =	wrdreg s2;
	s30 =	sadd.s32 $0x22600, s8;
	s5 =	sshrl.u32 s5, $0x3  }
0xb: {  	v2 =	vlaneseq.u32;
	s31 =	smax.u32 s1, $0x1;
	[dreg:$0x6] =	wrdreg s30;
	s7 =	sadd.s32 s5, s0  }
0xc: {  	vm0 =	vmmov $0xffff;
	s11 =	sadd.s32 $0x2900, s0;
	v1 =	vshrl.u32 v2, $0x3;
	[dreg:$0x7] =	wrdreg s31;
	s29 =	sadd.s32 $0x32600, s7  }
0xd: {  	v0 =	vand.u32 $0x7, v2;
	v2 =	vor.u32 $0x8, v2;
	v1 =	vmul.u32 $0x8, v1;
	s4 =	sadd.s32 $0x2600, s0;
	s1 =	simm.s32 $0x0;
	[dreg:$0x5] =	wrdreg s29  }
.LBB2_1:
0xe: {  	[dreg:$0x8] =	wrdreg s1  }
0xf: {  	s0 =	rddreg [dreg:$0x5];
	s29 =	simm.s32 $0x80;
	s2 =	simm.s32 $0x400  }
0x10: {  	[tilespmem:s3], [sflag:$0x2] =	stream.strided.gather [hbm4b:s0+s29], $0x280, s2, s29, $0x38;
	[tilespmem:$0x1C280] =	vst v63  }
0x11: {  	_ =	swait.ge [sflag:s15], $0x280  }
0x12: {  	[sflag:s15] =	ssyncset.done $0x0  }
0x13: {  	s31 =	simm.s32 $0x280;
	s30 =	rddreg [dreg:$0x6];
	[sflag:s15] =	ssyncadd.s32 $0xFFFFFD80  }
0x14: {  	[tilespmem:s31], [sflag:$0x2] =	stream.linear.gather [hbm4b:s30+s3], $0x4000, $0x38;
	[tilespmem:$0x1C280] =	vst v63  }
0x15: {  	_ =	swait.ge [sflag:s15], $0x4000  }
0x16: {  	[sflag:s15] =	ssyncset.done $0x0  }
0x17: {  	s7 =	simm.s32 $0x2A0;
	s8 =	simm.s32 $0x0;
	[sflag:s15] =	ssyncadd.s32 $0xFFFFC000  }
.LBB2_2:
0x18: {  	s0 =	smul.u32 $0x140, s8;
	_ =	sdelay $0x1  }
0x19: {  	s0 =	sshra.s32 s0, $0x2  }
0x1a: {  	v3 =	vld [tilespmem:s0+$0x0];
	_ =	sdelay $0x4  }
0x1b: {  	v4 =	vshll.u32 v3, $0x3  }
0x1c: {  	v3 =	vand.u32 $0x7, v3;
	v4 =	vand.u32 $0xFFFFFFC0, v4  }
0x1d: {  	v3 =	vor.u32 v3, v4  }
0x1e: {  	v4 =	vperm.xlane v3, v0;
	_ =	sdelay $0x1  }
0x1f: {  	v4 =	vadd.s32 v1, v4;
	_ =	sdelay $0x3  }
0x20: {  	s12 =	simm.s32 $0x0;
	s1 =	simm.s32 $0x4280  }
0x21: {  	[tilespmem:s1], [sflag:$0x1] =	stream.indirect_vreg.gather [hbm4b:s4+s12], $0x80, v4, vm0, $0xb8;
	[tilespmem:$0x1C280] =	vst v63  }
0x22: {  	s5 =	simm.s32 $0x4A80;
	v3 =	vperm.xlane v3, v2  }
0x23: {  	[tilespmem:s5], [sflag:$0x1] =	stream.indirect_vreg.gather [hbm4b:s9+s12], $0x80, v4, vm0, $0xb8;
	[tilespmem:$0x1C280] =	vst v63  }
0x24: {  	s6 =	simm.s32 $0x5280;
	v3 =	vadd.s32 v1, v3  }
0x25: {  	[tilespmem:s6], [sflag:$0x1] =	stream.indirect_vreg.gather [hbm4b:s10+s12], $0x80, v4, vm0, $0xb8;
	[tilespmem:$0x1C280] =	vst v63  }
0x26: {  	s13 =	simm.s32 $0x5A80  }
0x27: {  	[tilespmem:s13], [sflag:$0x1] =	stream.indirect_vreg.gather [hbm4b:s11+s12], $0x80, v4, vm0, $0xb8;
	[tilespmem:$0x1C280] =	vst v63  }
0x28: {  	s14 =	simm.s32 $0x6280  }
0x29: {  	[tilespmem:s14], [sflag:$0x1] =	stream.indirect_vreg.gather [hbm4b:s4+s12], $0x80, v3, vm0, $0xb8;
	[tilespmem:$0x1C280] =	vst v63  }
0x2a: {  	s16 =	simm.s32 $0x6A80  }
0x2b: {  	[tilespmem:s16], [sflag:$0x1] =	stream.indirect_vreg.gather [hbm4b:s9+s12], $0x80, v3, vm0, $0xb8;
	[tilespmem:$0x1C280] =	vst v63  }
0x2c: {  	s17 =	simm.s32 $0x7280  }
0x2d: {  	[tilespmem:s17], [sflag:$0x1] =	stream.indirect_vreg.gather [hbm4b:s10+s12], $0x80, v3, vm0, $0xb8;
	[tilespmem:$0x1C280] =	vst v63  }
0x2e: {  	s18 =	simm.s32 $0x7A80  }
0x2f: {  	[tilespmem:s18], [sflag:$0x1] =	stream.indirect_vreg.gather [hbm4b:s11+s12], $0x80, v3, vm0, $0xb8;
	[tilespmem:$0x1C280] =	vst v63  }
0x30: {  	v3 =	vld [tilespmem:s0+$0x10];
	_ =	sdelay $0x4  }
0x31: {  	v4 =	vshll.u32 v3, $0x3  }
0x32: {  	v3 =	vand.u32 $0x7, v3;
	v4 =	vand.u32 $0xFFFFFFC0, v4  }
0x33: {  	v3 =	vor.u32 v3, v4  }
0x34: {  	v4 =	vperm.xlane v3, v0;
	_ =	sdelay $0x1  }
0x35: {  	v4 =	vadd.s32 v1, v4;
	_ =	sdelay $0x3  }
0x36: {  	s19 =	simm.s32 $0x8280  }
0x37: {  	[tilespmem:s19], [sflag:$0x1] =	stream.indirect_vreg.gather [hbm4b:s4+s12], $0x80, v4, vm0, $0xb8;
	[tilespmem:$0x1C280] =	vst v63  }
0x38: {  	s20 =	simm.s32 $0x8A80;
	v3 =	vperm.xlane v3, v2  }
0x39: {  	[tilespmem:s20], [sflag:$0x1] =	stream.indirect_vreg.gather [hbm4b:s9+s12], $0x80, v4, vm0, $0xb8;
	[tilespmem:$0x1C280] =	vst v63  }
0x3a: {  	s21 =	simm.s32 $0x9280;
	v3 =	vadd.s32 v1, v3  }
0x3b: {  	[tilespmem:s21], [sflag:$0x1] =	stream.indirect_vreg.gather [hbm4b:s10+s12], $0x80, v4, vm0, $0xb8;
	[tilespmem:$0x1C280] =	vst v63  }
0x3c: {  	s22 =	simm.s32 $0x9A80  }
0x3d: {  	[tilespmem:s22], [sflag:$0x1] =	stream.indirect_vreg.gather [hbm4b:s11+s12], $0x80, v4, vm0, $0xb8;
	[tilespmem:$0x1C280] =	vst v63  }
0x3e: {  	s23 =	simm.s32 $0xA280  }
0x3f: {  	[tilespmem:s23], [sflag:$0x1] =	stream.indirect_vreg.gather [hbm4b:s4+s12], $0x80, v3, vm0, $0xb8;
	[tilespmem:$0x1C280] =	vst v63  }
0x40: {  	s24 =	simm.s32 $0xAA80  }
0x41: {  	[tilespmem:s24], [sflag:$0x1] =	stream.indirect_vreg.gather [hbm4b:s9+s12], $0x80, v3, vm0, $0xb8;
	[tilespmem:$0x1C280] =	vst v63  }
0x42: {  	s25 =	simm.s32 $0xB280  }
0x43: {  	[tilespmem:s25], [sflag:$0x1] =	stream.indirect_vreg.gather [hbm4b:s10+s12], $0x80, v3, vm0, $0xb8;
	[tilespmem:$0x1C280] =	vst v63  }
0x44: {  	s26 =	simm.s32 $0xBA80  }
0x45: {  	[tilespmem:s26], [sflag:$0x1] =	stream.indirect_vreg.gather [hbm4b:s11+s12], $0x80, v3, vm0, $0xb8;
	[tilespmem:$0x1C280] =	vst v63  }
0x46: {  	v3 =	vld [tilespmem:s0+$0x20];
	_ =	sdelay $0x4  }
0x47: {  	v4 =	vshll.u32 v3, $0x3  }
0x48: {  	v3 =	vand.u32 $0x7, v3;
	v4 =	vand.u32 $0xFFFFFFC0, v4  }
0x49: {  	v3 =	vor.u32 v3, v4  }
0x4a: {  	v4 =	vperm.xlane v3, v0;
	_ =	sdelay $0x1  }
0x4b: {  	v4 =	vadd.s32 v1, v4;
	_ =	sdelay $0x3  }
0x4c: {  	s28 =	simm.s32 $0xC280  }
0x4d: {  	[tilespmem:s28], [sflag:$0x1] =	stream.indirect_vreg.gather [hbm4b:s4+s12], $0x80, v4, vm0, $0xb8;
	[tilespmem:$0x1C280] =	vst v63  }
0x4e: {  	s29 =	simm.s32 $0xCA80;
	v3 =	vperm.xlane v3, v2  }
0x4f: {  	[tilespmem:s29], [sflag:$0x1] =	stream.indirect_vreg.gather [hbm4b:s9+s12], $0x80, v4, vm0, $0xb8;
	[tilespmem:$0x1C280] =	vst v63  }
0x50: {  	s30 =	simm.s32 $0xD280;
	v3 =	vadd.s32 v1, v3  }
0x51: {  	[tilespmem:s30], [sflag:$0x1] =	stream.indirect_vreg.gather [hbm4b:s10+s12], $0x80, v4, vm0, $0xb8;
	[tilespmem:$0x1C280] =	vst v63  }
0x52: {  	s31 =	simm.s32 $0xDA80  }
0x53: {  	[tilespmem:s31], [sflag:$0x1] =	stream.indirect_vreg.gather [hbm4b:s11+s12], $0x80, v4, vm0, $0xb8;
	[tilespmem:$0x1C280] =	vst v63  }
0x54: {  	s2 =	simm.s32 $0xE280  }
0x55: {  	[tilespmem:s2], [sflag:$0x1] =	stream.indirect_vreg.gather [hbm4b:s4+s12], $0x80, v3, vm0, $0xb8;
	[tilespmem:$0x1C280] =	vst v63  }
0x56: {  	s5 =	simm.s32 $0xEA80  }
0x57: {  	[tilespmem:s5], [sflag:$0x1] =	stream.indirect_vreg.gather [hbm4b:s9+s12], $0x80, v3, vm0, $0xb8;
	[tilespmem:$0x1C280] =	vst v63  }
0x58: {  	s6 =	simm.s32 $0xF280  }
0x59: {  	[tilespmem:s6], [sflag:$0x1] =	stream.indirect_vreg.gather [hbm4b:s10+s12], $0x80, v3, vm0, $0xb8;
	[tilespmem:$0x1C280] =	vst v63  }
0x5a: {  	s13 =	simm.s32 $0xFA80  }
0x5b: {  	[tilespmem:s13], [sflag:$0x1] =	stream.indirect_vreg.gather [hbm4b:s11+s12], $0x80, v3, vm0, $0xb8;
	[tilespmem:$0x1C280] =	vst v63  }
0x5c: {  	v3 =	vld [tilespmem:s0+$0x30];
	_ =	sdelay $0x4  }
0x5d: {  	v4 =	vshll.u32 v3, $0x3  }
0x5e: {  	v3 =	vand.u32 $0x7, v3;
	v4 =	vand.u32 $0xFFFFFFC0, v4  }
0x5f: {  	v3 =	vor.u32 v3, v4  }
0x60: {  	v4 =	vperm.xlane v3, v0;
	_ =	sdelay $0x1  }
0x61: {  	v4 =	vadd.s32 v1, v4;
	_ =	sdelay $0x3  }
0x62: {  	s14 =	simm.s32 $0x10280  }
0x63: {  	[tilespmem:s14], [sflag:$0x1] =	stream.indirect_vreg.gather [hbm4b:s4+s12], $0x80, v4, vm0, $0xb8;
	[tilespmem:$0x1C280] =	vst v63  }
0x64: {  	s16 =	simm.s32 $0x10A80;
	v3 =	vperm.xlane v3, v2  }
0x65: {  	[tilespmem:s16], [sflag:$0x1] =	stream.indirect_vreg.gather [hbm4b:s9+s12], $0x80, v4, vm0, $0xb8;
	[tilespmem:$0x1C280] =	vst v63  }
0x66: {  	s17 =	simm.s32 $0x11280;
	v3 =	vadd.s32 v1, v3  }
0x67: {  	[tilespmem:s17], [sflag:$0x1] =	stream.indirect_vreg.gather [hbm4b:s10+s12], $0x80, v4, vm0, $0xb8;
	[tilespmem:$0x1C280] =	vst v63  }
0x68: {  	s18 =	simm.s32 $0x11A80  }
0x69: {  	[tilespmem:s18], [sflag:$0x1] =	stream.indirect_vreg.gather [hbm4b:s11+s12], $0x80, v4, vm0, $0xb8;
	[tilespmem:$0x1C280] =	vst v63  }
0x6a: {  	s19 =	simm.s32 $0x12280  }
0x6b: {  	[tilespmem:s19], [sflag:$0x1] =	stream.indirect_vreg.gather [hbm4b:s4+s12], $0x80, v3, vm0, $0xb8;
	[tilespmem:$0x1C280] =	vst v63  }
0x6c: {  	s20 =	simm.s32 $0x12A80  }
0x6d: {  	[tilespmem:s20], [sflag:$0x1] =	stream.indirect_vreg.gather [hbm4b:s9+s12], $0x80, v3, vm0, $0xb8;
	[tilespmem:$0x1C280] =	vst v63  }
0x6e: {  	s21 =	simm.s32 $0x13280  }
0x6f: {  	[tilespmem:s21], [sflag:$0x1] =	stream.indirect_vreg.gather [hbm4b:s10+s12], $0x80, v3, vm0, $0xb8;
	[tilespmem:$0x1C280] =	vst v63  }
0x70: {  	s22 =	simm.s32 $0x13A80  }
0x71: {  	[tilespmem:s22], [sflag:$0x1] =	stream.indirect_vreg.gather [hbm4b:s11+s12], $0x80, v3, vm0, $0xb8;
	[tilespmem:$0x1C280] =	vst v63  }
0x72: {  	v3 =	vld [tilespmem:s0+$0x40];
	_ =	sdelay $0x4  }
0x73: {  	v4 =	vshll.u32 v3, $0x3  }
0x74: {  	v3 =	vand.u32 $0x7, v3;
	v4 =	vand.u32 $0xFFFFFFC0, v4  }
0x75: {  	v3 =	vor.u32 v3, v4  }
0x76: {  	v4 =	vperm.xlane v3, v0;
	_ =	sdelay $0x1  }
0x77: {  	v4 =	vadd.s32 v1, v4;
	_ =	sdelay $0x3  }
0x78: {  	s23 =	simm.s32 $0x14280  }
0x79: {  	[tilespmem:s23], [sflag:$0x1] =	stream.indirect_vreg.gather [hbm4b:s4+s12], $0x80, v4, vm0, $0xb8;
	[tilespmem:$0x1C280] =	vst v63  }
0x7a: {  	s24 =	simm.s32 $0x14A80;
	v3 =	vperm.xlane v3, v2  }
0x7b: {  	[tilespmem:s24], [sflag:$0x1] =	stream.indirect_vreg.gather [hbm4b:s9+s12], $0x80, v4, vm0, $0xb8;
	[tilespmem:$0x1C280] =	vst v63  }
0x7c: {  	s25 =	simm.s32 $0x15280;
	v3 =	vadd.s32 v1, v3  }
0x7d: {  	[tilespmem:s25], [sflag:$0x1] =	stream.indirect_vreg.gather [hbm4b:s10+s12], $0x80, v4, vm0, $0xb8;
	[tilespmem:$0x1C280] =	vst v63  }
0x7e: {  	s26 =	simm.s32 $0x15A80  }
0x7f: {  	[tilespmem:s26], [sflag:$0x1] =	stream.indirect_vreg.gather [hbm4b:s11+s12], $0x80, v4, vm0, $0xb8;
	[tilespmem:$0x1C280] =	vst v63  }
0x80: {  	s28 =	simm.s32 $0x16280  }
0x81: {  	[tilespmem:s28], [sflag:$0x1] =	stream.indirect_vreg.gather [hbm4b:s4+s12], $0x80, v3, vm0, $0xb8;
	[tilespmem:$0x1C280] =	vst v63  }
0x82: {  	s29 =	simm.s32 $0x16A80  }
0x83: {  	[tilespmem:s29], [sflag:$0x1] =	stream.indirect_vreg.gather [hbm4b:s9+s12], $0x80, v3, vm0, $0xb8;
	[tilespmem:$0x1C280] =	vst v63  }
0x84: {  	s30 =	simm.s32 $0x17280  }
0x85: {  	[tilespmem:s30], [sflag:$0x1] =	stream.indirect_vreg.gather [hbm4b:s10+s12], $0x80, v3, vm0, $0xb8;
	[tilespmem:$0x1C280] =	vst v63  }
0x86: {  	s31 =	simm.s32 $0x17A80;
	s2 =	simm.s32 $0x1;
	s17 =	simm.s32 $0x4  }
0x87: {  	[tilespmem:s31], [sflag:$0x1] =	stream.indirect_vreg.gather [hbm4b:s11+s12], $0x80, v3, vm0, $0xb8;
	v3 =	vmov s7;
	[tilespmem:$0x1C280] =	vst v63  }
0x88: {  	s18 =	simm.s32 $0x3;
	s19 =	simm.s32 $0x2;
	_ =	swait.ge [sflag:s2], $0x14000  }
0x89: {  	s20 =	simm.s32 $0x0;
	s21 =	simm.s32 $0x0;
	[sflag:s2] =	ssyncset.done $0x0  }
0x8a: {  	s22 =	simm.s32 $0x0;
	s23 =	simm.s32 $0x0;
	[sflag:s2] =	ssyncadd.s32 $0xFFFEC000  }
.LBB2_3:
0x8b: {  	s0 =	sshra.s32 s22, $0x2  }
0x8c: {  	v7 =	vld.idx.msk [tilespmem:v3+s0+$0xFFFFFFE0 ss:$0x1], $0xffff  }
0x8d: {  	v8 =	vld.idx.msk [tilespmem:v3+s0+$0xFFFFFFF0 ss:$0x1], $0xffff  }
0x8e: {  	v6 =	vld.idx.msk [tilespmem:v3+s0+$0x0 ss:$0x1], $0xffff  }
0x8f: {  	s1 =	sand.u32 $0x1E000, s23;
	s13 =	sand.u32 $0x380, s21;
	v5 =	vld.idx.msk [tilespmem:v3+s0+$0x10 ss:$0x1], $0xffff  }
0x90: {  	s31 =	sadd.s32 $0x400, s23;
	s26 =	sadd.s32 $0x80, s21;
	v4 =	vld.idx.msk [tilespmem:v3+s0+$0x20 ss:$0x1], $0xffff;
	s24 =	sor.u32 s13, s1  }
0x91: {  	s28 =	sand.u32 $0x3E000, s31;
	s0 =	sand.u32 $0x380, s26;
	v9 =	vld [tilespmem:s24+$0x4280]  }
0x92: {  	s29 =	sadd.s32 $0x100, s21;
	s1 =	sadd.s32 $0x800, s23;
	v10 =	vld [tilespmem:s24+$0x5280];
	s25 =	sor.u32 s0, s28  }
0x93: {  	s30 =	sand.u32 $0x3E000, s1;
	s0 =	sand.u32 $0x380, s29;
	v11 =	vld [tilespmem:s25+$0x4280]  }
0x94: {  	s5 =	sadd.s32 $0x180, s21;
	v12 =	vld [tilespmem:s25+$0x5280];
	s26 =	sor.u32 s0, s30;
	s0 =	sadd.s32 $0xC00, s23  }
0x95: {  	s13 =	sand.u32 $0x380, s5;
	v13 =	vld [tilespmem:s26+$0x4280];
	s14 =	sand.u32 $0x3E000, s0  }
0x96: {  	s6 =	sadd.s32 $0x200, s21;
	v14 =	vld [tilespmem:s26+$0x5280];
	s29 =	sor.u32 s13, s14;
	s13 =	sadd.s32 $0x1000, s23  }
0x97: {  	s14 =	sand.u32 $0x380, s6;
	v15 =	vld [tilespmem:s29+$0x4280];
	s28 =	sand.u32 $0x3E000, s13  }
0x98: {  	v16 =	vld [tilespmem:s29+$0x5280];
	v9 =	vmul.f32 v9, v7;
	s30 =	sor.u32 s14, s28;
	v11 =	vmul.f32 v11, v8  }
0x99: {  	v10 =	vmul.f32 v10, v7;
	v12 =	vmul.f32 v12, v8;
	v17 =	vld [tilespmem:s30+$0x4280]  }
0x9a: {  	v33 =	vld [tilespmem:s30+$0x5280];
	v32 =	vmul.f32 v13, v6;
	v9 =	vadd.f32 v11, v9  }
0x9b: {  	v34 =	vmul.f32 v14, v6;
	v10 =	vadd.f32 v12, v10  }
0x9c: {  	v35 =	vmul.f32 v15, v5;
	v9 =	vadd.f32 v32, v9  }
0x9d: {  	v36 =	vmul.f32 v16, v5;
	v10 =	vadd.f32 v34, v10  }
0x9e: {  	v37 =	vmul.f32 v17, v4;
	v9 =	vadd.f32 v35, v9  }
0x9f: {  	v38 =	vmul.f32 v33, v4;
	v10 =	vadd.f32 v36, v10  }
0xa0: {  	s16 =	sand.u32 $0x1000, s22;
	s5 =	sand.u32 $0x380, s12;
	v9 =	vadd.f32 v37, v9  }
0xa1: {  	s28 =	sor.u32 s5, s16;
	v10 =	vadd.f32 v38, v10  }
0xa2: {  	[tilespmem:s28+$0x18280] =	vst v9  }
0xa3: {  	[tilespmem:s28+$0x1A280] =	vst v10  }
0xa4: {  	v9 =	vld [tilespmem:s24+$0x4290]  }
0xa5: {  	v10 =	vld [tilespmem:s24+$0x5290]  }
0xa6: {  	v39 =	vld [tilespmem:s25+$0x4290]  }
0xa7: {  	v40 =	vld [tilespmem:s25+$0x5290]  }
0xa8: {  	v41 =	vld [tilespmem:s26+$0x4290]  }
0xa9: {  	v42 =	vld [tilespmem:s26+$0x5290]  }
0xaa: {  	v43 =	vld [tilespmem:s29+$0x4290]  }
0xab: {  	v44 =	vld [tilespmem:s29+$0x5290];
	v9 =	vmul.f32 v9, v7;
	v11 =	vmul.f32 v39, v8  }
0xac: {  	v45 =	vld [tilespmem:s30+$0x4290];
	v10 =	vmul.f32 v10, v7;
	v12 =	vmul.f32 v40, v8  }
0xad: {  	v47 =	vld [tilespmem:s30+$0x5290];
	v46 =	vmul.f32 v41, v6;
	v9 =	vadd.f32 v11, v9  }
0xae: {  	v48 =	vmul.f32 v42, v6;
	v10 =	vadd.f32 v12, v10  }
0xaf: {  	v49 =	vmul.f32 v43, v5;
	v9 =	vadd.f32 v46, v9  }
0xb0: {  	v50 =	vmul.f32 v44, v5;
	v10 =	vadd.f32 v48, v10  }
0xb1: {  	v51 =	vmul.f32 v45, v4;
	v9 =	vadd.f32 v49, v9  }
0xb2: {  	v52 =	vmul.f32 v47, v4;
	v10 =	vadd.f32 v50, v10  }
0xb3: {  	v9 =	vadd.f32 v51, v9  }
0xb4: {  	v10 =	vadd.f32 v52, v10  }
0xb5: {  	[tilespmem:s28+$0x18290] =	vst v9  }
0xb6: {  	[tilespmem:s28+$0x1A290] =	vst v10  }
0xb7: {  	v9 =	vld [tilespmem:s24+$0x42A0]  }
0xb8: {  	v10 =	vld [tilespmem:s24+$0x52A0]  }
0xb9: {  	v53 =	vld [tilespmem:s25+$0x42A0]  }
0xba: {  	v54 =	vld [tilespmem:s25+$0x52A0]  }
0xbb: {  	v55 =	vld [tilespmem:s26+$0x42A0]  }
0xbc: {  	v56 =	vld [tilespmem:s26+$0x52A0]  }
0xbd: {  	v57 =	vld [tilespmem:s29+$0x42A0]  }
0xbe: {  	v58 =	vld [tilespmem:s29+$0x52A0];
	v9 =	vmul.f32 v9, v7;
	v11 =	vmul.f32 v53, v8  }
0xbf: {  	v59 =	vld [tilespmem:s30+$0x42A0];
	v10 =	vmul.f32 v10, v7;
	v12 =	vmul.f32 v54, v8  }
0xc0: {  	v61 =	vld [tilespmem:s30+$0x52A0];
	v60 =	vmul.f32 v55, v6;
	v9 =	vadd.f32 v11, v9  }
0xc1: {  	v62 =	vmul.f32 v56, v6;
	v10 =	vadd.f32 v12, v10  }
0xc2: {  	v63 =	vmul.f32 v57, v5;
	v9 =	vadd.f32 v60, v9  }
0xc3: {  	v16 =	vmul.f32 v58, v5;
	v10 =	vadd.f32 v62, v10  }
0xc4: {  	v17 =	vmul.f32 v59, v4;
	v9 =	vadd.f32 v63, v9  }
0xc5: {  	v18 =	vmul.f32 v61, v4;
	v10 =	vadd.f32 v16, v10  }
0xc6: {  	v9 =	vadd.f32 v17, v9  }
0xc7: {  	v10 =	vadd.f32 v18, v10  }
0xc8: {  	[tilespmem:s28+$0x182A0] =	vst v9  }
0xc9: {  	[tilespmem:s28+$0x1A2A0] =	vst v10  }
0xca: {  	v9 =	vld [tilespmem:s24+$0x42B0]  }
0xcb: {  	v10 =	vld [tilespmem:s24+$0x52B0]  }
0xcc: {  	v19 =	vld [tilespmem:s25+$0x42B0]  }
0xcd: {  	v20 =	vld [tilespmem:s25+$0x52B0]  }
0xce: {  	v21 =	vld [tilespmem:s26+$0x42B0]  }
0xcf: {  	v22 =	vld [tilespmem:s26+$0x52B0]  }
0xd0: {  	v23 =	vld [tilespmem:s29+$0x42B0]  }
0xd1: {  	v24 =	vld [tilespmem:s29+$0x52B0];
	v9 =	vmul.f32 v9, v7;
	v11 =	vmul.f32 v19, v8  }
0xd2: {  	v25 =	vld [tilespmem:s30+$0x42B0];
	v10 =	vmul.f32 v10, v7;
	v12 =	vmul.f32 v20, v8  }
0xd3: {  	v27 =	vld [tilespmem:s30+$0x52B0];
	v26 =	vmul.f32 v21, v6;
	v9 =	vadd.f32 v11, v9  }
0xd4: {  	v28 =	vmul.f32 v22, v6;
	v10 =	vadd.f32 v12, v10  }
0xd5: {  	v29 =	vmul.f32 v23, v5;
	v9 =	vadd.f32 v26, v9  }
0xd6: {  	v30 =	vmul.f32 v24, v5;
	v10 =	vadd.f32 v28, v10  }
0xd7: {  	v31 =	vmul.f32 v25, v4;
	v9 =	vadd.f32 v29, v9  }
0xd8: {  	v32 =	vmul.f32 v27, v4;
	v10 =	vadd.f32 v30, v10  }
0xd9: {  	v9 =	vadd.f32 v31, v9  }
0xda: {  	v10 =	vadd.f32 v32, v10  }
0xdb: {  	[tilespmem:s28+$0x182B0] =	vst v9  }
0xdc: {  	[tilespmem:s28+$0x1A2B0] =	vst v10  }
0xdd: {  	v9 =	vld [tilespmem:s24+$0x42C0]  }
0xde: {  	v10 =	vld [tilespmem:s24+$0x52C0]  }
0xdf: {  	v33 =	vld [tilespmem:s25+$0x42C0]  }
0xe0: {  	v34 =	vld [tilespmem:s25+$0x52C0]  }
0xe1: {  	v35 =	vld [tilespmem:s26+$0x42C0]  }
0xe2: {  	v36 =	vld [tilespmem:s26+$0x52C0]  }
0xe3: {  	v37 =	vld [tilespmem:s29+$0x42C0]  }
0xe4: {  	v38 =	vld [tilespmem:s29+$0x52C0];
	v9 =	vmul.f32 v9, v7;
	v11 =	vmul.f32 v33, v8  }
0xe5: {  	v39 =	vld [tilespmem:s30+$0x42C0];
	v10 =	vmul.f32 v10, v7;
	v12 =	vmul.f32 v34, v8  }
0xe6: {  	v41 =	vld [tilespmem:s30+$0x52C0];
	v40 =	vmul.f32 v35, v6;
	v9 =	vadd.f32 v11, v9  }
0xe7: {  	v42 =	vmul.f32 v36, v6;
	v10 =	vadd.f32 v12, v10  }
0xe8: {  	v43 =	vmul.f32 v37, v5;
	v9 =	vadd.f32 v40, v9  }
0xe9: {  	v44 =	vmul.f32 v38, v5;
	v10 =	vadd.f32 v42, v10  }
0xea: {  	v45 =	vmul.f32 v39, v4;
	v9 =	vadd.f32 v43, v9  }
0xeb: {  	v46 =	vmul.f32 v41, v4;
	v10 =	vadd.f32 v44, v10  }
0xec: {  	v9 =	vadd.f32 v45, v9  }
0xed: {  	v10 =	vadd.f32 v46, v10  }
0xee: {  	[tilespmem:s28+$0x182C0] =	vst v9  }
0xef: {  	[tilespmem:s28+$0x1A2C0] =	vst v10  }
0xf0: {  	v9 =	vld [tilespmem:s24+$0x42D0]  }
0xf1: {  	v10 =	vld [tilespmem:s24+$0x52D0]  }
0xf2: {  	v47 =	vld [tilespmem:s25+$0x42D0]  }
0xf3: {  	v48 =	vld [tilespmem:s25+$0x52D0]  }
0xf4: {  	v49 =	vld [tilespmem:s26+$0x42D0]  }
0xf5: {  	v50 =	vld [tilespmem:s26+$0x52D0]  }
0xf6: {  	v51 =	vld [tilespmem:s29+$0x42D0]  }
0xf7: {  	v52 =	vld [tilespmem:s29+$0x52D0];
	v9 =	vmul.f32 v9, v7;
	v11 =	vmul.f32 v47, v8  }
0xf8: {  	v53 =	vld [tilespmem:s30+$0x42D0];
	v10 =	vmul.f32 v10, v7;
	v12 =	vmul.f32 v48, v8  }
0xf9: {  	v55 =	vld [tilespmem:s30+$0x52D0];
	v54 =	vmul.f32 v49, v6;
	v9 =	vadd.f32 v11, v9  }
0xfa: {  	v56 =	vmul.f32 v50, v6;
	v10 =	vadd.f32 v12, v10  }
0xfb: {  	v57 =	vmul.f32 v51, v5;
	v9 =	vadd.f32 v54, v9  }
0xfc: {  	v58 =	vmul.f32 v52, v5;
	v10 =	vadd.f32 v56, v10  }
0xfd: {  	v59 =	vmul.f32 v53, v4;
	v9 =	vadd.f32 v57, v9  }
0xfe: {  	v60 =	vmul.f32 v55, v4;
	v10 =	vadd.f32 v58, v10  }
0xff: {  	v9 =	vadd.f32 v59, v9  }
0x100: {  	v10 =	vadd.f32 v60, v10  }
0x101: {  	[tilespmem:s28+$0x182D0] =	vst v9  }
0x102: {  	[tilespmem:s28+$0x1A2D0] =	vst v10  }
0x103: {  	v9 =	vld [tilespmem:s24+$0x42E0]  }
0x104: {  	v10 =	vld [tilespmem:s24+$0x52E0]  }
0x105: {  	v61 =	vld [tilespmem:s25+$0x42E0]  }
0x106: {  	v62 =	vld [tilespmem:s25+$0x52E0]  }
0x107: {  	v63 =	vld [tilespmem:s26+$0x42E0]  }
0x108: {  	v20 =	vld [tilespmem:s26+$0x52E0]  }
0x109: {  	v21 =	vld [tilespmem:s29+$0x42E0]  }
0x10a: {  	v22 =	vld [tilespmem:s29+$0x52E0];
	v9 =	vmul.f32 v9, v7;
	v11 =	vmul.f32 v61, v8  }
0x10b: {  	v23 =	vld [tilespmem:s30+$0x42E0];
	v10 =	vmul.f32 v10, v7;
	v12 =	vmul.f32 v62, v8  }
0x10c: {  	v25 =	vld [tilespmem:s30+$0x52E0];
	v24 =	vmul.f32 v63, v6;
	v9 =	vadd.f32 v11, v9  }
0x10d: {  	v26 =	vmul.f32 v20, v6;
	v10 =	vadd.f32 v12, v10  }
0x10e: {  	v27 =	vmul.f32 v21, v5;
	v9 =	vadd.f32 v24, v9  }
0x10f: {  	v28 =	vmul.f32 v22, v5;
	v10 =	vadd.f32 v26, v10  }
0x110: {  	v29 =	vmul.f32 v23, v4;
	v9 =	vadd.f32 v27, v9  }
0x111: {  	v30 =	vmul.f32 v25, v4;
	v10 =	vadd.f32 v28, v10  }
0x112: {  	v9 =	vadd.f32 v29, v9  }
0x113: {  	v10 =	vadd.f32 v30, v10  }
0x114: {  	[tilespmem:s28+$0x182E0] =	vst v9  }
0x115: {  	[tilespmem:s28+$0x1A2E0] =	vst v10  }
0x116: {  	v9 =	vld [tilespmem:s24+$0x42F0]  }
0x117: {  	v10 =	vld [tilespmem:s24+$0x52F0]  }
0x118: {  	v31 =	vld [tilespmem:s25+$0x42F0]  }
0x119: {  	v32 =	vld [tilespmem:s25+$0x52F0]  }
0x11a: {  	v33 =	vld [tilespmem:s26+$0x42F0]  }
0x11b: {  	v34 =	vld [tilespmem:s26+$0x52F0]  }
0x11c: {  	v35 =	vld [tilespmem:s29+$0x42F0]  }
0x11d: {  	v36 =	vld [tilespmem:s29+$0x52F0];
	v9 =	vmul.f32 v9, v7;
	v11 =	vmul.f32 v31, v8  }
0x11e: {  	v37 =	vld [tilespmem:s30+$0x42F0];
	v10 =	vmul.f32 v10, v7;
	v12 =	vmul.f32 v32, v8  }
0x11f: {  	v39 =	vld [tilespmem:s30+$0x52F0];
	v38 =	vmul.f32 v33, v6;
	v9 =	vadd.f32 v11, v9  }
0x120: {  	v40 =	vmul.f32 v34, v6;
	v10 =	vadd.f32 v12, v10  }
0x121: {  	v41 =	vmul.f32 v35, v5;
	v9 =	vadd.f32 v38, v9  }
0x122: {  	v42 =	vmul.f32 v36, v5;
	v10 =	vadd.f32 v40, v10  }
0x123: {  	v43 =	vmul.f32 v37, v4;
	v9 =	vadd.f32 v41, v9  }
0x124: {  	v44 =	vmul.f32 v39, v4;
	v10 =	vadd.f32 v42, v10  }
0x125: {  	v9 =	vadd.f32 v43, v9  }
0x126: {  	v10 =	vadd.f32 v44, v10  }
0x127: {  	[tilespmem:s28+$0x182F0] =	vst v9  }
0x128: {  	[tilespmem:s28+$0x1A2F0] =	vst v10  }
0x129: {  	v9 =	vld [tilespmem:s24+$0x4680]  }
0x12a: {  	v10 =	vld [tilespmem:s24+$0x5680]  }
0x12b: {  	v45 =	vld [tilespmem:s25+$0x4680]  }
0x12c: {  	v46 =	vld [tilespmem:s25+$0x5680]  }
0x12d: {  	v47 =	vld [tilespmem:s26+$0x4680]  }
0x12e: {  	v48 =	vld [tilespmem:s26+$0x5680]  }
0x12f: {  	v49 =	vld [tilespmem:s29+$0x4680]  }
0x130: {  	v50 =	vld [tilespmem:s29+$0x5680];
	v9 =	vmul.f32 v9, v7;
	v11 =	vmul.f32 v45, v8  }
0x131: {  	v51 =	vld [tilespmem:s30+$0x4680];
	v10 =	vmul.f32 v10, v7;
	v12 =	vmul.f32 v46, v8  }
0x132: {  	v53 =	vld [tilespmem:s30+$0x5680];
	v52 =	vmul.f32 v47, v6;
	v9 =	vadd.f32 v11, v9  }
0x133: {  	v54 =	vmul.f32 v48, v6;
	v10 =	vadd.f32 v12, v10  }
0x134: {  	v55 =	vmul.f32 v49, v5;
	v9 =	vadd.f32 v52, v9  }
0x135: {  	v56 =	vmul.f32 v50, v5;
	v10 =	vadd.f32 v54, v10  }
0x136: {  	v57 =	vmul.f32 v51, v4;
	v9 =	vadd.f32 v55, v9  }
0x137: {  	v58 =	vmul.f32 v53, v4;
	v10 =	vadd.f32 v56, v10  }
0x138: {  	v9 =	vadd.f32 v57, v9  }
0x139: {  	v10 =	vadd.f32 v58, v10  }
0x13a: {  	[tilespmem:s28+$0x18680] =	vst v9  }
0x13b: {  	[tilespmem:s28+$0x1A680] =	vst v10  }
0x13c: {  	v9 =	vld [tilespmem:s24+$0x4690]  }
0x13d: {  	v10 =	vld [tilespmem:s24+$0x5690]  }
0x13e: {  	v59 =	vld [tilespmem:s25+$0x4690]  }
0x13f: {  	v60 =	vld [tilespmem:s25+$0x5690]  }
0x140: {  	v61 =	vld [tilespmem:s26+$0x4690]  }
0x141: {  	v62 =	vld [tilespmem:s26+$0x5690]  }
0x142: {  	v63 =	vld [tilespmem:s29+$0x4690]  }
0x143: {  	v20 =	vld [tilespmem:s29+$0x5690];
	v9 =	vmul.f32 v9, v7;
	v11 =	vmul.f32 v59, v8  }
0x144: {  	v21 =	vld [tilespmem:s30+$0x4690];
	v10 =	vmul.f32 v10, v7;
	v12 =	vmul.f32 v60, v8  }
0x145: {  	v23 =	vld [tilespmem:s30+$0x5690];
	v22 =	vmul.f32 v61, v6;
	v9 =	vadd.f32 v11, v9  }
0x146: {  	v24 =	vmul.f32 v62, v6;
	v10 =	vadd.f32 v12, v10  }
0x147: {  	v25 =	vmul.f32 v63, v5;
	v9 =	vadd.f32 v22, v9  }
0x148: {  	v26 =	vmul.f32 v20, v5;
	v10 =	vadd.f32 v24, v10  }
0x149: {  	v27 =	vmul.f32 v21, v4;
	v9 =	vadd.f32 v25, v9  }
0x14a: {  	v28 =	vmul.f32 v23, v4;
	v10 =	vadd.f32 v26, v10  }
0x14b: {  	v9 =	vadd.f32 v27, v9  }
0x14c: {  	v10 =	vadd.f32 v28, v10  }
0x14d: {  	[tilespmem:s28+$0x18690] =	vst v9  }
0x14e: {  	[tilespmem:s28+$0x1A690] =	vst v10  }
0x14f: {  	v9 =	vld [tilespmem:s24+$0x46A0]  }
0x150: {  	v10 =	vld [tilespmem:s24+$0x56A0]  }
0x151: {  	v29 =	vld [tilespmem:s25+$0x46A0]  }
0x152: {  	v30 =	vld [tilespmem:s25+$0x56A0]  }
0x153: {  	v31 =	vld [tilespmem:s26+$0x46A0]  }
0x154: {  	v32 =	vld [tilespmem:s26+$0x56A0]  }
0x155: {  	v33 =	vld [tilespmem:s29+$0x46A0]  }
0x156: {  	v34 =	vld [tilespmem:s29+$0x56A0];
	v9 =	vmul.f32 v9, v7;
	v11 =	vmul.f32 v29, v8  }
0x157: {  	v35 =	vld [tilespmem:s30+$0x46A0];
	v10 =	vmul.f32 v10, v7;
	v12 =	vmul.f32 v30, v8  }
0x158: {  	v37 =	vld [tilespmem:s30+$0x56A0];
	v36 =	vmul.f32 v31, v6;
	v9 =	vadd.f32 v11, v9  }
0x159: {  	v38 =	vmul.f32 v32, v6;
	v10 =	vadd.f32 v12, v10  }
0x15a: {  	v39 =	vmul.f32 v33, v5;
	v9 =	vadd.f32 v36, v9  }
0x15b: {  	v40 =	vmul.f32 v34, v5;
	v10 =	vadd.f32 v38, v10  }
0x15c: {  	v41 =	vmul.f32 v35, v4;
	v9 =	vadd.f32 v39, v9  }
0x15d: {  	v42 =	vmul.f32 v37, v4;
	v10 =	vadd.f32 v40, v10  }
0x15e: {  	v9 =	vadd.f32 v41, v9  }
0x15f: {  	v10 =	vadd.f32 v42, v10  }
0x160: {  	[tilespmem:s28+$0x186A0] =	vst v9  }
0x161: {  	[tilespmem:s28+$0x1A6A0] =	vst v10  }
0x162: {  	v9 =	vld [tilespmem:s24+$0x46B0]  }
0x163: {  	v10 =	vld [tilespmem:s24+$0x56B0]  }
0x164: {  	v43 =	vld [tilespmem:s25+$0x46B0]  }
0x165: {  	v44 =	vld [tilespmem:s25+$0x56B0]  }
0x166: {  	v45 =	vld [tilespmem:s26+$0x46B0]  }
0x167: {  	v46 =	vld [tilespmem:s26+$0x56B0]  }
0x168: {  	v47 =	vld [tilespmem:s29+$0x46B0]  }
0x169: {  	v48 =	vld [tilespmem:s29+$0x56B0];
	v9 =	vmul.f32 v9, v7;
	v11 =	vmul.f32 v43, v8  }
0x16a: {  	v49 =	vld [tilespmem:s30+$0x46B0];
	v10 =	vmul.f32 v10, v7;
	v12 =	vmul.f32 v44, v8  }
0x16b: {  	v51 =	vld [tilespmem:s30+$0x56B0];
	v50 =	vmul.f32 v45, v6;
	v9 =	vadd.f32 v11, v9  }
0x16c: {  	v52 =	vmul.f32 v46, v6;
	v10 =	vadd.f32 v12, v10  }
0x16d: {  	v53 =	vmul.f32 v47, v5;
	v9 =	vadd.f32 v50, v9  }
0x16e: {  	v54 =	vmul.f32 v48, v5;
	v10 =	vadd.f32 v52, v10  }
0x16f: {  	v55 =	vmul.f32 v49, v4;
	v9 =	vadd.f32 v53, v9  }
0x170: {  	v56 =	vmul.f32 v51, v4;
	v10 =	vadd.f32 v54, v10  }
0x171: {  	v9 =	vadd.f32 v55, v9  }
0x172: {  	v10 =	vadd.f32 v56, v10  }
0x173: {  	[tilespmem:s28+$0x186B0] =	vst v9  }
0x174: {  	[tilespmem:s28+$0x1A6B0] =	vst v10  }
0x175: {  	v9 =	vld [tilespmem:s24+$0x46C0]  }
0x176: {  	v10 =	vld [tilespmem:s24+$0x56C0]  }
0x177: {  	v57 =	vld [tilespmem:s25+$0x46C0]  }
0x178: {  	v58 =	vld [tilespmem:s25+$0x56C0]  }
0x179: {  	v59 =	vld [tilespmem:s26+$0x46C0]  }
0x17a: {  	v60 =	vld [tilespmem:s26+$0x56C0]  }
0x17b: {  	v61 =	vld [tilespmem:s29+$0x46C0]  }
0x17c: {  	v62 =	vld [tilespmem:s29+$0x56C0];
	v9 =	vmul.f32 v9, v7;
	v11 =	vmul.f32 v57, v8  }
0x17d: {  	v63 =	vld [tilespmem:s30+$0x46C0];
	v10 =	vmul.f32 v10, v7;
	v12 =	vmul.f32 v58, v8  }
0x17e: {  	v19 =	vld [tilespmem:s30+$0x56C0];
	v18 =	vmul.f32 v59, v6;
	v9 =	vadd.f32 v11, v9  }
0x17f: {  	v20 =	vmul.f32 v60, v6;
	v10 =	vadd.f32 v12, v10  }
0x180: {  	v21 =	vmul.f32 v61, v5;
	v9 =	vadd.f32 v18, v9  }
0x181: {  	v22 =	vmul.f32 v62, v5;
	v10 =	vadd.f32 v20, v10  }
0x182: {  	v23 =	vmul.f32 v63, v4;
	v9 =	vadd.f32 v21, v9  }
0x183: {  	v24 =	vmul.f32 v19, v4;
	v10 =	vadd.f32 v22, v10  }
0x184: {  	v9 =	vadd.f32 v23, v9  }
0x185: {  	v10 =	vadd.f32 v24, v10  }
0x186: {  	[tilespmem:s28+$0x186C0] =	vst v9  }
0x187: {  	[tilespmem:s28+$0x1A6C0] =	vst v10  }
0x188: {  	v9 =	vld [tilespmem:s24+$0x46D0]  }
0x189: {  	v10 =	vld [tilespmem:s24+$0x56D0]  }
0x18a: {  	v25 =	vld [tilespmem:s25+$0x46D0]  }
0x18b: {  	v26 =	vld [tilespmem:s25+$0x56D0]  }
0x18c: {  	v27 =	vld [tilespmem:s26+$0x46D0]  }
0x18d: {  	v28 =	vld [tilespmem:s26+$0x56D0]  }
0x18e: {  	v29 =	vld [tilespmem:s29+$0x46D0]  }
0x18f: {  	v30 =	vld [tilespmem:s29+$0x56D0];
	v9 =	vmul.f32 v9, v7;
	v11 =	vmul.f32 v25, v8  }
0x190: {  	v31 =	vld [tilespmem:s30+$0x46D0];
	v10 =	vmul.f32 v10, v7;
	v12 =	vmul.f32 v26, v8  }
0x191: {  	v33 =	vld [tilespmem:s30+$0x56D0];
	v32 =	vmul.f32 v27, v6;
	v9 =	vadd.f32 v11, v9  }
0x192: {  	v34 =	vmul.f32 v28, v6;
	v10 =	vadd.f32 v12, v10  }
0x193: {  	v35 =	vmul.f32 v29, v5;
	v9 =	vadd.f32 v32, v9  }
0x194: {  	v36 =	vmul.f32 v30, v5;
	v10 =	vadd.f32 v34, v10  }
0x195: {  	v37 =	vmul.f32 v31, v4;
	v9 =	vadd.f32 v35, v9  }
0x196: {  	v38 =	vmul.f32 v33, v4;
	v10 =	vadd.f32 v36, v10  }
0x197: {  	v9 =	vadd.f32 v37, v9  }
0x198: {  	v10 =	vadd.f32 v38, v10  }
0x199: {  	[tilespmem:s28+$0x186D0] =	vst v9  }
0x19a: {  	[tilespmem:s28+$0x1A6D0] =	vst v10  }
0x19b: {  	v9 =	vld [tilespmem:s24+$0x46E0]  }
0x19c: {  	v10 =	vld [tilespmem:s24+$0x56E0]  }
0x19d: {  	v39 =	vld [tilespmem:s25+$0x46E0]  }
0x19e: {  	v40 =	vld [tilespmem:s25+$0x56E0]  }
0x19f: {  	v41 =	vld [tilespmem:s26+$0x46E0]  }
0x1a0: {  	v42 =	vld [tilespmem:s26+$0x56E0]  }
0x1a1: {  	v43 =	vld [tilespmem:s29+$0x46E0]  }
0x1a2: {  	v44 =	vld [tilespmem:s29+$0x56E0];
	v9 =	vmul.f32 v9, v7;
	v11 =	vmul.f32 v39, v8  }
0x1a3: {  	v45 =	vld [tilespmem:s30+$0x46E0];
	v10 =	vmul.f32 v10, v7;
	v12 =	vmul.f32 v40, v8  }
0x1a4: {  	v47 =	vld [tilespmem:s30+$0x56E0];
	v46 =	vmul.f32 v41, v6;
	v9 =	vadd.f32 v11, v9  }
0x1a5: {  	v48 =	vmul.f32 v42, v6;
	v10 =	vadd.f32 v12, v10  }
0x1a6: {  	v49 =	vmul.f32 v43, v5;
	v9 =	vadd.f32 v46, v9  }
0x1a7: {  	v50 =	vmul.f32 v44, v5;
	v10 =	vadd.f32 v48, v10  }
0x1a8: {  	v51 =	vmul.f32 v45, v4;
	v9 =	vadd.f32 v49, v9  }
0x1a9: {  	v52 =	vmul.f32 v47, v4;
	v10 =	vadd.f32 v50, v10  }
0x1aa: {  	v9 =	vadd.f32 v51, v9  }
0x1ab: {  	v10 =	vadd.f32 v52, v10  }
0x1ac: {  	[tilespmem:s28+$0x186E0] =	vst v9  }
0x1ad: {  	[tilespmem:s28+$0x1A6E0] =	vst v10  }
0x1ae: {  	v9 =	vld [tilespmem:s24+$0x46F0]  }
0x1af: {  	v10 =	vld [tilespmem:s24+$0x56F0]  }
0x1b0: {  	v53 =	vld [tilespmem:s25+$0x46F0]  }
0x1b1: {  	v54 =	vld [tilespmem:s25+$0x56F0]  }
0x1b2: {  	v55 =	vld [tilespmem:s26+$0x46F0]  }
0x1b3: {  	v56 =	vld [tilespmem:s26+$0x56F0]  }
0x1b4: {  	v57 =	vld [tilespmem:s29+$0x46F0]  }
0x1b5: {  	v58 =	vld [tilespmem:s29+$0x56F0];
	v9 =	vmul.f32 v9, v7;
	v11 =	vmul.f32 v53, v8  }
0x1b6: {  	v59 =	vld [tilespmem:s30+$0x46F0];
	v10 =	vmul.f32 v10, v7;
	v12 =	vmul.f32 v54, v8  }
0x1b7: {  	v61 =	vld [tilespmem:s30+$0x56F0];
	v60 =	vmul.f32 v55, v6;
	v9 =	vadd.f32 v11, v9  }
0x1b8: {  	v62 =	vmul.f32 v56, v6;
	v10 =	vadd.f32 v12, v10  }
0x1b9: {  	v63 =	vmul.f32 v57, v5;
	v9 =	vadd.f32 v60, v9  }
0x1ba: {  	v16 =	vmul.f32 v58, v5;
	v10 =	vadd.f32 v62, v10  }
0x1bb: {  	v17 =	vmul.f32 v59, v4;
	v9 =	vadd.f32 v63, v9  }
0x1bc: {  	v18 =	vmul.f32 v61, v4;
	v10 =	vadd.f32 v16, v10  }
0x1bd: {  	v9 =	vadd.f32 v17, v9  }
0x1be: {  	v10 =	vadd.f32 v18, v10  }
0x1bf: {  	[tilespmem:s28+$0x186F0] =	vst v9  }
0x1c0: {  	[tilespmem:s28+$0x1A6F0] =	vst v10  }
0x1c1: {  	v9 =	vld [tilespmem:s24+$0x4A80]  }
0x1c2: {  	v10 =	vld [tilespmem:s24+$0x5A80]  }
0x1c3: {  	v19 =	vld [tilespmem:s25+$0x4A80]  }
0x1c4: {  	v20 =	vld [tilespmem:s25+$0x5A80]  }
0x1c5: {  	v21 =	vld [tilespmem:s26+$0x4A80]  }
0x1c6: {  	v22 =	vld [tilespmem:s26+$0x5A80]  }
0x1c7: {  	v23 =	vld [tilespmem:s29+$0x4A80]  }
0x1c8: {  	v24 =	vld [tilespmem:s29+$0x5A80];
	v9 =	vmul.f32 v9, v7;
	v11 =	vmul.f32 v19, v8  }
0x1c9: {  	v25 =	vld [tilespmem:s30+$0x4A80];
	v10 =	vmul.f32 v10, v7;
	v12 =	vmul.f32 v20, v8  }
0x1ca: {  	v27 =	vld [tilespmem:s30+$0x5A80];
	v26 =	vmul.f32 v21, v6;
	v9 =	vadd.f32 v11, v9  }
0x1cb: {  	v28 =	vmul.f32 v22, v6;
	v10 =	vadd.f32 v12, v10  }
0x1cc: {  	v29 =	vmul.f32 v23, v5;
	v9 =	vadd.f32 v26, v9  }
0x1cd: {  	v30 =	vmul.f32 v24, v5;
	v10 =	vadd.f32 v28, v10  }
0x1ce: {  	v31 =	vmul.f32 v25, v4;
	v9 =	vadd.f32 v29, v9  }
0x1cf: {  	v32 =	vmul.f32 v27, v4;
	v10 =	vadd.f32 v30, v10  }
0x1d0: {  	v9 =	vadd.f32 v31, v9  }
0x1d1: {  	v10 =	vadd.f32 v32, v10  }
0x1d2: {  	[tilespmem:s28+$0x18A80] =	vst v9  }
0x1d3: {  	[tilespmem:s28+$0x1AA80] =	vst v10  }
0x1d4: {  	v9 =	vld [tilespmem:s24+$0x4A90]  }
0x1d5: {  	v10 =	vld [tilespmem:s24+$0x5A90]  }
0x1d6: {  	v33 =	vld [tilespmem:s25+$0x4A90]  }
0x1d7: {  	v34 =	vld [tilespmem:s25+$0x5A90]  }
0x1d8: {  	v35 =	vld [tilespmem:s26+$0x4A90]  }
0x1d9: {  	v36 =	vld [tilespmem:s26+$0x5A90]  }
0x1da: {  	v37 =	vld [tilespmem:s29+$0x4A90]  }
0x1db: {  	v38 =	vld [tilespmem:s29+$0x5A90];
	v9 =	vmul.f32 v9, v7;
	v11 =	vmul.f32 v33, v8  }
0x1dc: {  	v39 =	vld [tilespmem:s30+$0x4A90];
	v10 =	vmul.f32 v10, v7;
	v12 =	vmul.f32 v34, v8  }
0x1dd: {  	v41 =	vld [tilespmem:s30+$0x5A90];
	v40 =	vmul.f32 v35, v6;
	v9 =	vadd.f32 v11, v9  }
0x1de: {  	v42 =	vmul.f32 v36, v6;
	v10 =	vadd.f32 v12, v10  }
0x1df: {  	v43 =	vmul.f32 v37, v5;
	v9 =	vadd.f32 v40, v9  }
0x1e0: {  	v44 =	vmul.f32 v38, v5;
	v10 =	vadd.f32 v42, v10  }
0x1e1: {  	v45 =	vmul.f32 v39, v4;
	v9 =	vadd.f32 v43, v9  }
0x1e2: {  	v46 =	vmul.f32 v41, v4;
	v10 =	vadd.f32 v44, v10  }
0x1e3: {  	v9 =	vadd.f32 v45, v9  }
0x1e4: {  	v10 =	vadd.f32 v46, v10  }
0x1e5: {  	[tilespmem:s28+$0x18A90] =	vst v9  }
0x1e6: {  	[tilespmem:s28+$0x1AA90] =	vst v10  }
0x1e7: {  	v9 =	vld [tilespmem:s24+$0x4AA0]  }
0x1e8: {  	v10 =	vld [tilespmem:s24+$0x5AA0]  }
0x1e9: {  	v47 =	vld [tilespmem:s25+$0x4AA0]  }
0x1ea: {  	v48 =	vld [tilespmem:s25+$0x5AA0]  }
0x1eb: {  	v49 =	vld [tilespmem:s26+$0x4AA0]  }
0x1ec: {  	v50 =	vld [tilespmem:s26+$0x5AA0]  }
0x1ed: {  	v51 =	vld [tilespmem:s29+$0x4AA0]  }
0x1ee: {  	v52 =	vld [tilespmem:s29+$0x5AA0];
	v9 =	vmul.f32 v9, v7;
	v11 =	vmul.f32 v47, v8  }
0x1ef: {  	v53 =	vld [tilespmem:s30+$0x4AA0];
	v10 =	vmul.f32 v10, v7;
	v12 =	vmul.f32 v48, v8  }
0x1f0: {  	v55 =	vld [tilespmem:s30+$0x5AA0];
	v54 =	vmul.f32 v49, v6;
	v9 =	vadd.f32 v11, v9  }
0x1f1: {  	v56 =	vmul.f32 v50, v6;
	v10 =	vadd.f32 v12, v10  }
0x1f2: {  	v57 =	vmul.f32 v51, v5;
	v9 =	vadd.f32 v54, v9  }
0x1f3: {  	v58 =	vmul.f32 v52, v5;
	v10 =	vadd.f32 v56, v10  }
0x1f4: {  	v59 =	vmul.f32 v53, v4;
	v9 =	vadd.f32 v57, v9  }
0x1f5: {  	v60 =	vmul.f32 v55, v4;
	v10 =	vadd.f32 v58, v10  }
0x1f6: {  	v9 =	vadd.f32 v59, v9  }
0x1f7: {  	v10 =	vadd.f32 v60, v10  }
0x1f8: {  	[tilespmem:s28+$0x18AA0] =	vst v9  }
0x1f9: {  	[tilespmem:s28+$0x1AAA0] =	vst v10  }
0x1fa: {  	v9 =	vld [tilespmem:s24+$0x4AB0]  }
0x1fb: {  	v10 =	vld [tilespmem:s24+$0x5AB0]  }
0x1fc: {  	v61 =	vld [tilespmem:s25+$0x4AB0]  }
0x1fd: {  	v62 =	vld [tilespmem:s25+$0x5AB0]  }
0x1fe: {  	v63 =	vld [tilespmem:s26+$0x4AB0]  }
0x1ff: {  	v20 =	vld [tilespmem:s26+$0x5AB0]  }
0x200: {  	v21 =	vld [tilespmem:s29+$0x4AB0]  }
0x201: {  	v22 =	vld [tilespmem:s29+$0x5AB0];
	v9 =	vmul.f32 v9, v7;
	v11 =	vmul.f32 v61, v8  }
0x202: {  	v23 =	vld [tilespmem:s30+$0x4AB0];
	v10 =	vmul.f32 v10, v7;
	v12 =	vmul.f32 v62, v8  }
0x203: {  	v25 =	vld [tilespmem:s30+$0x5AB0];
	v24 =	vmul.f32 v63, v6;
	v9 =	vadd.f32 v11, v9  }
0x204: {  	v26 =	vmul.f32 v20, v6;
	v10 =	vadd.f32 v12, v10  }
0x205: {  	v27 =	vmul.f32 v21, v5;
	v9 =	vadd.f32 v24, v9  }
0x206: {  	v28 =	vmul.f32 v22, v5;
	v10 =	vadd.f32 v26, v10  }
0x207: {  	v29 =	vmul.f32 v23, v4;
	v9 =	vadd.f32 v27, v9  }
0x208: {  	v30 =	vmul.f32 v25, v4;
	v10 =	vadd.f32 v28, v10  }
0x209: {  	v9 =	vadd.f32 v29, v9  }
0x20a: {  	v10 =	vadd.f32 v30, v10  }
0x20b: {  	[tilespmem:s28+$0x18AB0] =	vst v9  }
0x20c: {  	[tilespmem:s28+$0x1AAB0] =	vst v10  }
0x20d: {  	v9 =	vld [tilespmem:s24+$0x4AC0]  }
0x20e: {  	v10 =	vld [tilespmem:s24+$0x5AC0]  }
0x20f: {  	v31 =	vld [tilespmem:s25+$0x4AC0]  }
0x210: {  	v32 =	vld [tilespmem:s25+$0x5AC0]  }
0x211: {  	v33 =	vld [tilespmem:s26+$0x4AC0]  }
0x212: {  	v34 =	vld [tilespmem:s26+$0x5AC0]  }
0x213: {  	v35 =	vld [tilespmem:s29+$0x4AC0]  }
0x214: {  	v36 =	vld [tilespmem:s29+$0x5AC0];
	v9 =	vmul.f32 v9, v7;
	v11 =	vmul.f32 v31, v8  }
0x215: {  	v37 =	vld [tilespmem:s30+$0x4AC0];
	v10 =	vmul.f32 v10, v7;
	v12 =	vmul.f32 v32, v8  }
0x216: {  	v39 =	vld [tilespmem:s30+$0x5AC0];
	v38 =	vmul.f32 v33, v6;
	v9 =	vadd.f32 v11, v9  }
0x217: {  	v40 =	vmul.f32 v34, v6;
	v10 =	vadd.f32 v12, v10  }
0x218: {  	v41 =	vmul.f32 v35, v5;
	v9 =	vadd.f32 v38, v9  }
0x219: {  	v42 =	vmul.f32 v36, v5;
	v10 =	vadd.f32 v40, v10  }
0x21a: {  	v43 =	vmul.f32 v37, v4;
	v9 =	vadd.f32 v41, v9  }
0x21b: {  	v44 =	vmul.f32 v39, v4;
	v10 =	vadd.f32 v42, v10  }
0x21c: {  	v9 =	vadd.f32 v43, v9  }
0x21d: {  	v10 =	vadd.f32 v44, v10  }
0x21e: {  	[tilespmem:s28+$0x18AC0] =	vst v9  }
0x21f: {  	[tilespmem:s28+$0x1AAC0] =	vst v10  }
0x220: {  	v9 =	vld [tilespmem:s24+$0x4AD0]  }
0x221: {  	v10 =	vld [tilespmem:s24+$0x5AD0]  }
0x222: {  	v45 =	vld [tilespmem:s25+$0x4AD0]  }
0x223: {  	v46 =	vld [tilespmem:s25+$0x5AD0]  }
0x224: {  	v47 =	vld [tilespmem:s26+$0x4AD0]  }
0x225: {  	v48 =	vld [tilespmem:s26+$0x5AD0]  }
0x226: {  	v49 =	vld [tilespmem:s29+$0x4AD0]  }
0x227: {  	v50 =	vld [tilespmem:s29+$0x5AD0];
	v9 =	vmul.f32 v9, v7;
	v11 =	vmul.f32 v45, v8  }
0x228: {  	v51 =	vld [tilespmem:s30+$0x4AD0];
	v10 =	vmul.f32 v10, v7;
	v12 =	vmul.f32 v46, v8  }
0x229: {  	v53 =	vld [tilespmem:s30+$0x5AD0];
	v52 =	vmul.f32 v47, v6;
	v9 =	vadd.f32 v11, v9  }
0x22a: {  	v54 =	vmul.f32 v48, v6;
	v10 =	vadd.f32 v12, v10  }
0x22b: {  	v55 =	vmul.f32 v49, v5;
	v9 =	vadd.f32 v52, v9  }
0x22c: {  	v56 =	vmul.f32 v50, v5;
	v10 =	vadd.f32 v54, v10  }
0x22d: {  	v57 =	vmul.f32 v51, v4;
	v9 =	vadd.f32 v55, v9  }
0x22e: {  	v58 =	vmul.f32 v53, v4;
	v10 =	vadd.f32 v56, v10  }
0x22f: {  	v9 =	vadd.f32 v57, v9  }
0x230: {  	v10 =	vadd.f32 v58, v10  }
0x231: {  	[tilespmem:s28+$0x18AD0] =	vst v9  }
0x232: {  	[tilespmem:s28+$0x1AAD0] =	vst v10  }
0x233: {  	v9 =	vld [tilespmem:s24+$0x4AE0]  }
0x234: {  	v10 =	vld [tilespmem:s24+$0x5AE0]  }
0x235: {  	v59 =	vld [tilespmem:s25+$0x4AE0]  }
0x236: {  	v60 =	vld [tilespmem:s25+$0x5AE0]  }
0x237: {  	v61 =	vld [tilespmem:s26+$0x4AE0]  }
0x238: {  	v62 =	vld [tilespmem:s26+$0x5AE0]  }
0x239: {  	v63 =	vld [tilespmem:s29+$0x4AE0]  }
0x23a: {  	v20 =	vld [tilespmem:s29+$0x5AE0];
	v9 =	vmul.f32 v9, v7;
	v11 =	vmul.f32 v59, v8  }
0x23b: {  	v21 =	vld [tilespmem:s30+$0x4AE0];
	v10 =	vmul.f32 v10, v7;
	v12 =	vmul.f32 v60, v8  }
0x23c: {  	v23 =	vld [tilespmem:s30+$0x5AE0];
	v22 =	vmul.f32 v61, v6;
	v9 =	vadd.f32 v11, v9  }
0x23d: {  	v24 =	vmul.f32 v62, v6;
	v10 =	vadd.f32 v12, v10  }
0x23e: {  	v25 =	vmul.f32 v63, v5;
	v9 =	vadd.f32 v22, v9  }
0x23f: {  	v26 =	vmul.f32 v20, v5;
	v10 =	vadd.f32 v24, v10  }
0x240: {  	v27 =	vmul.f32 v21, v4;
	v9 =	vadd.f32 v25, v9  }
0x241: {  	v28 =	vmul.f32 v23, v4;
	v10 =	vadd.f32 v26, v10  }
0x242: {  	v9 =	vadd.f32 v27, v9  }
0x243: {  	v10 =	vadd.f32 v28, v10  }
0x244: {  	[tilespmem:s28+$0x18AE0] =	vst v9  }
0x245: {  	[tilespmem:s28+$0x1AAE0] =	vst v10  }
0x246: {  	v9 =	vld [tilespmem:s24+$0x4AF0]  }
0x247: {  	v10 =	vld [tilespmem:s24+$0x5AF0]  }
0x248: {  	v29 =	vld [tilespmem:s25+$0x4AF0]  }
0x249: {  	v30 =	vld [tilespmem:s25+$0x5AF0]  }
0x24a: {  	v31 =	vld [tilespmem:s26+$0x4AF0]  }
0x24b: {  	v32 =	vld [tilespmem:s26+$0x5AF0]  }
0x24c: {  	v33 =	vld [tilespmem:s29+$0x4AF0]  }
0x24d: {  	v34 =	vld [tilespmem:s29+$0x5AF0];
	v9 =	vmul.f32 v9, v7;
	v11 =	vmul.f32 v29, v8  }
0x24e: {  	v35 =	vld [tilespmem:s30+$0x4AF0];
	v10 =	vmul.f32 v10, v7;
	v12 =	vmul.f32 v30, v8  }
0x24f: {  	v37 =	vld [tilespmem:s30+$0x5AF0];
	v36 =	vmul.f32 v31, v6;
	v9 =	vadd.f32 v11, v9  }
0x250: {  	v38 =	vmul.f32 v32, v6;
	v10 =	vadd.f32 v12, v10  }
0x251: {  	v39 =	vmul.f32 v33, v5;
	v9 =	vadd.f32 v36, v9  }
0x252: {  	v40 =	vmul.f32 v34, v5;
	v10 =	vadd.f32 v38, v10  }
0x253: {  	v41 =	vmul.f32 v35, v4;
	v9 =	vadd.f32 v39, v9  }
0x254: {  	v42 =	vmul.f32 v37, v4;
	v10 =	vadd.f32 v40, v10  }
0x255: {  	v9 =	vadd.f32 v41, v9  }
0x256: {  	s6 =	sand.u32 $0x7, s20;
	v10 =	vadd.f32 v42, v10  }
0x257: {  	s14 =	sshll.u32 s6, $0x7;
	[tilespmem:s28+$0x18AF0] =	vst v9  }
0x258: {  	s16 =	sand.u32 $0x7, s2;
	s14 =	sadd.s32 s14, s23;
	[tilespmem:s28+$0x1AAF0] =	vst v10  }
0x259: {  	s16 =	sshll.u32 s16, $0x7;
	s5 =	sor.u32 $0x1C00, s14;
	v9 =	vld [tilespmem:s24+$0x4E80]  }
0x25a: {  	s6 =	sand.u32 $0x7, s19;
	s31 =	sadd.s32 s16, s31;
	v10 =	vld [tilespmem:s5+$0x4280]  }
0x25b: {  	s5 =	sshll.u32 s6, $0x7;
	v43 =	vld [tilespmem:s25+$0x4E80];
	s6 =	sor.u32 $0x1C00, s31  }
0x25c: {  	s16 =	sand.u32 $0x7, s18;
	v44 =	vld [tilespmem:s6+$0x4280];
	s1 =	sadd.s32 s5, s1  }
0x25d: {  	v45 =	vld [tilespmem:s26+$0x4E80];
	s5 =	sshll.u32 s16, $0x7;
	s6 =	sor.u32 $0x1C00, s1  }
0x25e: {  	s16 =	sand.u32 $0x7, s17;
	s0 =	sadd.s32 s5, s0;
	v46 =	vld [tilespmem:s6+$0x4280]  }
0x25f: {  	v47 =	vld [tilespmem:s29+$0x4E80];
	s5 =	sshll.u32 s16, $0x7;
	s16 =	sor.u32 $0x1C00, s0  }
0x260: {  	s13 =	sadd.s32 s5, s13;
	v48 =	vld [tilespmem:s16+$0x4280];
	v9 =	vmul.f32 v9, v7;
	v11 =	vmul.f32 v43, v8  }
0x261: {  	v49 =	vld [tilespmem:s30+$0x4E80];
	s5 =	sor.u32 $0x1C00, s13;
	v10 =	vmul.f32 v10, v7;
	v12 =	vmul.f32 v44, v8  }
0x262: {  	v50 =	vmul.f32 v45, v6;
	v51 =	vld [tilespmem:s5+$0x4280];
	v9 =	vadd.f32 v11, v9  }
0x263: {  	v10 =	vadd.f32 v12, v10;
	v52 =	vmul.f32 v46, v6  }
0x264: {  	v53 =	vmul.f32 v47, v5;
	v9 =	vadd.f32 v50, v9  }
0x265: {  	v54 =	vmul.f32 v48, v5;
	v10 =	vadd.f32 v52, v10  }
0x266: {  	v55 =	vmul.f32 v49, v4;
	v9 =	vadd.f32 v53, v9  }
0x267: {  	v56 =	vmul.f32 v51, v4;
	v10 =	vadd.f32 v54, v10  }
0x268: {  	v9 =	vadd.f32 v55, v9  }
0x269: {  	v10 =	vadd.f32 v56, v10  }
0x26a: {  	[tilespmem:s28+$0x18E80] =	vst v9  }
0x26b: {  	[tilespmem:s28+$0x1AE80] =	vst v10  }
0x26c: {  	s6 =	sor.u32 $0x1C10, s14;
	v9 =	vld [tilespmem:s24+$0x4E90]  }
0x26d: {  	v10 =	vld [tilespmem:s6+$0x4280]  }
0x26e: {  	s16 =	sor.u32 $0x1C10, s31;
	v57 =	vld [tilespmem:s25+$0x4E90]  }
0x26f: {  	v58 =	vld [tilespmem:s16+$0x4280]  }
0x270: {  	v59 =	vld [tilespmem:s26+$0x4E90];
	s6 =	sor.u32 $0x1C10, s1  }
0x271: {  	v60 =	vld [tilespmem:s6+$0x4280]  }
0x272: {  	v61 =	vld [tilespmem:s29+$0x4E90];
	s16 =	sor.u32 $0x1C10, s0  }
0x273: {  	v62 =	vld [tilespmem:s16+$0x4280];
	v9 =	vmul.f32 v9, v7;
	v11 =	vmul.f32 v57, v8  }
0x274: {  	v63 =	vld [tilespmem:s30+$0x4E90];
	s6 =	sor.u32 $0x1C10, s13;
	v10 =	vmul.f32 v10, v7;
	v12 =	vmul.f32 v58, v8  }
0x275: {  	v20 =	vld [tilespmem:s6+$0x4280];
	v19 =	vmul.f32 v59, v6;
	v9 =	vadd.f32 v11, v9  }
0x276: {  	v21 =	vmul.f32 v60, v6;
	v10 =	vadd.f32 v12, v10  }
0x277: {  	v22 =	vmul.f32 v61, v5;
	v9 =	vadd.f32 v19, v9  }
0x278: {  	v23 =	vmul.f32 v62, v5;
	v10 =	vadd.f32 v21, v10  }
0x279: {  	v24 =	vmul.f32 v63, v4;
	v9 =	vadd.f32 v22, v9  }
0x27a: {  	v25 =	vmul.f32 v20, v4;
	v10 =	vadd.f32 v23, v10  }
0x27b: {  	v9 =	vadd.f32 v24, v9  }
0x27c: {  	v10 =	vadd.f32 v25, v10  }
0x27d: {  	[tilespmem:s28+$0x18E90] =	vst v9  }
0x27e: {  	[tilespmem:s28+$0x1AE90] =	vst v10  }
0x27f: {  	s16 =	sor.u32 $0x1C20, s14;
	v9 =	vld [tilespmem:s24+$0x4EA0]  }
0x280: {  	v10 =	vld [tilespmem:s16+$0x4280]  }
0x281: {  	s6 =	sor.u32 $0x1C20, s31;
	v26 =	vld [tilespmem:s25+$0x4EA0]  }
0x282: {  	v27 =	vld [tilespmem:s6+$0x4280]  }
0x283: {  	v28 =	vld [tilespmem:s26+$0x4EA0];
	s16 =	sor.u32 $0x1C20, s1  }
0x284: {  	v29 =	vld [tilespmem:s16+$0x4280]  }
0x285: {  	v30 =	vld [tilespmem:s29+$0x4EA0];
	s6 =	sor.u32 $0x1C20, s0  }
0x286: {  	v31 =	vld [tilespmem:s6+$0x4280];
	v9 =	vmul.f32 v9, v7;
	v11 =	vmul.f32 v26, v8  }
0x287: {  	v32 =	vld [tilespmem:s30+$0x4EA0];
	s16 =	sor.u32 $0x1C20, s13;
	v10 =	vmul.f32 v10, v7;
	v12 =	vmul.f32 v27, v8  }
0x288: {  	v34 =	vld [tilespmem:s16+$0x4280];
	v33 =	vmul.f32 v28, v6;
	v9 =	vadd.f32 v11, v9  }
0x289: {  	v35 =	vmul.f32 v29, v6;
	v10 =	vadd.f32 v12, v10  }
0x28a: {  	v36 =	vmul.f32 v30, v5;
	v9 =	vadd.f32 v33, v9  }
0x28b: {  	v37 =	vmul.f32 v31, v5;
	v10 =	vadd.f32 v35, v10  }
0x28c: {  	v38 =	vmul.f32 v32, v4;
	v9 =	vadd.f32 v36, v9  }
0x28d: {  	v39 =	vmul.f32 v34, v4;
	v10 =	vadd.f32 v37, v10  }
0x28e: {  	v9 =	vadd.f32 v38, v9  }
0x28f: {  	v10 =	vadd.f32 v39, v10  }
0x290: {  	[tilespmem:s28+$0x18EA0] =	vst v9  }
0x291: {  	[tilespmem:s28+$0x1AEA0] =	vst v10  }
0x292: {  	s6 =	sor.u32 $0x1C30, s14;
	v9 =	vld [tilespmem:s24+$0x4EB0]  }
0x293: {  	v10 =	vld [tilespmem:s6+$0x4280]  }
0x294: {  	s16 =	sor.u32 $0x1C30, s31;
	v40 =	vld [tilespmem:s25+$0x4EB0]  }
0x295: {  	v41 =	vld [tilespmem:s16+$0x4280]  }
0x296: {  	v42 =	vld [tilespmem:s26+$0x4EB0];
	s6 =	sor.u32 $0x1C30, s1  }
0x297: {  	v43 =	vld [tilespmem:s6+$0x4280]  }
0x298: {  	v44 =	vld [tilespmem:s29+$0x4EB0];
	s16 =	sor.u32 $0x1C30, s0  }
0x299: {  	v45 =	vld [tilespmem:s16+$0x4280];
	v9 =	vmul.f32 v9, v7;
	v11 =	vmul.f32 v40, v8  }
0x29a: {  	v46 =	vld [tilespmem:s30+$0x4EB0];
	s6 =	sor.u32 $0x1C30, s13;
	v10 =	vmul.f32 v10, v7;
	v12 =	vmul.f32 v41, v8  }
0x29b: {  	v48 =	vld [tilespmem:s6+$0x4280];
	v47 =	vmul.f32 v42, v6;
	v9 =	vadd.f32 v11, v9  }
0x29c: {  	v49 =	vmul.f32 v43, v6;
	v10 =	vadd.f32 v12, v10  }
0x29d: {  	v50 =	vmul.f32 v44, v5;
	v9 =	vadd.f32 v47, v9  }
0x29e: {  	v51 =	vmul.f32 v45, v5;
	v10 =	vadd.f32 v49, v10  }
0x29f: {  	v52 =	vmul.f32 v46, v4;
	v9 =	vadd.f32 v50, v9  }
0x2a0: {  	v53 =	vmul.f32 v48, v4;
	v10 =	vadd.f32 v51, v10  }
0x2a1: {  	v9 =	vadd.f32 v52, v9  }
0x2a2: {  	v10 =	vadd.f32 v53, v10  }
0x2a3: {  	[tilespmem:s28+$0x18EB0] =	vst v9  }
0x2a4: {  	[tilespmem:s28+$0x1AEB0] =	vst v10  }
0x2a5: {  	s16 =	sor.u32 $0x1C40, s14;
	v9 =	vld [tilespmem:s24+$0x4EC0]  }
0x2a6: {  	v10 =	vld [tilespmem:s16+$0x4280]  }
0x2a7: {  	s6 =	sor.u32 $0x1C40, s31;
	v54 =	vld [tilespmem:s25+$0x4EC0]  }
0x2a8: {  	v55 =	vld [tilespmem:s6+$0x4280]  }
0x2a9: {  	v56 =	vld [tilespmem:s26+$0x4EC0];
	s16 =	sor.u32 $0x1C40, s1  }
0x2aa: {  	v57 =	vld [tilespmem:s16+$0x4280]  }
0x2ab: {  	v58 =	vld [tilespmem:s29+$0x4EC0];
	s6 =	sor.u32 $0x1C40, s0  }
0x2ac: {  	v59 =	vld [tilespmem:s6+$0x4280];
	v9 =	vmul.f32 v9, v7;
	v11 =	vmul.f32 v54, v8  }
0x2ad: {  	v60 =	vld [tilespmem:s30+$0x4EC0];
	s16 =	sor.u32 $0x1C40, s13;
	v10 =	vmul.f32 v10, v7;
	v12 =	vmul.f32 v55, v8  }
0x2ae: {  	v62 =	vld [tilespmem:s16+$0x4280];
	v61 =	vmul.f32 v56, v6;
	v9 =	vadd.f32 v11, v9  }
0x2af: {  	v63 =	vmul.f32 v57, v6;
	v10 =	vadd.f32 v12, v10  }
0x2b0: {  	v18 =	vmul.f32 v58, v5;
	v9 =	vadd.f32 v61, v9  }
0x2b1: {  	v19 =	vmul.f32 v59, v5;
	v10 =	vadd.f32 v63, v10  }
0x2b2: {  	v20 =	vmul.f32 v60, v4;
	v9 =	vadd.f32 v18, v9  }
0x2b3: {  	v21 =	vmul.f32 v62, v4;
	v10 =	vadd.f32 v19, v10  }
0x2b4: {  	v9 =	vadd.f32 v20, v9  }
0x2b5: {  	v10 =	vadd.f32 v21, v10  }
0x2b6: {  	[tilespmem:s28+$0x18EC0] =	vst v9  }
0x2b7: {  	[tilespmem:s28+$0x1AEC0] =	vst v10  }
0x2b8: {  	s6 =	sor.u32 $0x1C50, s14;
	v9 =	vld [tilespmem:s24+$0x4ED0]  }
0x2b9: {  	v10 =	vld [tilespmem:s6+$0x4280]  }
0x2ba: {  	s16 =	sor.u32 $0x1C50, s31;
	v22 =	vld [tilespmem:s25+$0x4ED0]  }
0x2bb: {  	v23 =	vld [tilespmem:s16+$0x4280]  }
0x2bc: {  	v24 =	vld [tilespmem:s26+$0x4ED0];
	s6 =	sor.u32 $0x1C50, s1  }
0x2bd: {  	v25 =	vld [tilespmem:s6+$0x4280]  }
0x2be: {  	v26 =	vld [tilespmem:s29+$0x4ED0];
	s16 =	sor.u32 $0x1C50, s0  }
0x2bf: {  	v27 =	vld [tilespmem:s16+$0x4280];
	v9 =	vmul.f32 v9, v7;
	v11 =	vmul.f32 v22, v8  }
0x2c0: {  	v28 =	vld [tilespmem:s30+$0x4ED0];
	s6 =	sor.u32 $0x1C50, s13;
	v10 =	vmul.f32 v10, v7;
	v12 =	vmul.f32 v23, v8  }
0x2c1: {  	v30 =	vld [tilespmem:s6+$0x4280];
	v29 =	vmul.f32 v24, v6;
	v9 =	vadd.f32 v11, v9  }
0x2c2: {  	v31 =	vmul.f32 v25, v6;
	v10 =	vadd.f32 v12, v10  }
0x2c3: {  	v32 =	vmul.f32 v26, v5;
	v9 =	vadd.f32 v29, v9  }
0x2c4: {  	v33 =	vmul.f32 v27, v5;
	v10 =	vadd.f32 v31, v10  }
0x2c5: {  	v34 =	vmul.f32 v28, v4;
	v9 =	vadd.f32 v32, v9  }
0x2c6: {  	v35 =	vmul.f32 v30, v4;
	v10 =	vadd.f32 v33, v10  }
0x2c7: {  	v9 =	vadd.f32 v34, v9  }
0x2c8: {  	v10 =	vadd.f32 v35, v10  }
0x2c9: {  	[tilespmem:s28+$0x18ED0] =	vst v9  }
0x2ca: {  	[tilespmem:s28+$0x1AED0] =	vst v10  }
0x2cb: {  	s16 =	sor.u32 $0x1C60, s14;
	v9 =	vld [tilespmem:s24+$0x4EE0]  }
0x2cc: {  	v10 =	vld [tilespmem:s16+$0x4280]  }
0x2cd: {  	s6 =	sor.u32 $0x1C60, s31;
	v36 =	vld [tilespmem:s25+$0x4EE0]  }
0x2ce: {  	v37 =	vld [tilespmem:s6+$0x4280]  }
0x2cf: {  	v38 =	vld [tilespmem:s26+$0x4EE0];
	s16 =	sor.u32 $0x1C60, s1  }
0x2d0: {  	v39 =	vld [tilespmem:s16+$0x4280]  }
0x2d1: {  	v40 =	vld [tilespmem:s29+$0x4EE0];
	s6 =	sor.u32 $0x1C60, s0  }
0x2d2: {  	v41 =	vld [tilespmem:s6+$0x4280];
	v9 =	vmul.f32 v9, v7;
	v11 =	vmul.f32 v36, v8  }
0x2d3: {  	v42 =	vld [tilespmem:s30+$0x4EE0];
	s16 =	sor.u32 $0x1C60, s13;
	v10 =	vmul.f32 v10, v7;
	v12 =	vmul.f32 v37, v8  }
0x2d4: {  	v44 =	vld [tilespmem:s16+$0x4280];
	v43 =	vmul.f32 v38, v6;
	v9 =	vadd.f32 v11, v9  }
0x2d5: {  	v45 =	vmul.f32 v39, v6;
	v10 =	vadd.f32 v12, v10  }
0x2d6: {  	v46 =	vmul.f32 v40, v5;
	v9 =	vadd.f32 v43, v9  }
0x2d7: {  	v47 =	vmul.f32 v41, v5;
	v10 =	vadd.f32 v45, v10  }
0x2d8: {  	v48 =	vmul.f32 v42, v4;
	v9 =	vadd.f32 v46, v9  }
0x2d9: {  	v49 =	vmul.f32 v44, v4;
	v10 =	vadd.f32 v47, v10  }
0x2da: {  	v9 =	vadd.f32 v48, v9  }
0x2db: {  	v10 =	vadd.f32 v49, v10  }
0x2dc: {  	[tilespmem:s28+$0x18EE0] =	vst v9  }
0x2dd: {  	[tilespmem:s28+$0x1AEE0] =	vst v10  }
0x2de: {  	v9 =	vld [tilespmem:s24+$0x4EF0]  }
0x2df: {  	s24 =	sor.u32 $0x1C70, s14;
	v50 =	vld [tilespmem:s25+$0x4EF0]  }
0x2e0: {  	s25 =	sor.u32 $0x1C70, s31;
	v10 =	vld [tilespmem:s24+$0x4280]  }
0x2e1: {  	v51 =	vld [tilespmem:s25+$0x4280]  }
0x2e2: {  	s1 =	sor.u32 $0x1C70, s1;
	v52 =	vld [tilespmem:s26+$0x4EF0]  }
0x2e3: {  	v53 =	vld [tilespmem:s1+$0x4280]  }
0x2e4: {  	s0 =	sor.u32 $0x1C70, s0;
	v54 =	vld [tilespmem:s29+$0x4EF0]  }
0x2e5: {  	v55 =	vld [tilespmem:s0+$0x4280];
	v9 =	vmul.f32 v9, v7;
	v11 =	vmul.f32 v50, v8  }
0x2e6: {  	v56 =	vld [tilespmem:s30+$0x4EF0];
	s31 =	sor.u32 $0x1C70, s13;
	v7 =	vmul.f32 v10, v7;
	v8 =	vmul.f32 v51, v8  }
0x2e7: {  	v58 =	vld [tilespmem:s31+$0x4280];
	v57 =	vmul.f32 v52, v6;
	v9 =	vadd.f32 v11, v9  }
0x2e8: {  	v6 =	vmul.f32 v53, v6;
	v7 =	vadd.f32 v8, v7  }
0x2e9: {  	v60 =	vmul.f32 v54, v5;
	v59 =	vadd.f32 v57, v9  }
0x2ea: {  	v5 =	vmul.f32 v55, v5;
	v6 =	vadd.f32 v6, v7  }
0x2eb: {  	p0 =	sne.s32 s23, $0x12C00;
	v62 =	vmul.f32 v56, v4;
	v61 =	vadd.f32 v60, v59  }
.Ltmp0:
0x2ec: {  	v4 =	vmul.f32 v58, v4;
	v5 =	vadd.f32 v5, v6;
	(pc) =	sbr.rel @p0 .LBB2_3-.Ltmp0, $4  }
0x2ed: {  	v63 =	vadd.f32 v62, v61  }
0x2ee: {  	s22 =	sadd.s32 $0x200, s22;
	s21 =	sadd.s32 $0x280, s21;
	s12 =	sadd.s32 $0x80, s12;
	v4 =	vadd.f32 v4, v5  }
0x2ef: {  	s20 =	sadd.s32 $0x5, s20;
	s2 =	sadd.s32 $0x5, s2;
	s19 =	sadd.s32 $0x5, s19;
	[tilespmem:s28+$0x18EF0] =	vst v63  }
0x2f0: {  	s23 =	sadd.s32 $0x1400, s23;
	s18 =	sadd.s32 $0x5, s18;
	s17 =	sadd.s32 $0x5, s17;
	[tilespmem:s28+$0x1AEF0] =	vst v4  }
0x2f1: {  	s0 =	sshll.u32 s8, $0xA;
	s1 =	rddreg [dreg:$0x4]  }
0x2f2: {  	s29 =	rddreg [dreg:$0x1];
	s0 =	sadd.s32 s1, s0  }
0x2f3: {  	s2 =	simm.s32 $0x18280;
	s1 =	sadd.s32 s29, s0  }
0x2f4: {  	[hbm4b:s1+s3] =	stream.linear.scatter [tilespmem:s2], [sflag:$0x2], $0x2000, $0x38;
	[tilespmem:$0x1C280] =	vst v63  }
0x2f5: {  	s31 =	simm.s32 $0x1A280;
	s8 =	sadd.s32 $0x1, s8;
	_ =	swait.ge [sflag:s15], $0x2000  }
0x2f6: {  	p0 =	sne.s32 s8, $0x8;
	[sflag:s15] =	ssyncset.done $0x0;
	s30 =	rddreg [dreg:$0x3]  }
.Ltmp1:
0x2f7: {  	[sflag:s15] =	ssyncadd.s32 $0xFFFFE000;
	s0 =	sadd.s32 s30, s0;
	(pc) =	sbr.rel @p0 .LBB2_2-.Ltmp1, $4  }
0x2f8: {  	[hbm4b:s0+s3] =	stream.linear.scatter [tilespmem:s31], [sflag:$0x2], $0x2000, $0x38;
	[tilespmem:$0x1C280] =	vst v63  }
0x2f9: {  	_ =	swait.ge [sflag:s15], $0x2000  }
0x2fa: {  	[sflag:s15] =	ssyncset.done $0x0  }
0x2fb: {  	s7 =	sadd.s32 $0x800, s7;
	[sflag:s15] =	ssyncadd.s32 $0xFFFFE000  }
0x2fc: {  	s1 =	rddreg [dreg:$0x8]  }
0x2fd: {  	s0 =	rddreg [dreg:$0x7];
	s1 =	sadd.s32 $0x1, s1  }
0x2fe: {  	p0 =	sne.s32 s1, s0  }
.Ltmp2:
0x2ff: {  	_ = 	snop;
	(pc) =	sbr.rel @p0 .LBB2_1-.Ltmp2, $1  }
0x300: {  	_ =	sdelay $0x3  }
0x301: {  	_ =	sfence.sel $0x180000  }
0x302: {  	[bflag:$0x0] =	sbarrier.arrive $0xFFFF  }
0x303: {  	_ =	strace $0x90000047  }
0x304: {  	s0 =	stileid.u32;
	[bflag:$0x2] =	sbarrier.arrive $0xFFFF  }
0x305: {  	p0 =	sne.s32 s0, $0x0;
	s0 =	rddreg [dreg:$0x2]  }
0x306: {  	s0 =	sadd.s32 @!p0 $0x100000, s0  }
0x307: {  	[sflag:s0] =	ssyncadd.tile.s32 @!p0 $0x1;
	_ =	shalt  }
.Lfunc_end2:
_tile_overlayer_lowered:
.L_overlay_start_2:
0x308: {  	(tag) =	ssettag $0x2  }
0x309: {  	s0 =	rddreg [dreg:$0x0];
	s2 =	stileid.u32  }
0x30a: {  	s1 =	rddreg [dreg:$0x1];
	p0 =	sne.s32 s2, $0x0  }
0x30b: {  	s3 =	rddreg [dreg:$0x2];
	[bflag:$0x3] =	sbarrier.arrive $0xFFFF;
	s2 =	simm.s32 @!p0 $0x1C02  }
0x30c: {  	[timem:s3], [sflag:s2] =	dma.local @!p0 [hbm:s0], s1  }
0x30d: {  	s0 =	simm.s32 @!p0 $0x2  }
0x30e: {  	_ =	swait.ge @!p0 [sflag:s0], s1  }
0x30f: {  	s1 =	ssub.s32 @!p0 $0x0, s1;
	[sflag:s0] =	ssyncset.done @!p0 $0x0  }
0x310: {  	[sflag:s0] =	ssyncadd.s32 @!p0 s1  }
0x311: {  	[bflag:$0x3] =	sbarrier.arrive $0xFFFF  }
0x312: {  	_ =	shalt  }

</sc_bundles>
